<compile_context>
chip_gen: v7x
topology: tpu7x:2x2x1
jax: 0.10.2.dev20260603
libtpu: 0.0.44.dev20260713+nightly
codegen_flags: <defaults>
</compile_context>

<pallas_src>
import functools

import jax
import jax.numpy as jnp
from jax import lax
from jax.experimental import pallas as pl
from jax.experimental.pallas import tpu as pltpu
from jax.experimental.pallas import tpu_sc as plsc

N = 1024
E = 16384
F1, F2, F3 = 128, 64, 32
NTILES = 16
EDGES_PER_TILE = E // NTILES
CHUNK = 128
NCHUNK = EDGES_PER_TILE // CHUNK
ROWS_PER_TILE = N // NTILES

BN = 128
GRP = 8
NG = BN // GRP

_HI = jax.lax.Precision.HIGHEST


def _f32dot(a, b, dims=None):
    if dims is None:
        return jnp.dot(a, b, precision=_HI, preferred_element_type=jnp.float32)
    return lax.dot_general(a, b, (dims, ((), ())), precision=_HI,
                           preferred_element_type=jnp.float32)


def _round_bf16(x):
    return x.astype(jnp.bfloat16).astype(jnp.float32)


def _sc_agg(x_both, ei_both, zeros_both):
    mesh = plsc.VectorSubcoreMesh(core_axis_name="c", subcore_axis_name="s")

    @functools.partial(
        pl.kernel,
        out_type=jax.ShapeDtypeStruct((2, N, F1), jnp.float32),
        mesh=mesh,
        scratch_types=[
            pltpu.VMEM((NCHUNK, CHUNK), jnp.int32),
            pltpu.VMEM((NCHUNK, CHUNK), jnp.int32),
            pltpu.VMEM((CHUNK, F1), jnp.float32),
            pltpu.VMEM_SHARED((N, F1), jnp.float32),
            pltpu.SemaphoreType.DMA,
        ],
    )
    def agg(x_hbm, ei_hbm, z_hbm, out_hbm, src_v, dst_v, rows_v, acc_sh, sem):
        c = lax.axis_index("c")
        s = lax.axis_index("s")
        rbase = s * ROWS_PER_TILE
        pltpu.sync_copy(z_hbm.at[c, pl.ds(rbase, ROWS_PER_TILE)],
                        acc_sh.at[pl.ds(rbase, ROWS_PER_TILE)])
        pltpu.sync_copy(ei_hbm.at[c, 0, s], src_v)
        pltpu.sync_copy(ei_hbm.at[c, 1, s], dst_v)
        plsc.subcore_barrier()
        for ch in range(NCHUNK):
            pltpu.async_copy(x_hbm.at[c].at[src_v.at[ch]], rows_v, sem).wait()
            pltpu.sync_copy(rows_v, acc_sh.at[dst_v.at[ch]], add=True)
        plsc.subcore_barrier()
        pltpu.sync_copy(acc_sh.at[pl.ds(rbase, ROWS_PER_TILE)],
                        out_hbm.at[c, pl.ds(rbase, ROWS_PER_TILE)])

    return agg(x_both, ei_both, zeros_both)


_USE_SC = True


def _aggregate(x_both, ei_r, zeros):
    if _USE_SC:
        return _sc_agg(x_both, ei_r, zeros)
    out = []
    for g in range(2):
        src = ei_r[g, 0].reshape(-1)
        dst = ei_r[g, 1].reshape(-1)
        out.append(jnp.zeros((N, F1), jnp.float32)
                   .at[dst].add(x_both[g][src]))
    return jnp.stack(out)


def _dense_body(fin, fout, x_ref, s_ref, eps_ref, ba_ref, wa_ref, wbb_ref,
                bb_ref, g_ref, be_ref, o_ref):
    eps = eps_ref[0]
    for g in range(2):
        xc = (1.0 + eps) * x_ref[g, :, :fin] + s_ref[g, :, :fin]
        z = jnp.maximum(_f32dot(xc, wa_ref[...]) + ba_ref[...], 0.0)
        h = _f32dot(z, wbb_ref[...]) + bb_ref[...]
        mu = jnp.mean(h, axis=0, keepdims=True)
        var = jnp.mean((h - mu) ** 2, axis=0, keepdims=True)
        hn = (h - mu) / jnp.sqrt(var + 1e-5) * g_ref[...] + be_ref[...]
        x = jnp.maximum(hn, 0.0)
        if fout == F1:
            o_ref[g] = x
        else:
            o_ref[g] = jnp.concatenate(
                [x, jnp.zeros((N, F1 - fout), jnp.float32)], axis=1)


def _dense_layer(x, s, eps, ba, Wa, Wb, bb, gam, bet, fin, fout):
    return pl.pallas_call(
        functools.partial(_dense_body, fin, fout),
        out_shape=jax.ShapeDtypeStruct((2, N, F1), jnp.float32),
        in_specs=[
            pl.BlockSpec(), pl.BlockSpec(),
            pl.BlockSpec(memory_space=pltpu.SMEM),
            pl.BlockSpec(), pl.BlockSpec(), pl.BlockSpec(),
            pl.BlockSpec(), pl.BlockSpec(), pl.BlockSpec(),
        ],
    )(x, s, eps, ba, Wa, Wb, bb, gam, bet)


def _final_body(x_ref, s_ref, eps_ref, ba_ref, wa_ref, wbb_ref, bb_ref,
                g_ref, be_ref, wall_ref, watt_ref,
                t_ref, a2b_ref, e_ref):
    eps = eps_ref[0]
    embs = []
    for g in range(2):
        xc = (1.0 + eps) * x_ref[g, :, :F2] + s_ref[g, :, :F2]
        z = jnp.maximum(_f32dot(xc, wa_ref[...]) + ba_ref[...], 0.0)
        h = _f32dot(z, wbb_ref[...]) + bb_ref[...]
        mu = jnp.mean(h, axis=0, keepdims=True)
        var = jnp.mean((h - mu) ** 2, axis=0, keepdims=True)
        a = (h - mu) / jnp.sqrt(var + 1e-5) * g_ref[...] + be_ref[...]
        embs.append(a)
        ga = _f32dot(a, watt_ref[...])
        gc = jnp.tanh(jnp.mean(ga, axis=0, keepdims=True))
        sig = jax.nn.sigmoid(_f32dot(a, gc, dims=((1,), (1,))))
        e_ref[g] = _f32dot(sig, a, dims=((0,), (0,)))[0]
    t = jnp.dot(embs[0].astype(jnp.bfloat16), wall_ref[...],
                preferred_element_type=jnp.float32)
    t_ref[...] = t.astype(jnp.bfloat16)
    a2b_ref[...] = embs[1].astype(jnp.bfloat16)


def _final_layer(x, s, eps, ba, Wa, Wb, bb, gam, bet, Wall, Watt):
    return pl.pallas_call(
        _final_body,
        out_shape=[
            jax.ShapeDtypeStruct((N, 1024), jnp.bfloat16),
            jax.ShapeDtypeStruct((N, F3), jnp.bfloat16),
            jax.ShapeDtypeStruct((2, F3), jnp.float32),
        ],
        in_specs=[
            pl.BlockSpec(), pl.BlockSpec(),
            pl.BlockSpec(memory_space=pltpu.SMEM),
            pl.BlockSpec(), pl.BlockSpec(), pl.BlockSpec(),
            pl.BlockSpec(), pl.BlockSpec(), pl.BlockSpec(),
            pl.BlockSpec(), pl.BlockSpec(),
        ],
    )(x, s, eps, ba, Wa, Wb, bb, gam, bet, Wall, Watt)


def _pair_body(t_ref, a2b_ref, s3_ref, s4_ref, c1_ref, c2_ref,
               mapm_ref, tot_ref, t2_scr, cost_scr):
    i = pl.program_id(0)
    a2b = a2b_ref[...]
    for h in range(2):
        for k in range(16):
            tk = t_ref[:, (h * 16 + k) * 32:(h * 16 + k + 1) * 32]
            u = lax.dot_general(tk, a2b, (((1,), (1,)), ((), ())),
                                preferred_element_type=jnp.float32)
            t2_scr[k] = u.astype(jnp.bfloat16)
        for gi in range(NG):
            blk = t2_scr[:, gi * GRP:(gi + 1) * GRP, :]
            blk = jnp.reshape(blk, (16 * GRP, 1024))
            hpre = jnp.dot(s3_ref[h], blk,
                           preferred_element_type=jnp.float32) + c1_ref[h]
            hb = jnp.maximum(hpre, 0.0).astype(jnp.bfloat16)
            og = jnp.dot(s4_ref[h], hb,
                         preferred_element_type=jnp.float32) + c2_ref[0, h]
            if h == 0:
                cost_scr[gi * GRP:(gi + 1) * GRP, :] = og
            else:
                mapm_ref[gi * GRP:(gi + 1) * GRP, :] = og
    m = mapm_ref[...]
    rmax = jnp.max(m, axis=1, keepdims=True)
    p = jnp.exp(m - rmax)
    denom = jnp.sum(p, axis=1, keepdims=True)
    num = jnp.sum(p * cost_scr[...], axis=1, keepdims=True)
    part = jnp.sum(num / denom, axis=0, keepdims=True)

    @pl.when(i == 0)
    def _init():
        tot_ref[...] = part

    @pl.when(i > 0)
    def _acc():
        tot_ref[...] += part


def _pairwise(t, a2b, S3, S4, c1col, c2s):
    return pl.pallas_call(
        _pair_body,
        grid=(N // BN,),
        out_shape=[
            jax.ShapeDtypeStruct((N, N), jnp.float32),
            jax.ShapeDtypeStruct((1, 1), jnp.float32),
        ],
        in_specs=[
            pl.BlockSpec((BN, 1024), lambda i: (i, 0)),
            pl.BlockSpec((N, F3), lambda i: (0, 0)),
            pl.BlockSpec((2, 32 * GRP, 16 * GRP), lambda i: (0, 0, 0)),
            pl.BlockSpec((2, GRP, 32 * GRP), lambda i: (0, 0, 0)),
            pl.BlockSpec((2, 32 * GRP, 1), lambda i: (0, 0, 0)),
            pl.BlockSpec(memory_space=pltpu.SMEM),
        ],
        out_specs=[
            pl.BlockSpec((BN, N), lambda i: (i, 0)),
            pl.BlockSpec((1, 1), lambda i: (0, 0)),
        ],
        scratch_shapes=[
            pltpu.VMEM((16, BN, 1024), jnp.bfloat16),
            pltpu.VMEM((BN, N), jnp.float32),
        ],
    )(t, a2b, S3, S4, c1col, c2s)


def _head_body(e_ref, wt_ref, wtba_ref, wtbb_ref, bt_ref, wf1_ref, bf1_ref,
               wf2_ref, bf2_ref, wf3_ref, bf3_ref, ws_ref, bs_ref, tot_ref,
               av_ref, score_ref, ged_ref):
    e1 = e_ref[0:1, :]
    e2 = e_ref[1:2, :]
    parts = []
    for t in range(16):
        w = _f32dot(e1, wt_ref[t])
        parts.append(jnp.sum(w * e2, axis=1, keepdims=True))
    scoring = jnp.concatenate(parts, axis=1)
    block = _f32dot(e1, wtba_ref[...]) + _f32dot(e2, wtbb_ref[...])
    s = jnp.maximum(scoring + block + bt_ref[...], 0.0)
    s = jnp.maximum(_f32dot(s, wf1_ref[...]) + bf1_ref[...], 0.0)
    s = jnp.maximum(_f32dot(s, wf2_ref[...]) + bf2_ref[...], 0.0)
    s = jnp.maximum(_f32dot(s, wf3_ref[...]) + bf3_ref[...], 0.0)
    bias = _f32dot(s, ws_ref[...]) + bs_ref[...]
    score = jax.nn.sigmoid(tot_ref[...] + bias)
    score_ref[...] = score
    ged_ref[...] = -jnp.log(score) * av_ref[...]


def _head(e, Wt_t, Wtb_a, Wtb_b, bt, Wf1, bf1, Wf2, bf2, Wf3, bf3, Ws, bs,
          tot, av):
    return pl.pallas_call(
        _head_body,
        out_shape=[
            jax.ShapeDtypeStruct((1, 1), jnp.float32),
            jax.ShapeDtypeStruct((1, 1), jnp.float32),
        ],
    )(e, Wt_t, Wtb_a, Wtb_b, bt, Wf1, bf1, Wf2, bf2, Wf3, bf3, Ws, bs, tot, av)


def kernel(features_1, features_2, edge_index_1, edge_index_2, avg_v,
           eps1, W11, b11, W12, b12, g1, be1,
           eps2, W21, b21, W22, b22, g2, be2,
           eps3, W31, b31, W32, b32, g3, be3,
           Wc, Wc1, bc1, Wc2, bc2,
           Wm, Wm1, bm1, Wm2, bm2,
           Wa, Wt, Wtb, bt,
           Wf1, bf1, Wf2, bf2, Wf3, bf3, Ws, bs):
    r1 = lambda v: v.reshape(1, -1)

    f_both = jnp.stack([features_1, features_2])
    ei_both = jnp.stack([edge_index_1, edge_index_2])
    ei_r = ei_both.reshape(2, 2, NTILES, NCHUNK, CHUNK)
    agg_zeros = jnp.zeros((2, N, F1), jnp.float32)

    Wall = jnp.concatenate(
        [Wc.transpose(1, 0, 2).reshape(F3, 512),
         Wm.transpose(1, 0, 2).reshape(F3, 512)],
        axis=1).astype(jnp.bfloat16)
    eye = jnp.eye(GRP, dtype=jnp.float32)
    S3 = jnp.stack([
        jnp.einsum('kj,np->njkp', M1h, eye).reshape(32 * GRP, 16 * GRP)
        for M1h in (Wc1, Wm1)]).astype(jnp.bfloat16)
    S4 = jnp.stack([
        jnp.einsum('np,j->npj', eye, M2h[:, 0]).reshape(GRP, 32 * GRP)
        for M2h in (Wc2, Wm2)]).astype(jnp.bfloat16)
    c1col = jnp.stack([jnp.tile(bc1, GRP)[:, None],
                       jnp.tile(bm1, GRP)[:, None]])
    c2s = jnp.stack([bc2, bm2], axis=1)

    eps1r = eps1.reshape(1)
    eps2r = eps2.reshape(1)
    eps3r = eps3.reshape(1)

    s1 = _aggregate(f_both, ei_r, agg_zeros)
    x2 = _dense_layer(f_both, s1, eps1r, r1(b11), W11, W12, r1(b12),
                      r1(g1), r1(be1), F1, F1)
    s2 = _aggregate(x2, ei_r, agg_zeros)
    x3 = _dense_layer(x2, s2, eps2r, r1(b21), W21, W22, r1(b22),
                      r1(g2), r1(be2), F1, F2)
    s3 = _aggregate(x3, ei_r, agg_zeros)
    t, a2b, e_both = _final_layer(x3, s3, eps3r, r1(b31), W31, W32, r1(b32),
                                  r1(g3), r1(be3), Wall, Wa)

    mapm, tot = _pairwise(t, a2b, S3, S4, c1col, c2s)

    Wt_t = jnp.transpose(Wt, (2, 0, 1))
    score, ged = _head(e_both, Wt_t, Wtb[:, :F3].T, Wtb[:, F3:].T, r1(bt),
                       Wf1, r1(bf1), Wf2, r1(bf2), Wf3, r1(bf3), Ws, r1(bs),
                       tot, avg_v.reshape(1, 1))
    return (score.reshape(1), ged.reshape(1), mapm)

# --- scband reference (transcript-rebuilt; emitter-appended) ---
"""Pipeline reference for scband-ged-gnn-49555332661651 (READ-ONLY COPY).

The authoritative reference and input builder live on the scoring server;
editing this copy changes nothing except your own understanding.
"""

import jax, jax.numpy as jnp
import numpy as np

N1 = 1024; N2 = 1024; E = 16384
D_IN = 128; F1 = 128; F2 = 64; F3 = 32
K = 16; T = 16; B1 = 16; B2 = 8; B3 = 4

FLOATS = ['features_1', 'features_2', 'avg_v',
          'eps1', 'W11', 'b11', 'W12', 'b12', 'g1', 'be1',
          'eps2', 'W21', 'b21', 'W22', 'b22', 'g2', 'be2',
          'eps3', 'W31', 'b31', 'W32', 'b32', 'g3', 'be3',
          'Wc', 'Wc1', 'bc1', 'Wc2', 'bc2',
          'Wm', 'Wm1', 'bm1', 'Wm2', 'bm2',
          'Wa', 'Wt', 'Wtb', 'bt',
          'Wf1', 'bf1', 'Wf2', 'bf2', 'Wf3', 'bf3', 'Ws', 'bs']


def _mat(key, shape):
    fan_in = shape[-2] if len(shape) >= 2 else shape[-1]
    return jax.random.normal(key, shape, dtype=jnp.float32) / np.sqrt(fan_in)


def setup_inputs(seed=0):
    key = jax.random.key(seed)
    ks = jax.random.split(key, 40)
    inp = {}
    inp['features_1'] = jax.random.normal(ks[0], (N1, D_IN), dtype=jnp.float32)
    inp['features_2'] = jax.random.normal(ks[1], (N2, D_IN), dtype=jnp.float32)
    inp['edge_index_1'] = jax.random.randint(ks[2], (2, E), 0, N1, dtype=jnp.int32)
    inp['edge_index_2'] = jax.random.randint(ks[3], (2, E), 0, N2, dtype=jnp.int32)
    inp['avg_v'] = jnp.ones((1,), dtype=jnp.float32)
    inp['eps1'] = jnp.zeros((), jnp.float32)
    inp['W11'] = _mat(ks[4], (D_IN, F1)); inp['b11'] = jnp.zeros((F1,), jnp.float32)
    inp['W12'] = _mat(ks[5], (F1, F1)); inp['b12'] = jnp.zeros((F1,), jnp.float32)
    inp['g1'] = jnp.ones((F1,), jnp.float32); inp['be1'] = jnp.zeros((F1,), jnp.float32)
    inp['eps2'] = jnp.zeros((), jnp.float32)
    inp['W21'] = _mat(ks[6], (F1, F2)); inp['b21'] = jnp.zeros((F2,), jnp.float32)
    inp['W22'] = _mat(ks[7], (F2, F2)); inp['b22'] = jnp.zeros((F2,), jnp.float32)
    inp['g2'] = jnp.ones((F2,), jnp.float32); inp['be2'] = jnp.zeros((F2,), jnp.float32)
    inp['eps3'] = jnp.zeros((), jnp.float32)
    inp['W31'] = _mat(ks[8], (F2, F3)); inp['b31'] = jnp.zeros((F3,), jnp.float32)
    inp['W32'] = _mat(ks[9], (F3, F3)); inp['b32'] = jnp.zeros((F3,), jnp.float32)
    inp['g3'] = jnp.ones((F3,), jnp.float32); inp['be3'] = jnp.zeros((F3,), jnp.float32)
    inp['Wc'] = _mat(ks[10], (K, F3, F3))
    inp['Wc1'] = _mat(ks[11], (K, 2 * K)); inp['bc1'] = jnp.zeros((2 * K,), jnp.float32)
    inp['Wc2'] = _mat(ks[12], (2 * K, 1)); inp['bc2'] = jnp.zeros((1,), jnp.float32)
    inp['Wm'] = _mat(ks[13], (K, F3, F3))
    inp['Wm1'] = _mat(ks[14], (K, 2 * K)); inp['bm1'] = jnp.zeros((2 * K,), jnp.float32)
    inp['Wm2'] = _mat(ks[15], (2 * K, 1)); inp['bm2'] = jnp.zeros((1,), jnp.float32)
    inp['Wa'] = _mat(ks[16], (F3, F3))
    inp['Wt'] = _mat(ks[17], (F3, F3, T))
    inp['Wtb'] = _mat(ks[18], (T, 2 * F3))
    inp['bt'] = jnp.zeros((T,), jnp.float32)
    inp['Wf1'] = _mat(ks[19], (T, B1)); inp['bf1'] = jnp.zeros((B1,), jnp.float32)
    inp['Wf2'] = _mat(ks[20], (B1, B2)); inp['bf2'] = jnp.zeros((B2,), jnp.float32)
    inp['Wf3'] = _mat(ks[21], (B2, B3)); inp['bf3'] = jnp.zeros((B3,), jnp.float32)
    inp['Ws'] = _mat(ks[22], (B3, 1)); inp['bs'] = jnp.zeros((1,), jnp.float32)
    return inp


def _gin(x, ei, eps, Wa_, ba_, Wb_, bb_, g, b):
    agg = jnp.zeros_like(x).at[ei[1]].add(x[ei[0]])
    h = (1.0 + eps) * x + agg
    h = jnp.maximum(h @ Wa_ + ba_, 0.0)
    h = h @ Wb_ + bb_
    mu = h.mean(axis=0)
    var = h.var(axis=0)
    return (h - mu) / jnp.sqrt(var + 1e-5) * g + b


def _conv_pass(x, ei, p):
    h = _gin(x, ei, p['eps1'], p['W11'], p['b11'], p['W12'], p['b12'], p['g1'], p['be1'])
    h = jnp.maximum(h, 0.0)
    h = _gin(h, ei, p['eps2'], p['W21'], p['b21'], p['W22'], p['b22'], p['g2'], p['be2'])
    h = jnp.maximum(h, 0.0)
    h = _gin(h, ei, p['eps3'], p['W31'], p['b31'], p['W32'], p['b32'], p['g3'], p['be3'])
    return h


def _ged_matrix(f1, f2, W, M1, c1, M2, c2):
    t = jnp.einsum('nd,kde->nke', f1, W)
    t = jnp.einsum('nke,me->nmk', t, f2)
    h = jnp.maximum(t @ M1 + c1, 0.0)
    return (h @ M2 + c2)[..., 0]


def _att(f, Wa):
    gc = jnp.tanh(jnp.mean(f @ Wa, axis=0))
    sig = jax.nn.sigmoid(f @ gc[:, None])
    return f.T @ sig


def _tn(e1, e2, Wt, Wtb, bt):
    scoring = jnp.einsum('d,det,e->t', e1[:, 0], Wt, e2[:, 0])[:, None]
    combined = jnp.concatenate([e1, e2], axis=0)
    block = Wtb @ combined
    return jnp.maximum(scoring + block + bt[:, None], 0.0)


def _forward(p, ei1, ei2):
    a1 = _conv_pass(p['features_1'], ei1, p)
    a2 = _conv_pass(p['features_2'], ei2, p)
    cost = _ged_matrix(a1, a2, p['Wc'], p['Wc1'], p['bc1'], p['Wc2'], p['bc2'])
    mapm = _ged_matrix(a1, a2, p['Wm'], p['Wm1'], p['bm1'], p['Wm2'], p['bm2'])
    soft = jax.nn.softmax(mapm, axis=1) * cost
    e1 = _att(a1, p['Wa'])
    e2 = _att(a2, p['Wa'])
    scores = _tn(e1, e2, p['Wt'], p['Wtb'], p['bt'])
    s = scores.T
    s = jnp.maximum(s @ p['Wf1'] + p['bf1'], 0.0)
    s = jnp.maximum(s @ p['Wf2'] + p['bf2'], 0.0)
    s = jnp.maximum(s @ p['Wf3'] + p['bf3'], 0.0)
    bias = (s @ p['Ws'] + p['bs']).reshape(-1)
    score = jax.nn.sigmoid(soft.sum() + bias)
    pre_ged = -jnp.log(score) * p['avg_v']
    return (score, pre_ged, mapm)


def reference(features_1, features_2, edge_index_1, edge_index_2, avg_v,
              eps1, W11, b11, W12, b12, g1, be1,
              eps2, W21, b21, W22, b22, g2, be2,
              eps3, W31, b31, W32, b32, g3, be3,
              Wc, Wc1, bc1, Wc2, bc2,
              Wm, Wm1, bm1, Wm2, bm2,
              Wa, Wt, Wtb, bt,
              Wf1, bf1, Wf2, bf2, Wf3, bf3, Ws, bs):
    inp = dict(locals())
    ei1 = inp['edge_index_1']
    ei2 = inp['edge_index_2']
    p = {k: v for k, v in inp.items() if k not in ('edge_index_1', 'edge_index_2')}
    return _forward(p, ei1, ei2)

if __name__ == "__main__":
    import jax
    _d = setup_inputs()
    print(jax.jit(kernel)(*tuple(_d.values())))

</pallas_src>

<mosaic_0001>
#map = affine_map<(d0, d1) -> (0, 0, 0)>
#map1 = affine_map<(d0, d1) -> (0, 0, 0, 0, 0)>
module attributes {stable_mosaic.version = 14 : i64} {
  func.func @agg(%arg0: i32, %arg1: i32, %arg2: memref<2x1024x128xf32, #tpu.memory_space<hbm>>, %arg3: memref<2x2x16x8x128xi32, #tpu.memory_space<hbm>>, %arg4: memref<2x1024x128xf32, #tpu.memory_space<hbm>>, %arg5: memref<2x1024x128xf32, #tpu.memory_space<hbm>>, %arg6: memref<8x128xi32, #tpu.memory_space<vmem>>, %arg7: memref<8x128xi32, #tpu.memory_space<vmem>>, %arg8: memref<128x128xf32, #tpu.memory_space<vmem>>, %arg9: memref<1024x128xf32, #tpu.memory_space<vmem_shared>>, %arg10: memref<!tpu.dma_semaphore, #tpu.memory_space<semaphore_mem>>) attributes {dimension_semantics = [#tpu.dimension_semantics<core_parallel>, #tpu.dimension_semantics<subcore_parallel>], iteration_bounds = array<i64: 2, 16>, scalar_prefetch = 0 : i64, scratch_operands = 5 : i64, tpu.core_type = #tpu.core_type<sc_vector_subcore>, window_params = [{transform_indices = #map}, {transform_indices = #map1}, {transform_indices = #map}, {transform_indices = #map}]} {
    %mul3A = arith.constant 64 : i32
    %mul3A_0 = arith.muli %arg1, %mul3A : i32
    "tpu.region"() ({
      %run_scoped3A_185 = tpu.sem_alloc : memref<!tpu.dma_semaphore, #tpu.memory_space<semaphore_mem>>
      %dma_start3A_186 = arith.constant 0 : i32
      %dma_start3A_187 = tpu.memref_slice %arg9[%mul3A_0, %dma_start3A_186] : memref<1024x128xf32, #tpu.memory_space<vmem_shared>> -> memref<64x128xf32, #tpu.memory_space<vmem_shared>>
      %dma_start3A_188 = arith.constant 0 : i32
      %dma_start3A_189 = tpu.memref_slice %arg4[%arg0, %mul3A_0, %dma_start3A_188] : memref<2x1024x128xf32, #tpu.memory_space<hbm>> -> memref<1x64x128xf32, #tpu.memory_space<hbm>>
      %dma_start3A_190 = tpu.memref_squeeze %dma_start3A_189 : memref<1x64x128xf32, #tpu.memory_space<hbm>> -> memref<64x128xf32, #tpu.memory_space<hbm>>
      tpu.enqueue_dma source(%dma_start3A_190 : memref<64x128xf32, #tpu.memory_space<hbm>>) target(%dma_start3A_187 : memref<64x128xf32, #tpu.memory_space<vmem_shared>>) target_semaphore(%run_scoped3A_185 : memref<!tpu.dma_semaphore, #tpu.memory_space<semaphore_mem>>)
      %dma_wait3A_191 = arith.constant 0 : i32
      %dma_wait3A_192 = tpu.memref_slice %arg9[%mul3A_0, %dma_wait3A_191] : memref<1024x128xf32, #tpu.memory_space<vmem_shared>> -> memref<64x128xf32, #tpu.memory_space<vmem_shared>>
      %dma_wait3A_193 = arith.constant 0 : i32
      %dma_wait3A_194 = tpu.memref_slice %arg4[%arg0, %mul3A_0, %dma_wait3A_193] : memref<2x1024x128xf32, #tpu.memory_space<hbm>> -> memref<1x64x128xf32, #tpu.memory_space<hbm>>
      %dma_wait3A_195 = tpu.memref_squeeze %dma_wait3A_194 : memref<1x64x128xf32, #tpu.memory_space<hbm>> -> memref<64x128xf32, #tpu.memory_space<hbm>>
      tpu.wait_dma2 semaphore(%run_scoped3A_185 : memref<!tpu.dma_semaphore, #tpu.memory_space<semaphore_mem>>) src(%dma_wait3A_195 : memref<64x128xf32, #tpu.memory_space<hbm>>) dst(%dma_wait3A_192 : memref<64x128xf32, #tpu.memory_space<vmem_shared>>)
      tpu.yield
    }) : () -> ()
    %run_scoped3A = arith.constant 0 : i32
    "tpu.region"() ({
      %run_scoped3A_185 = tpu.sem_alloc : memref<!tpu.dma_semaphore, #tpu.memory_space<semaphore_mem>>
      %dma_start3A_186 = arith.constant 0 : i32
      %dma_start3A_187 = arith.constant 0 : i32
      %dma_start3A_188 = tpu.memref_slice %arg3[%arg0, %run_scoped3A, %arg1, %dma_start3A_186, %dma_start3A_187] : memref<2x2x16x8x128xi32, #tpu.memory_space<hbm>> -> memref<1x1x1x8x128xi32, #tpu.memory_space<hbm>>
      %dma_start3A_189 = tpu.memref_squeeze %dma_start3A_188 : memref<1x1x1x8x128xi32, #tpu.memory_space<hbm>> -> memref<8x128xi32, #tpu.memory_space<hbm>>
      %dma_start3A_190 = arith.constant 0 : i32
      %dma_start3A_191 = arith.constant 0 : i32
      %dma_start3A_192 = tpu.memref_slice %arg3[%arg0, %run_scoped3A, %arg1, %dma_start3A_190, %dma_start3A_191] : memref<2x2x16x8x128xi32, #tpu.memory_space<hbm>> -> memref<1x1x1x8x128xi32, #tpu.memory_space<hbm>>
      %dma_start3A_193 = tpu.memref_squeeze %dma_start3A_192 : memref<1x1x1x8x128xi32, #tpu.memory_space<hbm>> -> memref<8x128xi32, #tpu.memory_space<hbm>>
      tpu.enqueue_dma source(%dma_start3A_193 : memref<8x128xi32, #tpu.memory_space<hbm>>) target(%arg6 : memref<8x128xi32, #tpu.memory_space<vmem>>) target_semaphore(%run_scoped3A_185 : memref<!tpu.dma_semaphore, #tpu.memory_space<semaphore_mem>>)
      %dma_wait3A_194 = arith.constant 0 : i32
      %dma_wait3A_195 = arith.constant 0 : i32
      %dma_wait3A_196 = tpu.memref_slice %arg3[%arg0, %run_scoped3A, %arg1, %dma_wait3A_194, %dma_wait3A_195] : memref<2x2x16x8x128xi32, #tpu.memory_space<hbm>> -> memref<1x1x1x8x128xi32, #tpu.memory_space<hbm>>
      %dma_wait3A_197 = tpu.memref_squeeze %dma_wait3A_196 : memref<1x1x1x8x128xi32, #tpu.memory_space<hbm>> -> memref<8x128xi32, #tpu.memory_space<hbm>>
      %dma_wait3A_198 = arith.constant 0 : i32
      %dma_wait3A_199 = arith.constant 0 : i32
      %dma_wait3A_200 = tpu.memref_slice %arg3[%arg0, %run_scoped3A, %arg1, %dma_wait3A_198, %dma_wait3A_199] : memref<2x2x16x8x128xi32, #tpu.memory_space<hbm>> -> memref<1x1x1x8x128xi32, #tpu.memory_space<hbm>>
      %dma_wait3A_201 = tpu.memref_squeeze %dma_wait3A_200 : memref<1x1x1x8x128xi32, #tpu.memory_space<hbm>> -> memref<8x128xi32, #tpu.memory_space<hbm>>
      tpu.wait_dma2 semaphore(%run_scoped3A_185 : memref<!tpu.dma_semaphore, #tpu.memory_space<semaphore_mem>>) src(%dma_wait3A_201 : memref<8x128xi32, #tpu.memory_space<hbm>>) dst(%arg6 : memref<8x128xi32, #tpu.memory_space<vmem>>)
      tpu.yield
    }) : () -> ()
    %run_scoped3A_1 = arith.constant 1 : i32
    "tpu.region"() ({
      %run_scoped3A_185 = tpu.sem_alloc : memref<!tpu.dma_semaphore, #tpu.memory_space<semaphore_mem>>
      %dma_start3A_186 = arith.constant 0 : i32
      %dma_start3A_187 = arith.constant 0 : i32
      %dma_start3A_188 = tpu.memref_slice %arg3[%arg0, %run_scoped3A_1, %arg1, %dma_start3A_186, %dma_start3A_187] : memref<2x2x16x8x128xi32, #tpu.memory_space<hbm>> -> memref<1x1x1x8x128xi32, #tpu.memory_space<hbm>>
      %dma_start3A_189 = tpu.memref_squeeze %dma_start3A_188 : memref<1x1x1x8x128xi32, #tpu.memory_space<hbm>> -> memref<8x128xi32, #tpu.memory_space<hbm>>
      %dma_start3A_190 = arith.constant 0 : i32
      %dma_start3A_191 = arith.constant 0 : i32
      %dma_start3A_192 = tpu.memref_slice %arg3[%arg0, %run_scoped3A_1, %arg1, %dma_start3A_190, %dma_start3A_191] : memref<2x2x16x8x128xi32, #tpu.memory_space<hbm>> -> memref<1x1x1x8x128xi32, #tpu.memory_space<hbm>>
      %dma_start3A_193 = tpu.memref_squeeze %dma_start3A_192 : memref<1x1x1x8x128xi32, #tpu.memory_space<hbm>> -> memref<8x128xi32, #tpu.memory_space<hbm>>
      tpu.enqueue_dma source(%dma_start3A_193 : memref<8x128xi32, #tpu.memory_space<hbm>>) target(%arg7 : memref<8x128xi32, #tpu.memory_space<vmem>>) target_semaphore(%run_scoped3A_185 : memref<!tpu.dma_semaphore, #tpu.memory_space<semaphore_mem>>)
      %dma_wait3A_194 = arith.constant 0 : i32
      %dma_wait3A_195 = arith.constant 0 : i32
      %dma_wait3A_196 = tpu.memref_slice %arg3[%arg0, %run_scoped3A_1, %arg1, %dma_wait3A_194, %dma_wait3A_195] : memref<2x2x16x8x128xi32, #tpu.memory_space<hbm>> -> memref<1x1x1x8x128xi32, #tpu.memory_space<hbm>>
      %dma_wait3A_197 = tpu.memref_squeeze %dma_wait3A_196 : memref<1x1x1x8x128xi32, #tpu.memory_space<hbm>> -> memref<8x128xi32, #tpu.memory_space<hbm>>
      %dma_wait3A_198 = arith.constant 0 : i32
      %dma_wait3A_199 = arith.constant 0 : i32
      %dma_wait3A_200 = tpu.memref_slice %arg3[%arg0, %run_scoped3A_1, %arg1, %dma_wait3A_198, %dma_wait3A_199] : memref<2x2x16x8x128xi32, #tpu.memory_space<hbm>> -> memref<1x1x1x8x128xi32, #tpu.memory_space<hbm>>
      %dma_wait3A_201 = tpu.memref_squeeze %dma_wait3A_200 : memref<1x1x1x8x128xi32, #tpu.memory_space<hbm>> -> memref<8x128xi32, #tpu.memory_space<hbm>>
      tpu.wait_dma2 semaphore(%run_scoped3A_185 : memref<!tpu.dma_semaphore, #tpu.memory_space<semaphore_mem>>) src(%dma_wait3A_201 : memref<8x128xi32, #tpu.memory_space<hbm>>) dst(%arg7 : memref<8x128xi32, #tpu.memory_space<vmem>>)
      tpu.yield
    }) : () -> ()
    %barrier3A = arith.constant 0 : index
    tpu.barrier barrier_id(%barrier3A)
    %dma_start3A = arith.constant 0 : i32
    %dma_start3A_2 = arith.constant 0 : i32
    %dma_start3A_3 = tpu.memref_slice %arg6[%dma_start3A, %dma_start3A_2] : memref<8x128xi32, #tpu.memory_space<vmem>> -> memref<1x128xi32, #tpu.memory_space<vmem>>
    %dma_start3A_4 = tpu.memref_squeeze %dma_start3A_3 : memref<1x128xi32, #tpu.memory_space<vmem>> -> memref<128xi32, #tpu.memory_space<vmem>>
    %dma_start3A_5 = arith.constant 0 : i32
    %dma_start3A_6 = arith.constant 0 : i32
    %dma_start3A_7 = tpu.memref_slice %arg2[%arg0, %dma_start3A_5, %dma_start3A_6] : memref<2x1024x128xf32, #tpu.memory_space<hbm>> -> memref<1x1024x128xf32, #tpu.memory_space<hbm>>
    %dma_start3A_8 = tpu.memref_squeeze %dma_start3A_7 : memref<1x1024x128xf32, #tpu.memory_space<hbm>> -> memref<1024x128xf32, #tpu.memory_space<hbm>>
    %dma_start3A_9 = arith.constant 0 : i32
    %dma_start3A_10 = arith.constant 0 : i32
    %dma_start3A_11 = tpu.memref_slice %dma_start3A_8[%dma_start3A_9, %dma_start3A_10] : memref<1024x128xf32, #tpu.memory_space<hbm>> -> memref<1024x128xf32, #tpu.memory_space<hbm>>
    tpu.enqueue_indirect_dma source(%dma_start3A_11 : memref<1024x128xf32, #tpu.memory_space<hbm>>) target(%arg8 : memref<128x128xf32, #tpu.memory_space<vmem>>) offsets(%dma_start3A_4 : memref<128xi32, #tpu.memory_space<vmem>>) semaphore(%arg10 : memref<!tpu.dma_semaphore, #tpu.memory_space<semaphore_mem>>)
    %dma_wait3A = arith.constant 0 : i32
    %dma_wait3A_12 = arith.constant 0 : i32
    %dma_wait3A_13 = tpu.memref_slice %arg6[%dma_wait3A, %dma_wait3A_12] : memref<8x128xi32, #tpu.memory_space<vmem>> -> memref<1x128xi32, #tpu.memory_space<vmem>>
    %dma_wait3A_14 = tpu.memref_squeeze %dma_wait3A_13 : memref<1x128xi32, #tpu.memory_space<vmem>> -> memref<128xi32, #tpu.memory_space<vmem>>
    %dma_wait3A_15 = arith.constant 0 : i32
    %dma_wait3A_16 = arith.constant 0 : i32
    %dma_wait3A_17 = tpu.memref_slice %arg2[%arg0, %dma_wait3A_15, %dma_wait3A_16] : memref<2x1024x128xf32, #tpu.memory_space<hbm>> -> memref<1x1024x128xf32, #tpu.memory_space<hbm>>
    %dma_wait3A_18 = tpu.memref_squeeze %dma_wait3A_17 : memref<1x1024x128xf32, #tpu.memory_space<hbm>> -> memref<1024x128xf32, #tpu.memory_space<hbm>>
    %dma_wait3A_19 = arith.constant 0 : i32
    %dma_wait3A_20 = arith.constant 0 : i32
    %dma_wait3A_21 = tpu.memref_slice %dma_wait3A_18[%dma_wait3A_19, %dma_wait3A_20] : memref<1024x128xf32, #tpu.memory_space<hbm>> -> memref<1024x128xf32, #tpu.memory_space<hbm>>
    tpu.wait_indirect_dma semaphore(%arg10 : memref<!tpu.dma_semaphore, #tpu.memory_space<semaphore_mem>>) src(%dma_wait3A_21 : memref<1024x128xf32, #tpu.memory_space<hbm>>) dst(%arg8 : memref<128x128xf32, #tpu.memory_space<vmem>>)
    %run_scoped3A_22 = arith.constant 0 : i32
    "tpu.region"() ({
      %run_scoped3A_185 = tpu.sem_alloc : memref<!tpu.dma_semaphore, #tpu.memory_space<semaphore_mem>>
      %dma_start3A_186 = arith.constant 0 : i32
      %dma_start3A_187 = tpu.memref_slice %arg7[%run_scoped3A_22, %dma_start3A_186] : memref<8x128xi32, #tpu.memory_space<vmem>> -> memref<1x128xi32, #tpu.memory_space<vmem>>
      %dma_start3A_188 = tpu.memref_squeeze %dma_start3A_187 : memref<1x128xi32, #tpu.memory_space<vmem>> -> memref<128xi32, #tpu.memory_space<vmem>>
      %dma_start3A_189 = arith.constant 0 : i32
      %dma_start3A_190 = arith.constant 0 : i32
      %dma_start3A_191 = tpu.memref_slice %arg9[%dma_start3A_189, %dma_start3A_190] : memref<1024x128xf32, #tpu.memory_space<vmem_shared>> -> memref<1024x128xf32, #tpu.memory_space<vmem_shared>>
      tpu.enqueue_indirect_dma source(%arg8 : memref<128x128xf32, #tpu.memory_space<vmem>>) target(%dma_start3A_191 : memref<1024x128xf32, #tpu.memory_space<vmem_shared>>) offsets(%dma_start3A_188 : memref<128xi32, #tpu.memory_space<vmem>>) semaphore(%run_scoped3A_185 : memref<!tpu.dma_semaphore, #tpu.memory_space<semaphore_mem>>) {add = true}
      %dma_wait3A_192 = arith.constant 0 : i32
      %dma_wait3A_193 = tpu.memref_slice %arg7[%run_scoped3A_22, %dma_wait3A_192] : memref<8x128xi32, #tpu.memory_space<vmem>> -> memref<1x128xi32, #tpu.memory_space<vmem>>
      %dma_wait3A_194 = tpu.memref_squeeze %dma_wait3A_193 : memref<1x128xi32, #tpu.memory_space<vmem>> -> memref<128xi32, #tpu.memory_space<vmem>>
      %dma_wait3A_195 = arith.constant 0 : i32
      %dma_wait3A_196 = arith.constant 0 : i32
      %dma_wait3A_197 = tpu.memref_slice %arg9[%dma_wait3A_195, %dma_wait3A_196] : memref<1024x128xf32, #tpu.memory_space<vmem_shared>> -> memref<1024x128xf32, #tpu.memory_space<vmem_shared>>
      tpu.wait_indirect_dma semaphore(%run_scoped3A_185 : memref<!tpu.dma_semaphore, #tpu.memory_space<semaphore_mem>>) src(%arg8 : memref<128x128xf32, #tpu.memory_space<vmem>>) dst(%dma_wait3A_197 : memref<1024x128xf32, #tpu.memory_space<vmem_shared>>)
      tpu.yield
    }) : () -> ()
    %dma_start3A_23 = arith.constant 1 : i32
    %dma_start3A_24 = arith.constant 0 : i32
    %dma_start3A_25 = tpu.memref_slice %arg6[%dma_start3A_23, %dma_start3A_24] : memref<8x128xi32, #tpu.memory_space<vmem>> -> memref<1x128xi32, #tpu.memory_space<vmem>>
    %dma_start3A_26 = tpu.memref_squeeze %dma_start3A_25 : memref<1x128xi32, #tpu.memory_space<vmem>> -> memref<128xi32, #tpu.memory_space<vmem>>
    %dma_start3A_27 = arith.constant 0 : i32
    %dma_start3A_28 = arith.constant 0 : i32
    %dma_start3A_29 = tpu.memref_slice %arg2[%arg0, %dma_start3A_27, %dma_start3A_28] : memref<2x1024x128xf32, #tpu.memory_space<hbm>> -> memref<1x1024x128xf32, #tpu.memory_space<hbm>>
    %dma_start3A_30 = tpu.memref_squeeze %dma_start3A_29 : memref<1x1024x128xf32, #tpu.memory_space<hbm>> -> memref<1024x128xf32, #tpu.memory_space<hbm>>
    %dma_start3A_31 = arith.constant 0 : i32
    %dma_start3A_32 = arith.constant 0 : i32
    %dma_start3A_33 = tpu.memref_slice %dma_start3A_30[%dma_start3A_31, %dma_start3A_32] : memref<1024x128xf32, #tpu.memory_space<hbm>> -> memref<1024x128xf32, #tpu.memory_space<hbm>>
    tpu.enqueue_indirect_dma source(%dma_start3A_33 : memref<1024x128xf32, #tpu.memory_space<hbm>>) target(%arg8 : memref<128x128xf32, #tpu.memory_space<vmem>>) offsets(%dma_start3A_26 : memref<128xi32, #tpu.memory_space<vmem>>) semaphore(%arg10 : memref<!tpu.dma_semaphore, #tpu.memory_space<semaphore_mem>>)
    %dma_wait3A_34 = arith.constant 1 : i32
    %dma_wait3A_35 = arith.constant 0 : i32
    %dma_wait3A_36 = tpu.memref_slice %arg6[%dma_wait3A_34, %dma_wait3A_35] : memref<8x128xi32, #tpu.memory_space<vmem>> -> memref<1x128xi32, #tpu.memory_space<vmem>>
    %dma_wait3A_37 = tpu.memref_squeeze %dma_wait3A_36 : memref<1x128xi32, #tpu.memory_space<vmem>> -> memref<128xi32, #tpu.memory_space<vmem>>
    %dma_wait3A_38 = arith.constant 0 : i32
    %dma_wait3A_39 = arith.constant 0 : i32
    %dma_wait3A_40 = tpu.memref_slice %arg2[%arg0, %dma_wait3A_38, %dma_wait3A_39] : memref<2x1024x128xf32, #tpu.memory_space<hbm>> -> memref<1x1024x128xf32, #tpu.memory_space<hbm>>
    %dma_wait3A_41 = tpu.memref_squeeze %dma_wait3A_40 : memref<1x1024x128xf32, #tpu.memory_space<hbm>> -> memref<1024x128xf32, #tpu.memory_space<hbm>>
    %dma_wait3A_42 = arith.constant 0 : i32
    %dma_wait3A_43 = arith.constant 0 : i32
    %dma_wait3A_44 = tpu.memref_slice %dma_wait3A_41[%dma_wait3A_42, %dma_wait3A_43] : memref<1024x128xf32, #tpu.memory_space<hbm>> -> memref<1024x128xf32, #tpu.memory_space<hbm>>
    tpu.wait_indirect_dma semaphore(%arg10 : memref<!tpu.dma_semaphore, #tpu.memory_space<semaphore_mem>>) src(%dma_wait3A_44 : memref<1024x128xf32, #tpu.memory_space<hbm>>) dst(%arg8 : memref<128x128xf32, #tpu.memory_space<vmem>>)
    %run_scoped3A_45 = arith.constant 1 : i32
    "tpu.region"() ({
      %run_scoped3A_185 = tpu.sem_alloc : memref<!tpu.dma_semaphore, #tpu.memory_space<semaphore_mem>>
      %dma_start3A_186 = arith.constant 0 : i32
      %dma_start3A_187 = tpu.memref_slice %arg7[%run_scoped3A_45, %dma_start3A_186] : memref<8x128xi32, #tpu.memory_space<vmem>> -> memref<1x128xi32, #tpu.memory_space<vmem>>
      %dma_start3A_188 = tpu.memref_squeeze %dma_start3A_187 : memref<1x128xi32, #tpu.memory_space<vmem>> -> memref<128xi32, #tpu.memory_space<vmem>>
      %dma_start3A_189 = arith.constant 0 : i32
      %dma_start3A_190 = arith.constant 0 : i32
      %dma_start3A_191 = tpu.memref_slice %arg9[%dma_start3A_189, %dma_start3A_190] : memref<1024x128xf32, #tpu.memory_space<vmem_shared>> -> memref<1024x128xf32, #tpu.memory_space<vmem_shared>>
      tpu.enqueue_indirect_dma source(%arg8 : memref<128x128xf32, #tpu.memory_space<vmem>>) target(%dma_start3A_191 : memref<1024x128xf32, #tpu.memory_space<vmem_shared>>) offsets(%dma_start3A_188 : memref<128xi32, #tpu.memory_space<vmem>>) semaphore(%run_scoped3A_185 : memref<!tpu.dma_semaphore, #tpu.memory_space<semaphore_mem>>) {add = true}
      %dma_wait3A_192 = arith.constant 0 : i32
      %dma_wait3A_193 = tpu.memref_slice %arg7[%run_scoped3A_45, %dma_wait3A_192] : memref<8x128xi32, #tpu.memory_space<vmem>> -> memref<1x128xi32, #tpu.memory_space<vmem>>
      %dma_wait3A_194 = tpu.memref_squeeze %dma_wait3A_193 : memref<1x128xi32, #tpu.memory_space<vmem>> -> memref<128xi32, #tpu.memory_space<vmem>>
      %dma_wait3A_195 = arith.constant 0 : i32
      %dma_wait3A_196 = arith.constant 0 : i32
      %dma_wait3A_197 = tpu.memref_slice %arg9[%dma_wait3A_195, %dma_wait3A_196] : memref<1024x128xf32, #tpu.memory_space<vmem_shared>> -> memref<1024x128xf32, #tpu.memory_space<vmem_shared>>
      tpu.wait_indirect_dma semaphore(%run_scoped3A_185 : memref<!tpu.dma_semaphore, #tpu.memory_space<semaphore_mem>>) src(%arg8 : memref<128x128xf32, #tpu.memory_space<vmem>>) dst(%dma_wait3A_197 : memref<1024x128xf32, #tpu.memory_space<vmem_shared>>)
      tpu.yield
    }) : () -> ()
    %dma_start3A_46 = arith.constant 2 : i32
    %dma_start3A_47 = arith.constant 0 : i32
    %dma_start3A_48 = tpu.memref_slice %arg6[%dma_start3A_46, %dma_start3A_47] : memref<8x128xi32, #tpu.memory_space<vmem>> -> memref<1x128xi32, #tpu.memory_space<vmem>>
    %dma_start3A_49 = tpu.memref_squeeze %dma_start3A_48 : memref<1x128xi32, #tpu.memory_space<vmem>> -> memref<128xi32, #tpu.memory_space<vmem>>
    %dma_start3A_50 = arith.constant 0 : i32
    %dma_start3A_51 = arith.constant 0 : i32
    %dma_start3A_52 = tpu.memref_slice %arg2[%arg0, %dma_start3A_50, %dma_start3A_51] : memref<2x1024x128xf32, #tpu.memory_space<hbm>> -> memref<1x1024x128xf32, #tpu.memory_space<hbm>>
    %dma_start3A_53 = tpu.memref_squeeze %dma_start3A_52 : memref<1x1024x128xf32, #tpu.memory_space<hbm>> -> memref<1024x128xf32, #tpu.memory_space<hbm>>
    %dma_start3A_54 = arith.constant 0 : i32
    %dma_start3A_55 = arith.constant 0 : i32
    %dma_start3A_56 = tpu.memref_slice %dma_start3A_53[%dma_start3A_54, %dma_start3A_55] : memref<1024x128xf32, #tpu.memory_space<hbm>> -> memref<1024x128xf32, #tpu.memory_space<hbm>>
    tpu.enqueue_indirect_dma source(%dma_start3A_56 : memref<1024x128xf32, #tpu.memory_space<hbm>>) target(%arg8 : memref<128x128xf32, #tpu.memory_space<vmem>>) offsets(%dma_start3A_49 : memref<128xi32, #tpu.memory_space<vmem>>) semaphore(%arg10 : memref<!tpu.dma_semaphore, #tpu.memory_space<semaphore_mem>>)
    %dma_wait3A_57 = arith.constant 2 : i32
    %dma_wait3A_58 = arith.constant 0 : i32
    %dma_wait3A_59 = tpu.memref_slice %arg6[%dma_wait3A_57, %dma_wait3A_58] : memref<8x128xi32, #tpu.memory_space<vmem>> -> memref<1x128xi32, #tpu.memory_space<vmem>>
    %dma_wait3A_60 = tpu.memref_squeeze %dma_wait3A_59 : memref<1x128xi32, #tpu.memory_space<vmem>> -> memref<128xi32, #tpu.memory_space<vmem>>
    %dma_wait3A_61 = arith.constant 0 : i32
    %dma_wait3A_62 = arith.constant 0 : i32
    %dma_wait3A_63 = tpu.memref_slice %arg2[%arg0, %dma_wait3A_61, %dma_wait3A_62] : memref<2x1024x128xf32, #tpu.memory_space<hbm>> -> memref<1x1024x128xf32, #tpu.memory_space<hbm>>
    %dma_wait3A_64 = tpu.memref_squeeze %dma_wait3A_63 : memref<1x1024x128xf32, #tpu.memory_space<hbm>> -> memref<1024x128xf32, #tpu.memory_space<hbm>>
    %dma_wait3A_65 = arith.constant 0 : i32
    %dma_wait3A_66 = arith.constant 0 : i32
    %dma_wait3A_67 = tpu.memref_slice %dma_wait3A_64[%dma_wait3A_65, %dma_wait3A_66] : memref<1024x128xf32, #tpu.memory_space<hbm>> -> memref<1024x128xf32, #tpu.memory_space<hbm>>
    tpu.wait_indirect_dma semaphore(%arg10 : memref<!tpu.dma_semaphore, #tpu.memory_space<semaphore_mem>>) src(%dma_wait3A_67 : memref<1024x128xf32, #tpu.memory_space<hbm>>) dst(%arg8 : memref<128x128xf32, #tpu.memory_space<vmem>>)
    %run_scoped3A_68 = arith.constant 2 : i32
    "tpu.region"() ({
      %run_scoped3A_185 = tpu.sem_alloc : memref<!tpu.dma_semaphore, #tpu.memory_space<semaphore_mem>>
      %dma_start3A_186 = arith.constant 0 : i32
      %dma_start3A_187 = tpu.memref_slice %arg7[%run_scoped3A_68, %dma_start3A_186] : memref<8x128xi32, #tpu.memory_space<vmem>> -> memref<1x128xi32, #tpu.memory_space<vmem>>
      %dma_start3A_188 = tpu.memref_squeeze %dma_start3A_187 : memref<1x128xi32, #tpu.memory_space<vmem>> -> memref<128xi32, #tpu.memory_space<vmem>>
      %dma_start3A_189 = arith.constant 0 : i32
      %dma_start3A_190 = arith.constant 0 : i32
      %dma_start3A_191 = tpu.memref_slice %arg9[%dma_start3A_189, %dma_start3A_190] : memref<1024x128xf32, #tpu.memory_space<vmem_shared>> -> memref<1024x128xf32, #tpu.memory_space<vmem_shared>>
      tpu.enqueue_indirect_dma source(%arg8 : memref<128x128xf32, #tpu.memory_space<vmem>>) target(%dma_start3A_191 : memref<1024x128xf32, #tpu.memory_space<vmem_shared>>) offsets(%dma_start3A_188 : memref<128xi32, #tpu.memory_space<vmem>>) semaphore(%run_scoped3A_185 : memref<!tpu.dma_semaphore, #tpu.memory_space<semaphore_mem>>) {add = true}
      %dma_wait3A_192 = arith.constant 0 : i32
      %dma_wait3A_193 = tpu.memref_slice %arg7[%run_scoped3A_68, %dma_wait3A_192] : memref<8x128xi32, #tpu.memory_space<vmem>> -> memref<1x128xi32, #tpu.memory_space<vmem>>
      %dma_wait3A_194 = tpu.memref_squeeze %dma_wait3A_193 : memref<1x128xi32, #tpu.memory_space<vmem>> -> memref<128xi32, #tpu.memory_space<vmem>>
      %dma_wait3A_195 = arith.constant 0 : i32
      %dma_wait3A_196 = arith.constant 0 : i32
      %dma_wait3A_197 = tpu.memref_slice %arg9[%dma_wait3A_195, %dma_wait3A_196] : memref<1024x128xf32, #tpu.memory_space<vmem_shared>> -> memref<1024x128xf32, #tpu.memory_space<vmem_shared>>
      tpu.wait_indirect_dma semaphore(%run_scoped3A_185 : memref<!tpu.dma_semaphore, #tpu.memory_space<semaphore_mem>>) src(%arg8 : memref<128x128xf32, #tpu.memory_space<vmem>>) dst(%dma_wait3A_197 : memref<1024x128xf32, #tpu.memory_space<vmem_shared>>)
      tpu.yield
    }) : () -> ()
    %dma_start3A_69 = arith.constant 3 : i32
    %dma_start3A_70 = arith.constant 0 : i32
    %dma_start3A_71 = tpu.memref_slice %arg6[%dma_start3A_69, %dma_start3A_70] : memref<8x128xi32, #tpu.memory_space<vmem>> -> memref<1x128xi32, #tpu.memory_space<vmem>>
    %dma_start3A_72 = tpu.memref_squeeze %dma_start3A_71 : memref<1x128xi32, #tpu.memory_space<vmem>> -> memref<128xi32, #tpu.memory_space<vmem>>
    %dma_start3A_73 = arith.constant 0 : i32
    %dma_start3A_74 = arith.constant 0 : i32
    %dma_start3A_75 = tpu.memref_slice %arg2[%arg0, %dma_start3A_73, %dma_start3A_74] : memref<2x1024x128xf32, #tpu.memory_space<hbm>> -> memref<1x1024x128xf32, #tpu.memory_space<hbm>>
    %dma_start3A_76 = tpu.memref_squeeze %dma_start3A_75 : memref<1x1024x128xf32, #tpu.memory_space<hbm>> -> memref<1024x128xf32, #tpu.memory_space<hbm>>
    %dma_start3A_77 = arith.constant 0 : i32
    %dma_start3A_78 = arith.constant 0 : i32
    %dma_start3A_79 = tpu.memref_slice %dma_start3A_76[%dma_start3A_77, %dma_start3A_78] : memref<1024x128xf32, #tpu.memory_space<hbm>> -> memref<1024x128xf32, #tpu.memory_space<hbm>>
    tpu.enqueue_indirect_dma source(%dma_start3A_79 : memref<1024x128xf32, #tpu.memory_space<hbm>>) target(%arg8 : memref<128x128xf32, #tpu.memory_space<vmem>>) offsets(%dma_start3A_72 : memref<128xi32, #tpu.memory_space<vmem>>) semaphore(%arg10 : memref<!tpu.dma_semaphore, #tpu.memory_space<semaphore_mem>>)
    %dma_wait3A_80 = arith.constant 3 : i32
    %dma_wait3A_81 = arith.constant 0 : i32
    %dma_wait3A_82 = tpu.memref_slice %arg6[%dma_wait3A_80, %dma_wait3A_81] : memref<8x128xi32, #tpu.memory_space<vmem>> -> memref<1x128xi32, #tpu.memory_space<vmem>>
    %dma_wait3A_83 = tpu.memref_squeeze %dma_wait3A_82 : memref<1x128xi32, #tpu.memory_space<vmem>> -> memref<128xi32, #tpu.memory_space<vmem>>
    %dma_wait3A_84 = arith.constant 0 : i32
    %dma_wait3A_85 = arith.constant 0 : i32
    %dma_wait3A_86 = tpu.memref_slice %arg2[%arg0, %dma_wait3A_84, %dma_wait3A_85] : memref<2x1024x128xf32, #tpu.memory_space<hbm>> -> memref<1x1024x128xf32, #tpu.memory_space<hbm>>
    %dma_wait3A_87 = tpu.memref_squeeze %dma_wait3A_86 : memref<1x1024x128xf32, #tpu.memory_space<hbm>> -> memref<1024x128xf32, #tpu.memory_space<hbm>>
    %dma_wait3A_88 = arith.constant 0 : i32
    %dma_wait3A_89 = arith.constant 0 : i32
    %dma_wait3A_90 = tpu.memref_slice %dma_wait3A_87[%dma_wait3A_88, %dma_wait3A_89] : memref<1024x128xf32, #tpu.memory_space<hbm>> -> memref<1024x128xf32, #tpu.memory_space<hbm>>
    tpu.wait_indirect_dma semaphore(%arg10 : memref<!tpu.dma_semaphore, #tpu.memory_space<semaphore_mem>>) src(%dma_wait3A_90 : memref<1024x128xf32, #tpu.memory_space<hbm>>) dst(%arg8 : memref<128x128xf32, #tpu.memory_space<vmem>>)
    %run_scoped3A_91 = arith.constant 3 : i32
    "tpu.region"() ({
      %run_scoped3A_185 = tpu.sem_alloc : memref<!tpu.dma_semaphore, #tpu.memory_space<semaphore_mem>>
      %dma_start3A_186 = arith.constant 0 : i32
      %dma_start3A_187 = tpu.memref_slice %arg7[%run_scoped3A_91, %dma_start3A_186] : memref<8x128xi32, #tpu.memory_space<vmem>> -> memref<1x128xi32, #tpu.memory_space<vmem>>
      %dma_start3A_188 = tpu.memref_squeeze %dma_start3A_187 : memref<1x128xi32, #tpu.memory_space<vmem>> -> memref<128xi32, #tpu.memory_space<vmem>>
      %dma_start3A_189 = arith.constant 0 : i32
      %dma_start3A_190 = arith.constant 0 : i32
      %dma_start3A_191 = tpu.memref_slice %arg9[%dma_start3A_189, %dma_start3A_190] : memref<1024x128xf32, #tpu.memory_space<vmem_shared>> -> memref<1024x128xf32, #tpu.memory_space<vmem_shared>>
      tpu.enqueue_indirect_dma source(%arg8 : memref<128x128xf32, #tpu.memory_space<vmem>>) target(%dma_start3A_191 : memref<1024x128xf32, #tpu.memory_space<vmem_shared>>) offsets(%dma_start3A_188 : memref<128xi32, #tpu.memory_space<vmem>>) semaphore(%run_scoped3A_185 : memref<!tpu.dma_semaphore, #tpu.memory_space<semaphore_mem>>) {add = true}
      %dma_wait3A_192 = arith.constant 0 : i32
      %dma_wait3A_193 = tpu.memref_slice %arg7[%run_scoped3A_91, %dma_wait3A_192] : memref<8x128xi32, #tpu.memory_space<vmem>> -> memref<1x128xi32, #tpu.memory_space<vmem>>
      %dma_wait3A_194 = tpu.memref_squeeze %dma_wait3A_193 : memref<1x128xi32, #tpu.memory_space<vmem>> -> memref<128xi32, #tpu.memory_space<vmem>>
      %dma_wait3A_195 = arith.constant 0 : i32
      %dma_wait3A_196 = arith.constant 0 : i32
      %dma_wait3A_197 = tpu.memref_slice %arg9[%dma_wait3A_195, %dma_wait3A_196] : memref<1024x128xf32, #tpu.memory_space<vmem_shared>> -> memref<1024x128xf32, #tpu.memory_space<vmem_shared>>
      tpu.wait_indirect_dma semaphore(%run_scoped3A_185 : memref<!tpu.dma_semaphore, #tpu.memory_space<semaphore_mem>>) src(%arg8 : memref<128x128xf32, #tpu.memory_space<vmem>>) dst(%dma_wait3A_197 : memref<1024x128xf32, #tpu.memory_space<vmem_shared>>)
      tpu.yield
    }) : () -> ()
    %dma_start3A_92 = arith.constant 4 : i32
    %dma_start3A_93 = arith.constant 0 : i32
    %dma_start3A_94 = tpu.memref_slice %arg6[%dma_start3A_92, %dma_start3A_93] : memref<8x128xi32, #tpu.memory_space<vmem>> -> memref<1x128xi32, #tpu.memory_space<vmem>>
    %dma_start3A_95 = tpu.memref_squeeze %dma_start3A_94 : memref<1x128xi32, #tpu.memory_space<vmem>> -> memref<128xi32, #tpu.memory_space<vmem>>
    %dma_start3A_96 = arith.constant 0 : i32
    %dma_start3A_97 = arith.constant 0 : i32
    %dma_start3A_98 = tpu.memref_slice %arg2[%arg0, %dma_start3A_96, %dma_start3A_97] : memref<2x1024x128xf32, #tpu.memory_space<hbm>> -> memref<1x1024x128xf32, #tpu.memory_space<hbm>>
    %dma_start3A_99 = tpu.memref_squeeze %dma_start3A_98 : memref<1x1024x128xf32, #tpu.memory_space<hbm>> -> memref<1024x128xf32, #tpu.memory_space<hbm>>
    %dma_start3A_100 = arith.constant 0 : i32
    %dma_start3A_101 = arith.constant 0 : i32
    %dma_start3A_102 = tpu.memref_slice %dma_start3A_99[%dma_start3A_100, %dma_start3A_101] : memref<1024x128xf32, #tpu.memory_space<hbm>> -> memref<1024x128xf32, #tpu.memory_space<hbm>>
    tpu.enqueue_indirect_dma source(%dma_start3A_102 : memref<1024x128xf32, #tpu.memory_space<hbm>>) target(%arg8 : memref<128x128xf32, #tpu.memory_space<vmem>>) offsets(%dma_start3A_95 : memref<128xi32, #tpu.memory_space<vmem>>) semaphore(%arg10 : memref<!tpu.dma_semaphore, #tpu.memory_space<semaphore_mem>>)
    %dma_wait3A_103 = arith.constant 4 : i32
    %dma_wait3A_104 = arith.constant 0 : i32
    %dma_wait3A_105 = tpu.memref_slice %arg6[%dma_wait3A_103, %dma_wait3A_104] : memref<8x128xi32, #tpu.memory_space<vmem>> -> memref<1x128xi32, #tpu.memory_space<vmem>>
    %dma_wait3A_106 = tpu.memref_squeeze %dma_wait3A_105 : memref<1x128xi32, #tpu.memory_space<vmem>> -> memref<128xi32, #tpu.memory_space<vmem>>
    %dma_wait3A_107 = arith.constant 0 : i32
    %dma_wait3A_108 = arith.constant 0 : i32
    %dma_wait3A_109 = tpu.memref_slice %arg2[%arg0, %dma_wait3A_107, %dma_wait3A_108] : memref<2x1024x128xf32, #tpu.memory_space<hbm>> -> memref<1x1024x128xf32, #tpu.memory_space<hbm>>
    %dma_wait3A_110 = tpu.memref_squeeze %dma_wait3A_109 : memref<1x1024x128xf32, #tpu.memory_space<hbm>> -> memref<1024x128xf32, #tpu.memory_space<hbm>>
    %dma_wait3A_111 = arith.constant 0 : i32
    %dma_wait3A_112 = arith.constant 0 : i32
    %dma_wait3A_113 = tpu.memref_slice %dma_wait3A_110[%dma_wait3A_111, %dma_wait3A_112] : memref<1024x128xf32, #tpu.memory_space<hbm>> -> memref<1024x128xf32, #tpu.memory_space<hbm>>
    tpu.wait_indirect_dma semaphore(%arg10 : memref<!tpu.dma_semaphore, #tpu.memory_space<semaphore_mem>>) src(%dma_wait3A_113 : memref<1024x128xf32, #tpu.memory_space<hbm>>) dst(%arg8 : memref<128x128xf32, #tpu.memory_space<vmem>>)
    %run_scoped3A_114 = arith.constant 4 : i32
    "tpu.region"() ({
      %run_scoped3A_185 = tpu.sem_alloc : memref<!tpu.dma_semaphore, #tpu.memory_space<semaphore_mem>>
      %dma_start3A_186 = arith.constant 0 : i32
      %dma_start3A_187 = tpu.memref_slice %arg7[%run_scoped3A_114, %dma_start3A_186] : memref<8x128xi32, #tpu.memory_space<vmem>> -> memref<1x128xi32, #tpu.memory_space<vmem>>
      %dma_start3A_188 = tpu.memref_squeeze %dma_start3A_187 : memref<1x128xi32, #tpu.memory_space<vmem>> -> memref<128xi32, #tpu.memory_space<vmem>>
      %dma_start3A_189 = arith.constant 0 : i32
      %dma_start3A_190 = arith.constant 0 : i32
      %dma_start3A_191 = tpu.memref_slice %arg9[%dma_start3A_189, %dma_start3A_190] : memref<1024x128xf32, #tpu.memory_space<vmem_shared>> -> memref<1024x128xf32, #tpu.memory_space<vmem_shared>>
      tpu.enqueue_indirect_dma source(%arg8 : memref<128x128xf32, #tpu.memory_space<vmem>>) target(%dma_start3A_191 : memref<1024x128xf32, #tpu.memory_space<vmem_shared>>) offsets(%dma_start3A_188 : memref<128xi32, #tpu.memory_space<vmem>>) semaphore(%run_scoped3A_185 : memref<!tpu.dma_semaphore, #tpu.memory_space<semaphore_mem>>) {add = true}
      %dma_wait3A_192 = arith.constant 0 : i32
      %dma_wait3A_193 = tpu.memref_slice %arg7[%run_scoped3A_114, %dma_wait3A_192] : memref<8x128xi32, #tpu.memory_space<vmem>> -> memref<1x128xi32, #tpu.memory_space<vmem>>
      %dma_wait3A_194 = tpu.memref_squeeze %dma_wait3A_193 : memref<1x128xi32, #tpu.memory_space<vmem>> -> memref<128xi32, #tpu.memory_space<vmem>>
      %dma_wait3A_195 = arith.constant 0 : i32
      %dma_wait3A_196 = arith.constant 0 : i32
      %dma_wait3A_197 = tpu.memref_slice %arg9[%dma_wait3A_195, %dma_wait3A_196] : memref<1024x128xf32, #tpu.memory_space<vmem_shared>> -> memref<1024x128xf32, #tpu.memory_space<vmem_shared>>
      tpu.wait_indirect_dma semaphore(%run_scoped3A_185 : memref<!tpu.dma_semaphore, #tpu.memory_space<semaphore_mem>>) src(%arg8 : memref<128x128xf32, #tpu.memory_space<vmem>>) dst(%dma_wait3A_197 : memref<1024x128xf32, #tpu.memory_space<vmem_shared>>)
      tpu.yield
    }) : () -> ()
    %dma_start3A_115 = arith.constant 5 : i32
    %dma_start3A_116 = arith.constant 0 : i32
    %dma_start3A_117 = tpu.memref_slice %arg6[%dma_start3A_115, %dma_start3A_116] : memref<8x128xi32, #tpu.memory_space<vmem>> -> memref<1x128xi32, #tpu.memory_space<vmem>>
    %dma_start3A_118 = tpu.memref_squeeze %dma_start3A_117 : memref<1x128xi32, #tpu.memory_space<vmem>> -> memref<128xi32, #tpu.memory_space<vmem>>
    %dma_start3A_119 = arith.constant 0 : i32
    %dma_start3A_120 = arith.constant 0 : i32
    %dma_start3A_121 = tpu.memref_slice %arg2[%arg0, %dma_start3A_119, %dma_start3A_120] : memref<2x1024x128xf32, #tpu.memory_space<hbm>> -> memref<1x1024x128xf32, #tpu.memory_space<hbm>>
    %dma_start3A_122 = tpu.memref_squeeze %dma_start3A_121 : memref<1x1024x128xf32, #tpu.memory_space<hbm>> -> memref<1024x128xf32, #tpu.memory_space<hbm>>
    %dma_start3A_123 = arith.constant 0 : i32
    %dma_start3A_124 = arith.constant 0 : i32
    %dma_start3A_125 = tpu.memref_slice %dma_start3A_122[%dma_start3A_123, %dma_start3A_124] : memref<1024x128xf32, #tpu.memory_space<hbm>> -> memref<1024x128xf32, #tpu.memory_space<hbm>>
    tpu.enqueue_indirect_dma source(%dma_start3A_125 : memref<1024x128xf32, #tpu.memory_space<hbm>>) target(%arg8 : memref<128x128xf32, #tpu.memory_space<vmem>>) offsets(%dma_start3A_118 : memref<128xi32, #tpu.memory_space<vmem>>) semaphore(%arg10 : memref<!tpu.dma_semaphore, #tpu.memory_space<semaphore_mem>>)
    %dma_wait3A_126 = arith.constant 5 : i32
    %dma_wait3A_127 = arith.constant 0 : i32
    %dma_wait3A_128 = tpu.memref_slice %arg6[%dma_wait3A_126, %dma_wait3A_127] : memref<8x128xi32, #tpu.memory_space<vmem>> -> memref<1x128xi32, #tpu.memory_space<vmem>>
    %dma_wait3A_129 = tpu.memref_squeeze %dma_wait3A_128 : memref<1x128xi32, #tpu.memory_space<vmem>> -> memref<128xi32, #tpu.memory_space<vmem>>
    %dma_wait3A_130 = arith.constant 0 : i32
    %dma_wait3A_131 = arith.constant 0 : i32
    %dma_wait3A_132 = tpu.memref_slice %arg2[%arg0, %dma_wait3A_130, %dma_wait3A_131] : memref<2x1024x128xf32, #tpu.memory_space<hbm>> -> memref<1x1024x128xf32, #tpu.memory_space<hbm>>
    %dma_wait3A_133 = tpu.memref_squeeze %dma_wait3A_132 : memref<1x1024x128xf32, #tpu.memory_space<hbm>> -> memref<1024x128xf32, #tpu.memory_space<hbm>>
    %dma_wait3A_134 = arith.constant 0 : i32
    %dma_wait3A_135 = arith.constant 0 : i32
    %dma_wait3A_136 = tpu.memref_slice %dma_wait3A_133[%dma_wait3A_134, %dma_wait3A_135] : memref<1024x128xf32, #tpu.memory_space<hbm>> -> memref<1024x128xf32, #tpu.memory_space<hbm>>
    tpu.wait_indirect_dma semaphore(%arg10 : memref<!tpu.dma_semaphore, #tpu.memory_space<semaphore_mem>>) src(%dma_wait3A_136 : memref<1024x128xf32, #tpu.memory_space<hbm>>) dst(%arg8 : memref<128x128xf32, #tpu.memory_space<vmem>>)
    %run_scoped3A_137 = arith.constant 5 : i32
    "tpu.region"() ({
      %run_scoped3A_185 = tpu.sem_alloc : memref<!tpu.dma_semaphore, #tpu.memory_space<semaphore_mem>>
      %dma_start3A_186 = arith.constant 0 : i32
      %dma_start3A_187 = tpu.memref_slice %arg7[%run_scoped3A_137, %dma_start3A_186] : memref<8x128xi32, #tpu.memory_space<vmem>> -> memref<1x128xi32, #tpu.memory_space<vmem>>
      %dma_start3A_188 = tpu.memref_squeeze %dma_start3A_187 : memref<1x128xi32, #tpu.memory_space<vmem>> -> memref<128xi32, #tpu.memory_space<vmem>>
      %dma_start3A_189 = arith.constant 0 : i32
      %dma_start3A_190 = arith.constant 0 : i32
      %dma_start3A_191 = tpu.memref_slice %arg9[%dma_start3A_189, %dma_start3A_190] : memref<1024x128xf32, #tpu.memory_space<vmem_shared>> -> memref<1024x128xf32, #tpu.memory_space<vmem_shared>>
      tpu.enqueue_indirect_dma source(%arg8 : memref<128x128xf32, #tpu.memory_space<vmem>>) target(%dma_start3A_191 : memref<1024x128xf32, #tpu.memory_space<vmem_shared>>) offsets(%dma_start3A_188 : memref<128xi32, #tpu.memory_space<vmem>>) semaphore(%run_scoped3A_185 : memref<!tpu.dma_semaphore, #tpu.memory_space<semaphore_mem>>) {add = true}
      %dma_wait3A_192 = arith.constant 0 : i32
      %dma_wait3A_193 = tpu.memref_slice %arg7[%run_scoped3A_137, %dma_wait3A_192] : memref<8x128xi32, #tpu.memory_space<vmem>> -> memref<1x128xi32, #tpu.memory_space<vmem>>
      %dma_wait3A_194 = tpu.memref_squeeze %dma_wait3A_193 : memref<1x128xi32, #tpu.memory_space<vmem>> -> memref<128xi32, #tpu.memory_space<vmem>>
      %dma_wait3A_195 = arith.constant 0 : i32
      %dma_wait3A_196 = arith.constant 0 : i32
      %dma_wait3A_197 = tpu.memref_slice %arg9[%dma_wait3A_195, %dma_wait3A_196] : memref<1024x128xf32, #tpu.memory_space<vmem_shared>> -> memref<1024x128xf32, #tpu.memory_space<vmem_shared>>
      tpu.wait_indirect_dma semaphore(%run_scoped3A_185 : memref<!tpu.dma_semaphore, #tpu.memory_space<semaphore_mem>>) src(%arg8 : memref<128x128xf32, #tpu.memory_space<vmem>>) dst(%dma_wait3A_197 : memref<1024x128xf32, #tpu.memory_space<vmem_shared>>)
      tpu.yield
    }) : () -> ()
    %dma_start3A_138 = arith.constant 6 : i32
    %dma_start3A_139 = arith.constant 0 : i32
    %dma_start3A_140 = tpu.memref_slice %arg6[%dma_start3A_138, %dma_start3A_139] : memref<8x128xi32, #tpu.memory_space<vmem>> -> memref<1x128xi32, #tpu.memory_space<vmem>>
    %dma_start3A_141 = tpu.memref_squeeze %dma_start3A_140 : memref<1x128xi32, #tpu.memory_space<vmem>> -> memref<128xi32, #tpu.memory_space<vmem>>
    %dma_start3A_142 = arith.constant 0 : i32
    %dma_start3A_143 = arith.constant 0 : i32
    %dma_start3A_144 = tpu.memref_slice %arg2[%arg0, %dma_start3A_142, %dma_start3A_143] : memref<2x1024x128xf32, #tpu.memory_space<hbm>> -> memref<1x1024x128xf32, #tpu.memory_space<hbm>>
    %dma_start3A_145 = tpu.memref_squeeze %dma_start3A_144 : memref<1x1024x128xf32, #tpu.memory_space<hbm>> -> memref<1024x128xf32, #tpu.memory_space<hbm>>
    %dma_start3A_146 = arith.constant 0 : i32
    %dma_start3A_147 = arith.constant 0 : i32
    %dma_start3A_148 = tpu.memref_slice %dma_start3A_145[%dma_start3A_146, %dma_start3A_147] : memref<1024x128xf32, #tpu.memory_space<hbm>> -> memref<1024x128xf32, #tpu.memory_space<hbm>>
    tpu.enqueue_indirect_dma source(%dma_start3A_148 : memref<1024x128xf32, #tpu.memory_space<hbm>>) target(%arg8 : memref<128x128xf32, #tpu.memory_space<vmem>>) offsets(%dma_start3A_141 : memref<128xi32, #tpu.memory_space<vmem>>) semaphore(%arg10 : memref<!tpu.dma_semaphore, #tpu.memory_space<semaphore_mem>>)
    %dma_wait3A_149 = arith.constant 6 : i32
    %dma_wait3A_150 = arith.constant 0 : i32
    %dma_wait3A_151 = tpu.memref_slice %arg6[%dma_wait3A_149, %dma_wait3A_150] : memref<8x128xi32, #tpu.memory_space<vmem>> -> memref<1x128xi32, #tpu.memory_space<vmem>>
    %dma_wait3A_152 = tpu.memref_squeeze %dma_wait3A_151 : memref<1x128xi32, #tpu.memory_space<vmem>> -> memref<128xi32, #tpu.memory_space<vmem>>
    %dma_wait3A_153 = arith.constant 0 : i32
    %dma_wait3A_154 = arith.constant 0 : i32
    %dma_wait3A_155 = tpu.memref_slice %arg2[%arg0, %dma_wait3A_153, %dma_wait3A_154] : memref<2x1024x128xf32, #tpu.memory_space<hbm>> -> memref<1x1024x128xf32, #tpu.memory_space<hbm>>
    %dma_wait3A_156 = tpu.memref_squeeze %dma_wait3A_155 : memref<1x1024x128xf32, #tpu.memory_space<hbm>> -> memref<1024x128xf32, #tpu.memory_space<hbm>>
    %dma_wait3A_157 = arith.constant 0 : i32
    %dma_wait3A_158 = arith.constant 0 : i32
    %dma_wait3A_159 = tpu.memref_slice %dma_wait3A_156[%dma_wait3A_157, %dma_wait3A_158] : memref<1024x128xf32, #tpu.memory_space<hbm>> -> memref<1024x128xf32, #tpu.memory_space<hbm>>
    tpu.wait_indirect_dma semaphore(%arg10 : memref<!tpu.dma_semaphore, #tpu.memory_space<semaphore_mem>>) src(%dma_wait3A_159 : memref<1024x128xf32, #tpu.memory_space<hbm>>) dst(%arg8 : memref<128x128xf32, #tpu.memory_space<vmem>>)
    %run_scoped3A_160 = arith.constant 6 : i32
    "tpu.region"() ({
      %run_scoped3A_185 = tpu.sem_alloc : memref<!tpu.dma_semaphore, #tpu.memory_space<semaphore_mem>>
      %dma_start3A_186 = arith.constant 0 : i32
      %dma_start3A_187 = tpu.memref_slice %arg7[%run_scoped3A_160, %dma_start3A_186] : memref<8x128xi32, #tpu.memory_space<vmem>> -> memref<1x128xi32, #tpu.memory_space<vmem>>
      %dma_start3A_188 = tpu.memref_squeeze %dma_start3A_187 : memref<1x128xi32, #tpu.memory_space<vmem>> -> memref<128xi32, #tpu.memory_space<vmem>>
      %dma_start3A_189 = arith.constant 0 : i32
      %dma_start3A_190 = arith.constant 0 : i32
      %dma_start3A_191 = tpu.memref_slice %arg9[%dma_start3A_189, %dma_start3A_190] : memref<1024x128xf32, #tpu.memory_space<vmem_shared>> -> memref<1024x128xf32, #tpu.memory_space<vmem_shared>>
      tpu.enqueue_indirect_dma source(%arg8 : memref<128x128xf32, #tpu.memory_space<vmem>>) target(%dma_start3A_191 : memref<1024x128xf32, #tpu.memory_space<vmem_shared>>) offsets(%dma_start3A_188 : memref<128xi32, #tpu.memory_space<vmem>>) semaphore(%run_scoped3A_185 : memref<!tpu.dma_semaphore, #tpu.memory_space<semaphore_mem>>) {add = true}
      %dma_wait3A_192 = arith.constant 0 : i32
      %dma_wait3A_193 = tpu.memref_slice %arg7[%run_scoped3A_160, %dma_wait3A_192] : memref<8x128xi32, #tpu.memory_space<vmem>> -> memref<1x128xi32, #tpu.memory_space<vmem>>
      %dma_wait3A_194 = tpu.memref_squeeze %dma_wait3A_193 : memref<1x128xi32, #tpu.memory_space<vmem>> -> memref<128xi32, #tpu.memory_space<vmem>>
      %dma_wait3A_195 = arith.constant 0 : i32
      %dma_wait3A_196 = arith.constant 0 : i32
      %dma_wait3A_197 = tpu.memref_slice %arg9[%dma_wait3A_195, %dma_wait3A_196] : memref<1024x128xf32, #tpu.memory_space<vmem_shared>> -> memref<1024x128xf32, #tpu.memory_space<vmem_shared>>
      tpu.wait_indirect_dma semaphore(%run_scoped3A_185 : memref<!tpu.dma_semaphore, #tpu.memory_space<semaphore_mem>>) src(%arg8 : memref<128x128xf32, #tpu.memory_space<vmem>>) dst(%dma_wait3A_197 : memref<1024x128xf32, #tpu.memory_space<vmem_shared>>)
      tpu.yield
    }) : () -> ()
    %dma_start3A_161 = arith.constant 7 : i32
    %dma_start3A_162 = arith.constant 0 : i32
    %dma_start3A_163 = tpu.memref_slice %arg6[%dma_start3A_161, %dma_start3A_162] : memref<8x128xi32, #tpu.memory_space<vmem>> -> memref<1x128xi32, #tpu.memory_space<vmem>>
    %dma_start3A_164 = tpu.memref_squeeze %dma_start3A_163 : memref<1x128xi32, #tpu.memory_space<vmem>> -> memref<128xi32, #tpu.memory_space<vmem>>
    %dma_start3A_165 = arith.constant 0 : i32
    %dma_start3A_166 = arith.constant 0 : i32
    %dma_start3A_167 = tpu.memref_slice %arg2[%arg0, %dma_start3A_165, %dma_start3A_166] : memref<2x1024x128xf32, #tpu.memory_space<hbm>> -> memref<1x1024x128xf32, #tpu.memory_space<hbm>>
    %dma_start3A_168 = tpu.memref_squeeze %dma_start3A_167 : memref<1x1024x128xf32, #tpu.memory_space<hbm>> -> memref<1024x128xf32, #tpu.memory_space<hbm>>
    %dma_start3A_169 = arith.constant 0 : i32
    %dma_start3A_170 = arith.constant 0 : i32
    %dma_start3A_171 = tpu.memref_slice %dma_start3A_168[%dma_start3A_169, %dma_start3A_170] : memref<1024x128xf32, #tpu.memory_space<hbm>> -> memref<1024x128xf32, #tpu.memory_space<hbm>>
    tpu.enqueue_indirect_dma source(%dma_start3A_171 : memref<1024x128xf32, #tpu.memory_space<hbm>>) target(%arg8 : memref<128x128xf32, #tpu.memory_space<vmem>>) offsets(%dma_start3A_164 : memref<128xi32, #tpu.memory_space<vmem>>) semaphore(%arg10 : memref<!tpu.dma_semaphore, #tpu.memory_space<semaphore_mem>>)
    %dma_wait3A_172 = arith.constant 7 : i32
    %dma_wait3A_173 = arith.constant 0 : i32
    %dma_wait3A_174 = tpu.memref_slice %arg6[%dma_wait3A_172, %dma_wait3A_173] : memref<8x128xi32, #tpu.memory_space<vmem>> -> memref<1x128xi32, #tpu.memory_space<vmem>>
    %dma_wait3A_175 = tpu.memref_squeeze %dma_wait3A_174 : memref<1x128xi32, #tpu.memory_space<vmem>> -> memref<128xi32, #tpu.memory_space<vmem>>
    %dma_wait3A_176 = arith.constant 0 : i32
    %dma_wait3A_177 = arith.constant 0 : i32
    %dma_wait3A_178 = tpu.memref_slice %arg2[%arg0, %dma_wait3A_176, %dma_wait3A_177] : memref<2x1024x128xf32, #tpu.memory_space<hbm>> -> memref<1x1024x128xf32, #tpu.memory_space<hbm>>
    %dma_wait3A_179 = tpu.memref_squeeze %dma_wait3A_178 : memref<1x1024x128xf32, #tpu.memory_space<hbm>> -> memref<1024x128xf32, #tpu.memory_space<hbm>>
    %dma_wait3A_180 = arith.constant 0 : i32
    %dma_wait3A_181 = arith.constant 0 : i32
    %dma_wait3A_182 = tpu.memref_slice %dma_wait3A_179[%dma_wait3A_180, %dma_wait3A_181] : memref<1024x128xf32, #tpu.memory_space<hbm>> -> memref<1024x128xf32, #tpu.memory_space<hbm>>
    tpu.wait_indirect_dma semaphore(%arg10 : memref<!tpu.dma_semaphore, #tpu.memory_space<semaphore_mem>>) src(%dma_wait3A_182 : memref<1024x128xf32, #tpu.memory_space<hbm>>) dst(%arg8 : memref<128x128xf32, #tpu.memory_space<vmem>>)
    %run_scoped3A_183 = arith.constant 7 : i32
    "tpu.region"() ({
      %run_scoped3A_185 = tpu.sem_alloc : memref<!tpu.dma_semaphore, #tpu.memory_space<semaphore_mem>>
      %dma_start3A_186 = arith.constant 0 : i32
      %dma_start3A_187 = tpu.memref_slice %arg7[%run_scoped3A_183, %dma_start3A_186] : memref<8x128xi32, #tpu.memory_space<vmem>> -> memref<1x128xi32, #tpu.memory_space<vmem>>
      %dma_start3A_188 = tpu.memref_squeeze %dma_start3A_187 : memref<1x128xi32, #tpu.memory_space<vmem>> -> memref<128xi32, #tpu.memory_space<vmem>>
      %dma_start3A_189 = arith.constant 0 : i32
      %dma_start3A_190 = arith.constant 0 : i32
      %dma_start3A_191 = tpu.memref_slice %arg9[%dma_start3A_189, %dma_start3A_190] : memref<1024x128xf32, #tpu.memory_space<vmem_shared>> -> memref<1024x128xf32, #tpu.memory_space<vmem_shared>>
      tpu.enqueue_indirect_dma source(%arg8 : memref<128x128xf32, #tpu.memory_space<vmem>>) target(%dma_start3A_191 : memref<1024x128xf32, #tpu.memory_space<vmem_shared>>) offsets(%dma_start3A_188 : memref<128xi32, #tpu.memory_space<vmem>>) semaphore(%run_scoped3A_185 : memref<!tpu.dma_semaphore, #tpu.memory_space<semaphore_mem>>) {add = true}
      %dma_wait3A_192 = arith.constant 0 : i32
      %dma_wait3A_193 = tpu.memref_slice %arg7[%run_scoped3A_183, %dma_wait3A_192] : memref<8x128xi32, #tpu.memory_space<vmem>> -> memref<1x128xi32, #tpu.memory_space<vmem>>
      %dma_wait3A_194 = tpu.memref_squeeze %dma_wait3A_193 : memref<1x128xi32, #tpu.memory_space<vmem>> -> memref<128xi32, #tpu.memory_space<vmem>>
      %dma_wait3A_195 = arith.constant 0 : i32
      %dma_wait3A_196 = arith.constant 0 : i32
      %dma_wait3A_197 = tpu.memref_slice %arg9[%dma_wait3A_195, %dma_wait3A_196] : memref<1024x128xf32, #tpu.memory_space<vmem_shared>> -> memref<1024x128xf32, #tpu.memory_space<vmem_shared>>
      tpu.wait_indirect_dma semaphore(%run_scoped3A_185 : memref<!tpu.dma_semaphore, #tpu.memory_space<semaphore_mem>>) src(%arg8 : memref<128x128xf32, #tpu.memory_space<vmem>>) dst(%dma_wait3A_197 : memref<1024x128xf32, #tpu.memory_space<vmem_shared>>)
      tpu.yield
    }) : () -> ()
    %barrier3A_184 = arith.constant 0 : index
    tpu.barrier barrier_id(%barrier3A_184)
    "tpu.region"() ({
      %run_scoped3A_185 = tpu.sem_alloc : memref<!tpu.dma_semaphore, #tpu.memory_space<semaphore_mem>>
      %dma_start3A_186 = arith.constant 0 : i32
      %dma_start3A_187 = tpu.memref_slice %arg5[%arg0, %mul3A_0, %dma_start3A_186] : memref<2x1024x128xf32, #tpu.memory_space<hbm>> -> memref<1x64x128xf32, #tpu.memory_space<hbm>>
      %dma_start3A_188 = tpu.memref_squeeze %dma_start3A_187 : memref<1x64x128xf32, #tpu.memory_space<hbm>> -> memref<64x128xf32, #tpu.memory_space<hbm>>
      %dma_start3A_189 = arith.constant 0 : i32
      %dma_start3A_190 = tpu.memref_slice %arg9[%mul3A_0, %dma_start3A_189] : memref<1024x128xf32, #tpu.memory_space<vmem_shared>> -> memref<64x128xf32, #tpu.memory_space<vmem_shared>>
      tpu.enqueue_dma source(%dma_start3A_190 : memref<64x128xf32, #tpu.memory_space<vmem_shared>>) target(%dma_start3A_188 : memref<64x128xf32, #tpu.memory_space<hbm>>) target_semaphore(%run_scoped3A_185 : memref<!tpu.dma_semaphore, #tpu.memory_space<semaphore_mem>>)
      %dma_wait3A_191 = arith.constant 0 : i32
      %dma_wait3A_192 = tpu.memref_slice %arg5[%arg0, %mul3A_0, %dma_wait3A_191] : memref<2x1024x128xf32, #tpu.memory_space<hbm>> -> memref<1x64x128xf32, #tpu.memory_space<hbm>>
      %dma_wait3A_193 = tpu.memref_squeeze %dma_wait3A_192 : memref<1x64x128xf32, #tpu.memory_space<hbm>> -> memref<64x128xf32, #tpu.memory_space<hbm>>
      %dma_wait3A_194 = arith.constant 0 : i32
      %dma_wait3A_195 = tpu.memref_slice %arg9[%mul3A_0, %dma_wait3A_194] : memref<1024x128xf32, #tpu.memory_space<vmem_shared>> -> memref<64x128xf32, #tpu.memory_space<vmem_shared>>
      tpu.wait_dma2 semaphore(%run_scoped3A_185 : memref<!tpu.dma_semaphore, #tpu.memory_space<semaphore_mem>>) src(%dma_wait3A_195 : memref<64x128xf32, #tpu.memory_space<vmem_shared>>) dst(%dma_wait3A_193 : memref<64x128xf32, #tpu.memory_space<hbm>>)
      tpu.yield
    }) : () -> ()
    return
  }
}

#map = affine_map<(d0, d1) -> (0, 0, 0)>
#map1 = affine_map<(d0, d1) -> (0, 0, 0, 0, 0)>
module attributes {stable_mosaic.version = 14 : i64} {
  func.func @agg(%arg0: i32, %arg1: i32, %arg2: memref<2x1024x128xf32, #tpu.memory_space<hbm>>, %arg3: memref<2x2x16x8x128xi32, #tpu.memory_space<hbm>>, %arg4: memref<2x1024x128xf32, #tpu.memory_space<hbm>>, %arg5: memref<2x1024x128xf32, #tpu.memory_space<hbm>>, %arg6: memref<8x128xi32, #tpu.memory_space<vmem>>, %arg7: memref<8x128xi32, #tpu.memory_space<vmem>>, %arg8: memref<128x128xf32, #tpu.memory_space<vmem>>, %arg9: memref<1024x128xf32, #tpu.memory_space<vmem_shared>>, %arg10: memref<!tpu.dma_semaphore, #tpu.memory_space<semaphore_mem>>) attributes {dimension_semantics = [#tpu.dimension_semantics<core_parallel>, #tpu.dimension_semantics<subcore_parallel>], iteration_bounds = array<i64: 2, 16>, scalar_prefetch = 0 : i64, scratch_operands = 5 : i64, tpu.core_type = #tpu.core_type<sc_vector_subcore>, window_params = [{transform_indices = #map}, {transform_indices = #map1}, {transform_indices = #map}, {transform_indices = #map}]} {
    %mul3A = arith.constant 64 : i32
    %mul3A_0 = arith.muli %arg1, %mul3A : i32
    "tpu.region"() ({
      %run_scoped3A_185 = tpu.sem_alloc : memref<!tpu.dma_semaphore, #tpu.memory_space<semaphore_mem>>
      %dma_start3A_186 = arith.constant 0 : i32
      %dma_start3A_187 = tpu.memref_slice %arg9[%mul3A_0, %dma_start3A_186] : memref<1024x128xf32, #tpu.memory_space<vmem_shared>> -> memref<64x128xf32, #tpu.memory_space<vmem_shared>>
      %dma_start3A_188 = arith.constant 0 : i32
      %dma_start3A_189 = tpu.memref_slice %arg4[%arg0, %mul3A_0, %dma_start3A_188] : memref<2x1024x128xf32, #tpu.memory_space<hbm>> -> memref<1x64x128xf32, #tpu.memory_space<hbm>>
      %dma_start3A_190 = tpu.memref_squeeze %dma_start3A_189 : memref<1x64x128xf32, #tpu.memory_space<hbm>> -> memref<64x128xf32, #tpu.memory_space<hbm>>
      tpu.enqueue_dma source(%dma_start3A_190 : memref<64x128xf32, #tpu.memory_space<hbm>>) target(%dma_start3A_187 : memref<64x128xf32, #tpu.memory_space<vmem_shared>>) target_semaphore(%run_scoped3A_185 : memref<!tpu.dma_semaphore, #tpu.memory_space<semaphore_mem>>)
      %dma_wait3A_191 = arith.constant 0 : i32
      %dma_wait3A_192 = tpu.memref_slice %arg9[%mul3A_0, %dma_wait3A_191] : memref<1024x128xf32, #tpu.memory_space<vmem_shared>> -> memref<64x128xf32, #tpu.memory_space<vmem_shared>>
      %dma_wait3A_193 = arith.constant 0 : i32
      %dma_wait3A_194 = tpu.memref_slice %arg4[%arg0, %mul3A_0, %dma_wait3A_193] : memref<2x1024x128xf32, #tpu.memory_space<hbm>> -> memref<1x64x128xf32, #tpu.memory_space<hbm>>
      %dma_wait3A_195 = tpu.memref_squeeze %dma_wait3A_194 : memref<1x64x128xf32, #tpu.memory_space<hbm>> -> memref<64x128xf32, #tpu.memory_space<hbm>>
      tpu.wait_dma2 semaphore(%run_scoped3A_185 : memref<!tpu.dma_semaphore, #tpu.memory_space<semaphore_mem>>) src(%dma_wait3A_195 : memref<64x128xf32, #tpu.memory_space<hbm>>) dst(%dma_wait3A_192 : memref<64x128xf32, #tpu.memory_space<vmem_shared>>)
      tpu.yield
    }) : () -> ()
    %run_scoped3A = arith.constant 0 : i32
    "tpu.region"() ({
      %run_scoped3A_185 = tpu.sem_alloc : memref<!tpu.dma_semaphore, #tpu.memory_space<semaphore_mem>>
      %dma_start3A_186 = arith.constant 0 : i32
      %dma_start3A_187 = arith.constant 0 : i32
      %dma_start3A_188 = tpu.memref_slice %arg3[%arg0, %run_scoped3A, %arg1, %dma_start3A_186, %dma_start3A_187] : memref<2x2x16x8x128xi32, #tpu.memory_space<hbm>> -> memref<1x1x1x8x128xi32, #tpu.memory_space<hbm>>
      %dma_start3A_189 = tpu.memref_squeeze %dma_start3A_188 : memref<1x1x1x8x128xi32, #tpu.memory_space<hbm>> -> memref<8x128xi32, #tpu.memory_space<hbm>>
      %dma_start3A_190 = arith.constant 0 : i32
      %dma_start3A_191 = arith.constant 0 : i32
      %dma_start3A_192 = tpu.memref_slice %arg3[%arg0, %run_scoped3A, %arg1, %dma_start3A_190, %dma_start3A_191] : memref<2x2x16x8x128xi32, #tpu.memory_space<hbm>> -> memref<1x1x1x8x128xi32, #tpu.memory_space<hbm>>
      %dma_start3A_193 = tpu.memref_squeeze %dma_start3A_192 : memref<1x1x1x8x128xi32, #tpu.memory_space<hbm>> -> memref<8x128xi32, #tpu.memory_space<hbm>>
      tpu.enqueue_dma source(%dma_start3A_193 : memref<8x128xi32, #tpu.memory_space<hbm>>) target(%arg6 : memref<8x128xi32, #tpu.memory_space<vmem>>) target_semaphore(%run_scoped3A_185 : memref<!tpu.dma_semaphore, #tpu.memory_space<semaphore_mem>>)
      %dma_wait3A_194 = arith.constant 0 : i32
      %dma_wait3A_195 = arith.constant 0 : i32
      %dma_wait3A_196 = tpu.memref_slice %arg3[%arg0, %run_scoped3A, %arg1, %dma_wait3A_194, %dma_wait3A_195] : memref<2x2x16x8x128xi32, #tpu.memory_space<hbm>> -> memref<1x1x1x8x128xi32, #tpu.memory_space<hbm>>
      %dma_wait3A_197 = tpu.memref_squeeze %dma_wait3A_196 : memref<1x1x1x8x128xi32, #tpu.memory_space<hbm>> -> memref<8x128xi32, #tpu.memory_space<hbm>>
      %dma_wait3A_198 = arith.constant 0 : i32
      %dma_wait3A_199 = arith.constant 0 : i32
      %dma_wait3A_200 = tpu.memref_slice %arg3[%arg0, %run_scoped3A, %arg1, %dma_wait3A_198, %dma_wait3A_199] : memref<2x2x16x8x128xi32, #tpu.memory_space<hbm>> -> memref<1x1x1x8x128xi32, #tpu.memory_space<hbm>>
      %dma_wait3A_201 = tpu.memref_squeeze %dma_wait3A_200 : memref<1x1x1x8x128xi32, #tpu.memory_space<hbm>> -> memref<8x128xi32, #tpu.memory_space<hbm>>
      tpu.wait_dma2 semaphore(%run_scoped3A_185 : memref<!tpu.dma_semaphore, #tpu.memory_space<semaphore_mem>>) src(%dma_wait3A_201 : memref<8x128xi32, #tpu.memory_space<hbm>>) dst(%arg6 : memref<8x128xi32, #tpu.memory_space<vmem>>)
      tpu.yield
    }) : () -> ()
    %run_scoped3A_1 = arith.constant 1 : i32
    "tpu.region"() ({
      %run_scoped3A_185 = tpu.sem_alloc : memref<!tpu.dma_semaphore, #tpu.memory_space<semaphore_mem>>
      %dma_start3A_186 = arith.constant 0 : i32
      %dma_start3A_187 = arith.constant 0 : i32
      %dma_start3A_188 = tpu.memref_slice %arg3[%arg0, %run_scoped3A_1, %arg1, %dma_start3A_186, %dma_start3A_187] : memref<2x2x16x8x128xi32, #tpu.memory_space<hbm>> -> memref<1x1x1x8x128xi32, #tpu.memory_space<hbm>>
      %dma_start3A_189 = tpu.memref_squeeze %dma_start3A_188 : memref<1x1x1x8x128xi32, #tpu.memory_space<hbm>> -> memref<8x128xi32, #tpu.memory_space<hbm>>
      %dma_start3A_190 = arith.constant 0 : i32
      %dma_start3A_191 = arith.constant 0 : i32
      %dma_start3A_192 = tpu.memref_slice %arg3[%arg0, %run_scoped3A_1, %arg1, %dma_start3A_190, %dma_start3A_191] : memref<2x2x16x8x128xi32, #tpu.memory_space<hbm>> -> memref<1x1x1x8x128xi32, #tpu.memory_space<hbm>>
      %dma_start3A_193 = tpu.memref_squeeze %dma_start3A_192 : memref<1x1x1x8x128xi32, #tpu.memory_space<hbm>> -> memref<8x128xi32, #tpu.memory_space<hbm>>
      tpu.enqueue_dma source(%dma_start3A_193 : memref<8x128xi32, #tpu.memory_space<hbm>>) target(%arg7 : memref<8x128xi32, #tpu.memory_space<vmem>>) target_semaphore(%run_scoped3A_185 : memref<!tpu.dma_semaphore, #tpu.memory_space<semaphore_mem>>)
      %dma_wait3A_194 = arith.constant 0 : i32
      %dma_wait3A_195 = arith.constant 0 : i32
      %dma_wait3A_196 = tpu.memref_slice %arg3[%arg0, %run_scoped3A_1, %arg1, %dma_wait3A_194, %dma_wait3A_195] : memref<2x2x16x8x128xi32, #tpu.memory_space<hbm>> -> memref<1x1x1x8x128xi32, #tpu.memory_space<hbm>>
      %dma_wait3A_197 = tpu.memref_squeeze %dma_wait3A_196 : memref<1x1x1x8x128xi32, #tpu.memory_space<hbm>> -> memref<8x128xi32, #tpu.memory_space<hbm>>
      %dma_wait3A_198 = arith.constant 0 : i32
      %dma_wait3A_199 = arith.constant 0 : i32
      %dma_wait3A_200 = tpu.memref_slice %arg3[%arg0, %run_scoped3A_1, %arg1, %dma_wait3A_198, %dma_wait3A_199] : memref<2x2x16x8x128xi32, #tpu.memory_space<hbm>> -> memref<1x1x1x8x128xi32, #tpu.memory_space<hbm>>
      %dma_wait3A_201 = tpu.memref_squeeze %dma_wait3A_200 : memref<1x1x1x8x128xi32, #tpu.memory_space<hbm>> -> memref<8x128xi32, #tpu.memory_space<hbm>>
      tpu.wait_dma2 semaphore(%run_scoped3A_185 : memref<!tpu.dma_semaphore, #tpu.memory_space<semaphore_mem>>) src(%dma_wait3A_201 : memref<8x128xi32, #tpu.memory_space<hbm>>) dst(%arg7 : memref<8x128xi32, #tpu.memory_space<vmem>>)
      tpu.yield
    }) : () -> ()
    %barrier3A = arith.constant 0 : index
    tpu.barrier barrier_id(%barrier3A)
    %dma_start3A = arith.constant 0 : i32
    %dma_start3A_2 = arith.constant 0 : i32
    %dma_start3A_3 = tpu.memref_slice %arg6[%dma_start3A, %dma_start3A_2] : memref<8x128xi32, #tpu.memory_space<vmem>> -> memref<1x128xi32, #tpu.memory_space<vmem>>
    %dma_start3A_4 = tpu.memref_squeeze %dma_start3A_3 : memref<1x128xi32, #tpu.memory_space<vmem>> -> memref<128xi32, #tpu.memory_space<vmem>>
    %dma_start3A_5 = arith.constant 0 : i32
    %dma_start3A_6 = arith.constant 0 : i32
    %dma_start3A_7 = tpu.memref_slice %arg2[%arg0, %dma_start3A_5, %dma_start3A_6] : memref<2x1024x128xf32, #tpu.memory_space<hbm>> -> memref<1x1024x128xf32, #tpu.memory_space<hbm>>
    %dma_start3A_8 = tpu.memref_squeeze %dma_start3A_7 : memref<1x1024x128xf32, #tpu.memory_space<hbm>> -> memref<1024x128xf32, #tpu.memory_space<hbm>>
    %dma_start3A_9 = arith.constant 0 : i32
    %dma_start3A_10 = arith.constant 0 : i32
    %dma_start3A_11 = tpu.memref_slice %dma_start3A_8[%dma_start3A_9, %dma_start3A_10] : memref<1024x128xf32, #tpu.memory_space<hbm>> -> memref<1024x128xf32, #tpu.memory_space<hbm>>
    tpu.enqueue_indirect_dma source(%dma_start3A_11 : memref<1024x128xf32, #tpu.memory_space<hbm>>) target(%arg8 : memref<128x128xf32, #tpu.memory_space<vmem>>) offsets(%dma_start3A_4 : memref<128xi32, #tpu.memory_space<vmem>>) semaphore(%arg10 : memref<!tpu.dma_semaphore, #tpu.memory_space<semaphore_mem>>)
    %dma_wait3A = arith.constant 0 : i32
    %dma_wait3A_12 = arith.constant 0 : i32
    %dma_wait3A_13 = tpu.memref_slice %arg6[%dma_wait3A, %dma_wait3A_12] : memref<8x128xi32, #tpu.memory_space<vmem>> -> memref<1x128xi32, #tpu.memory_space<vmem>>
    %dma_wait3A_14 = tpu.memref_squeeze %dma_wait3A_13 : memref<1x128xi32, #tpu.memory_space<vmem>> -> memref<128xi32, #tpu.memory_space<vmem>>
    %dma_wait3A_15 = arith.constant 0 : i32
    %dma_wait3A_16 = arith.constant 0 : i32
    %dma_wait3A_17 = tpu.memref_slice %arg2[%arg0, %dma_wait3A_15, %dma_wait3A_16] : memref<2x1024x128xf32, #tpu.memory_space<hbm>> -> memref<1x1024x128xf32, #tpu.memory_space<hbm>>
    %dma_wait3A_18 = tpu.memref_squeeze %dma_wait3A_17 : memref<1x1024x128xf32, #tpu.memory_space<hbm>> -> memref<1024x128xf32, #tpu.memory_space<hbm>>
    %dma_wait3A_19 = arith.constant 0 : i32
    %dma_wait3A_20 = arith.constant 0 : i32
    %dma_wait3A_21 = tpu.memref_slice %dma_wait3A_18[%dma_wait3A_19, %dma_wait3A_20] : memref<1024x128xf32, #tpu.memory_space<hbm>> -> memref<1024x128xf32, #tpu.memory_space<hbm>>
    tpu.wait_indirect_dma semaphore(%arg10 : memref<!tpu.dma_semaphore, #tpu.memory_space<semaphore_mem>>) src(%dma_wait3A_21 : memref<1024x128xf32, #tpu.memory_space<hbm>>) dst(%arg8 : memref<128x128xf32, #tpu.memory_space<vmem>>)
    %run_scoped3A_22 = arith.constant 0 : i32
    "tpu.region"() ({
      %run_scoped3A_185 = tpu.sem_alloc : memref<!tpu.dma_semaphore, #tpu.memory_space<semaphore_mem>>
      %dma_start3A_186 = arith.constant 0 : i32
      %dma_start3A_187 = tpu.memref_slice %arg7[%run_scoped3A_22, %dma_start3A_186] : memref<8x128xi32, #tpu.memory_space<vmem>> -> memref<1x128xi32, #tpu.memory_space<vmem>>
      %dma_start3A_188 = tpu.memref_squeeze %dma_start3A_187 : memref<1x128xi32, #tpu.memory_space<vmem>> -> memref<128xi32, #tpu.memory_space<vmem>>
      %dma_start3A_189 = arith.constant 0 : i32
      %dma_start3A_190 = arith.constant 0 : i32
      %dma_start3A_191 = tpu.memref_slice %arg9[%dma_start3A_189, %dma_start3A_190] : memref<1024x128xf32, #tpu.memory_space<vmem_shared>> -> memref<1024x128xf32, #tpu.memory_space<vmem_shared>>
      tpu.enqueue_indirect_dma source(%arg8 : memref<128x128xf32, #tpu.memory_space<vmem>>) target(%dma_start3A_191 : memref<1024x128xf32, #tpu.memory_space<vmem_shared>>) offsets(%dma_start3A_188 : memref<128xi32, #tpu.memory_space<vmem>>) semaphore(%run_scoped3A_185 : memref<!tpu.dma_semaphore, #tpu.memory_space<semaphore_mem>>) {add = true}
      %dma_wait3A_192 = arith.constant 0 : i32
      %dma_wait3A_193 = tpu.memref_slice %arg7[%run_scoped3A_22, %dma_wait3A_192] : memref<8x128xi32, #tpu.memory_space<vmem>> -> memref<1x128xi32, #tpu.memory_space<vmem>>
      %dma_wait3A_194 = tpu.memref_squeeze %dma_wait3A_193 : memref<1x128xi32, #tpu.memory_space<vmem>> -> memref<128xi32, #tpu.memory_space<vmem>>
      %dma_wait3A_195 = arith.constant 0 : i32
      %dma_wait3A_196 = arith.constant 0 : i32
      %dma_wait3A_197 = tpu.memref_slice %arg9[%dma_wait3A_195, %dma_wait3A_196] : memref<1024x128xf32, #tpu.memory_space<vmem_shared>> -> memref<1024x128xf32, #tpu.memory_space<vmem_shared>>
      tpu.wait_indirect_dma semaphore(%run_scoped3A_185 : memref<!tpu.dma_semaphore, #tpu.memory_space<semaphore_mem>>) src(%arg8 : memref<128x128xf32, #tpu.memory_space<vmem>>) dst(%dma_wait3A_197 : memref<1024x128xf32, #tpu.memory_space<vmem_shared>>)
      tpu.yield
    }) : () -> ()
    %dma_start3A_23 = arith.constant 1 : i32
    %dma_start3A_24 = arith.constant 0 : i32
    %dma_start3A_25 = tpu.memref_slice %arg6[%dma_start3A_23, %dma_start3A_24] : memref<8x128xi32, #tpu.memory_space<vmem>> -> memref<1x128xi32, #tpu.memory_space<vmem>>
    %dma_start3A_26 = tpu.memref_squeeze %dma_start3A_25 : memref<1x128xi32, #tpu.memory_space<vmem>> -> memref<128xi32, #tpu.memory_space<vmem>>
    %dma_start3A_27 = arith.constant 0 : i32
    %dma_start3A_28 = arith.constant 0 : i32
    %dma_start3A_29 = tpu.memref_slice %arg2[%arg0, %dma_start3A_27, %dma_start3A_28] : memref<2x1024x128xf32, #tpu.memory_space<hbm>> -> memref<1x1024x128xf32, #tpu.memory_space<hbm>>
    %dma_start3A_30 = tpu.memref_squeeze %dma_start3A_29 : memref<1x1024x128xf32, #tpu.memory_space<hbm>> -> memref<1024x128xf32, #tpu.memory_space<hbm>>
    %dma_start3A_31 = arith.constant 0 : i32
    %dma_start3A_32 = arith.constant 0 : i32
    %dma_start3A_33 = tpu.memref_slice %dma_start3A_30[%dma_start3A_31, %dma_start3A_32] : memref<1024x128xf32, #tpu.memory_space<hbm>> -> memref<1024x128xf32, #tpu.memory_space<hbm>>
    tpu.enqueue_indirect_dma source(%dma_start3A_33 : memref<1024x128xf32, #tpu.memory_space<hbm>>) target(%arg8 : memref<128x128xf32, #tpu.memory_space<vmem>>) offsets(%dma_start3A_26 : memref<128xi32, #tpu.memory_space<vmem>>) semaphore(%arg10 : memref<!tpu.dma_semaphore, #tpu.memory_space<semaphore_mem>>)
    %dma_wait3A_34 = arith.constant 1 : i32
    %dma_wait3A_35 = arith.constant 0 : i32
    %dma_wait3A_36 = tpu.memref_slice %arg6[%dma_wait3A_34, %dma_wait3A_35] : memref<8x128xi32, #tpu.memory_space<vmem>> -> memref<1x128xi32, #tpu.memory_space<vmem>>
    %dma_wait3A_37 = tpu.memref_squeeze %dma_wait3A_36 : memref<1x128xi32, #tpu.memory_space<vmem>> -> memref<128xi32, #tpu.memory_space<vmem>>
    %dma_wait3A_38 = arith.constant 0 : i32
    %dma_wait3A_39 = arith.constant 0 : i32
    %dma_wait3A_40 = tpu.memref_slice %arg2[%arg0, %dma_wait3A_38, %dma_wait3A_39] : memref<2x1024x128xf32, #tpu.memory_space<hbm>> -> memref<1x1024x128xf32, #tpu.memory_space<hbm>>
    %dma_wait3A_41 = tpu.memref_squeeze %dma_wait3A_40 : memref<1x1024x128xf32, #tpu.memory_space<hbm>> -> memref<1024x128xf32, #tpu.memory_space<hbm>>
    %dma_wait3A_42 = arith.constant 0 : i32
    %dma_wait3A_43 = arith.constant 0 : i32
    %dma_wait3A_44 = tpu.memref_slice %dma_wait3A_41[%dma_wait3A_42, %dma_wait3A_43] : memref<1024x128xf32, #tpu.memory_space<hbm>> -> memref<1024x128xf32, #tpu.memory_space<hbm>>
    tpu.wait_indirect_dma semaphore(%arg10 : memref<!tpu.dma_semaphore, #tpu.memory_space<semaphore_mem>>) src(%dma_wait3A_44 : memref<1024x128xf32, #tpu.memory_space<hbm>>) dst(%arg8 : memref<128x128xf32, #tpu.memory_space<vmem>>)
    %run_scoped3A_45 = arith.constant 1 : i32
    "tpu.region"() ({
      %run_scoped3A_185 = tpu.sem_alloc : memref<!tpu.dma_semaphore, #tpu.memory_space<semaphore_mem>>
      %dma_start3A_186 = arith.constant 0 : i32
      %dma_start3A_187 = tpu.memref_slice %arg7[%run_scoped3A_45, %dma_start3A_186] : memref<8x128xi32, #tpu.memory_space<vmem>> -> memref<1x128xi32, #tpu.memory_space<vmem>>
      %dma_start3A_188 = tpu.memref_squeeze %dma_start3A_187 : memref<1x128xi32, #tpu.memory_space<vmem>> -> memref<128xi32, #tpu.memory_space<vmem>>
      %dma_start3A_189 = arith.constant 0 : i32
      %dma_start3A_190 = arith.constant 0 : i32
      %dma_start3A_191 = tpu.memref_slice %arg9[%dma_start3A_189, %dma_start3A_190] : memref<1024x128xf32, #tpu.memory_space<vmem_shared>> -> memref<1024x128xf32, #tpu.memory_space<vmem_shared>>
      tpu.enqueue_indirect_dma source(%arg8 : memref<128x128xf32, #tpu.memory_space<vmem>>) target(%dma_start3A_191 : memref<1024x128xf32, #tpu.memory_space<vmem_shared>>) offsets(%dma_start3A_188 : memref<128xi32, #tpu.memory_space<vmem>>) semaphore(%run_scoped3A_185 : memref<!tpu.dma_semaphore, #tpu.memory_space<semaphore_mem>>) {add = true}
      %dma_wait3A_192 = arith.constant 0 : i32
      %dma_wait3A_193 = tpu.memref_slice %arg7[%run_scoped3A_45, %dma_wait3A_192] : memref<8x128xi32, #tpu.memory_space<vmem>> -> memref<1x128xi32, #tpu.memory_space<vmem>>
      %dma_wait3A_194 = tpu.memref_squeeze %dma_wait3A_193 : memref<1x128xi32, #tpu.memory_space<vmem>> -> memref<128xi32, #tpu.memory_space<vmem>>
      %dma_wait3A_195 = arith.constant 0 : i32
      %dma_wait3A_196 = arith.constant 0 : i32
      %dma_wait3A_197 = tpu.memref_slice %arg9[%dma_wait3A_195, %dma_wait3A_196] : memref<1024x128xf32, #tpu.memory_space<vmem_shared>> -> memref<1024x128xf32, #tpu.memory_space<vmem_shared>>
      tpu.wait_indirect_dma semaphore(%run_scoped3A_185 : memref<!tpu.dma_semaphore, #tpu.memory_space<semaphore_mem>>) src(%arg8 : memref<128x128xf32, #tpu.memory_space<vmem>>) dst(%dma_wait3A_197 : memref<1024x128xf32, #tpu.memory_space<vmem_shared>>)
      tpu.yield
    }) : () -> ()
    %dma_start3A_46 = arith.constant 2 : i32
    %dma_start3A_47 = arith.constant 0 : i32
    %dma_start3A_48 = tpu.memref_slice %arg6[%dma_start3A_46, %dma_start3A_47] : memref<8x128xi32, #tpu.memory_space<vmem>> -> memref<1x128xi32, #tpu.memory_space<vmem>>
    %dma_start3A_49 = tpu.memref_squeeze %dma_start3A_48 : memref<1x128xi32, #tpu.memory_space<vmem>> -> memref<128xi32, #tpu.memory_space<vmem>>
    %dma_start3A_50 = arith.constant 0 : i32
    %dma_start3A_51 = arith.constant 0 : i32
    %dma_start3A_52 = tpu.memref_slice %arg2[%arg0, %dma_start3A_50, %dma_start3A_51] : memref<2x1024x128xf32, #tpu.memory_space<hbm>> -> memref<1x1024x128xf32, #tpu.memory_space<hbm>>
    %dma_start3A_53 = tpu.memref_squeeze %dma_start3A_52 : memref<1x1024x128xf32, #tpu.memory_space<hbm>> -> memref<1024x128xf32, #tpu.memory_space<hbm>>
    %dma_start3A_54 = arith.constant 0 : i32
    %dma_start3A_55 = arith.constant 0 : i32
    %dma_start3A_56 = tpu.memref_slice %dma_start3A_53[%dma_start3A_54, %dma_start3A_55] : memref<1024x128xf32, #tpu.memory_space<hbm>> -> memref<1024x128xf32, #tpu.memory_space<hbm>>
    tpu.enqueue_indirect_dma source(%dma_start3A_56 : memref<1024x128xf32, #tpu.memory_space<hbm>>) target(%arg8 : memref<128x128xf32, #tpu.memory_space<vmem>>) offsets(%dma_start3A_49 : memref<128xi32, #tpu.memory_space<vmem>>) semaphore(%arg10 : memref<!tpu.dma_semaphore, #tpu.memory_space<semaphore_mem>>)
    %dma_wait3A_57 = arith.constant 2 : i32
    %dma_wait3A_58 = arith.constant 0 : i32
    %dma_wait3A_59 = tpu.memref_slice %arg6[%dma_wait3A_57, %dma_wait3A_58] : memref<8x128xi32, #tpu.memory_space<vmem>> -> memref<1x128xi32, #tpu.memory_space<vmem>>
    %dma_wait3A_60 = tpu.memref_squeeze %dma_wait3A_59 : memref<1x128xi32, #tpu.memory_space<vmem>> -> memref<128xi32, #tpu.memory_space<vmem>>
    %dma_wait3A_61 = arith.constant 0 : i32
    %dma_wait3A_62 = arith.constant 0 : i32
    %dma_wait3A_63 = tpu.memref_slice %arg2[%arg0, %dma_wait3A_61, %dma_wait3A_62] : memref<2x1024x128xf32, #tpu.memory_space<hbm>> -> memref<1x1024x128xf32, #tpu.memory_space<hbm>>
    %dma_wait3A_64 = tpu.memref_squeeze %dma_wait3A_63 : memref<1x1024x128xf32, #tpu.memory_space<hbm>> -> memref<1024x128xf32, #tpu.memory_space<hbm>>
    %dma_wait3A_65 = arith.constant 0 : i32
    %dma_wait3A_66 = arith.constant 0 : i32
    %dma_wait3A_67 = tpu.memref_slice %dma_wait3A_64[%dma_wait3A_65, %dma_wait3A_66] : memref<1024x128xf32, #tpu.memory_space<hbm>> -> memref<1024x128xf32, #tpu.memory_space<hbm>>
    tpu.wait_indirect_dma semaphore(%arg10 : memref<!tpu.dma_semaphore, #tpu.memory_space<semaphore_mem>>) src(%dma_wait3A_67 : memref<1024x128xf32, #tpu.memory_space<hbm>>) dst(%arg8 : memref<128x128xf32, #tpu.memory_space<vmem>>)
    %run_scoped3A_68 = arith.constant 2 : i32
    "tpu.region"() ({
      %run_scoped3A_185 = tpu.sem_alloc : memref<!tpu.dma_semaphore, #tpu.memory_space<semaphore_mem>>
      %dma_start3A_186 = arith.constant 0 : i32
      %dma_start3A_187 = tpu.memref_slice %arg7[%run_scoped3A_68, %dma_start3A_186] : memref<8x128xi32, #tpu.memory_space<vmem>> -> memref<1x128xi32, #tpu.memory_space<vmem>>
      %dma_start3A_188 = tpu.memref_squeeze %dma_start3A_187 : memref<1x128xi32, #tpu.memory_space<vmem>> -> memref<128xi32, #tpu.memory_space<vmem>>
      %dma_start3A_189 = arith.constant 0 : i32
      %dma_start3A_190 = arith.constant 0 : i32
      %dma_start3A_191 = tpu.memref_slice %arg9[%dma_start3A_189, %dma_start3A_190] : memref<1024x128xf32, #tpu.memory_space<vmem_shared>> -> memref<1024x128xf32, #tpu.memory_space<vmem_shared>>
      tpu.enqueue_indirect_dma source(%arg8 : memref<128x128xf32, #tpu.memory_space<vmem>>) target(%dma_start3A_191 : memref<1024x128xf32, #tpu.memory_space<vmem_shared>>) offsets(%dma_start3A_188 : memref<128xi32, #tpu.memory_space<vmem>>) semaphore(%run_scoped3A_185 : memref<!tpu.dma_semaphore, #tpu.memory_space<semaphore_mem>>) {add = true}
      %dma_wait3A_192 = arith.constant 0 : i32
      %dma_wait3A_193 = tpu.memref_slice %arg7[%run_scoped3A_68, %dma_wait3A_192] : memref<8x128xi32, #tpu.memory_space<vmem>> -> memref<1x128xi32, #tpu.memory_space<vmem>>
      %dma_wait3A_194 = tpu.memref_squeeze %dma_wait3A_193 : memref<1x128xi32, #tpu.memory_space<vmem>> -> memref<128xi32, #tpu.memory_space<vmem>>
      %dma_wait3A_195 = arith.constant 0 : i32
      %dma_wait3A_196 = arith.constant 0 : i32
      %dma_wait3A_197 = tpu.memref_slice %arg9[%dma_wait3A_195, %dma_wait3A_196] : memref<1024x128xf32, #tpu.memory_space<vmem_shared>> -> memref<1024x128xf32, #tpu.memory_space<vmem_shared>>
      tpu.wait_indirect_dma semaphore(%run_scoped3A_185 : memref<!tpu.dma_semaphore, #tpu.memory_space<semaphore_mem>>) src(%arg8 : memref<128x128xf32, #tpu.memory_space<vmem>>) dst(%dma_wait3A_197 : memref<1024x128xf32, #tpu.memory_space<vmem_shared>>)
      tpu.yield
    }) : () -> ()
    %dma_start3A_69 = arith.constant 3 : i32
    %dma_start3A_70 = arith.constant 0 : i32
    %dma_start3A_71 = tpu.memref_slice %arg6[%dma_start3A_69, %dma_start3A_70] : memref<8x128xi32, #tpu.memory_space<vmem>> -> memref<1x128xi32, #tpu.memory_space<vmem>>
    %dma_start3A_72 = tpu.memref_squeeze %dma_start3A_71 : memref<1x128xi32, #tpu.memory_space<vmem>> -> memref<128xi32, #tpu.memory_space<vmem>>
    %dma_start3A_73 = arith.constant 0 : i32
    %dma_start3A_74 = arith.constant 0 : i32
    %dma_start3A_75 = tpu.memref_slice %arg2[%arg0, %dma_start3A_73, %dma_start3A_74] : memref<2x1024x128xf32, #tpu.memory_space<hbm>> -> memref<1x1024x128xf32, #tpu.memory_space<hbm>>
    %dma_start3A_76 = tpu.memref_squeeze %dma_start3A_75 : memref<1x1024x128xf32, #tpu.memory_space<hbm>> -> memref<1024x128xf32, #tpu.memory_space<hbm>>
    %dma_start3A_77 = arith.constant 0 : i32
    %dma_start3A_78 = arith.constant 0 : i32
    %dma_start3A_79 = tpu.memref_slice %dma_start3A_76[%dma_start3A_77, %dma_start3A_78] : memref<1024x128xf32, #tpu.memory_space<hbm>> -> memref<1024x128xf32, #tpu.memory_space<hbm>>
    tpu.enqueue_indirect_dma source(%dma_start3A_79 : memref<1024x128xf32, #tpu.memory_space<hbm>>) target(%arg8 : memref<128x128xf32, #tpu.memory_space<vmem>>) offsets(%dma_start3A_72 : memref<128xi32, #tpu.memory_space<vmem>>) semaphore(%arg10 : memref<!tpu.dma_semaphore, #tpu.memory_space<semaphore_mem>>)
    %dma_wait3A_80 = arith.constant 3 : i32
    %dma_wait3A_81 = arith.constant 0 : i32
    %dma_wait3A_82 = tpu.memref_slice %arg6[%dma_wait3A_80, %dma_wait3A_81] : memref<8x128xi32, #tpu.memory_space<vmem>> -> memref<1x128xi32, #tpu.memory_space<vmem>>
    %dma_wait3A_83 = tpu.memref_squeeze %dma_wait3A_82 : memref<1x128xi32, #tpu.memory_space<vmem>> -> memref<128xi32, #tpu.memory_space<vmem>>
    %dma_wait3A_84 = arith.constant 0 : i32
    %dma_wait3A_85 = arith.constant 0 : i32
    %dma_wait3A_86 = tpu.memref_slice %arg2[%arg0, %dma_wait3A_84, %dma_wait3A_85] : memref<2x1024x128xf32, #tpu.memory_space<hbm>> -> memref<1x1024x128xf32, #tpu.memory_space<hbm>>
    %dma_wait3A_87 = tpu.memref_squeeze %dma_wait3A_86 : memref<1x1024x128xf32, #tpu.memory_space<hbm>> -> memref<1024x128xf32, #tpu.memory_space<hbm>>
    %dma_wait3A_88 = arith.constant 0 : i32
    %dma_wait3A_89 = arith.constant 0 : i32
    %dma_wait3A_90 = tpu.memref_slice %dma_wait3A_87[%dma_wait3A_88, %dma_wait3A_89] : memref<1024x128xf32, #tpu.memory_space<hbm>> -> memref<1024x128xf32, #tpu.memory_space<hbm>>
    tpu.wait_indirect_dma semaphore(%arg10 : memref<!tpu.dma_semaphore, #tpu.memory_space<semaphore_mem>>) src(%dma_wait3A_90 : memref<1024x128xf32, #tpu.memory_space<hbm>>) dst(%arg8 : memref<128x128xf32, #tpu.memory_space<vmem>>)
    %run_scoped3A_91 = arith.constant 3 : i32
    "tpu.region"() ({
      %run_scoped3A_185 = tpu.sem_alloc : memref<!tpu.dma_semaphore, #tpu.memory_space<semaphore_mem>>
      %dma_start3A_186 = arith.constant 0 : i32
      %dma_start3A_187 = tpu.memref_slice %arg7[%run_scoped3A_91, %dma_start3A_186] : memref<8x128xi32, #tpu.memory_space<vmem>> -> memref<1x128xi32, #tpu.memory_space<vmem>>
      %dma_start3A_188 = tpu.memref_squeeze %dma_start3A_187 : memref<1x128xi32, #tpu.memory_space<vmem>> -> memref<128xi32, #tpu.memory_space<vmem>>
      %dma_start3A_189 = arith.constant 0 : i32
      %dma_start3A_190 = arith.constant 0 : i32
      %dma_start3A_191 = tpu.memref_slice %arg9[%dma_start3A_189, %dma_start3A_190] : memref<1024x128xf32, #tpu.memory_space<vmem_shared>> -> memref<1024x128xf32, #tpu.memory_space<vmem_shared>>
      tpu.enqueue_indirect_dma source(%arg8 : memref<128x128xf32, #tpu.memory_space<vmem>>) target(%dma_start3A_191 : memref<1024x128xf32, #tpu.memory_space<vmem_shared>>) offsets(%dma_start3A_188 : memref<128xi32, #tpu.memory_space<vmem>>) semaphore(%run_scoped3A_185 : memref<!tpu.dma_semaphore, #tpu.memory_space<semaphore_mem>>) {add = true}
      %dma_wait3A_192 = arith.constant 0 : i32
      %dma_wait3A_193 = tpu.memref_slice %arg7[%run_scoped3A_91, %dma_wait3A_192] : memref<8x128xi32, #tpu.memory_space<vmem>> -> memref<1x128xi32, #tpu.memory_space<vmem>>
      %dma_wait3A_194 = tpu.memref_squeeze %dma_wait3A_193 : memref<1x128xi32, #tpu.memory_space<vmem>> -> memref<128xi32, #tpu.memory_space<vmem>>
      %dma_wait3A_195 = arith.constant 0 : i32
      %dma_wait3A_196 = arith.constant 0 : i32
      %dma_wait3A_197 = tpu.memref_slice %arg9[%dma_wait3A_195, %dma_wait3A_196] : memref<1024x128xf32, #tpu.memory_space<vmem_shared>> -> memref<1024x128xf32, #tpu.memory_space<vmem_shared>>
      tpu.wait_indirect_dma semaphore(%run_scoped3A_185 : memref<!tpu.dma_semaphore, #tpu.memory_space<semaphore_mem>>) src(%arg8 : memref<128x128xf32, #tpu.memory_space<vmem>>) dst(%dma_wait3A_197 : memref<1024x128xf32, #tpu.memory_space<vmem_shared>>)
      tpu.yield
    }) : () -> ()
    %dma_start3A_92 = arith.constant 4 : i32
    %dma_start3A_93 = arith.constant 0 : i32
    %dma_start3A_94 = tpu.memref_slice %arg6[%dma_start3A_92, %dma_start3A_93] : memref<8x128xi32, #tpu.memory_space<vmem>> -> memref<1x128xi32, #tpu.memory_space<vmem>>
    %dma_start3A_95 = tpu.memref_squeeze %dma_start3A_94 : memref<1x128xi32, #tpu.memory_space<vmem>> -> memref<128xi32, #tpu.memory_space<vmem>>
    %dma_start3A_96 = arith.constant 0 : i32
    %dma_start3A_97 = arith.constant 0 : i32
    %dma_start3A_98 = tpu.memref_slice %arg2[%arg0, %dma_start3A_96, %dma_start3A_97] : memref<2x1024x128xf32, #tpu.memory_space<hbm>> -> memref<1x1024x128xf32, #tpu.memory_space<hbm>>
    %dma_start3A_99 = tpu.memref_squeeze %dma_start3A_98 : memref<1x1024x128xf32, #tpu.memory_space<hbm>> -> memref<1024x128xf32, #tpu.memory_space<hbm>>
    %dma_start3A_100 = arith.constant 0 : i32
    %dma_start3A_101 = arith.constant 0 : i32
    %dma_start3A_102 = tpu.memref_slice %dma_start3A_99[%dma_start3A_100, %dma_start3A_101] : memref<1024x128xf32, #tpu.memory_space<hbm>> -> memref<1024x128xf32, #tpu.memory_space<hbm>>
    tpu.enqueue_indirect_dma source(%dma_start3A_102 : memref<1024x128xf32, #tpu.memory_space<hbm>>) target(%arg8 : memref<128x128xf32, #tpu.memory_space<vmem>>) offsets(%dma_start3A_95 : memref<128xi32, #tpu.memory_space<vmem>>) semaphore(%arg10 : memref<!tpu.dma_semaphore, #tpu.memory_space<semaphore_mem>>)
    %dma_wait3A_103 = arith.constant 4 : i32
    %dma_wait3A_104 = arith.constant 0 : i32
    %dma_wait3A_105 = tpu.memref_slice %arg6[%dma_wait3A_103, %dma_wait3A_104] : memref<8x128xi32, #tpu.memory_space<vmem>> -> memref<1x128xi32, #tpu.memory_space<vmem>>
    %dma_wait3A_106 = tpu.memref_squeeze %dma_wait3A_105 : memref<1x128xi32, #tpu.memory_space<vmem>> -> memref<128xi32, #tpu.memory_space<vmem>>
    %dma_wait3A_107 = arith.constant 0 : i32
    %dma_wait3A_108 = arith.constant 0 : i32
    %dma_wait3A_109 = tpu.memref_slice %arg2[%arg0, %dma_wait3A_107, %dma_wait3A_108] : memref<2x1024x128xf32, #tpu.memory_space<hbm>> -> memref<1x1024x128xf32, #tpu.memory_space<hbm>>
    %dma_wait3A_110 = tpu.memref_squeeze %dma_wait3A_109 : memref<1x1024x128xf32, #tpu.memory_space<hbm>> -> memref<1024x128xf32, #tpu.memory_space<hbm>>
    %dma_wait3A_111 = arith.constant 0 : i32
    %dma_wait3A_112 = arith.constant 0 : i32
    %dma_wait3A_113 = tpu.memref_slice %dma_wait3A_110[%dma_wait3A_111, %dma_wait3A_112] : memref<1024x128xf32, #tpu.memory_space<hbm>> -> memref<1024x128xf32, #tpu.memory_space<hbm>>
    tpu.wait_indirect_dma semaphore(%arg10 : memref<!tpu.dma_semaphore, #tpu.memory_space<semaphore_mem>>) src(%dma_wait3A_113 : memref<1024x128xf32, #tpu.memory_space<hbm>>) dst(%arg8 : memref<128x128xf32, #tpu.memory_space<vmem>>)
    %run_scoped3A_114 = arith.constant 4 : i32
    "tpu.region"() ({
      %run_scoped3A_185 = tpu.sem_alloc : memref<!tpu.dma_semaphore, #tpu.memory_space<semaphore_mem>>
      %dma_start3A_186 = arith.constant 0 : i32
      %dma_start3A_187 = tpu.memref_slice %arg7[%run_scoped3A_114, %dma_start3A_186] : memref<8x128xi32, #tpu.memory_space<vmem>> -> memref<1x128xi32, #tpu.memory_space<vmem>>
      %dma_start3A_188 = tpu.memref_squeeze %dma_start3A_187 : memref<1x128xi32, #tpu.memory_space<vmem>> -> memref<128xi32, #tpu.memory_space<vmem>>
      %dma_start3A_189 = arith.constant 0 : i32
      %dma_start3A_190 = arith.constant 0 : i32
      %dma_start3A_191 = tpu.memref_slice %arg9[%dma_start3A_189, %dma_start3A_190] : memref<1024x128xf32, #tpu.memory_space<vmem_shared>> -> memref<1024x128xf32, #tpu.memory_space<vmem_shared>>
      tpu.enqueue_indirect_dma source(%arg8 : memref<128x128xf32, #tpu.memory_space<vmem>>) target(%dma_start3A_191 : memref<1024x128xf32, #tpu.memory_space<vmem_shared>>) offsets(%dma_start3A_188 : memref<128xi32, #tpu.memory_space<vmem>>) semaphore(%run_scoped3A_185 : memref<!tpu.dma_semaphore, #tpu.memory_space<semaphore_mem>>) {add = true}
      %dma_wait3A_192 = arith.constant 0 : i32
      %dma_wait3A_193 = tpu.memref_slice %arg7[%run_scoped3A_114, %dma_wait3A_192] : memref<8x128xi32, #tpu.memory_space<vmem>> -> memref<1x128xi32, #tpu.memory_space<vmem>>
      %dma_wait3A_194 = tpu.memref_squeeze %dma_wait3A_193 : memref<1x128xi32, #tpu.memory_space<vmem>> -> memref<128xi32, #tpu.memory_space<vmem>>
      %dma_wait3A_195 = arith.constant 0 : i32
      %dma_wait3A_196 = arith.constant 0 : i32
      %dma_wait3A_197 = tpu.memref_slice %arg9[%dma_wait3A_195, %dma_wait3A_196] : memref<1024x128xf32, #tpu.memory_space<vmem_shared>> -> memref<1024x128xf32, #tpu.memory_space<vmem_shared>>
      tpu.wait_indirect_dma semaphore(%run_scoped3A_185 : memref<!tpu.dma_semaphore, #tpu.memory_space<semaphore_mem>>) src(%arg8 : memref<128x128xf32, #tpu.memory_space<vmem>>) dst(%dma_wait3A_197 : memref<1024x128xf32, #tpu.memory_space<vmem_shared>>)
      tpu.yield
    }) : () -> ()
    %dma_start3A_115 = arith.constant 5 : i32
    %dma_start3A_116 = arith.constant 0 : i32
    %dma_start3A_117 = tpu.memref_slice %arg6[%dma_start3A_115, %dma_start3A_116] : memref<8x128xi32, #tpu.memory_space<vmem>> -> memref<1x128xi32, #tpu.memory_space<vmem>>
    %dma_start3A_118 = tpu.memref_squeeze %dma_start3A_117 : memref<1x128xi32, #tpu.memory_space<vmem>> -> memref<128xi32, #tpu.memory_space<vmem>>
    %dma_start3A_119 = arith.constant 0 : i32
    %dma_start3A_120 = arith.constant 0 : i32
    %dma_start3A_121 = tpu.memref_slice %arg2[%arg0, %dma_start3A_119, %dma_start3A_120] : memref<2x1024x128xf32, #tpu.memory_space<hbm>> -> memref<1x1024x128xf32, #tpu.memory_space<hbm>>
    %dma_start3A_122 = tpu.memref_squeeze %dma_start3A_121 : memref<1x1024x128xf32, #tpu.memory_space<hbm>> -> memref<1024x128xf32, #tpu.memory_space<hbm>>
    %dma_start3A_123 = arith.constant 0 : i32
    %dma_start3A_124 = arith.constant 0 : i32
    %dma_start3A_125 = tpu.memref_slice %dma_start3A_122[%dma_start3A_123, %dma_start3A_124] : memref<1024x128xf32, #tpu.memory_space<hbm>> -> memref<1024x128xf32, #tpu.memory_space<hbm>>
    tpu.enqueue_indirect_dma source(%dma_start3A_125 : memref<1024x128xf32, #tpu.memory_space<hbm>>) target(%arg8 : memref<128x128xf32, #tpu.memory_space<vmem>>) offsets(%dma_start3A_118 : memref<128xi32, #tpu.memory_space<vmem>>) semaphore(%arg10 : memref<!tpu.dma_semaphore, #tpu.memory_space<semaphore_mem>>)
    %dma_wait3A_126 = arith.constant 5 : i32
    %dma_wait3A_127 = arith.constant 0 : i32
    %dma_wait3A_128 = tpu.memref_slice %arg6[%dma_wait3A_126, %dma_wait3A_127] : memref<8x128xi32, #tpu.memory_space<vmem>> -> memref<1x128xi32, #tpu.memory_space<vmem>>
    %dma_wait3A_129 = tpu.memref_squeeze %dma_wait3A_128 : memref<1x128xi32, #tpu.memory_space<vmem>> -> memref<128xi32, #tpu.memory_space<vmem>>
    %dma_wait3A_130 = arith.constant 0 : i32
    %dma_wait3A_131 = arith.constant 0 : i32
    %dma_wait3A_132 = tpu.memref_slice %arg2[%arg0, %dma_wait3A_130, %dma_wait3A_131] : memref<2x1024x128xf32, #tpu.memory_space<hbm>> -> memref<1x1024x128xf32, #tpu.memory_space<hbm>>
    %dma_wait3A_133 = tpu.memref_squeeze %dma_wait3A_132 : memref<1x1024x128xf32, #tpu.memory_space<hbm>> -> memref<1024x128xf32, #tpu.memory_space<hbm>>
    %dma_wait3A_134 = arith.constant 0 : i32
    %dma_wait3A_135 = arith.constant 0 : i32
    %dma_wait3A_136 = tpu.memref_slice %dma_wait3A_133[%dma_wait3A_134, %dma_wait3A_135] : memref<1024x128xf32, #tpu.memory_space<hbm>> -> memref<1024x128xf32, #tpu.memory_space<hbm>>
    tpu.wait_indirect_dma semaphore(%arg10 : memref<!tpu.dma_semaphore, #tpu.memory_space<semaphore_mem>>) src(%dma_wait3A_136 : memref<1024x128xf32, #tpu.memory_space<hbm>>) dst(%arg8 : memref<128x128xf32, #tpu.memory_space<vmem>>)
    %run_scoped3A_137 = arith.constant 5 : i32
    "tpu.region"() ({
      %run_scoped3A_185 = tpu.sem_alloc : memref<!tpu.dma_semaphore, #tpu.memory_space<semaphore_mem>>
      %dma_start3A_186 = arith.constant 0 : i32
      %dma_start3A_187 = tpu.memref_slice %arg7[%run_scoped3A_137, %dma_start3A_186] : memref<8x128xi32, #tpu.memory_space<vmem>> -> memref<1x128xi32, #tpu.memory_space<vmem>>
      %dma_start3A_188 = tpu.memref_squeeze %dma_start3A_187 : memref<1x128xi32, #tpu.memory_space<vmem>> -> memref<128xi32, #tpu.memory_space<vmem>>
      %dma_start3A_189 = arith.constant 0 : i32
      %dma_start3A_190 = arith.constant 0 : i32
      %dma_start3A_191 = tpu.memref_slice %arg9[%dma_start3A_189, %dma_start3A_190] : memref<1024x128xf32, #tpu.memory_space<vmem_shared>> -> memref<1024x128xf32, #tpu.memory_space<vmem_shared>>
      tpu.enqueue_indirect_dma source(%arg8 : memref<128x128xf32, #tpu.memory_space<vmem>>) target(%dma_start3A_191 : memref<1024x128xf32, #tpu.memory_space<vmem_shared>>) offsets(%dma_start3A_188 : memref<128xi32, #tpu.memory_space<vmem>>) semaphore(%run_scoped3A_185 : memref<!tpu.dma_semaphore, #tpu.memory_space<semaphore_mem>>) {add = true}
      %dma_wait3A_192 = arith.constant 0 : i32
      %dma_wait3A_193 = tpu.memref_slice %arg7[%run_scoped3A_137, %dma_wait3A_192] : memref<8x128xi32, #tpu.memory_space<vmem>> -> memref<1x128xi32, #tpu.memory_space<vmem>>
      %dma_wait3A_194 = tpu.memref_squeeze %dma_wait3A_193 : memref<1x128xi32, #tpu.memory_space<vmem>> -> memref<128xi32, #tpu.memory_space<vmem>>
      %dma_wait3A_195 = arith.constant 0 : i32
      %dma_wait3A_196 = arith.constant 0 : i32
      %dma_wait3A_197 = tpu.memref_slice %arg9[%dma_wait3A_195, %dma_wait3A_196] : memref<1024x128xf32, #tpu.memory_space<vmem_shared>> -> memref<1024x128xf32, #tpu.memory_space<vmem_shared>>
      tpu.wait_indirect_dma semaphore(%run_scoped3A_185 : memref<!tpu.dma_semaphore, #tpu.memory_space<semaphore_mem>>) src(%arg8 : memref<128x128xf32, #tpu.memory_space<vmem>>) dst(%dma_wait3A_197 : memref<1024x128xf32, #tpu.memory_space<vmem_shared>>)
      tpu.yield
    }) : () -> ()
    %dma_start3A_138 = arith.constant 6 : i32
    %dma_start3A_139 = arith.constant 0 : i32
    %dma_start3A_140 = tpu.memref_slice %arg6[%dma_start3A_138, %dma_start3A_139] : memref<8x128xi32, #tpu.memory_space<vmem>> -> memref<1x128xi32, #tpu.memory_space<vmem>>
    %dma_start3A_141 = tpu.memref_squeeze %dma_start3A_140 : memref<1x128xi32, #tpu.memory_space<vmem>> -> memref<128xi32, #tpu.memory_space<vmem>>
    %dma_start3A_142 = arith.constant 0 : i32
    %dma_start3A_143 = arith.constant 0 : i32
    %dma_start3A_144 = tpu.memref_slice %arg2[%arg0, %dma_start3A_142, %dma_start3A_143] : memref<2x1024x128xf32, #tpu.memory_space<hbm>> -> memref<1x1024x128xf32, #tpu.memory_space<hbm>>
    %dma_start3A_145 = tpu.memref_squeeze %dma_start3A_144 : memref<1x1024x128xf32, #tpu.memory_space<hbm>> -> memref<1024x128xf32, #tpu.memory_space<hbm>>
    %dma_start3A_146 = arith.constant 0 : i32
    %dma_start3A_147 = arith.constant 0 : i32
    %dma_start3A_148 = tpu.memref_slice %dma_start3A_145[%dma_start3A_146, %dma_start3A_147] : memref<1024x128xf32, #tpu.memory_space<hbm>> -> memref<1024x128xf32, #tpu.memory_space<hbm>>
    tpu.enqueue_indirect_dma source(%dma_start3A_148 : memref<1024x128xf32, #tpu.memory_space<hbm>>) target(%arg8 : memref<128x128xf32, #tpu.memory_space<vmem>>) offsets(%dma_start3A_141 : memref<128xi32, #tpu.memory_space<vmem>>) semaphore(%arg10 : memref<!tpu.dma_semaphore, #tpu.memory_space<semaphore_mem>>)
    %dma_wait3A_149 = arith.constant 6 : i32
    %dma_wait3A_150 = arith.constant 0 : i32
    %dma_wait3A_151 = tpu.memref_slice %arg6[%dma_wait3A_149, %dma_wait3A_150] : memref<8x128xi32, #tpu.memory_space<vmem>> -> memref<1x128xi32, #tpu.memory_space<vmem>>
    %dma_wait3A_152 = tpu.memref_squeeze %dma_wait3A_151 : memref<1x128xi32, #tpu.memory_space<vmem>> -> memref<128xi32, #tpu.memory_space<vmem>>
    %dma_wait3A_153 = arith.constant 0 : i32
    %dma_wait3A_154 = arith.constant 0 : i32
    %dma_wait3A_155 = tpu.memref_slice %arg2[%arg0, %dma_wait3A_153, %dma_wait3A_154] : memref<2x1024x128xf32, #tpu.memory_space<hbm>> -> memref<1x1024x128xf32, #tpu.memory_space<hbm>>
    %dma_wait3A_156 = tpu.memref_squeeze %dma_wait3A_155 : memref<1x1024x128xf32, #tpu.memory_space<hbm>> -> memref<1024x128xf32, #tpu.memory_space<hbm>>
    %dma_wait3A_157 = arith.constant 0 : i32
    %dma_wait3A_158 = arith.constant 0 : i32
    %dma_wait3A_159 = tpu.memref_slice %dma_wait3A_156[%dma_wait3A_157, %dma_wait3A_158] : memref<1024x128xf32, #tpu.memory_space<hbm>> -> memref<1024x128xf32, #tpu.memory_space<hbm>>
    tpu.wait_indirect_dma semaphore(%arg10 : memref<!tpu.dma_semaphore, #tpu.memory_space<semaphore_mem>>) src(%dma_wait3A_159 : memref<1024x128xf32, #tpu.memory_space<hbm>>) dst(%arg8 : memref<128x128xf32, #tpu.memory_space<vmem>>)
    %run_scoped3A_160 = arith.constant 6 : i32
    "tpu.region"() ({
      %run_scoped3A_185 = tpu.sem_alloc : memref<!tpu.dma_semaphore, #tpu.memory_space<semaphore_mem>>
      %dma_start3A_186 = arith.constant 0 : i32
      %dma_start3A_187 = tpu.memref_slice %arg7[%run_scoped3A_160, %dma_start3A_186] : memref<8x128xi32, #tpu.memory_space<vmem>> -> memref<1x128xi32, #tpu.memory_space<vmem>>
      %dma_start3A_188 = tpu.memref_squeeze %dma_start3A_187 : memref<1x128xi32, #tpu.memory_space<vmem>> -> memref<128xi32, #tpu.memory_space<vmem>>
      %dma_start3A_189 = arith.constant 0 : i32
      %dma_start3A_190 = arith.constant 0 : i32
      %dma_start3A_191 = tpu.memref_slice %arg9[%dma_start3A_189, %dma_start3A_190] : memref<1024x128xf32, #tpu.memory_space<vmem_shared>> -> memref<1024x128xf32, #tpu.memory_space<vmem_shared>>
      tpu.enqueue_indirect_dma source(%arg8 : memref<128x128xf32, #tpu.memory_space<vmem>>) target(%dma_start3A_191 : memref<1024x128xf32, #tpu.memory_space<vmem_shared>>) offsets(%dma_start3A_188 : memref<128xi32, #tpu.memory_space<vmem>>) semaphore(%run_scoped3A_185 : memref<!tpu.dma_semaphore, #tpu.memory_space<semaphore_mem>>) {add = true}
      %dma_wait3A_192 = arith.constant 0 : i32
      %dma_wait3A_193 = tpu.memref_slice %arg7[%run_scoped3A_160, %dma_wait3A_192] : memref<8x128xi32, #tpu.memory_space<vmem>> -> memref<1x128xi32, #tpu.memory_space<vmem>>
      %dma_wait3A_194 = tpu.memref_squeeze %dma_wait3A_193 : memref<1x128xi32, #tpu.memory_space<vmem>> -> memref<128xi32, #tpu.memory_space<vmem>>
      %dma_wait3A_195 = arith.constant 0 : i32
      %dma_wait3A_196 = arith.constant 0 : i32
      %dma_wait3A_197 = tpu.memref_slice %arg9[%dma_wait3A_195, %dma_wait3A_196] : memref<1024x128xf32, #tpu.memory_space<vmem_shared>> -> memref<1024x128xf32, #tpu.memory_space<vmem_shared>>
      tpu.wait_indirect_dma semaphore(%run_scoped3A_185 : memref<!tpu.dma_semaphore, #tpu.memory_space<semaphore_mem>>) src(%arg8 : memref<128x128xf32, #tpu.memory_space<vmem>>) dst(%dma_wait3A_197 : memref<1024x128xf32, #tpu.memory_space<vmem_shared>>)
      tpu.yield
    }) : () -> ()
    %dma_start3A_161 = arith.constant 7 : i32
    %dma_start3A_162 = arith.constant 0 : i32
    %dma_start3A_163 = tpu.memref_slice %arg6[%dma_start3A_161, %dma_start3A_162] : memref<8x128xi32, #tpu.memory_space<vmem>> -> memref<1x128xi32, #tpu.memory_space<vmem>>
    %dma_start3A_164 = tpu.memref_squeeze %dma_start3A_163 : memref<1x128xi32, #tpu.memory_space<vmem>> -> memref<128xi32, #tpu.memory_space<vmem>>
    %dma_start3A_165 = arith.constant 0 : i32
    %dma_start3A_166 = arith.constant 0 : i32
    %dma_start3A_167 = tpu.memref_slice %arg2[%arg0, %dma_start3A_165, %dma_start3A_166] : memref<2x1024x128xf32, #tpu.memory_space<hbm>> -> memref<1x1024x128xf32, #tpu.memory_space<hbm>>
    %dma_start3A_168 = tpu.memref_squeeze %dma_start3A_167 : memref<1x1024x128xf32, #tpu.memory_space<hbm>> -> memref<1024x128xf32, #tpu.memory_space<hbm>>
    %dma_start3A_169 = arith.constant 0 : i32
    %dma_start3A_170 = arith.constant 0 : i32
    %dma_start3A_171 = tpu.memref_slice %dma_start3A_168[%dma_start3A_169, %dma_start3A_170] : memref<1024x128xf32, #tpu.memory_space<hbm>> -> memref<1024x128xf32, #tpu.memory_space<hbm>>
    tpu.enqueue_indirect_dma source(%dma_start3A_171 : memref<1024x128xf32, #tpu.memory_space<hbm>>) target(%arg8 : memref<128x128xf32, #tpu.memory_space<vmem>>) offsets(%dma_start3A_164 : memref<128xi32, #tpu.memory_space<vmem>>) semaphore(%arg10 : memref<!tpu.dma_semaphore, #tpu.memory_space<semaphore_mem>>)
    %dma_wait3A_172 = arith.constant 7 : i32
    %dma_wait3A_173 = arith.constant 0 : i32
    %dma_wait3A_174 = tpu.memref_slice %arg6[%dma_wait3A_172, %dma_wait3A_173] : memref<8x128xi32, #tpu.memory_space<vmem>> -> memref<1x128xi32, #tpu.memory_space<vmem>>
    %dma_wait3A_175 = tpu.memref_squeeze %dma_wait3A_174 : memref<1x128xi32, #tpu.memory_space<vmem>> -> memref<128xi32, #tpu.memory_space<vmem>>
    %dma_wait3A_176 = arith.constant 0 : i32
    %dma_wait3A_177 = arith.constant 0 : i32
    %dma_wait3A_178 = tpu.memref_slice %arg2[%arg0, %dma_wait3A_176, %dma_wait3A_177] : memref<2x1024x128xf32, #tpu.memory_space<hbm>> -> memref<1x1024x128xf32, #tpu.memory_space<hbm>>
    %dma_wait3A_179 = tpu.memref_squeeze %dma_wait3A_178 : memref<1x1024x128xf32, #tpu.memory_space<hbm>> -> memref<1024x128xf32, #tpu.memory_space<hbm>>
    %dma_wait3A_180 = arith.constant 0 : i32
    %dma_wait3A_181 = arith.constant 0 : i32
    %dma_wait3A_182 = tpu.memref_slice %dma_wait3A_179[%dma_wait3A_180, %dma_wait3A_181] : memref<1024x128xf32, #tpu.memory_space<hbm>> -> memref<1024x128xf32, #tpu.memory_space<hbm>>
    tpu.wait_indirect_dma semaphore(%arg10 : memref<!tpu.dma_semaphore, #tpu.memory_space<semaphore_mem>>) src(%dma_wait3A_182 : memref<1024x128xf32, #tpu.memory_space<hbm>>) dst(%arg8 : memref<128x128xf32, #tpu.memory_space<vmem>>)
    %run_scoped3A_183 = arith.constant 7 : i32
    "tpu.region"() ({
      %run_scoped3A_185 = tpu.sem_alloc : memref<!tpu.dma_semaphore, #tpu.memory_space<semaphore_mem>>
      %dma_start3A_186 = arith.constant 0 : i32
      %dma_start3A_187 = tpu.memref_slice %arg7[%run_scoped3A_183, %dma_start3A_186] : memref<8x128xi32, #tpu.memory_space<vmem>> -> memref<1x128xi32, #tpu.memory_space<vmem>>
      %dma_start3A_188 = tpu.memref_squeeze %dma_start3A_187 : memref<1x128xi32, #tpu.memory_space<vmem>> -> memref<128xi32, #tpu.memory_space<vmem>>
      %dma_start3A_189 = arith.constant 0 : i32
      %dma_start3A_190 = arith.constant 0 : i32
      %dma_start3A_191 = tpu.memref_slice %arg9[%dma_start3A_189, %dma_start3A_190] : memref<1024x128xf32, #tpu.memory_space<vmem_shared>> -> memref<1024x128xf32, #tpu.memory_space<vmem_shared>>
      tpu.enqueue_indirect_dma source(%arg8 : memref<128x128xf32, #tpu.memory_space<vmem>>) target(%dma_start3A_191 : memref<1024x128xf32, #tpu.memory_space<vmem_shared>>) offsets(%dma_start3A_188 : memref<128xi32, #tpu.memory_space<vmem>>) semaphore(%run_scoped3A_185 : memref<!tpu.dma_semaphore, #tpu.memory_space<semaphore_mem>>) {add = true}
      %dma_wait3A_192 = arith.constant 0 : i32
      %dma_wait3A_193 = tpu.memref_slice %arg7[%run_scoped3A_183, %dma_wait3A_192] : memref<8x128xi32, #tpu.memory_space<vmem>> -> memref<1x128xi32, #tpu.memory_space<vmem>>
      %dma_wait3A_194 = tpu.memref_squeeze %dma_wait3A_193 : memref<1x128xi32, #tpu.memory_space<vmem>> -> memref<128xi32, #tpu.memory_space<vmem>>
      %dma_wait3A_195 = arith.constant 0 : i32
      %dma_wait3A_196 = arith.constant 0 : i32
      %dma_wait3A_197 = tpu.memref_slice %arg9[%dma_wait3A_195, %dma_wait3A_196] : memref<1024x128xf32, #tpu.memory_space<vmem_shared>> -> memref<1024x128xf32, #tpu.memory_space<vmem_shared>>
      tpu.wait_indirect_dma semaphore(%run_scoped3A_185 : memref<!tpu.dma_semaphore, #tpu.memory_space<semaphore_mem>>) src(%arg8 : memref<128x128xf32, #tpu.memory_space<vmem>>) dst(%dma_wait3A_197 : memref<1024x128xf32, #tpu.memory_space<vmem_shared>>)
      tpu.yield
    }) : () -> ()
    %barrier3A_184 = arith.constant 0 : index
    tpu.barrier barrier_id(%barrier3A_184)
    "tpu.region"() ({
      %run_scoped3A_185 = tpu.sem_alloc : memref<!tpu.dma_semaphore, #tpu.memory_space<semaphore_mem>>
      %dma_start3A_186 = arith.constant 0 : i32
      %dma_start3A_187 = tpu.memref_slice %arg5[%arg0, %mul3A_0, %dma_start3A_186] : memref<2x1024x128xf32, #tpu.memory_space<hbm>> -> memref<1x64x128xf32, #tpu.memory_space<hbm>>
      %dma_start3A_188 = tpu.memref_squeeze %dma_start3A_187 : memref<1x64x128xf32, #tpu.memory_space<hbm>> -> memref<64x128xf32, #tpu.memory_space<hbm>>
      %dma_start3A_189 = arith.constant 0 : i32
      %dma_start3A_190 = tpu.memref_slice %arg9[%mul3A_0, %dma_start3A_189] : memref<1024x128xf32, #tpu.memory_space<vmem_shared>> -> memref<64x128xf32, #tpu.memory_space<vmem_shared>>
      tpu.enqueue_dma source(%dma_start3A_190 : memref<64x128xf32, #tpu.memory_space<vmem_shared>>) target(%dma_start3A_188 : memref<64x128xf32, #tpu.memory_space<hbm>>) target_semaphore(%run_scoped3A_185 : memref<!tpu.dma_semaphore, #tpu.memory_space<semaphore_mem>>)
      %dma_wait3A_191 = arith.constant 0 : i32
      %dma_wait3A_192 = tpu.memref_slice %arg5[%arg0, %mul3A_0, %dma_wait3A_191] : memref<2x1024x128xf32, #tpu.memory_space<hbm>> -> memref<1x64x128xf32, #tpu.memory_space<hbm>>
      %dma_wait3A_193 = tpu.memref_squeeze %dma_wait3A_192 : memref<1x64x128xf32, #tpu.memory_space<hbm>> -> memref<64x128xf32, #tpu.memory_space<hbm>>
      %dma_wait3A_194 = arith.constant 0 : i32
      %dma_wait3A_195 = tpu.memref_slice %arg9[%mul3A_0, %dma_wait3A_194] : memref<1024x128xf32, #tpu.memory_space<vmem_shared>> -> memref<64x128xf32, #tpu.memory_space<vmem_shared>>
      tpu.wait_dma2 semaphore(%run_scoped3A_185 : memref<!tpu.dma_semaphore, #tpu.memory_space<semaphore_mem>>) src(%dma_wait3A_195 : memref<64x128xf32, #tpu.memory_space<vmem_shared>>) dst(%dma_wait3A_193 : memref<64x128xf32, #tpu.memory_space<hbm>>)
      tpu.yield
    }) : () -> ()
    return
  }
}

#map = affine_map<(d0, d1) -> (0, 0, 0)>
#map1 = affine_map<(d0, d1) -> (0, 0, 0, 0, 0)>
module attributes {stable_mosaic.version = 14 : i64} {
  func.func @agg(%arg0: i32, %arg1: i32, %arg2: memref<2x1024x128xf32, #tpu.memory_space<hbm>>, %arg3: memref<2x2x16x8x128xi32, #tpu.memory_space<hbm>>, %arg4: memref<2x1024x128xf32, #tpu.memory_space<hbm>>, %arg5: memref<2x1024x128xf32, #tpu.memory_space<hbm>>, %arg6: memref<8x128xi32, #tpu.memory_space<vmem>>, %arg7: memref<8x128xi32, #tpu.memory_space<vmem>>, %arg8: memref<128x128xf32, #tpu.memory_space<vmem>>, %arg9: memref<1024x128xf32, #tpu.memory_space<vmem_shared>>, %arg10: memref<!tpu.dma_semaphore, #tpu.memory_space<semaphore_mem>>) attributes {dimension_semantics = [#tpu.dimension_semantics<core_parallel>, #tpu.dimension_semantics<subcore_parallel>], iteration_bounds = array<i64: 2, 16>, scalar_prefetch = 0 : i64, scratch_operands = 5 : i64, tpu.core_type = #tpu.core_type<sc_vector_subcore>, window_params = [{transform_indices = #map}, {transform_indices = #map1}, {transform_indices = #map}, {transform_indices = #map}]} {
    %mul3A = arith.constant 64 : i32
    %mul3A_0 = arith.muli %arg1, %mul3A : i32
    "tpu.region"() ({
      %run_scoped3A_185 = tpu.sem_alloc : memref<!tpu.dma_semaphore, #tpu.memory_space<semaphore_mem>>
      %dma_start3A_186 = arith.constant 0 : i32
      %dma_start3A_187 = tpu.memref_slice %arg9[%mul3A_0, %dma_start3A_186] : memref<1024x128xf32, #tpu.memory_space<vmem_shared>> -> memref<64x128xf32, #tpu.memory_space<vmem_shared>>
      %dma_start3A_188 = arith.constant 0 : i32
      %dma_start3A_189 = tpu.memref_slice %arg4[%arg0, %mul3A_0, %dma_start3A_188] : memref<2x1024x128xf32, #tpu.memory_space<hbm>> -> memref<1x64x128xf32, #tpu.memory_space<hbm>>
      %dma_start3A_190 = tpu.memref_squeeze %dma_start3A_189 : memref<1x64x128xf32, #tpu.memory_space<hbm>> -> memref<64x128xf32, #tpu.memory_space<hbm>>
      tpu.enqueue_dma source(%dma_start3A_190 : memref<64x128xf32, #tpu.memory_space<hbm>>) target(%dma_start3A_187 : memref<64x128xf32, #tpu.memory_space<vmem_shared>>) target_semaphore(%run_scoped3A_185 : memref<!tpu.dma_semaphore, #tpu.memory_space<semaphore_mem>>)
      %dma_wait3A_191 = arith.constant 0 : i32
      %dma_wait3A_192 = tpu.memref_slice %arg9[%mul3A_0, %dma_wait3A_191] : memref<1024x128xf32, #tpu.memory_space<vmem_shared>> -> memref<64x128xf32, #tpu.memory_space<vmem_shared>>
      %dma_wait3A_193 = arith.constant 0 : i32
      %dma_wait3A_194 = tpu.memref_slice %arg4[%arg0, %mul3A_0, %dma_wait3A_193] : memref<2x1024x128xf32, #tpu.memory_space<hbm>> -> memref<1x64x128xf32, #tpu.memory_space<hbm>>
      %dma_wait3A_195 = tpu.memref_squeeze %dma_wait3A_194 : memref<1x64x128xf32, #tpu.memory_space<hbm>> -> memref<64x128xf32, #tpu.memory_space<hbm>>
      tpu.wait_dma2 semaphore(%run_scoped3A_185 : memref<!tpu.dma_semaphore, #tpu.memory_space<semaphore_mem>>) src(%dma_wait3A_195 : memref<64x128xf32, #tpu.memory_space<hbm>>) dst(%dma_wait3A_192 : memref<64x128xf32, #tpu.memory_space<vmem_shared>>)
      tpu.yield
    }) : () -> ()
    %run_scoped3A = arith.constant 0 : i32
    "tpu.region"() ({
      %run_scoped3A_185 = tpu.sem_alloc : memref<!tpu.dma_semaphore, #tpu.memory_space<semaphore_mem>>
      %dma_start3A_186 = arith.constant 0 : i32
      %dma_start3A_187 = arith.constant 0 : i32
      %dma_start3A_188 = tpu.memref_slice %arg3[%arg0, %run_scoped3A, %arg1, %dma_start3A_186, %dma_start3A_187] : memref<2x2x16x8x128xi32, #tpu.memory_space<hbm>> -> memref<1x1x1x8x128xi32, #tpu.memory_space<hbm>>
      %dma_start3A_189 = tpu.memref_squeeze %dma_start3A_188 : memref<1x1x1x8x128xi32, #tpu.memory_space<hbm>> -> memref<8x128xi32, #tpu.memory_space<hbm>>
      %dma_start3A_190 = arith.constant 0 : i32
      %dma_start3A_191 = arith.constant 0 : i32
      %dma_start3A_192 = tpu.memref_slice %arg3[%arg0, %run_scoped3A, %arg1, %dma_start3A_190, %dma_start3A_191] : memref<2x2x16x8x128xi32, #tpu.memory_space<hbm>> -> memref<1x1x1x8x128xi32, #tpu.memory_space<hbm>>
      %dma_start3A_193 = tpu.memref_squeeze %dma_start3A_192 : memref<1x1x1x8x128xi32, #tpu.memory_space<hbm>> -> memref<8x128xi32, #tpu.memory_space<hbm>>
      tpu.enqueue_dma source(%dma_start3A_193 : memref<8x128xi32, #tpu.memory_space<hbm>>) target(%arg6 : memref<8x128xi32, #tpu.memory_space<vmem>>) target_semaphore(%run_scoped3A_185 : memref<!tpu.dma_semaphore, #tpu.memory_space<semaphore_mem>>)
      %dma_wait3A_194 = arith.constant 0 : i32
      %dma_wait3A_195 = arith.constant 0 : i32
      %dma_wait3A_196 = tpu.memref_slice %arg3[%arg0, %run_scoped3A, %arg1, %dma_wait3A_194, %dma_wait3A_195] : memref<2x2x16x8x128xi32, #tpu.memory_space<hbm>> -> memref<1x1x1x8x128xi32, #tpu.memory_space<hbm>>
      %dma_wait3A_197 = tpu.memref_squeeze %dma_wait3A_196 : memref<1x1x1x8x128xi32, #tpu.memory_space<hbm>> -> memref<8x128xi32, #tpu.memory_space<hbm>>
      %dma_wait3A_198 = arith.constant 0 : i32
      %dma_wait3A_199 = arith.constant 0 : i32
      %dma_wait3A_200 = tpu.memref_slice %arg3[%arg0, %run_scoped3A, %arg1, %dma_wait3A_198, %dma_wait3A_199] : memref<2x2x16x8x128xi32, #tpu.memory_space<hbm>> -> memref<1x1x1x8x128xi32, #tpu.memory_space<hbm>>
      %dma_wait3A_201 = tpu.memref_squeeze %dma_wait3A_200 : memref<1x1x1x8x128xi32, #tpu.memory_space<hbm>> -> memref<8x128xi32, #tpu.memory_space<hbm>>
      tpu.wait_dma2 semaphore(%run_scoped3A_185 : memref<!tpu.dma_semaphore, #tpu.memory_space<semaphore_mem>>) src(%dma_wait3A_201 : memref<8x128xi32, #tpu.memory_space<hbm>>) dst(%arg6 : memref<8x128xi32, #tpu.memory_space<vmem>>)
      tpu.yield
    }) : () -> ()
    %run_scoped3A_1 = arith.constant 1 : i32
    "tpu.region"() ({
      %run_scoped3A_185 = tpu.sem_alloc : memref<!tpu.dma_semaphore, #tpu.memory_space<semaphore_mem>>
      %dma_start3A_186 = arith.constant 0 : i32
      %dma_start3A_187 = arith.constant 0 : i32
      %dma_start3A_188 = tpu.memref_slice %arg3[%arg0, %run_scoped3A_1, %arg1, %dma_start3A_186, %dma_start3A_187] : memref<2x2x16x8x128xi32, #tpu.memory_space<hbm>> -> memref<1x1x1x8x128xi32, #tpu.memory_space<hbm>>
      %dma_start3A_189 = tpu.memref_squeeze %dma_start3A_188 : memref<1x1x1x8x128xi32, #tpu.memory_space<hbm>> -> memref<8x128xi32, #tpu.memory_space<hbm>>
      %dma_start3A_190 = arith.constant 0 : i32
      %dma_start3A_191 = arith.constant 0 : i32
      %dma_start3A_192 = tpu.memref_slice %arg3[%arg0, %run_scoped3A_1, %arg1, %dma_start3A_190, %dma_start3A_191] : memref<2x2x16x8x128xi32, #tpu.memory_space<hbm>> -> memref<1x1x1x8x128xi32, #tpu.memory_space<hbm>>
      %dma_start3A_193 = tpu.memref_squeeze %dma_start3A_192 : memref<1x1x1x8x128xi32, #tpu.memory_space<hbm>> -> memref<8x128xi32, #tpu.memory_space<hbm>>
      tpu.enqueue_dma source(%dma_start3A_193 : memref<8x128xi32, #tpu.memory_space<hbm>>) target(%arg7 : memref<8x128xi32, #tpu.memory_space<vmem>>) target_semaphore(%run_scoped3A_185 : memref<!tpu.dma_semaphore, #tpu.memory_space<semaphore_mem>>)
      %dma_wait3A_194 = arith.constant 0 : i32
      %dma_wait3A_195 = arith.constant 0 : i32
      %dma_wait3A_196 = tpu.memref_slice %arg3[%arg0, %run_scoped3A_1, %arg1, %dma_wait3A_194, %dma_wait3A_195] : memref<2x2x16x8x128xi32, #tpu.memory_space<hbm>> -> memref<1x1x1x8x128xi32, #tpu.memory_space<hbm>>
      %dma_wait3A_197 = tpu.memref_squeeze %dma_wait3A_196 : memref<1x1x1x8x128xi32, #tpu.memory_space<hbm>> -> memref<8x128xi32, #tpu.memory_space<hbm>>
      %dma_wait3A_198 = arith.constant 0 : i32
      %dma_wait3A_199 = arith.constant 0 : i32
      %dma_wait3A_200 = tpu.memref_slice %arg3[%arg0, %run_scoped3A_1, %arg1, %dma_wait3A_198, %dma_wait3A_199] : memref<2x2x16x8x128xi32, #tpu.memory_space<hbm>> -> memref<1x1x1x8x128xi32, #tpu.memory_space<hbm>>
      %dma_wait3A_201 = tpu.memref_squeeze %dma_wait3A_200 : memref<1x1x1x8x128xi32, #tpu.memory_space<hbm>> -> memref<8x128xi32, #tpu.memory_space<hbm>>
      tpu.wait_dma2 semaphore(%run_scoped3A_185 : memref<!tpu.dma_semaphore, #tpu.memory_space<semaphore_mem>>) src(%dma_wait3A_201 : memref<8x128xi32, #tpu.memory_space<hbm>>) dst(%arg7 : memref<8x128xi32, #tpu.memory_space<vmem>>)
      tpu.yield
    }) : () -> ()
    %barrier3A = arith.constant 0 : index
    tpu.barrier barrier_id(%barrier3A)
    %dma_start3A = arith.constant 0 : i32
    %dma_start3A_2 = arith.constant 0 : i32
    %dma_start3A_3 = tpu.memref_slice %arg6[%dma_start3A, %dma_start3A_2] : memref<8x128xi32, #tpu.memory_space<vmem>> -> memref<1x128xi32, #tpu.memory_space<vmem>>
    %dma_start3A_4 = tpu.memref_squeeze %dma_start3A_3 : memref<1x128xi32, #tpu.memory_space<vmem>> -> memref<128xi32, #tpu.memory_space<vmem>>
    %dma_start3A_5 = arith.constant 0 : i32
    %dma_start3A_6 = arith.constant 0 : i32
    %dma_start3A_7 = tpu.memref_slice %arg2[%arg0, %dma_start3A_5, %dma_start3A_6] : memref<2x1024x128xf32, #tpu.memory_space<hbm>> -> memref<1x1024x128xf32, #tpu.memory_space<hbm>>
    %dma_start3A_8 = tpu.memref_squeeze %dma_start3A_7 : memref<1x1024x128xf32, #tpu.memory_space<hbm>> -> memref<1024x128xf32, #tpu.memory_space<hbm>>
    %dma_start3A_9 = arith.constant 0 : i32
    %dma_start3A_10 = arith.constant 0 : i32
    %dma_start3A_11 = tpu.memref_slice %dma_start3A_8[%dma_start3A_9, %dma_start3A_10] : memref<1024x128xf32, #tpu.memory_space<hbm>> -> memref<1024x128xf32, #tpu.memory_space<hbm>>
    tpu.enqueue_indirect_dma source(%dma_start3A_11 : memref<1024x128xf32, #tpu.memory_space<hbm>>) target(%arg8 : memref<128x128xf32, #tpu.memory_space<vmem>>) offsets(%dma_start3A_4 : memref<128xi32, #tpu.memory_space<vmem>>) semaphore(%arg10 : memref<!tpu.dma_semaphore, #tpu.memory_space<semaphore_mem>>)
    %dma_wait3A = arith.constant 0 : i32
    %dma_wait3A_12 = arith.constant 0 : i32
    %dma_wait3A_13 = tpu.memref_slice %arg6[%dma_wait3A, %dma_wait3A_12] : memref<8x128xi32, #tpu.memory_space<vmem>> -> memref<1x128xi32, #tpu.memory_space<vmem>>
    %dma_wait3A_14 = tpu.memref_squeeze %dma_wait3A_13 : memref<1x128xi32, #tpu.memory_space<vmem>> -> memref<128xi32, #tpu.memory_space<vmem>>
    %dma_wait3A_15 = arith.constant 0 : i32
    %dma_wait3A_16 = arith.constant 0 : i32
    %dma_wait3A_17 = tpu.memref_slice %arg2[%arg0, %dma_wait3A_15, %dma_wait3A_16] : memref<2x1024x128xf32, #tpu.memory_space<hbm>> -> memref<1x1024x128xf32, #tpu.memory_space<hbm>>
    %dma_wait3A_18 = tpu.memref_squeeze %dma_wait3A_17 : memref<1x1024x128xf32, #tpu.memory_space<hbm>> -> memref<1024x128xf32, #tpu.memory_space<hbm>>
    %dma_wait3A_19 = arith.constant 0 : i32
    %dma_wait3A_20 = arith.constant 0 : i32
    %dma_wait3A_21 = tpu.memref_slice %dma_wait3A_18[%dma_wait3A_19, %dma_wait3A_20] : memref<1024x128xf32, #tpu.memory_space<hbm>> -> memref<1024x128xf32, #tpu.memory_space<hbm>>
    tpu.wait_indirect_dma semaphore(%arg10 : memref<!tpu.dma_semaphore, #tpu.memory_space<semaphore_mem>>) src(%dma_wait3A_21 : memref<1024x128xf32, #tpu.memory_space<hbm>>) dst(%arg8 : memref<128x128xf32, #tpu.memory_space<vmem>>)
    %run_scoped3A_22 = arith.constant 0 : i32
    "tpu.region"() ({
      %run_scoped3A_185 = tpu.sem_alloc : memref<!tpu.dma_semaphore, #tpu.memory_space<semaphore_mem>>
      %dma_start3A_186 = arith.constant 0 : i32
      %dma_start3A_187 = tpu.memref_slice %arg7[%run_scoped3A_22, %dma_start3A_186] : memref<8x128xi32, #tpu.memory_space<vmem>> -> memref<1x128xi32, #tpu.memory_space<vmem>>
      %dma_start3A_188 = tpu.memref_squeeze %dma_start3A_187 : memref<1x128xi32, #tpu.memory_space<vmem>> -> memref<128xi32, #tpu.memory_space<vmem>>
      %dma_start3A_189 = arith.constant 0 : i32
      %dma_start3A_190 = arith.constant 0 : i32
      %dma_start3A_191 = tpu.memref_slice %arg9[%dma_start3A_189, %dma_start3A_190] : memref<1024x128xf32, #tpu.memory_space<vmem_shared>> -> memref<1024x128xf32, #tpu.memory_space<vmem_shared>>
      tpu.enqueue_indirect_dma source(%arg8 : memref<128x128xf32, #tpu.memory_space<vmem>>) target(%dma_start3A_191 : memref<1024x128xf32, #tpu.memory_space<vmem_shared>>) offsets(%dma_start3A_188 : memref<128xi32, #tpu.memory_space<vmem>>) semaphore(%run_scoped3A_185 : memref<!tpu.dma_semaphore, #tpu.memory_space<semaphore_mem>>) {add = true}
      %dma_wait3A_192 = arith.constant 0 : i32
      %dma_wait3A_193 = tpu.memref_slice %arg7[%run_scoped3A_22, %dma_wait3A_192] : memref<8x128xi32, #tpu.memory_space<vmem>> -> memref<1x128xi32, #tpu.memory_space<vmem>>
      %dma_wait3A_194 = tpu.memref_squeeze %dma_wait3A_193 : memref<1x128xi32, #tpu.memory_space<vmem>> -> memref<128xi32, #tpu.memory_space<vmem>>
      %dma_wait3A_195 = arith.constant 0 : i32
      %dma_wait3A_196 = arith.constant 0 : i32
      %dma_wait3A_197 = tpu.memref_slice %arg9[%dma_wait3A_195, %dma_wait3A_196] : memref<1024x128xf32, #tpu.memory_space<vmem_shared>> -> memref<1024x128xf32, #tpu.memory_space<vmem_shared>>
      tpu.wait_indirect_dma semaphore(%run_scoped3A_185 : memref<!tpu.dma_semaphore, #tpu.memory_space<semaphore_mem>>) src(%arg8 : memref<128x128xf32, #tpu.memory_space<vmem>>) dst(%dma_wait3A_197 : memref<1024x128xf32, #tpu.memory_space<vmem_shared>>)
      tpu.yield
    }) : () -> ()
    %dma_start3A_23 = arith.constant 1 : i32
    %dma_start3A_24 = arith.constant 0 : i32
    %dma_start3A_25 = tpu.memref_slice %arg6[%dma_start3A_23, %dma_start3A_24] : memref<8x128xi32, #tpu.memory_space<vmem>> -> memref<1x128xi32, #tpu.memory_space<vmem>>
    %dma_start3A_26 = tpu.memref_squeeze %dma_start3A_25 : memref<1x128xi32, #tpu.memory_space<vmem>> -> memref<128xi32, #tpu.memory_space<vmem>>
    %dma_start3A_27 = arith.constant 0 : i32
    %dma_start3A_28 = arith.constant 0 : i32
    %dma_start3A_29 = tpu.memref_slice %arg2[%arg0, %dma_start3A_27, %dma_start3A_28] : memref<2x1024x128xf32, #tpu.memory_space<hbm>> -> memref<1x1024x128xf32, #tpu.memory_space<hbm>>
    %dma_start3A_30 = tpu.memref_squeeze %dma_start3A_29 : memref<1x1024x128xf32, #tpu.memory_space<hbm>> -> memref<1024x128xf32, #tpu.memory_space<hbm>>
    %dma_start3A_31 = arith.constant 0 : i32
    %dma_start3A_32 = arith.constant 0 : i32
    %dma_start3A_33 = tpu.memref_slice %dma_start3A_30[%dma_start3A_31, %dma_start3A_32] : memref<1024x128xf32, #tpu.memory_space<hbm>> -> memref<1024x128xf32, #tpu.memory_space<hbm>>
    tpu.enqueue_indirect_dma source(%dma_start3A_33 : memref<1024x128xf32, #tpu.memory_space<hbm>>) target(%arg8 : memref<128x128xf32, #tpu.memory_space<vmem>>) offsets(%dma_start3A_26 : memref<128xi32, #tpu.memory_space<vmem>>) semaphore(%arg10 : memref<!tpu.dma_semaphore, #tpu.memory_space<semaphore_mem>>)
    %dma_wait3A_34 = arith.constant 1 : i32
    %dma_wait3A_35 = arith.constant 0 : i32
    %dma_wait3A_36 = tpu.memref_slice %arg6[%dma_wait3A_34, %dma_wait3A_35] : memref<8x128xi32, #tpu.memory_space<vmem>> -> memref<1x128xi32, #tpu.memory_space<vmem>>
    %dma_wait3A_37 = tpu.memref_squeeze %dma_wait3A_36 : memref<1x128xi32, #tpu.memory_space<vmem>> -> memref<128xi32, #tpu.memory_space<vmem>>
    %dma_wait3A_38 = arith.constant 0 : i32
    %dma_wait3A_39 = arith.constant 0 : i32
    %dma_wait3A_40 = tpu.memref_slice %arg2[%arg0, %dma_wait3A_38, %dma_wait3A_39] : memref<2x1024x128xf32, #tpu.memory_space<hbm>> -> memref<1x1024x128xf32, #tpu.memory_space<hbm>>
    %dma_wait3A_41 = tpu.memref_squeeze %dma_wait3A_40 : memref<1x1024x128xf32, #tpu.memory_space<hbm>> -> memref<1024x128xf32, #tpu.memory_space<hbm>>
    %dma_wait3A_42 = arith.constant 0 : i32
    %dma_wait3A_43 = arith.constant 0 : i32
    %dma_wait3A_44 = tpu.memref_slice %dma_wait3A_41[%dma_wait3A_42, %dma_wait3A_43] : memref<1024x128xf32, #tpu.memory_space<hbm>> -> memref<1024x128xf32, #tpu.memory_space<hbm>>
    tpu.wait_indirect_dma semaphore(%arg10 : memref<!tpu.dma_semaphore, #tpu.memory_space<semaphore_mem>>) src(%dma_wait3A_44 : memref<1024x128xf32, #tpu.memory_space<hbm>>) dst(%arg8 : memref<128x128xf32, #tpu.memory_space<vmem>>)
    %run_scoped3A_45 = arith.constant 1 : i32
    "tpu.region"() ({
      %run_scoped3A_185 = tpu.sem_alloc : memref<!tpu.dma_semaphore, #tpu.memory_space<semaphore_mem>>
      %dma_start3A_186 = arith.constant 0 : i32
      %dma_start3A_187 = tpu.memref_slice %arg7[%run_scoped3A_45, %dma_start3A_186] : memref<8x128xi32, #tpu.memory_space<vmem>> -> memref<1x128xi32, #tpu.memory_space<vmem>>
      %dma_start3A_188 = tpu.memref_squeeze %dma_start3A_187 : memref<1x128xi32, #tpu.memory_space<vmem>> -> memref<128xi32, #tpu.memory_space<vmem>>
      %dma_start3A_189 = arith.constant 0 : i32
      %dma_start3A_190 = arith.constant 0 : i32
      %dma_start3A_191 = tpu.memref_slice %arg9[%dma_start3A_189, %dma_start3A_190] : memref<1024x128xf32, #tpu.memory_space<vmem_shared>> -> memref<1024x128xf32, #tpu.memory_space<vmem_shared>>
      tpu.enqueue_indirect_dma source(%arg8 : memref<128x128xf32, #tpu.memory_space<vmem>>) target(%dma_start3A_191 : memref<1024x128xf32, #tpu.memory_space<vmem_shared>>) offsets(%dma_start3A_188 : memref<128xi32, #tpu.memory_space<vmem>>) semaphore(%run_scoped3A_185 : memref<!tpu.dma_semaphore, #tpu.memory_space<semaphore_mem>>) {add = true}
      %dma_wait3A_192 = arith.constant 0 : i32
      %dma_wait3A_193 = tpu.memref_slice %arg7[%run_scoped3A_45, %dma_wait3A_192] : memref<8x128xi32, #tpu.memory_space<vmem>> -> memref<1x128xi32, #tpu.memory_space<vmem>>
      %dma_wait3A_194 = tpu.memref_squeeze %dma_wait3A_193 : memref<1x128xi32, #tpu.memory_space<vmem>> -> memref<128xi32, #tpu.memory_space<vmem>>
      %dma_wait3A_195 = arith.constant 0 : i32
      %dma_wait3A_196 = arith.constant 0 : i32
      %dma_wait3A_197 = tpu.memref_slice %arg9[%dma_wait3A_195, %dma_wait3A_196] : memref<1024x128xf32, #tpu.memory_space<vmem_shared>> -> memref<1024x128xf32, #tpu.memory_space<vmem_shared>>
      tpu.wait_indirect_dma semaphore(%run_scoped3A_185 : memref<!tpu.dma_semaphore, #tpu.memory_space<semaphore_mem>>) src(%arg8 : memref<128x128xf32, #tpu.memory_space<vmem>>) dst(%dma_wait3A_197 : memref<1024x128xf32, #tpu.memory_space<vmem_shared>>)
      tpu.yield
    }) : () -> ()
    %dma_start3A_46 = arith.constant 2 : i32
    %dma_start3A_47 = arith.constant 0 : i32
    %dma_start3A_48 = tpu.memref_slice %arg6[%dma_start3A_46, %dma_start3A_47] : memref<8x128xi32, #tpu.memory_space<vmem>> -> memref<1x128xi32, #tpu.memory_space<vmem>>
    %dma_start3A_49 = tpu.memref_squeeze %dma_start3A_48 : memref<1x128xi32, #tpu.memory_space<vmem>> -> memref<128xi32, #tpu.memory_space<vmem>>
    %dma_start3A_50 = arith.constant 0 : i32
    %dma_start3A_51 = arith.constant 0 : i32
    %dma_start3A_52 = tpu.memref_slice %arg2[%arg0, %dma_start3A_50, %dma_start3A_51] : memref<2x1024x128xf32, #tpu.memory_space<hbm>> -> memref<1x1024x128xf32, #tpu.memory_space<hbm>>
    %dma_start3A_53 = tpu.memref_squeeze %dma_start3A_52 : memref<1x1024x128xf32, #tpu.memory_space<hbm>> -> memref<1024x128xf32, #tpu.memory_space<hbm>>
    %dma_start3A_54 = arith.constant 0 : i32
    %dma_start3A_55 = arith.constant 0 : i32
    %dma_start3A_56 = tpu.memref_slice %dma_start3A_53[%dma_start3A_54, %dma_start3A_55] : memref<1024x128xf32, #tpu.memory_space<hbm>> -> memref<1024x128xf32, #tpu.memory_space<hbm>>
    tpu.enqueue_indirect_dma source(%dma_start3A_56 : memref<1024x128xf32, #tpu.memory_space<hbm>>) target(%arg8 : memref<128x128xf32, #tpu.memory_space<vmem>>) offsets(%dma_start3A_49 : memref<128xi32, #tpu.memory_space<vmem>>) semaphore(%arg10 : memref<!tpu.dma_semaphore, #tpu.memory_space<semaphore_mem>>)
    %dma_wait3A_57 = arith.constant 2 : i32
    %dma_wait3A_58 = arith.constant 0 : i32
    %dma_wait3A_59 = tpu.memref_slice %arg6[%dma_wait3A_57, %dma_wait3A_58] : memref<8x128xi32, #tpu.memory_space<vmem>> -> memref<1x128xi32, #tpu.memory_space<vmem>>
    %dma_wait3A_60 = tpu.memref_squeeze %dma_wait3A_59 : memref<1x128xi32, #tpu.memory_space<vmem>> -> memref<128xi32, #tpu.memory_space<vmem>>
    %dma_wait3A_61 = arith.constant 0 : i32
    %dma_wait3A_62 = arith.constant 0 : i32
    %dma_wait3A_63 = tpu.memref_slice %arg2[%arg0, %dma_wait3A_61, %dma_wait3A_62] : memref<2x1024x128xf32, #tpu.memory_space<hbm>> -> memref<1x1024x128xf32, #tpu.memory_space<hbm>>
    %dma_wait3A_64 = tpu.memref_squeeze %dma_wait3A_63 : memref<1x1024x128xf32, #tpu.memory_space<hbm>> -> memref<1024x128xf32, #tpu.memory_space<hbm>>
    %dma_wait3A_65 = arith.constant 0 : i32
    %dma_wait3A_66 = arith.constant 0 : i32
    %dma_wait3A_67 = tpu.memref_slice %dma_wait3A_64[%dma_wait3A_65, %dma_wait3A_66] : memref<1024x128xf32, #tpu.memory_space<hbm>> -> memref<1024x128xf32, #tpu.memory_space<hbm>>
    tpu.wait_indirect_dma semaphore(%arg10 : memref<!tpu.dma_semaphore, #tpu.memory_space<semaphore_mem>>) src(%dma_wait3A_67 : memref<1024x128xf32, #tpu.memory_space<hbm>>) dst(%arg8 : memref<128x128xf32, #tpu.memory_space<vmem>>)
    %run_scoped3A_68 = arith.constant 2 : i32
    "tpu.region"() ({
      %run_scoped3A_185 = tpu.sem_alloc : memref<!tpu.dma_semaphore, #tpu.memory_space<semaphore_mem>>
      %dma_start3A_186 = arith.constant 0 : i32
      %dma_start3A_187 = tpu.memref_slice %arg7[%run_scoped3A_68, %dma_start3A_186] : memref<8x128xi32, #tpu.memory_space<vmem>> -> memref<1x128xi32, #tpu.memory_space<vmem>>
      %dma_start3A_188 = tpu.memref_squeeze %dma_start3A_187 : memref<1x128xi32, #tpu.memory_space<vmem>> -> memref<128xi32, #tpu.memory_space<vmem>>
      %dma_start3A_189 = arith.constant 0 : i32
      %dma_start3A_190 = arith.constant 0 : i32
      %dma_start3A_191 = tpu.memref_slice %arg9[%dma_start3A_189, %dma_start3A_190] : memref<1024x128xf32, #tpu.memory_space<vmem_shared>> -> memref<1024x128xf32, #tpu.memory_space<vmem_shared>>
      tpu.enqueue_indirect_dma source(%arg8 : memref<128x128xf32, #tpu.memory_space<vmem>>) target(%dma_start3A_191 : memref<1024x128xf32, #tpu.memory_space<vmem_shared>>) offsets(%dma_start3A_188 : memref<128xi32, #tpu.memory_space<vmem>>) semaphore(%run_scoped3A_185 : memref<!tpu.dma_semaphore, #tpu.memory_space<semaphore_mem>>) {add = true}
      %dma_wait3A_192 = arith.constant 0 : i32
      %dma_wait3A_193 = tpu.memref_slice %arg7[%run_scoped3A_68, %dma_wait3A_192] : memref<8x128xi32, #tpu.memory_space<vmem>> -> memref<1x128xi32, #tpu.memory_space<vmem>>
      %dma_wait3A_194 = tpu.memref_squeeze %dma_wait3A_193 : memref<1x128xi32, #tpu.memory_space<vmem>> -> memref<128xi32, #tpu.memory_space<vmem>>
      %dma_wait3A_195 = arith.constant 0 : i32
      %dma_wait3A_196 = arith.constant 0 : i32
      %dma_wait3A_197 = tpu.memref_slice %arg9[%dma_wait3A_195, %dma_wait3A_196] : memref<1024x128xf32, #tpu.memory_space<vmem_shared>> -> memref<1024x128xf32, #tpu.memory_space<vmem_shared>>
      tpu.wait_indirect_dma semaphore(%run_scoped3A_185 : memref<!tpu.dma_semaphore, #tpu.memory_space<semaphore_mem>>) src(%arg8 : memref<128x128xf32, #tpu.memory_space<vmem>>) dst(%dma_wait3A_197 : memref<1024x128xf32, #tpu.memory_space<vmem_shared>>)
      tpu.yield
    }) : () -> ()
    %dma_start3A_69 = arith.constant 3 : i32
    %dma_start3A_70 = arith.constant 0 : i32
    %dma_start3A_71 = tpu.memref_slice %arg6[%dma_start3A_69, %dma_start3A_70] : memref<8x128xi32, #tpu.memory_space<vmem>> -> memref<1x128xi32, #tpu.memory_space<vmem>>
    %dma_start3A_72 = tpu.memref_squeeze %dma_start3A_71 : memref<1x128xi32, #tpu.memory_space<vmem>> -> memref<128xi32, #tpu.memory_space<vmem>>
    %dma_start3A_73 = arith.constant 0 : i32
    %dma_start3A_74 = arith.constant 0 : i32
    %dma_start3A_75 = tpu.memref_slice %arg2[%arg0, %dma_start3A_73, %dma_start3A_74] : memref<2x1024x128xf32, #tpu.memory_space<hbm>> -> memref<1x1024x128xf32, #tpu.memory_space<hbm>>
    %dma_start3A_76 = tpu.memref_squeeze %dma_start3A_75 : memref<1x1024x128xf32, #tpu.memory_space<hbm>> -> memref<1024x128xf32, #tpu.memory_space<hbm>>
    %dma_start3A_77 = arith.constant 0 : i32
    %dma_start3A_78 = arith.constant 0 : i32
    %dma_start3A_79 = tpu.memref_slice %dma_start3A_76[%dma_start3A_77, %dma_start3A_78] : memref<1024x128xf32, #tpu.memory_space<hbm>> -> memref<1024x128xf32, #tpu.memory_space<hbm>>
    tpu.enqueue_indirect_dma source(%dma_start3A_79 : memref<1024x128xf32, #tpu.memory_space<hbm>>) target(%arg8 : memref<128x128xf32, #tpu.memory_space<vmem>>) offsets(%dma_start3A_72 : memref<128xi32, #tpu.memory_space<vmem>>) semaphore(%arg10 : memref<!tpu.dma_semaphore, #tpu.memory_space<semaphore_mem>>)
    %dma_wait3A_80 = arith.constant 3 : i32
    %dma_wait3A_81 = arith.constant 0 : i32
    %dma_wait3A_82 = tpu.memref_slice %arg6[%dma_wait3A_80, %dma_wait3A_81] : memref<8x128xi32, #tpu.memory_space<vmem>> -> memref<1x128xi32, #tpu.memory_space<vmem>>
    %dma_wait3A_83 = tpu.memref_squeeze %dma_wait3A_82 : memref<1x128xi32, #tpu.memory_space<vmem>> -> memref<128xi32, #tpu.memory_space<vmem>>
    %dma_wait3A_84 = arith.constant 0 : i32
    %dma_wait3A_85 = arith.constant 0 : i32
    %dma_wait3A_86 = tpu.memref_slice %arg2[%arg0, %dma_wait3A_84, %dma_wait3A_85] : memref<2x1024x128xf32, #tpu.memory_space<hbm>> -> memref<1x1024x128xf32, #tpu.memory_space<hbm>>
    %dma_wait3A_87 = tpu.memref_squeeze %dma_wait3A_86 : memref<1x1024x128xf32, #tpu.memory_space<hbm>> -> memref<1024x128xf32, #tpu.memory_space<hbm>>
    %dma_wait3A_88 = arith.constant 0 : i32
    %dma_wait3A_89 = arith.constant 0 : i32
    %dma_wait3A_90 = tpu.memref_slice %dma_wait3A_87[%dma_wait3A_88, %dma_wait3A_89] : memref<1024x128xf32, #tpu.memory_space<hbm>> -> memref<1024x128xf32, #tpu.memory_space<hbm>>
    tpu.wait_indirect_dma semaphore(%arg10 : memref<!tpu.dma_semaphore, #tpu.memory_space<semaphore_mem>>) src(%dma_wait3A_90 : memref<1024x128xf32, #tpu.memory_space<hbm>>) dst(%arg8 : memref<128x128xf32, #tpu.memory_space<vmem>>)
    %run_scoped3A_91 = arith.constant 3 : i32
    "tpu.region"() ({
      %run_scoped3A_185 = tpu.sem_alloc : memref<!tpu.dma_semaphore, #tpu.memory_space<semaphore_mem>>
      %dma_start3A_186 = arith.constant 0 : i32
      %dma_start3A_187 = tpu.memref_slice %arg7[%run_scoped3A_91, %dma_start3A_186] : memref<8x128xi32, #tpu.memory_space<vmem>> -> memref<1x128xi32, #tpu.memory_space<vmem>>
      %dma_start3A_188 = tpu.memref_squeeze %dma_start3A_187 : memref<1x128xi32, #tpu.memory_space<vmem>> -> memref<128xi32, #tpu.memory_space<vmem>>
      %dma_start3A_189 = arith.constant 0 : i32
      %dma_start3A_190 = arith.constant 0 : i32
      %dma_start3A_191 = tpu.memref_slice %arg9[%dma_start3A_189, %dma_start3A_190] : memref<1024x128xf32, #tpu.memory_space<vmem_shared>> -> memref<1024x128xf32, #tpu.memory_space<vmem_shared>>
      tpu.enqueue_indirect_dma source(%arg8 : memref<128x128xf32, #tpu.memory_space<vmem>>) target(%dma_start3A_191 : memref<1024x128xf32, #tpu.memory_space<vmem_shared>>) offsets(%dma_start3A_188 : memref<128xi32, #tpu.memory_space<vmem>>) semaphore(%run_scoped3A_185 : memref<!tpu.dma_semaphore, #tpu.memory_space<semaphore_mem>>) {add = true}
      %dma_wait3A_192 = arith.constant 0 : i32
      %dma_wait3A_193 = tpu.memref_slice %arg7[%run_scoped3A_91, %dma_wait3A_192] : memref<8x128xi32, #tpu.memory_space<vmem>> -> memref<1x128xi32, #tpu.memory_space<vmem>>
      %dma_wait3A_194 = tpu.memref_squeeze %dma_wait3A_193 : memref<1x128xi32, #tpu.memory_space<vmem>> -> memref<128xi32, #tpu.memory_space<vmem>>
      %dma_wait3A_195 = arith.constant 0 : i32
      %dma_wait3A_196 = arith.constant 0 : i32
      %dma_wait3A_197 = tpu.memref_slice %arg9[%dma_wait3A_195, %dma_wait3A_196] : memref<1024x128xf32, #tpu.memory_space<vmem_shared>> -> memref<1024x128xf32, #tpu.memory_space<vmem_shared>>
      tpu.wait_indirect_dma semaphore(%run_scoped3A_185 : memref<!tpu.dma_semaphore, #tpu.memory_space<semaphore_mem>>) src(%arg8 : memref<128x128xf32, #tpu.memory_space<vmem>>) dst(%dma_wait3A_197 : memref<1024x128xf32, #tpu.memory_space<vmem_shared>>)
      tpu.yield
    }) : () -> ()
    %dma_start3A_92 = arith.constant 4 : i32
    %dma_start3A_93 = arith.constant 0 : i32
    %dma_start3A_94 = tpu.memref_slice %arg6[%dma_start3A_92, %dma_start3A_93] : memref<8x128xi32, #tpu.memory_space<vmem>> -> memref<1x128xi32, #tpu.memory_space<vmem>>
    %dma_start3A_95 = tpu.memref_squeeze %dma_start3A_94 : memref<1x128xi32, #tpu.memory_space<vmem>> -> memref<128xi32, #tpu.memory_space<vmem>>
    %dma_start3A_96 = arith.constant 0 : i32
    %dma_start3A_97 = arith.constant 0 : i32
    %dma_start3A_98 = tpu.memref_slice %arg2[%arg0, %dma_start3A_96, %dma_start3A_97] : memref<2x1024x128xf32, #tpu.memory_space<hbm>> -> memref<1x1024x128xf32, #tpu.memory_space<hbm>>
    %dma_start3A_99 = tpu.memref_squeeze %dma_start3A_98 : memref<1x1024x128xf32, #tpu.memory_space<hbm>> -> memref<1024x128xf32, #tpu.memory_space<hbm>>
    %dma_start3A_100 = arith.constant 0 : i32
    %dma_start3A_101 = arith.constant 0 : i32
    %dma_start3A_102 = tpu.memref_slice %dma_start3A_99[%dma_start3A_100, %dma_start3A_101] : memref<1024x128xf32, #tpu.memory_space<hbm>> -> memref<1024x128xf32, #tpu.memory_space<hbm>>
    tpu.enqueue_indirect_dma source(%dma_start3A_102 : memref<1024x128xf32, #tpu.memory_space<hbm>>) target(%arg8 : memref<128x128xf32, #tpu.memory_space<vmem>>) offsets(%dma_start3A_95 : memref<128xi32, #tpu.memory_space<vmem>>) semaphore(%arg10 : memref<!tpu.dma_semaphore, #tpu.memory_space<semaphore_mem>>)
    %dma_wait3A_103 = arith.constant 4 : i32
    %dma_wait3A_104 = arith.constant 0 : i32
    %dma_wait3A_105 = tpu.memref_slice %arg6[%dma_wait3A_103, %dma_wait3A_104] : memref<8x128xi32, #tpu.memory_space<vmem>> -> memref<1x128xi32, #tpu.memory_space<vmem>>
    %dma_wait3A_106 = tpu.memref_squeeze %dma_wait3A_105 : memref<1x128xi32, #tpu.memory_space<vmem>> -> memref<128xi32, #tpu.memory_space<vmem>>
    %dma_wait3A_107 = arith.constant 0 : i32
    %dma_wait3A_108 = arith.constant 0 : i32
    %dma_wait3A_109 = tpu.memref_slice %arg2[%arg0, %dma_wait3A_107, %dma_wait3A_108] : memref<2x1024x128xf32, #tpu.memory_space<hbm>> -> memref<1x1024x128xf32, #tpu.memory_space<hbm>>
    %dma_wait3A_110 = tpu.memref_squeeze %dma_wait3A_109 : memref<1x1024x128xf32, #tpu.memory_space<hbm>> -> memref<1024x128xf32, #tpu.memory_space<hbm>>
    %dma_wait3A_111 = arith.constant 0 : i32
    %dma_wait3A_112 = arith.constant 0 : i32
    %dma_wait3A_113 = tpu.memref_slice %dma_wait3A_110[%dma_wait3A_111, %dma_wait3A_112] : memref<1024x128xf32, #tpu.memory_space<hbm>> -> memref<1024x128xf32, #tpu.memory_space<hbm>>
    tpu.wait_indirect_dma semaphore(%arg10 : memref<!tpu.dma_semaphore, #tpu.memory_space<semaphore_mem>>) src(%dma_wait3A_113 : memref<1024x128xf32, #tpu.memory_space<hbm>>) dst(%arg8 : memref<128x128xf32, #tpu.memory_space<vmem>>)
    %run_scoped3A_114 = arith.constant 4 : i32
    "tpu.region"() ({
      %run_scoped3A_185 = tpu.sem_alloc : memref<!tpu.dma_semaphore, #tpu.memory_space<semaphore_mem>>
      %dma_start3A_186 = arith.constant 0 : i32
      %dma_start3A_187 = tpu.memref_slice %arg7[%run_scoped3A_114, %dma_start3A_186] : memref<8x128xi32, #tpu.memory_space<vmem>> -> memref<1x128xi32, #tpu.memory_space<vmem>>
      %dma_start3A_188 = tpu.memref_squeeze %dma_start3A_187 : memref<1x128xi32, #tpu.memory_space<vmem>> -> memref<128xi32, #tpu.memory_space<vmem>>
      %dma_start3A_189 = arith.constant 0 : i32
      %dma_start3A_190 = arith.constant 0 : i32
      %dma_start3A_191 = tpu.memref_slice %arg9[%dma_start3A_189, %dma_start3A_190] : memref<1024x128xf32, #tpu.memory_space<vmem_shared>> -> memref<1024x128xf32, #tpu.memory_space<vmem_shared>>
      tpu.enqueue_indirect_dma source(%arg8 : memref<128x128xf32, #tpu.memory_space<vmem>>) target(%dma_start3A_191 : memref<1024x128xf32, #tpu.memory_space<vmem_shared>>) offsets(%dma_start3A_188 : memref<128xi32, #tpu.memory_space<vmem>>) semaphore(%run_scoped3A_185 : memref<!tpu.dma_semaphore, #tpu.memory_space<semaphore_mem>>) {add = true}
      %dma_wait3A_192 = arith.constant 0 : i32
      %dma_wait3A_193 = tpu.memref_slice %arg7[%run_scoped3A_114, %dma_wait3A_192] : memref<8x128xi32, #tpu.memory_space<vmem>> -> memref<1x128xi32, #tpu.memory_space<vmem>>
      %dma_wait3A_194 = tpu.memref_squeeze %dma_wait3A_193 : memref<1x128xi32, #tpu.memory_space<vmem>> -> memref<128xi32, #tpu.memory_space<vmem>>
      %dma_wait3A_195 = arith.constant 0 : i32
      %dma_wait3A_196 = arith.constant 0 : i32
      %dma_wait3A_197 = tpu.memref_slice %arg9[%dma_wait3A_195, %dma_wait3A_196] : memref<1024x128xf32, #tpu.memory_space<vmem_shared>> -> memref<1024x128xf32, #tpu.memory_space<vmem_shared>>
      tpu.wait_indirect_dma semaphore(%run_scoped3A_185 : memref<!tpu.dma_semaphore, #tpu.memory_space<semaphore_mem>>) src(%arg8 : memref<128x128xf32, #tpu.memory_space<vmem>>) dst(%dma_wait3A_197 : memref<1024x128xf32, #tpu.memory_space<vmem_shared>>)
      tpu.yield
    }) : () -> ()
    %dma_start3A_115 = arith.constant 5 : i32
    %dma_start3A_116 = arith.constant 0 : i32
    %dma_start3A_117 = tpu.memref_slice %arg6[%dma_start3A_115, %dma_start3A_116] : memref<8x128xi32, #tpu.memory_space<vmem>> -> memref<1x128xi32, #tpu.memory_space<vmem>>
    %dma_start3A_118 = tpu.memref_squeeze %dma_start3A_117 : memref<1x128xi32, #tpu.memory_space<vmem>> -> memref<128xi32, #tpu.memory_space<vmem>>
    %dma_start3A_119 = arith.constant 0 : i32
    %dma_start3A_120 = arith.constant 0 : i32
    %dma_start3A_121 = tpu.memref_slice %arg2[%arg0, %dma_start3A_119, %dma_start3A_120] : memref<2x1024x128xf32, #tpu.memory_space<hbm>> -> memref<1x1024x128xf32, #tpu.memory_space<hbm>>
    %dma_start3A_122 = tpu.memref_squeeze %dma_start3A_121 : memref<1x1024x128xf32, #tpu.memory_space<hbm>> -> memref<1024x128xf32, #tpu.memory_space<hbm>>
    %dma_start3A_123 = arith.constant 0 : i32
    %dma_start3A_124 = arith.constant 0 : i32
    %dma_start3A_125 = tpu.memref_slice %dma_start3A_122[%dma_start3A_123, %dma_start3A_124] : memref<1024x128xf32, #tpu.memory_space<hbm>> -> memref<1024x128xf32, #tpu.memory_space<hbm>>
    tpu.enqueue_indirect_dma source(%dma_start3A_125 : memref<1024x128xf32, #tpu.memory_space<hbm>>) target(%arg8 : memref<128x128xf32, #tpu.memory_space<vmem>>) offsets(%dma_start3A_118 : memref<128xi32, #tpu.memory_space<vmem>>) semaphore(%arg10 : memref<!tpu.dma_semaphore, #tpu.memory_space<semaphore_mem>>)
    %dma_wait3A_126 = arith.constant 5 : i32
    %dma_wait3A_127 = arith.constant 0 : i32
    %dma_wait3A_128 = tpu.memref_slice %arg6[%dma_wait3A_126, %dma_wait3A_127] : memref<8x128xi32, #tpu.memory_space<vmem>> -> memref<1x128xi32, #tpu.memory_space<vmem>>
    %dma_wait3A_129 = tpu.memref_squeeze %dma_wait3A_128 : memref<1x128xi32, #tpu.memory_space<vmem>> -> memref<128xi32, #tpu.memory_space<vmem>>
    %dma_wait3A_130 = arith.constant 0 : i32
    %dma_wait3A_131 = arith.constant 0 : i32
    %dma_wait3A_132 = tpu.memref_slice %arg2[%arg0, %dma_wait3A_130, %dma_wait3A_131] : memref<2x1024x128xf32, #tpu.memory_space<hbm>> -> memref<1x1024x128xf32, #tpu.memory_space<hbm>>
    %dma_wait3A_133 = tpu.memref_squeeze %dma_wait3A_132 : memref<1x1024x128xf32, #tpu.memory_space<hbm>> -> memref<1024x128xf32, #tpu.memory_space<hbm>>
    %dma_wait3A_134 = arith.constant 0 : i32
    %dma_wait3A_135 = arith.constant 0 : i32
    %dma_wait3A_136 = tpu.memref_slice %dma_wait3A_133[%dma_wait3A_134, %dma_wait3A_135] : memref<1024x128xf32, #tpu.memory_space<hbm>> -> memref<1024x128xf32, #tpu.memory_space<hbm>>
    tpu.wait_indirect_dma semaphore(%arg10 : memref<!tpu.dma_semaphore, #tpu.memory_space<semaphore_mem>>) src(%dma_wait3A_136 : memref<1024x128xf32, #tpu.memory_space<hbm>>) dst(%arg8 : memref<128x128xf32, #tpu.memory_space<vmem>>)
    %run_scoped3A_137 = arith.constant 5 : i32
    "tpu.region"() ({
      %run_scoped3A_185 = tpu.sem_alloc : memref<!tpu.dma_semaphore, #tpu.memory_space<semaphore_mem>>
      %dma_start3A_186 = arith.constant 0 : i32
      %dma_start3A_187 = tpu.memref_slice %arg7[%run_scoped3A_137, %dma_start3A_186] : memref<8x128xi32, #tpu.memory_space<vmem>> -> memref<1x128xi32, #tpu.memory_space<vmem>>
      %dma_start3A_188 = tpu.memref_squeeze %dma_start3A_187 : memref<1x128xi32, #tpu.memory_space<vmem>> -> memref<128xi32, #tpu.memory_space<vmem>>
      %dma_start3A_189 = arith.constant 0 : i32
      %dma_start3A_190 = arith.constant 0 : i32
      %dma_start3A_191 = tpu.memref_slice %arg9[%dma_start3A_189, %dma_start3A_190] : memref<1024x128xf32, #tpu.memory_space<vmem_shared>> -> memref<1024x128xf32, #tpu.memory_space<vmem_shared>>
      tpu.enqueue_indirect_dma source(%arg8 : memref<128x128xf32, #tpu.memory_space<vmem>>) target(%dma_start3A_191 : memref<1024x128xf32, #tpu.memory_space<vmem_shared>>) offsets(%dma_start3A_188 : memref<128xi32, #tpu.memory_space<vmem>>) semaphore(%run_scoped3A_185 : memref<!tpu.dma_semaphore, #tpu.memory_space<semaphore_mem>>) {add = true}
      %dma_wait3A_192 = arith.constant 0 : i32
      %dma_wait3A_193 = tpu.memref_slice %arg7[%run_scoped3A_137, %dma_wait3A_192] : memref<8x128xi32, #tpu.memory_space<vmem>> -> memref<1x128xi32, #tpu.memory_space<vmem>>
      %dma_wait3A_194 = tpu.memref_squeeze %dma_wait3A_193 : memref<1x128xi32, #tpu.memory_space<vmem>> -> memref<128xi32, #tpu.memory_space<vmem>>
      %dma_wait3A_195 = arith.constant 0 : i32
      %dma_wait3A_196 = arith.constant 0 : i32
      %dma_wait3A_197 = tpu.memref_slice %arg9[%dma_wait3A_195, %dma_wait3A_196] : memref<1024x128xf32, #tpu.memory_space<vmem_shared>> -> memref<1024x128xf32, #tpu.memory_space<vmem_shared>>
      tpu.wait_indirect_dma semaphore(%run_scoped3A_185 : memref<!tpu.dma_semaphore, #tpu.memory_space<semaphore_mem>>) src(%arg8 : memref<128x128xf32, #tpu.memory_space<vmem>>) dst(%dma_wait3A_197 : memref<1024x128xf32, #tpu.memory_space<vmem_shared>>)
      tpu.yield
    }) : () -> ()
    %dma_start3A_138 = arith.constant 6 : i32
    %dma_start3A_139 = arith.constant 0 : i32
    %dma_start3A_140 = tpu.memref_slice %arg6[%dma_start3A_138, %dma_start3A_139] : memref<8x128xi32, #tpu.memory_space<vmem>> -> memref<1x128xi32, #tpu.memory_space<vmem>>
    %dma_start3A_141 = tpu.memref_squeeze %dma_start3A_140 : memref<1x128xi32, #tpu.memory_space<vmem>> -> memref<128xi32, #tpu.memory_space<vmem>>
    %dma_start3A_142 = arith.constant 0 : i32
    %dma_start3A_143 = arith.constant 0 : i32
    %dma_start3A_144 = tpu.memref_slice %arg2[%arg0, %dma_start3A_142, %dma_start3A_143] : memref<2x1024x128xf32, #tpu.memory_space<hbm>> -> memref<1x1024x128xf32, #tpu.memory_space<hbm>>
    %dma_start3A_145 = tpu.memref_squeeze %dma_start3A_144 : memref<1x1024x128xf32, #tpu.memory_space<hbm>> -> memref<1024x128xf32, #tpu.memory_space<hbm>>
    %dma_start3A_146 = arith.constant 0 : i32
    %dma_start3A_147 = arith.constant 0 : i32
    %dma_start3A_148 = tpu.memref_slice %dma_start3A_145[%dma_start3A_146, %dma_start3A_147] : memref<1024x128xf32, #tpu.memory_space<hbm>> -> memref<1024x128xf32, #tpu.memory_space<hbm>>
    tpu.enqueue_indirect_dma source(%dma_start3A_148 : memref<1024x128xf32, #tpu.memory_space<hbm>>) target(%arg8 : memref<128x128xf32, #tpu.memory_space<vmem>>) offsets(%dma_start3A_141 : memref<128xi32, #tpu.memory_space<vmem>>) semaphore(%arg10 : memref<!tpu.dma_semaphore, #tpu.memory_space<semaphore_mem>>)
    %dma_wait3A_149 = arith.constant 6 : i32
    %dma_wait3A_150 = arith.constant 0 : i32
    %dma_wait3A_151 = tpu.memref_slice %arg6[%dma_wait3A_149, %dma_wait3A_150] : memref<8x128xi32, #tpu.memory_space<vmem>> -> memref<1x128xi32, #tpu.memory_space<vmem>>
    %dma_wait3A_152 = tpu.memref_squeeze %dma_wait3A_151 : memref<1x128xi32, #tpu.memory_space<vmem>> -> memref<128xi32, #tpu.memory_space<vmem>>
    %dma_wait3A_153 = arith.constant 0 : i32
    %dma_wait3A_154 = arith.constant 0 : i32
    %dma_wait3A_155 = tpu.memref_slice %arg2[%arg0, %dma_wait3A_153, %dma_wait3A_154] : memref<2x1024x128xf32, #tpu.memory_space<hbm>> -> memref<1x1024x128xf32, #tpu.memory_space<hbm>>
    %dma_wait3A_156 = tpu.memref_squeeze %dma_wait3A_155 : memref<1x1024x128xf32, #tpu.memory_space<hbm>> -> memref<1024x128xf32, #tpu.memory_space<hbm>>
    %dma_wait3A_157 = arith.constant 0 : i32
    %dma_wait3A_158 = arith.constant 0 : i32
    %dma_wait3A_159 = tpu.memref_slice %dma_wait3A_156[%dma_wait3A_157, %dma_wait3A_158] : memref<1024x128xf32, #tpu.memory_space<hbm>> -> memref<1024x128xf32, #tpu.memory_space<hbm>>
    tpu.wait_indirect_dma semaphore(%arg10 : memref<!tpu.dma_semaphore, #tpu.memory_space<semaphore_mem>>) src(%dma_wait3A_159 : memref<1024x128xf32, #tpu.memory_space<hbm>>) dst(%arg8 : memref<128x128xf32, #tpu.memory_space<vmem>>)
    %run_scoped3A_160 = arith.constant 6 : i32
    "tpu.region"() ({
      %run_scoped3A_185 = tpu.sem_alloc : memref<!tpu.dma_semaphore, #tpu.memory_space<semaphore_mem>>
      %dma_start3A_186 = arith.constant 0 : i32
      %dma_start3A_187 = tpu.memref_slice %arg7[%run_scoped3A_160, %dma_start3A_186] : memref<8x128xi32, #tpu.memory_space<vmem>> -> memref<1x128xi32, #tpu.memory_space<vmem>>
      %dma_start3A_188 = tpu.memref_squeeze %dma_start3A_187 : memref<1x128xi32, #tpu.memory_space<vmem>> -> memref<128xi32, #tpu.memory_space<vmem>>
      %dma_start3A_189 = arith.constant 0 : i32
      %dma_start3A_190 = arith.constant 0 : i32
      %dma_start3A_191 = tpu.memref_slice %arg9[%dma_start3A_189, %dma_start3A_190] : memref<1024x128xf32, #tpu.memory_space<vmem_shared>> -> memref<1024x128xf32, #tpu.memory_space<vmem_shared>>
      tpu.enqueue_indirect_dma source(%arg8 : memref<128x128xf32, #tpu.memory_space<vmem>>) target(%dma_start3A_191 : memref<1024x128xf32, #tpu.memory_space<vmem_shared>>) offsets(%dma_start3A_188 : memref<128xi32, #tpu.memory_space<vmem>>) semaphore(%run_scoped3A_185 : memref<!tpu.dma_semaphore, #tpu.memory_space<semaphore_mem>>) {add = true}
      %dma_wait3A_192 = arith.constant 0 : i32
      %dma_wait3A_193 = tpu.memref_slice %arg7[%run_scoped3A_160, %dma_wait3A_192] : memref<8x128xi32, #tpu.memory_space<vmem>> -> memref<1x128xi32, #tpu.memory_space<vmem>>
      %dma_wait3A_194 = tpu.memref_squeeze %dma_wait3A_193 : memref<1x128xi32, #tpu.memory_space<vmem>> -> memref<128xi32, #tpu.memory_space<vmem>>
      %dma_wait3A_195 = arith.constant 0 : i32
      %dma_wait3A_196 = arith.constant 0 : i32
      %dma_wait3A_197 = tpu.memref_slice %arg9[%dma_wait3A_195, %dma_wait3A_196] : memref<1024x128xf32, #tpu.memory_space<vmem_shared>> -> memref<1024x128xf32, #tpu.memory_space<vmem_shared>>
      tpu.wait_indirect_dma semaphore(%run_scoped3A_185 : memref<!tpu.dma_semaphore, #tpu.memory_space<semaphore_mem>>) src(%arg8 : memref<128x128xf32, #tpu.memory_space<vmem>>) dst(%dma_wait3A_197 : memref<1024x128xf32, #tpu.memory_space<vmem_shared>>)
      tpu.yield
    }) : () -> ()
    %dma_start3A_161 = arith.constant 7 : i32
    %dma_start3A_162 = arith.constant 0 : i32
    %dma_start3A_163 = tpu.memref_slice %arg6[%dma_start3A_161, %dma_start3A_162] : memref<8x128xi32, #tpu.memory_space<vmem>> -> memref<1x128xi32, #tpu.memory_space<vmem>>
    %dma_start3A_164 = tpu.memref_squeeze %dma_start3A_163 : memref<1x128xi32, #tpu.memory_space<vmem>> -> memref<128xi32, #tpu.memory_space<vmem>>
    %dma_start3A_165 = arith.constant 0 : i32
    %dma_start3A_166 = arith.constant 0 : i32
    %dma_start3A_167 = tpu.memref_slice %arg2[%arg0, %dma_start3A_165, %dma_start3A_166] : memref<2x1024x128xf32, #tpu.memory_space<hbm>> -> memref<1x1024x128xf32, #tpu.memory_space<hbm>>
    %dma_start3A_168 = tpu.memref_squeeze %dma_start3A_167 : memref<1x1024x128xf32, #tpu.memory_space<hbm>> -> memref<1024x128xf32, #tpu.memory_space<hbm>>
    %dma_start3A_169 = arith.constant 0 : i32
    %dma_start3A_170 = arith.constant 0 : i32
    %dma_start3A_171 = tpu.memref_slice %dma_start3A_168[%dma_start3A_169, %dma_start3A_170] : memref<1024x128xf32, #tpu.memory_space<hbm>> -> memref<1024x128xf32, #tpu.memory_space<hbm>>
    tpu.enqueue_indirect_dma source(%dma_start3A_171 : memref<1024x128xf32, #tpu.memory_space<hbm>>) target(%arg8 : memref<128x128xf32, #tpu.memory_space<vmem>>) offsets(%dma_start3A_164 : memref<128xi32, #tpu.memory_space<vmem>>) semaphore(%arg10 : memref<!tpu.dma_semaphore, #tpu.memory_space<semaphore_mem>>)
    %dma_wait3A_172 = arith.constant 7 : i32
    %dma_wait3A_173 = arith.constant 0 : i32
    %dma_wait3A_174 = tpu.memref_slice %arg6[%dma_wait3A_172, %dma_wait3A_173] : memref<8x128xi32, #tpu.memory_space<vmem>> -> memref<1x128xi32, #tpu.memory_space<vmem>>
    %dma_wait3A_175 = tpu.memref_squeeze %dma_wait3A_174 : memref<1x128xi32, #tpu.memory_space<vmem>> -> memref<128xi32, #tpu.memory_space<vmem>>
    %dma_wait3A_176 = arith.constant 0 : i32
    %dma_wait3A_177 = arith.constant 0 : i32
    %dma_wait3A_178 = tpu.memref_slice %arg2[%arg0, %dma_wait3A_176, %dma_wait3A_177] : memref<2x1024x128xf32, #tpu.memory_space<hbm>> -> memref<1x1024x128xf32, #tpu.memory_space<hbm>>
    %dma_wait3A_179 = tpu.memref_squeeze %dma_wait3A_178 : memref<1x1024x128xf32, #tpu.memory_space<hbm>> -> memref<1024x128xf32, #tpu.memory_space<hbm>>
    %dma_wait3A_180 = arith.constant 0 : i32
    %dma_wait3A_181 = arith.constant 0 : i32
    %dma_wait3A_182 = tpu.memref_slice %dma_wait3A_179[%dma_wait3A_180, %dma_wait3A_181] : memref<1024x128xf32, #tpu.memory_space<hbm>> -> memref<1024x128xf32, #tpu.memory_space<hbm>>
    tpu.wait_indirect_dma semaphore(%arg10 : memref<!tpu.dma_semaphore, #tpu.memory_space<semaphore_mem>>) src(%dma_wait3A_182 : memref<1024x128xf32, #tpu.memory_space<hbm>>) dst(%arg8 : memref<128x128xf32, #tpu.memory_space<vmem>>)
    %run_scoped3A_183 = arith.constant 7 : i32
    "tpu.region"() ({
      %run_scoped3A_185 = tpu.sem_alloc : memref<!tpu.dma_semaphore, #tpu.memory_space<semaphore_mem>>
      %dma_start3A_186 = arith.constant 0 : i32
      %dma_start3A_187 = tpu.memref_slice %arg7[%run_scoped3A_183, %dma_start3A_186] : memref<8x128xi32, #tpu.memory_space<vmem>> -> memref<1x128xi32, #tpu.memory_space<vmem>>
      %dma_start3A_188 = tpu.memref_squeeze %dma_start3A_187 : memref<1x128xi32, #tpu.memory_space<vmem>> -> memref<128xi32, #tpu.memory_space<vmem>>
      %dma_start3A_189 = arith.constant 0 : i32
      %dma_start3A_190 = arith.constant 0 : i32
      %dma_start3A_191 = tpu.memref_slice %arg9[%dma_start3A_189, %dma_start3A_190] : memref<1024x128xf32, #tpu.memory_space<vmem_shared>> -> memref<1024x128xf32, #tpu.memory_space<vmem_shared>>
      tpu.enqueue_indirect_dma source(%arg8 : memref<128x128xf32, #tpu.memory_space<vmem>>) target(%dma_start3A_191 : memref<1024x128xf32, #tpu.memory_space<vmem_shared>>) offsets(%dma_start3A_188 : memref<128xi32, #tpu.memory_space<vmem>>) semaphore(%run_scoped3A_185 : memref<!tpu.dma_semaphore, #tpu.memory_space<semaphore_mem>>) {add = true}
      %dma_wait3A_192 = arith.constant 0 : i32
      %dma_wait3A_193 = tpu.memref_slice %arg7[%run_scoped3A_183, %dma_wait3A_192] : memref<8x128xi32, #tpu.memory_space<vmem>> -> memref<1x128xi32, #tpu.memory_space<vmem>>
      %dma_wait3A_194 = tpu.memref_squeeze %dma_wait3A_193 : memref<1x128xi32, #tpu.memory_space<vmem>> -> memref<128xi32, #tpu.memory_space<vmem>>
      %dma_wait3A_195 = arith.constant 0 : i32
      %dma_wait3A_196 = arith.constant 0 : i32
      %dma_wait3A_197 = tpu.memref_slice %arg9[%dma_wait3A_195, %dma_wait3A_196] : memref<1024x128xf32, #tpu.memory_space<vmem_shared>> -> memref<1024x128xf32, #tpu.memory_space<vmem_shared>>
      tpu.wait_indirect_dma semaphore(%run_scoped3A_185 : memref<!tpu.dma_semaphore, #tpu.memory_space<semaphore_mem>>) src(%arg8 : memref<128x128xf32, #tpu.memory_space<vmem>>) dst(%dma_wait3A_197 : memref<1024x128xf32, #tpu.memory_space<vmem_shared>>)
      tpu.yield
    }) : () -> ()
    %barrier3A_184 = arith.constant 0 : index
    tpu.barrier barrier_id(%barrier3A_184)
    "tpu.region"() ({
      %run_scoped3A_185 = tpu.sem_alloc : memref<!tpu.dma_semaphore, #tpu.memory_space<semaphore_mem>>
      %dma_start3A_186 = arith.constant 0 : i32
      %dma_start3A_187 = tpu.memref_slice %arg5[%arg0, %mul3A_0, %dma_start3A_186] : memref<2x1024x128xf32, #tpu.memory_space<hbm>> -> memref<1x64x128xf32, #tpu.memory_space<hbm>>
      %dma_start3A_188 = tpu.memref_squeeze %dma_start3A_187 : memref<1x64x128xf32, #tpu.memory_space<hbm>> -> memref<64x128xf32, #tpu.memory_space<hbm>>
      %dma_start3A_189 = arith.constant 0 : i32
      %dma_start3A_190 = tpu.memref_slice %arg9[%mul3A_0, %dma_start3A_189] : memref<1024x128xf32, #tpu.memory_space<vmem_shared>> -> memref<64x128xf32, #tpu.memory_space<vmem_shared>>
      tpu.enqueue_dma source(%dma_start3A_190 : memref<64x128xf32, #tpu.memory_space<vmem_shared>>) target(%dma_start3A_188 : memref<64x128xf32, #tpu.memory_space<hbm>>) target_semaphore(%run_scoped3A_185 : memref<!tpu.dma_semaphore, #tpu.memory_space<semaphore_mem>>)
      %dma_wait3A_191 = arith.constant 0 : i32
      %dma_wait3A_192 = tpu.memref_slice %arg5[%arg0, %mul3A_0, %dma_wait3A_191] : memref<2x1024x128xf32, #tpu.memory_space<hbm>> -> memref<1x64x128xf32, #tpu.memory_space<hbm>>
      %dma_wait3A_193 = tpu.memref_squeeze %dma_wait3A_192 : memref<1x64x128xf32, #tpu.memory_space<hbm>> -> memref<64x128xf32, #tpu.memory_space<hbm>>
      %dma_wait3A_194 = arith.constant 0 : i32
      %dma_wait3A_195 = tpu.memref_slice %arg9[%mul3A_0, %dma_wait3A_194] : memref<1024x128xf32, #tpu.memory_space<vmem_shared>> -> memref<64x128xf32, #tpu.memory_space<vmem_shared>>
      tpu.wait_dma2 semaphore(%run_scoped3A_185 : memref<!tpu.dma_semaphore, #tpu.memory_space<semaphore_mem>>) src(%dma_wait3A_195 : memref<64x128xf32, #tpu.memory_space<vmem_shared>>) dst(%dma_wait3A_193 : memref<64x128xf32, #tpu.memory_space<hbm>>)
      tpu.yield
    }) : () -> ()
    return
  }
}

module attributes {stable_mosaic.version = 14 : i64} {
  func.func @_dense_body(%arg0: memref<2x1024x128xf32, #tpu.memory_space<vmem>>, %arg1: memref<2x1024x128xf32, #tpu.memory_space<vmem>>, %arg2: memref<1xf32, #tpu.memory_space<smem>>, %arg3: memref<1x128xf32, #tpu.memory_space<vmem>>, %arg4: memref<128x128xf32, #tpu.memory_space<vmem>>, %arg5: memref<128x128xf32, #tpu.memory_space<vmem>>, %arg6: memref<1x128xf32, #tpu.memory_space<vmem>>, %arg7: memref<1x128xf32, #tpu.memory_space<vmem>>, %arg8: memref<1x128xf32, #tpu.memory_space<vmem>>, %arg9: memref<2x1024x128xf32, #tpu.memory_space<vmem>>) attributes {dimension_semantics = [], scalar_prefetch = 0 : i64, scratch_operands = 0 : i64, tpu.core_type = #tpu.core_type<tc>} {
    %get3A = arith.constant 0 : index
    %get3A_0 = memref.load %arg2[%get3A] : memref<1xf32, #tpu.memory_space<smem>>
    %add3A = arith.constant 1.000000e+00 : f32
    %add3A_1 = arith.addf %add3A, %get3A_0 : f32
    %get3A_2 = arith.constant 0 : index
    %get3A_3 = arith.constant 0 : index
    %get3A_4 = arith.constant 0 : index
    %get3A_5 = vector.load %arg0[%get3A_2, %get3A_3, %get3A_4] : memref<2x1024x128xf32, #tpu.memory_space<vmem>>, vector<1x1024x128xf32>
    %get3A_6 = vector.shape_cast %get3A_5 : vector<1x1024x128xf32> to vector<1024x128xf32>
    %mul3A = vector.broadcast %add3A_1 : f32 to vector<1024x128xf32>
    %mul3A_7 = arith.mulf %mul3A, %get3A_6 : vector<1024x128xf32>
    %get3A_8 = arith.constant 0 : index
    %get3A_9 = arith.constant 0 : index
    %get3A_10 = arith.constant 0 : index
    %get3A_11 = vector.load %arg1[%get3A_8, %get3A_9, %get3A_10] : memref<2x1024x128xf32, #tpu.memory_space<vmem>>, vector<1x1024x128xf32>
    %get3A_12 = vector.shape_cast %get3A_11 : vector<1x1024x128xf32> to vector<1024x128xf32>
    %add3A_13 = arith.addf %mul3A_7, %get3A_12 : vector<1024x128xf32>
    %get3A_14 = arith.constant 0 : index
    %get3A_15 = arith.constant 0 : index
    %get3A_16 = vector.load %arg4[%get3A_14, %get3A_15] : memref<128x128xf32, #tpu.memory_space<vmem>>, vector<128x128xf32>
    %dot_general3A = arith.constant dense<0.000000e+00> : vector<1024x128xf32>
    %dot_general3A_17 = tpu.matmul %add3A_13, %get3A_16, %dot_general3A {dimension_numbers = #tpu.dot_dimension_numbers<[1], [0], [0], [1], [0, 0, 1, 1], [], []>, precision = #tpu.contract_precision<fp32>, transpose_lhs_hint = false} : vector<1024x128xf32>, vector<128x128xf32>, vector<1024x128xf32> -> vector<1024x128xf32>
    %get3A_18 = arith.constant 0 : index
    %get3A_19 = arith.constant 0 : index
    %get3A_20 = vector.load %arg3[%get3A_18, %get3A_19] : memref<1x128xf32, #tpu.memory_space<vmem>>, vector<1x128xf32>
    %add3A_21 = vector.broadcast %get3A_20 : vector<1x128xf32> to vector<1024x128xf32>
    %add3A_22 = arith.addf %dot_general3A_17, %add3A_21 : vector<1024x128xf32>
    %max3A = arith.constant 0.000000e+00 : f32
    %max3A_23 = vector.broadcast %max3A : f32 to vector<1024x128xf32>
    %max3A_24 = arith.maximumf %add3A_22, %max3A_23 : vector<1024x128xf32>
    %get3A_25 = arith.constant 0 : index
    %get3A_26 = arith.constant 0 : index
    %get3A_27 = vector.load %arg5[%get3A_25, %get3A_26] : memref<128x128xf32, #tpu.memory_space<vmem>>, vector<128x128xf32>
    %dot_general3A_28 = arith.constant dense<0.000000e+00> : vector<1024x128xf32>
    %dot_general3A_29 = tpu.matmul %max3A_24, %get3A_27, %dot_general3A_28 {dimension_numbers = #tpu.dot_dimension_numbers<[1], [0], [0], [1], [0, 0, 1, 1], [], []>, precision = #tpu.contract_precision<fp32>, transpose_lhs_hint = false} : vector<1024x128xf32>, vector<128x128xf32>, vector<1024x128xf32> -> vector<1024x128xf32>
    %get3A_30 = arith.constant 0 : index
    %get3A_31 = arith.constant 0 : index
    %get3A_32 = vector.load %arg6[%get3A_30, %get3A_31] : memref<1x128xf32, #tpu.memory_space<vmem>>, vector<1x128xf32>
    %add3A_33 = vector.broadcast %get3A_32 : vector<1x128xf32> to vector<1024x128xf32>
    %add3A_34 = arith.addf %dot_general3A_29, %add3A_33 : vector<1024x128xf32>
    %reduce_sum3A = arith.constant dense<0.000000e+00> : vector<128xf32>
    %reduce_sum3A_35 = vector.multi_reduction <add>, %add3A_34, %reduce_sum3A [0] : vector<1024x128xf32> to vector<128xf32>
    %broadcast_in_dim3A = vector.shape_cast %reduce_sum3A_35 : vector<128xf32> to vector<1x128xf32>
    %div3A = arith.constant 1.024000e+03 : f32
    %div3A_36 = vector.broadcast %div3A : f32 to vector<1x128xf32>
    %div3A_37 = arith.divf %broadcast_in_dim3A, %div3A_36 : vector<1x128xf32>
    %sub3A = vector.broadcast %div3A_37 : vector<1x128xf32> to vector<1024x128xf32>
    %sub3A_38 = arith.subf %add3A_34, %sub3A : vector<1024x128xf32>
    %integer_pow3A = arith.mulf %sub3A_38, %sub3A_38 : vector<1024x128xf32>
    %reduce_sum3A_39 = arith.constant dense<0.000000e+00> : vector<128xf32>
    %reduce_sum3A_40 = vector.multi_reduction <add>, %integer_pow3A, %reduce_sum3A_39 [0] : vector<1024x128xf32> to vector<128xf32>
    %broadcast_in_dim3A_41 = vector.shape_cast %reduce_sum3A_40 : vector<128xf32> to vector<1x128xf32>
    %div3A_42 = arith.constant 1.024000e+03 : f32
    %div3A_43 = vector.broadcast %div3A_42 : f32 to vector<1x128xf32>
    %div3A_44 = arith.divf %broadcast_in_dim3A_41, %div3A_43 : vector<1x128xf32>
    %sub3A_45 = vector.broadcast %div3A_37 : vector<1x128xf32> to vector<1024x128xf32>
    %sub3A_46 = arith.subf %add3A_34, %sub3A_45 : vector<1024x128xf32>
    %add3A_47 = arith.constant 9.99999974E-6 : f32
    %add3A_48 = vector.broadcast %add3A_47 : f32 to vector<1x128xf32>
    %add3A_49 = arith.addf %div3A_44, %add3A_48 : vector<1x128xf32>
    %sqrt3A = math.sqrt %add3A_49 : vector<1x128xf32>
    %div3A_50 = vector.broadcast %sqrt3A : vector<1x128xf32> to vector<1024x128xf32>
    %div3A_51 = arith.divf %sub3A_46, %div3A_50 : vector<1024x128xf32>
    %get3A_52 = arith.constant 0 : index
    %get3A_53 = arith.constant 0 : index
    %get3A_54 = vector.load %arg7[%get3A_52, %get3A_53] : memref<1x128xf32, #tpu.memory_space<vmem>>, vector<1x128xf32>
    %mul3A_55 = vector.broadcast %get3A_54 : vector<1x128xf32> to vector<1024x128xf32>
    %mul3A_56 = arith.mulf %div3A_51, %mul3A_55 : vector<1024x128xf32>
    %get3A_57 = arith.constant 0 : index
    %get3A_58 = arith.constant 0 : index
    %get3A_59 = vector.load %arg8[%get3A_57, %get3A_58] : memref<1x128xf32, #tpu.memory_space<vmem>>, vector<1x128xf32>
    %add3A_60 = vector.broadcast %get3A_59 : vector<1x128xf32> to vector<1024x128xf32>
    %add3A_61 = arith.addf %mul3A_56, %add3A_60 : vector<1024x128xf32>
    %max3A_62 = arith.constant 0.000000e+00 : f32
    %max3A_63 = vector.broadcast %max3A_62 : f32 to vector<1024x128xf32>
    %max3A_64 = arith.maximumf %add3A_61, %max3A_63 : vector<1024x128xf32>
    %swap3A = arith.constant 0 : index
    %swap3A_65 = arith.constant 0 : index
    %swap3A_66 = arith.constant 0 : index
    %swap3A_67 = vector.load %arg9[%swap3A, %swap3A_65, %swap3A_66] : memref<2x1024x128xf32, #tpu.memory_space<vmem>>, vector<1x1024x128xf32>
    %swap3A_68 = vector.shape_cast %swap3A_67 : vector<1x1024x128xf32> to vector<1024x128xf32>
    %swap3A_69 = vector.shape_cast %max3A_64 : vector<1024x128xf32> to vector<1x1024x128xf32>
    tpu.vector_store %arg9[%swap3A, %swap3A_65, %swap3A_66], %swap3A_69 {strides = array<i32>} : memref<2x1024x128xf32, #tpu.memory_space<vmem>>, vector<1x1024x128xf32>,
    %add3A_70 = arith.constant 1.000000e+00 : f32
    %add3A_71 = arith.addf %add3A_70, %get3A_0 : f32
    %get3A_72 = arith.constant 1 : index
    %get3A_73 = arith.constant 0 : index
    %get3A_74 = arith.constant 0 : index
    %get3A_75 = vector.load %arg0[%get3A_72, %get3A_73, %get3A_74] : memref<2x1024x128xf32, #tpu.memory_space<vmem>>, vector<1x1024x128xf32>
    %get3A_76 = vector.shape_cast %get3A_75 : vector<1x1024x128xf32> to vector<1024x128xf32>
    %mul3A_77 = vector.broadcast %add3A_71 : f32 to vector<1024x128xf32>
    %mul3A_78 = arith.mulf %mul3A_77, %get3A_76 : vector<1024x128xf32>
    %get3A_79 = arith.constant 1 : index
    %get3A_80 = arith.constant 0 : index
    %get3A_81 = arith.constant 0 : index
    %get3A_82 = vector.load %arg1[%get3A_79, %get3A_80, %get3A_81] : memref<2x1024x128xf32, #tpu.memory_space<vmem>>, vector<1x1024x128xf32>
    %get3A_83 = vector.shape_cast %get3A_82 : vector<1x1024x128xf32> to vector<1024x128xf32>
    %add3A_84 = arith.addf %mul3A_78, %get3A_83 : vector<1024x128xf32>
    %get3A_85 = arith.constant 0 : index
    %get3A_86 = arith.constant 0 : index
    %get3A_87 = vector.load %arg4[%get3A_85, %get3A_86] : memref<128x128xf32, #tpu.memory_space<vmem>>, vector<128x128xf32>
    %dot_general3A_88 = arith.constant dense<0.000000e+00> : vector<1024x128xf32>
    %dot_general3A_89 = tpu.matmul %add3A_84, %get3A_87, %dot_general3A_88 {dimension_numbers = #tpu.dot_dimension_numbers<[1], [0], [0], [1], [0, 0, 1, 1], [], []>, precision = #tpu.contract_precision<fp32>, transpose_lhs_hint = false} : vector<1024x128xf32>, vector<128x128xf32>, vector<1024x128xf32> -> vector<1024x128xf32>
    %get3A_90 = arith.constant 0 : index
    %get3A_91 = arith.constant 0 : index
    %get3A_92 = vector.load %arg3[%get3A_90, %get3A_91] : memref<1x128xf32, #tpu.memory_space<vmem>>, vector<1x128xf32>
    %add3A_93 = vector.broadcast %get3A_92 : vector<1x128xf32> to vector<1024x128xf32>
    %add3A_94 = arith.addf %dot_general3A_89, %add3A_93 : vector<1024x128xf32>
    %max3A_95 = arith.constant 0.000000e+00 : f32
    %max3A_96 = vector.broadcast %max3A_95 : f32 to vector<1024x128xf32>
    %max3A_97 = arith.maximumf %add3A_94, %max3A_96 : vector<1024x128xf32>
    %get3A_98 = arith.constant 0 : index
    %get3A_99 = arith.constant 0 : index
    %get3A_100 = vector.load %arg5[%get3A_98, %get3A_99] : memref<128x128xf32, #tpu.memory_space<vmem>>, vector<128x128xf32>
    %dot_general3A_101 = arith.constant dense<0.000000e+00> : vector<1024x128xf32>
    %dot_general3A_102 = tpu.matmul %max3A_97, %get3A_100, %dot_general3A_101 {dimension_numbers = #tpu.dot_dimension_numbers<[1], [0], [0], [1], [0, 0, 1, 1], [], []>, precision = #tpu.contract_precision<fp32>, transpose_lhs_hint = false} : vector<1024x128xf32>, vector<128x128xf32>, vector<1024x128xf32> -> vector<1024x128xf32>
    %get3A_103 = arith.constant 0 : index
    %get3A_104 = arith.constant 0 : index
    %get3A_105 = vector.load %arg6[%get3A_103, %get3A_104] : memref<1x128xf32, #tpu.memory_space<vmem>>, vector<1x128xf32>
    %add3A_106 = vector.broadcast %get3A_105 : vector<1x128xf32> to vector<1024x128xf32>
    %add3A_107 = arith.addf %dot_general3A_102, %add3A_106 : vector<1024x128xf32>
    %reduce_sum3A_108 = arith.constant dense<0.000000e+00> : vector<128xf32>
    %reduce_sum3A_109 = vector.multi_reduction <add>, %add3A_107, %reduce_sum3A_108 [0] : vector<1024x128xf32> to vector<128xf32>
    %broadcast_in_dim3A_110 = vector.shape_cast %reduce_sum3A_109 : vector<128xf32> to vector<1x128xf32>
    %div3A_111 = arith.constant 1.024000e+03 : f32
    %div3A_112 = vector.broadcast %div3A_111 : f32 to vector<1x128xf32>
    %div3A_113 = arith.divf %broadcast_in_dim3A_110, %div3A_112 : vector<1x128xf32>
    %sub3A_114 = vector.broadcast %div3A_113 : vector<1x128xf32> to vector<1024x128xf32>
    %sub3A_115 = arith.subf %add3A_107, %sub3A_114 : vector<1024x128xf32>
    %integer_pow3A_116 = arith.mulf %sub3A_115, %sub3A_115 : vector<1024x128xf32>
    %reduce_sum3A_117 = arith.constant dense<0.000000e+00> : vector<128xf32>
    %reduce_sum3A_118 = vector.multi_reduction <add>, %integer_pow3A_116, %reduce_sum3A_117 [0] : vector<1024x128xf32> to vector<128xf32>
    %broadcast_in_dim3A_119 = vector.shape_cast %reduce_sum3A_118 : vector<128xf32> to vector<1x128xf32>
    %div3A_120 = arith.constant 1.024000e+03 : f32
    %div3A_121 = vector.broadcast %div3A_120 : f32 to vector<1x128xf32>
    %div3A_122 = arith.divf %broadcast_in_dim3A_119, %div3A_121 : vector<1x128xf32>
    %sub3A_123 = vector.broadcast %div3A_113 : vector<1x128xf32> to vector<1024x128xf32>
    %sub3A_124 = arith.subf %add3A_107, %sub3A_123 : vector<1024x128xf32>
    %add3A_125 = arith.constant 9.99999974E-6 : f32
    %add3A_126 = vector.broadcast %add3A_125 : f32 to vector<1x128xf32>
    %add3A_127 = arith.addf %div3A_122, %add3A_126 : vector<1x128xf32>
    %sqrt3A_128 = math.sqrt %add3A_127 : vector<1x128xf32>
    %div3A_129 = vector.broadcast %sqrt3A_128 : vector<1x128xf32> to vector<1024x128xf32>
    %div3A_130 = arith.divf %sub3A_124, %div3A_129 : vector<1024x128xf32>
    %get3A_131 = arith.constant 0 : index
    %get3A_132 = arith.constant 0 : index
    %get3A_133 = vector.load %arg7[%get3A_131, %get3A_132] : memref<1x128xf32, #tpu.memory_space<vmem>>, vector<1x128xf32>
    %mul3A_134 = vector.broadcast %get3A_133 : vector<1x128xf32> to vector<1024x128xf32>
    %mul3A_135 = arith.mulf %div3A_130, %mul3A_134 : vector<1024x128xf32>
    %get3A_136 = arith.constant 0 : index
    %get3A_137 = arith.constant 0 : index
    %get3A_138 = vector.load %arg8[%get3A_136, %get3A_137] : memref<1x128xf32, #tpu.memory_space<vmem>>, vector<1x128xf32>
    %add3A_139 = vector.broadcast %get3A_138 : vector<1x128xf32> to vector<1024x128xf32>
    %add3A_140 = arith.addf %mul3A_135, %add3A_139 : vector<1024x128xf32>
    %max3A_141 = arith.constant 0.000000e+00 : f32
    %max3A_142 = vector.broadcast %max3A_141 : f32 to vector<1024x128xf32>
    %max3A_143 = arith.maximumf %add3A_140, %max3A_142 : vector<1024x128xf32>
    %swap3A_144 = arith.constant 1 : index
    %swap3A_145 = arith.constant 0 : index
    %swap3A_146 = arith.constant 0 : index
    %swap3A_147 = vector.load %arg9[%swap3A_144, %swap3A_145, %swap3A_146] : memref<2x1024x128xf32, #tpu.memory_space<vmem>>, vector<1x1024x128xf32>
    %swap3A_148 = vector.shape_cast %swap3A_147 : vector<1x1024x128xf32> to vector<1024x128xf32>
    %swap3A_149 = vector.shape_cast %max3A_143 : vector<1024x128xf32> to vector<1x1024x128xf32>
    tpu.vector_store %arg9[%swap3A_144, %swap3A_145, %swap3A_146], %swap3A_149 {strides = array<i32>} : memref<2x1024x128xf32, #tpu.memory_space<vmem>>, vector<1x1024x128xf32>,
    return
  }
}

module attributes {stable_mosaic.version = 14 : i64} {
  func.func @_dense_body(%arg0: memref<2x1024x128xf32, #tpu.memory_space<vmem>>, %arg1: memref<2x1024x128xf32, #tpu.memory_space<vmem>>, %arg2: memref<1xf32, #tpu.memory_space<smem>>, %arg3: memref<1x64xf32, #tpu.memory_space<vmem>>, %arg4: memref<128x64xf32, #tpu.memory_space<vmem>>, %arg5: memref<64x64xf32, #tpu.memory_space<vmem>>, %arg6: memref<1x64xf32, #tpu.memory_space<vmem>>, %arg7: memref<1x64xf32, #tpu.memory_space<vmem>>, %arg8: memref<1x64xf32, #tpu.memory_space<vmem>>, %arg9: memref<2x1024x128xf32, #tpu.memory_space<vmem>>) attributes {dimension_semantics = [], scalar_prefetch = 0 : i64, scratch_operands = 0 : i64, tpu.core_type = #tpu.core_type<tc>} {
    %get3A = arith.constant 0 : index
    %get3A_0 = memref.load %arg2[%get3A] : memref<1xf32, #tpu.memory_space<smem>>
    %add3A = arith.constant 1.000000e+00 : f32
    %add3A_1 = arith.addf %add3A, %get3A_0 : f32
    %get3A_2 = arith.constant 0 : index
    %get3A_3 = arith.constant 0 : index
    %get3A_4 = arith.constant 0 : index
    %get3A_5 = vector.load %arg0[%get3A_2, %get3A_3, %get3A_4] : memref<2x1024x128xf32, #tpu.memory_space<vmem>>, vector<1x1024x128xf32>
    %get3A_6 = vector.shape_cast %get3A_5 : vector<1x1024x128xf32> to vector<1024x128xf32>
    %mul3A = vector.broadcast %add3A_1 : f32 to vector<1024x128xf32>
    %mul3A_7 = arith.mulf %mul3A, %get3A_6 : vector<1024x128xf32>
    %get3A_8 = arith.constant 0 : index
    %get3A_9 = arith.constant 0 : index
    %get3A_10 = arith.constant 0 : index
    %get3A_11 = vector.load %arg1[%get3A_8, %get3A_9, %get3A_10] : memref<2x1024x128xf32, #tpu.memory_space<vmem>>, vector<1x1024x128xf32>
    %get3A_12 = vector.shape_cast %get3A_11 : vector<1x1024x128xf32> to vector<1024x128xf32>
    %add3A_13 = arith.addf %mul3A_7, %get3A_12 : vector<1024x128xf32>
    %get3A_14 = arith.constant 0 : index
    %get3A_15 = arith.constant 0 : index
    %get3A_16 = vector.load %arg4[%get3A_14, %get3A_15] : memref<128x64xf32, #tpu.memory_space<vmem>>, vector<128x64xf32>
    %dot_general3A = arith.constant dense<0.000000e+00> : vector<1024x64xf32>
    %dot_general3A_17 = tpu.matmul %add3A_13, %get3A_16, %dot_general3A {dimension_numbers = #tpu.dot_dimension_numbers<[1], [0], [0], [1], [0, 0, 1, 1], [], []>, precision = #tpu.contract_precision<fp32>, transpose_lhs_hint = false} : vector<1024x128xf32>, vector<128x64xf32>, vector<1024x64xf32> -> vector<1024x64xf32>
    %get3A_18 = arith.constant 0 : index
    %get3A_19 = arith.constant 0 : index
    %get3A_20 = vector.load %arg3[%get3A_18, %get3A_19] : memref<1x64xf32, #tpu.memory_space<vmem>>, vector<1x64xf32>
    %add3A_21 = vector.broadcast %get3A_20 : vector<1x64xf32> to vector<1024x64xf32>
    %add3A_22 = arith.addf %dot_general3A_17, %add3A_21 : vector<1024x64xf32>
    %max3A = arith.constant 0.000000e+00 : f32
    %max3A_23 = vector.broadcast %max3A : f32 to vector<1024x64xf32>
    %max3A_24 = arith.maximumf %add3A_22, %max3A_23 : vector<1024x64xf32>
    %get3A_25 = arith.constant 0 : index
    %get3A_26 = arith.constant 0 : index
    %get3A_27 = vector.load %arg5[%get3A_25, %get3A_26] : memref<64x64xf32, #tpu.memory_space<vmem>>, vector<64x64xf32>
    %dot_general3A_28 = arith.constant dense<0.000000e+00> : vector<1024x64xf32>
    %dot_general3A_29 = tpu.matmul %max3A_24, %get3A_27, %dot_general3A_28 {dimension_numbers = #tpu.dot_dimension_numbers<[1], [0], [0], [1], [0, 0, 1, 1], [], []>, precision = #tpu.contract_precision<fp32>, transpose_lhs_hint = false} : vector<1024x64xf32>, vector<64x64xf32>, vector<1024x64xf32> -> vector<1024x64xf32>
    %get3A_30 = arith.constant 0 : index
    %get3A_31 = arith.constant 0 : index
    %get3A_32 = vector.load %arg6[%get3A_30, %get3A_31] : memref<1x64xf32, #tpu.memory_space<vmem>>, vector<1x64xf32>
    %add3A_33 = vector.broadcast %get3A_32 : vector<1x64xf32> to vector<1024x64xf32>
    %add3A_34 = arith.addf %dot_general3A_29, %add3A_33 : vector<1024x64xf32>
    %reduce_sum3A = arith.constant dense<0.000000e+00> : vector<64xf32>
    %reduce_sum3A_35 = vector.multi_reduction <add>, %add3A_34, %reduce_sum3A [0] : vector<1024x64xf32> to vector<64xf32>
    %broadcast_in_dim3A = vector.shape_cast %reduce_sum3A_35 : vector<64xf32> to vector<1x64xf32>
    %div3A = arith.constant 1.024000e+03 : f32
    %div3A_36 = vector.broadcast %div3A : f32 to vector<1x64xf32>
    %div3A_37 = arith.divf %broadcast_in_dim3A, %div3A_36 : vector<1x64xf32>
    %sub3A = vector.broadcast %div3A_37 : vector<1x64xf32> to vector<1024x64xf32>
    %sub3A_38 = arith.subf %add3A_34, %sub3A : vector<1024x64xf32>
    %integer_pow3A = arith.mulf %sub3A_38, %sub3A_38 : vector<1024x64xf32>
    %reduce_sum3A_39 = arith.constant dense<0.000000e+00> : vector<64xf32>
    %reduce_sum3A_40 = vector.multi_reduction <add>, %integer_pow3A, %reduce_sum3A_39 [0] : vector<1024x64xf32> to vector<64xf32>
    %broadcast_in_dim3A_41 = vector.shape_cast %reduce_sum3A_40 : vector<64xf32> to vector<1x64xf32>
    %div3A_42 = arith.constant 1.024000e+03 : f32
    %div3A_43 = vector.broadcast %div3A_42 : f32 to vector<1x64xf32>
    %div3A_44 = arith.divf %broadcast_in_dim3A_41, %div3A_43 : vector<1x64xf32>
    %sub3A_45 = vector.broadcast %div3A_37 : vector<1x64xf32> to vector<1024x64xf32>
    %sub3A_46 = arith.subf %add3A_34, %sub3A_45 : vector<1024x64xf32>
    %add3A_47 = arith.constant 9.99999974E-6 : f32
    %add3A_48 = vector.broadcast %add3A_47 : f32 to vector<1x64xf32>
    %add3A_49 = arith.addf %div3A_44, %add3A_48 : vector<1x64xf32>
    %sqrt3A = math.sqrt %add3A_49 : vector<1x64xf32>
    %div3A_50 = vector.broadcast %sqrt3A : vector<1x64xf32> to vector<1024x64xf32>
    %div3A_51 = arith.divf %sub3A_46, %div3A_50 : vector<1024x64xf32>
    %get3A_52 = arith.constant 0 : index
    %get3A_53 = arith.constant 0 : index
    %get3A_54 = vector.load %arg7[%get3A_52, %get3A_53] : memref<1x64xf32, #tpu.memory_space<vmem>>, vector<1x64xf32>
    %mul3A_55 = vector.broadcast %get3A_54 : vector<1x64xf32> to vector<1024x64xf32>
    %mul3A_56 = arith.mulf %div3A_51, %mul3A_55 : vector<1024x64xf32>
    %get3A_57 = arith.constant 0 : index
    %get3A_58 = arith.constant 0 : index
    %get3A_59 = vector.load %arg8[%get3A_57, %get3A_58] : memref<1x64xf32, #tpu.memory_space<vmem>>, vector<1x64xf32>
    %add3A_60 = vector.broadcast %get3A_59 : vector<1x64xf32> to vector<1024x64xf32>
    %add3A_61 = arith.addf %mul3A_56, %add3A_60 : vector<1024x64xf32>
    %max3A_62 = arith.constant 0.000000e+00 : f32
    %max3A_63 = vector.broadcast %max3A_62 : f32 to vector<1024x64xf32>
    %max3A_64 = arith.maximumf %add3A_61, %max3A_63 : vector<1024x64xf32>
    %broadcast_in_dim3A_65 = arith.constant 0.000000e+00 : f32
    %broadcast_in_dim3A_66 = vector.broadcast %broadcast_in_dim3A_65 : f32 to vector<1024x64xf32>
    %concatenate3A = tpu.concatenate %max3A_64, %broadcast_in_dim3A_66 in 1 : vector<1024x64xf32>, vector<1024x64xf32> -> vector<1024x128xf32>
    %swap3A = arith.constant 0 : index
    %swap3A_67 = arith.constant 0 : index
    %swap3A_68 = arith.constant 0 : index
    %swap3A_69 = vector.load %arg9[%swap3A, %swap3A_67, %swap3A_68] : memref<2x1024x128xf32, #tpu.memory_space<vmem>>, vector<1x1024x128xf32>
    %swap3A_70 = vector.shape_cast %swap3A_69 : vector<1x1024x128xf32> to vector<1024x128xf32>
    %swap3A_71 = vector.shape_cast %concatenate3A : vector<1024x128xf32> to vector<1x1024x128xf32>
    tpu.vector_store %arg9[%swap3A, %swap3A_67, %swap3A_68], %swap3A_71 {strides = array<i32>} : memref<2x1024x128xf32, #tpu.memory_space<vmem>>, vector<1x1024x128xf32>,
    %add3A_72 = arith.constant 1.000000e+00 : f32
    %add3A_73 = arith.addf %add3A_72, %get3A_0 : f32
    %get3A_74 = arith.constant 1 : index
    %get3A_75 = arith.constant 0 : index
    %get3A_76 = arith.constant 0 : index
    %get3A_77 = vector.load %arg0[%get3A_74, %get3A_75, %get3A_76] : memref<2x1024x128xf32, #tpu.memory_space<vmem>>, vector<1x1024x128xf32>
    %get3A_78 = vector.shape_cast %get3A_77 : vector<1x1024x128xf32> to vector<1024x128xf32>
    %mul3A_79 = vector.broadcast %add3A_73 : f32 to vector<1024x128xf32>
    %mul3A_80 = arith.mulf %mul3A_79, %get3A_78 : vector<1024x128xf32>
    %get3A_81 = arith.constant 1 : index
    %get3A_82 = arith.constant 0 : index
    %get3A_83 = arith.constant 0 : index
    %get3A_84 = vector.load %arg1[%get3A_81, %get3A_82, %get3A_83] : memref<2x1024x128xf32, #tpu.memory_space<vmem>>, vector<1x1024x128xf32>
    %get3A_85 = vector.shape_cast %get3A_84 : vector<1x1024x128xf32> to vector<1024x128xf32>
    %add3A_86 = arith.addf %mul3A_80, %get3A_85 : vector<1024x128xf32>
    %get3A_87 = arith.constant 0 : index
    %get3A_88 = arith.constant 0 : index
    %get3A_89 = vector.load %arg4[%get3A_87, %get3A_88] : memref<128x64xf32, #tpu.memory_space<vmem>>, vector<128x64xf32>
    %dot_general3A_90 = arith.constant dense<0.000000e+00> : vector<1024x64xf32>
    %dot_general3A_91 = tpu.matmul %add3A_86, %get3A_89, %dot_general3A_90 {dimension_numbers = #tpu.dot_dimension_numbers<[1], [0], [0], [1], [0, 0, 1, 1], [], []>, precision = #tpu.contract_precision<fp32>, transpose_lhs_hint = false} : vector<1024x128xf32>, vector<128x64xf32>, vector<1024x64xf32> -> vector<1024x64xf32>
    %get3A_92 = arith.constant 0 : index
    %get3A_93 = arith.constant 0 : index
    %get3A_94 = vector.load %arg3[%get3A_92, %get3A_93] : memref<1x64xf32, #tpu.memory_space<vmem>>, vector<1x64xf32>
    %add3A_95 = vector.broadcast %get3A_94 : vector<1x64xf32> to vector<1024x64xf32>
    %add3A_96 = arith.addf %dot_general3A_91, %add3A_95 : vector<1024x64xf32>
    %max3A_97 = arith.constant 0.000000e+00 : f32
    %max3A_98 = vector.broadcast %max3A_97 : f32 to vector<1024x64xf32>
    %max3A_99 = arith.maximumf %add3A_96, %max3A_98 : vector<1024x64xf32>
    %get3A_100 = arith.constant 0 : index
    %get3A_101 = arith.constant 0 : index
    %get3A_102 = vector.load %arg5[%get3A_100, %get3A_101] : memref<64x64xf32, #tpu.memory_space<vmem>>, vector<64x64xf32>
    %dot_general3A_103 = arith.constant dense<0.000000e+00> : vector<1024x64xf32>
    %dot_general3A_104 = tpu.matmul %max3A_99, %get3A_102, %dot_general3A_103 {dimension_numbers = #tpu.dot_dimension_numbers<[1], [0], [0], [1], [0, 0, 1, 1], [], []>, precision = #tpu.contract_precision<fp32>, transpose_lhs_hint = false} : vector<1024x64xf32>, vector<64x64xf32>, vector<1024x64xf32> -> vector<1024x64xf32>
    %get3A_105 = arith.constant 0 : index
    %get3A_106 = arith.constant 0 : index
    %get3A_107 = vector.load %arg6[%get3A_105, %get3A_106] : memref<1x64xf32, #tpu.memory_space<vmem>>, vector<1x64xf32>
    %add3A_108 = vector.broadcast %get3A_107 : vector<1x64xf32> to vector<1024x64xf32>
    %add3A_109 = arith.addf %dot_general3A_104, %add3A_108 : vector<1024x64xf32>
    %reduce_sum3A_110 = arith.constant dense<0.000000e+00> : vector<64xf32>
    %reduce_sum3A_111 = vector.multi_reduction <add>, %add3A_109, %reduce_sum3A_110 [0] : vector<1024x64xf32> to vector<64xf32>
    %broadcast_in_dim3A_112 = vector.shape_cast %reduce_sum3A_111 : vector<64xf32> to vector<1x64xf32>
    %div3A_113 = arith.constant 1.024000e+03 : f32
    %div3A_114 = vector.broadcast %div3A_113 : f32 to vector<1x64xf32>
    %div3A_115 = arith.divf %broadcast_in_dim3A_112, %div3A_114 : vector<1x64xf32>
    %sub3A_116 = vector.broadcast %div3A_115 : vector<1x64xf32> to vector<1024x64xf32>
    %sub3A_117 = arith.subf %add3A_109, %sub3A_116 : vector<1024x64xf32>
    %integer_pow3A_118 = arith.mulf %sub3A_117, %sub3A_117 : vector<1024x64xf32>
    %reduce_sum3A_119 = arith.constant dense<0.000000e+00> : vector<64xf32>
    %reduce_sum3A_120 = vector.multi_reduction <add>, %integer_pow3A_118, %reduce_sum3A_119 [0] : vector<1024x64xf32> to vector<64xf32>
    %broadcast_in_dim3A_121 = vector.shape_cast %reduce_sum3A_120 : vector<64xf32> to vector<1x64xf32>
    %div3A_122 = arith.constant 1.024000e+03 : f32
    %div3A_123 = vector.broadcast %div3A_122 : f32 to vector<1x64xf32>
    %div3A_124 = arith.divf %broadcast_in_dim3A_121, %div3A_123 : vector<1x64xf32>
    %sub3A_125 = vector.broadcast %div3A_115 : vector<1x64xf32> to vector<1024x64xf32>
    %sub3A_126 = arith.subf %add3A_109, %sub3A_125 : vector<1024x64xf32>
    %add3A_127 = arith.constant 9.99999974E-6 : f32
    %add3A_128 = vector.broadcast %add3A_127 : f32 to vector<1x64xf32>
    %add3A_129 = arith.addf %div3A_124, %add3A_128 : vector<1x64xf32>
    %sqrt3A_130 = math.sqrt %add3A_129 : vector<1x64xf32>
    %div3A_131 = vector.broadcast %sqrt3A_130 : vector<1x64xf32> to vector<1024x64xf32>
    %div3A_132 = arith.divf %sub3A_126, %div3A_131 : vector<1024x64xf32>
    %get3A_133 = arith.constant 0 : index
    %get3A_134 = arith.constant 0 : index
    %get3A_135 = vector.load %arg7[%get3A_133, %get3A_134] : memref<1x64xf32, #tpu.memory_space<vmem>>, vector<1x64xf32>
    %mul3A_136 = vector.broadcast %get3A_135 : vector<1x64xf32> to vector<1024x64xf32>
    %mul3A_137 = arith.mulf %div3A_132, %mul3A_136 : vector<1024x64xf32>
    %get3A_138 = arith.constant 0 : index
    %get3A_139 = arith.constant 0 : index
    %get3A_140 = vector.load %arg8[%get3A_138, %get3A_139] : memref<1x64xf32, #tpu.memory_space<vmem>>, vector<1x64xf32>
    %add3A_141 = vector.broadcast %get3A_140 : vector<1x64xf32> to vector<1024x64xf32>
    %add3A_142 = arith.addf %mul3A_137, %add3A_141 : vector<1024x64xf32>
    %max3A_143 = arith.constant 0.000000e+00 : f32
    %max3A_144 = vector.broadcast %max3A_143 : f32 to vector<1024x64xf32>
    %max3A_145 = arith.maximumf %add3A_142, %max3A_144 : vector<1024x64xf32>
    %broadcast_in_dim3A_146 = arith.constant 0.000000e+00 : f32
    %broadcast_in_dim3A_147 = vector.broadcast %broadcast_in_dim3A_146 : f32 to vector<1024x64xf32>
    %concatenate3A_148 = tpu.concatenate %max3A_145, %broadcast_in_dim3A_147 in 1 : vector<1024x64xf32>, vector<1024x64xf32> -> vector<1024x128xf32>
    %swap3A_149 = arith.constant 1 : index
    %swap3A_150 = arith.constant 0 : index
    %swap3A_151 = arith.constant 0 : index
    %swap3A_152 = vector.load %arg9[%swap3A_149, %swap3A_150, %swap3A_151] : memref<2x1024x128xf32, #tpu.memory_space<vmem>>, vector<1x1024x128xf32>
    %swap3A_153 = vector.shape_cast %swap3A_152 : vector<1x1024x128xf32> to vector<1024x128xf32>
    %swap3A_154 = vector.shape_cast %concatenate3A_148 : vector<1024x128xf32> to vector<1x1024x128xf32>
    tpu.vector_store %arg9[%swap3A_149, %swap3A_150, %swap3A_151], %swap3A_154 {strides = array<i32>} : memref<2x1024x128xf32, #tpu.memory_space<vmem>>, vector<1x1024x128xf32>,
    return
  }
}

module attributes {stable_mosaic.version = 14 : i64} {
  func.func @_final_body(%arg0: memref<2x1024x128xf32, #tpu.memory_space<vmem>>, %arg1: memref<2x1024x128xf32, #tpu.memory_space<vmem>>, %arg2: memref<1xf32, #tpu.memory_space<smem>>, %arg3: memref<1x32xf32, #tpu.memory_space<vmem>>, %arg4: memref<64x32xf32, #tpu.memory_space<vmem>>, %arg5: memref<32x32xf32, #tpu.memory_space<vmem>>, %arg6: memref<1x32xf32, #tpu.memory_space<vmem>>, %arg7: memref<1x32xf32, #tpu.memory_space<vmem>>, %arg8: memref<1x32xf32, #tpu.memory_space<vmem>>, %arg9: memref<32x1024xbf16, #tpu.memory_space<vmem>>, %arg10: memref<32x32xf32, #tpu.memory_space<vmem>>, %arg11: memref<1024x1024xbf16, #tpu.memory_space<vmem>>, %arg12: memref<1024x32xbf16, #tpu.memory_space<vmem>>, %arg13: memref<2x32xf32, #tpu.memory_space<vmem>>) attributes {dimension_semantics = [], scalar_prefetch = 0 : i64, scratch_operands = 0 : i64, tpu.core_type = #tpu.core_type<tc>} {
    %get3A = arith.constant 0 : index
    %get3A_0 = memref.load %arg2[%get3A] : memref<1xf32, #tpu.memory_space<smem>>
    %add3A = arith.constant 1.000000e+00 : f32
    %add3A_1 = arith.addf %add3A, %get3A_0 : f32
    %get3A_2 = arith.constant 0 : index
    %get3A_3 = arith.constant 0 : index
    %get3A_4 = arith.constant 0 : index
    %get3A_5 = vector.load %arg0[%get3A_2, %get3A_3, %get3A_4] : memref<2x1024x128xf32, #tpu.memory_space<vmem>>, vector<1x1024x64xf32>
    %get3A_6 = vector.shape_cast %get3A_5 : vector<1x1024x64xf32> to vector<1024x64xf32>
    %mul3A = vector.broadcast %add3A_1 : f32 to vector<1024x64xf32>
    %mul3A_7 = arith.mulf %mul3A, %get3A_6 : vector<1024x64xf32>
    %get3A_8 = arith.constant 0 : index
    %get3A_9 = arith.constant 0 : index
    %get3A_10 = arith.constant 0 : index
    %get3A_11 = vector.load %arg1[%get3A_8, %get3A_9, %get3A_10] : memref<2x1024x128xf32, #tpu.memory_space<vmem>>, vector<1x1024x64xf32>
    %get3A_12 = vector.shape_cast %get3A_11 : vector<1x1024x64xf32> to vector<1024x64xf32>
    %add3A_13 = arith.addf %mul3A_7, %get3A_12 : vector<1024x64xf32>
    %get3A_14 = arith.constant 0 : index
    %get3A_15 = arith.constant 0 : index
    %get3A_16 = vector.load %arg4[%get3A_14, %get3A_15] : memref<64x32xf32, #tpu.memory_space<vmem>>, vector<64x32xf32>
    %dot_general3A = arith.constant dense<0.000000e+00> : vector<1024x32xf32>
    %dot_general3A_17 = tpu.matmul %add3A_13, %get3A_16, %dot_general3A {dimension_numbers = #tpu.dot_dimension_numbers<[1], [0], [0], [1], [0, 0, 1, 1], [], []>, precision = #tpu.contract_precision<fp32>, transpose_lhs_hint = false} : vector<1024x64xf32>, vector<64x32xf32>, vector<1024x32xf32> -> vector<1024x32xf32>
    %get3A_18 = arith.constant 0 : index
    %get3A_19 = arith.constant 0 : index
    %get3A_20 = vector.load %arg3[%get3A_18, %get3A_19] : memref<1x32xf32, #tpu.memory_space<vmem>>, vector<1x32xf32>
    %add3A_21 = vector.broadcast %get3A_20 : vector<1x32xf32> to vector<1024x32xf32>
    %add3A_22 = arith.addf %dot_general3A_17, %add3A_21 : vector<1024x32xf32>
    %max3A = arith.constant 0.000000e+00 : f32
    %max3A_23 = vector.broadcast %max3A : f32 to vector<1024x32xf32>
    %max3A_24 = arith.maximumf %add3A_22, %max3A_23 : vector<1024x32xf32>
    %get3A_25 = arith.constant 0 : index
    %get3A_26 = arith.constant 0 : index
    %get3A_27 = vector.load %arg5[%get3A_25, %get3A_26] : memref<32x32xf32, #tpu.memory_space<vmem>>, vector<32x32xf32>
    %dot_general3A_28 = arith.constant dense<0.000000e+00> : vector<1024x32xf32>
    %dot_general3A_29 = tpu.matmul %max3A_24, %get3A_27, %dot_general3A_28 {dimension_numbers = #tpu.dot_dimension_numbers<[1], [0], [0], [1], [0, 0, 1, 1], [], []>, precision = #tpu.contract_precision<fp32>, transpose_lhs_hint = false} : vector<1024x32xf32>, vector<32x32xf32>, vector<1024x32xf32> -> vector<1024x32xf32>
    %get3A_30 = arith.constant 0 : index
    %get3A_31 = arith.constant 0 : index
    %get3A_32 = vector.load %arg6[%get3A_30, %get3A_31] : memref<1x32xf32, #tpu.memory_space<vmem>>, vector<1x32xf32>
    %add3A_33 = vector.broadcast %get3A_32 : vector<1x32xf32> to vector<1024x32xf32>
    %add3A_34 = arith.addf %dot_general3A_29, %add3A_33 : vector<1024x32xf32>
    %reduce_sum3A = arith.constant dense<0.000000e+00> : vector<32xf32>
    %reduce_sum3A_35 = vector.multi_reduction <add>, %add3A_34, %reduce_sum3A [0] : vector<1024x32xf32> to vector<32xf32>
    %broadcast_in_dim3A = vector.shape_cast %reduce_sum3A_35 : vector<32xf32> to vector<1x32xf32>
    %div3A = arith.constant 1.024000e+03 : f32
    %div3A_36 = vector.broadcast %div3A : f32 to vector<1x32xf32>
    %div3A_37 = arith.divf %broadcast_in_dim3A, %div3A_36 : vector<1x32xf32>
    %sub3A = vector.broadcast %div3A_37 : vector<1x32xf32> to vector<1024x32xf32>
    %sub3A_38 = arith.subf %add3A_34, %sub3A : vector<1024x32xf32>
    %integer_pow3A = arith.mulf %sub3A_38, %sub3A_38 : vector<1024x32xf32>
    %reduce_sum3A_39 = arith.constant dense<0.000000e+00> : vector<32xf32>
    %reduce_sum3A_40 = vector.multi_reduction <add>, %integer_pow3A, %reduce_sum3A_39 [0] : vector<1024x32xf32> to vector<32xf32>
    %broadcast_in_dim3A_41 = vector.shape_cast %reduce_sum3A_40 : vector<32xf32> to vector<1x32xf32>
    %div3A_42 = arith.constant 1.024000e+03 : f32
    %div3A_43 = vector.broadcast %div3A_42 : f32 to vector<1x32xf32>
    %div3A_44 = arith.divf %broadcast_in_dim3A_41, %div3A_43 : vector<1x32xf32>
    %sub3A_45 = vector.broadcast %div3A_37 : vector<1x32xf32> to vector<1024x32xf32>
    %sub3A_46 = arith.subf %add3A_34, %sub3A_45 : vector<1024x32xf32>
    %add3A_47 = arith.constant 9.99999974E-6 : f32
    %add3A_48 = vector.broadcast %add3A_47 : f32 to vector<1x32xf32>
    %add3A_49 = arith.addf %div3A_44, %add3A_48 : vector<1x32xf32>
    %sqrt3A = math.sqrt %add3A_49 : vector<1x32xf32>
    %div3A_50 = vector.broadcast %sqrt3A : vector<1x32xf32> to vector<1024x32xf32>
    %div3A_51 = arith.divf %sub3A_46, %div3A_50 : vector<1024x32xf32>
    %get3A_52 = arith.constant 0 : index
    %get3A_53 = arith.constant 0 : index
    %get3A_54 = vector.load %arg7[%get3A_52, %get3A_53] : memref<1x32xf32, #tpu.memory_space<vmem>>, vector<1x32xf32>
    %mul3A_55 = vector.broadcast %get3A_54 : vector<1x32xf32> to vector<1024x32xf32>
    %mul3A_56 = arith.mulf %div3A_51, %mul3A_55 : vector<1024x32xf32>
    %get3A_57 = arith.constant 0 : index
    %get3A_58 = arith.constant 0 : index
    %get3A_59 = vector.load %arg8[%get3A_57, %get3A_58] : memref<1x32xf32, #tpu.memory_space<vmem>>, vector<1x32xf32>
    %add3A_60 = vector.broadcast %get3A_59 : vector<1x32xf32> to vector<1024x32xf32>
    %add3A_61 = arith.addf %mul3A_56, %add3A_60 : vector<1024x32xf32>
    %get3A_62 = arith.constant 0 : index
    %get3A_63 = arith.constant 0 : index
    %get3A_64 = vector.load %arg10[%get3A_62, %get3A_63] : memref<32x32xf32, #tpu.memory_space<vmem>>, vector<32x32xf32>
    %dot_general3A_65 = arith.constant dense<0.000000e+00> : vector<1024x32xf32>
    %dot_general3A_66 = tpu.matmul %add3A_61, %get3A_64, %dot_general3A_65 {dimension_numbers = #tpu.dot_dimension_numbers<[1], [0], [0], [1], [0, 0, 1, 1], [], []>, precision = #tpu.contract_precision<fp32>, transpose_lhs_hint = false} : vector<1024x32xf32>, vector<32x32xf32>, vector<1024x32xf32> -> vector<1024x32xf32>
    %reduce_sum3A_67 = arith.constant dense<0.000000e+00> : vector<32xf32>
    %reduce_sum3A_68 = vector.multi_reduction <add>, %dot_general3A_66, %reduce_sum3A_67 [0] : vector<1024x32xf32> to vector<32xf32>
    %broadcast_in_dim3A_69 = vector.shape_cast %reduce_sum3A_68 : vector<32xf32> to vector<1x32xf32>
    %div3A_70 = arith.constant 1.024000e+03 : f32
    %div3A_71 = vector.broadcast %div3A_70 : f32 to vector<1x32xf32>
    %div3A_72 = arith.divf %broadcast_in_dim3A_69, %div3A_71 : vector<1x32xf32>
    %tanh3A = math.tanh %div3A_72 : vector<1x32xf32>
    %dot_general3A_73 = arith.constant dense<0.000000e+00> : vector<1024x1xf32>
    %dot_general3A_74 = tpu.matmul %add3A_61, %tanh3A, %dot_general3A_73 {dimension_numbers = #tpu.dot_dimension_numbers<[1], [1], [0], [0], [0, 0, 1, 0], [], []>, precision = #tpu.contract_precision<fp32>, transpose_lhs_hint = false} : vector<1024x32xf32>, vector<1x32xf32>, vector<1024x1xf32> -> vector<1024x1xf32>
    %logistic3A = arith.negf %dot_general3A_74 : vector<1024x1xf32>
    %logistic3A_75 = math.exp %logistic3A : vector<1024x1xf32>
    %logistic3A_76 = arith.constant 1.000000e+00 : f32
    %logistic3A_77 = vector.broadcast %logistic3A_76 : f32 to vector<1024x1xf32>
    %logistic3A_78 = arith.addf %logistic3A_77, %logistic3A_75 : vector<1024x1xf32>
    %logistic3A_79 = arith.divf %logistic3A_77, %logistic3A_78 : vector<1024x1xf32>
    %dot_general3A_80 = arith.constant dense<0.000000e+00> : vector<1x32xf32>
    %dot_general3A_81 = tpu.matmul %logistic3A_79, %add3A_61, %dot_general3A_80 {dimension_numbers = #tpu.dot_dimension_numbers<[0], [0], [1], [1], [0, 1, 1, 1], [], []>, precision = #tpu.contract_precision<fp32>, transpose_lhs_hint = false} : vector<1024x1xf32>, vector<1024x32xf32>, vector<1x32xf32> -> vector<1x32xf32>
    %squeeze3A = vector.shape_cast %dot_general3A_81 : vector<1x32xf32> to vector<32xf32>
    %swap3A = arith.constant 0 : index
    %swap3A_82 = arith.constant 0 : index
    %swap3A_83 = vector.load %arg13[%swap3A, %swap3A_82] : memref<2x32xf32, #tpu.memory_space<vmem>>, vector<1x32xf32>
    %swap3A_84 = vector.shape_cast %swap3A_83 : vector<1x32xf32> to vector<32xf32>
    %swap3A_85 = vector.shape_cast %squeeze3A : vector<32xf32> to vector<1x32xf32>
    tpu.vector_store %arg13[%swap3A, %swap3A_82], %swap3A_85 {strides = array<i32>} : memref<2x32xf32, #tpu.memory_space<vmem>>, vector<1x32xf32>,
    %add3A_86 = arith.constant 1.000000e+00 : f32
    %add3A_87 = arith.addf %add3A_86, %get3A_0 : f32
    %get3A_88 = arith.constant 1 : index
    %get3A_89 = arith.constant 0 : index
    %get3A_90 = arith.constant 0 : index
    %get3A_91 = vector.load %arg0[%get3A_88, %get3A_89, %get3A_90] : memref<2x1024x128xf32, #tpu.memory_space<vmem>>, vector<1x1024x64xf32>
    %get3A_92 = vector.shape_cast %get3A_91 : vector<1x1024x64xf32> to vector<1024x64xf32>
    %mul3A_93 = vector.broadcast %add3A_87 : f32 to vector<1024x64xf32>
    %mul3A_94 = arith.mulf %mul3A_93, %get3A_92 : vector<1024x64xf32>
    %get3A_95 = arith.constant 1 : index
    %get3A_96 = arith.constant 0 : index
    %get3A_97 = arith.constant 0 : index
    %get3A_98 = vector.load %arg1[%get3A_95, %get3A_96, %get3A_97] : memref<2x1024x128xf32, #tpu.memory_space<vmem>>, vector<1x1024x64xf32>
    %get3A_99 = vector.shape_cast %get3A_98 : vector<1x1024x64xf32> to vector<1024x64xf32>
    %add3A_100 = arith.addf %mul3A_94, %get3A_99 : vector<1024x64xf32>
    %get3A_101 = arith.constant 0 : index
    %get3A_102 = arith.constant 0 : index
    %get3A_103 = vector.load %arg4[%get3A_101, %get3A_102] : memref<64x32xf32, #tpu.memory_space<vmem>>, vector<64x32xf32>
    %dot_general3A_104 = arith.constant dense<0.000000e+00> : vector<1024x32xf32>
    %dot_general3A_105 = tpu.matmul %add3A_100, %get3A_103, %dot_general3A_104 {dimension_numbers = #tpu.dot_dimension_numbers<[1], [0], [0], [1], [0, 0, 1, 1], [], []>, precision = #tpu.contract_precision<fp32>, transpose_lhs_hint = false} : vector<1024x64xf32>, vector<64x32xf32>, vector<1024x32xf32> -> vector<1024x32xf32>
    %get3A_106 = arith.constant 0 : index
    %get3A_107 = arith.constant 0 : index
    %get3A_108 = vector.load %arg3[%get3A_106, %get3A_107] : memref<1x32xf32, #tpu.memory_space<vmem>>, vector<1x32xf32>
    %add3A_109 = vector.broadcast %get3A_108 : vector<1x32xf32> to vector<1024x32xf32>
    %add3A_110 = arith.addf %dot_general3A_105, %add3A_109 : vector<1024x32xf32>
    %max3A_111 = arith.constant 0.000000e+00 : f32
    %max3A_112 = vector.broadcast %max3A_111 : f32 to vector<1024x32xf32>
    %max3A_113 = arith.maximumf %add3A_110, %max3A_112 : vector<1024x32xf32>
    %get3A_114 = arith.constant 0 : index
    %get3A_115 = arith.constant 0 : index
    %get3A_116 = vector.load %arg5[%get3A_114, %get3A_115] : memref<32x32xf32, #tpu.memory_space<vmem>>, vector<32x32xf32>
    %dot_general3A_117 = arith.constant dense<0.000000e+00> : vector<1024x32xf32>
    %dot_general3A_118 = tpu.matmul %max3A_113, %get3A_116, %dot_general3A_117 {dimension_numbers = #tpu.dot_dimension_numbers<[1], [0], [0], [1], [0, 0, 1, 1], [], []>, precision = #tpu.contract_precision<fp32>, transpose_lhs_hint = false} : vector<1024x32xf32>, vector<32x32xf32>, vector<1024x32xf32> -> vector<1024x32xf32>
    %get3A_119 = arith.constant 0 : index
    %get3A_120 = arith.constant 0 : index
    %get3A_121 = vector.load %arg6[%get3A_119, %get3A_120] : memref<1x32xf32, #tpu.memory_space<vmem>>, vector<1x32xf32>
    %add3A_122 = vector.broadcast %get3A_121 : vector<1x32xf32> to vector<1024x32xf32>
    %add3A_123 = arith.addf %dot_general3A_118, %add3A_122 : vector<1024x32xf32>
    %reduce_sum3A_124 = arith.constant dense<0.000000e+00> : vector<32xf32>
    %reduce_sum3A_125 = vector.multi_reduction <add>, %add3A_123, %reduce_sum3A_124 [0] : vector<1024x32xf32> to vector<32xf32>
    %broadcast_in_dim3A_126 = vector.shape_cast %reduce_sum3A_125 : vector<32xf32> to vector<1x32xf32>
    %div3A_127 = arith.constant 1.024000e+03 : f32
    %div3A_128 = vector.broadcast %div3A_127 : f32 to vector<1x32xf32>
    %div3A_129 = arith.divf %broadcast_in_dim3A_126, %div3A_128 : vector<1x32xf32>
    %sub3A_130 = vector.broadcast %div3A_129 : vector<1x32xf32> to vector<1024x32xf32>
    %sub3A_131 = arith.subf %add3A_123, %sub3A_130 : vector<1024x32xf32>
    %integer_pow3A_132 = arith.mulf %sub3A_131, %sub3A_131 : vector<1024x32xf32>
    %reduce_sum3A_133 = arith.constant dense<0.000000e+00> : vector<32xf32>
    %reduce_sum3A_134 = vector.multi_reduction <add>, %integer_pow3A_132, %reduce_sum3A_133 [0] : vector<1024x32xf32> to vector<32xf32>
    %broadcast_in_dim3A_135 = vector.shape_cast %reduce_sum3A_134 : vector<32xf32> to vector<1x32xf32>
    %div3A_136 = arith.constant 1.024000e+03 : f32
    %div3A_137 = vector.broadcast %div3A_136 : f32 to vector<1x32xf32>
    %div3A_138 = arith.divf %broadcast_in_dim3A_135, %div3A_137 : vector<1x32xf32>
    %sub3A_139 = vector.broadcast %div3A_129 : vector<1x32xf32> to vector<1024x32xf32>
    %sub3A_140 = arith.subf %add3A_123, %sub3A_139 : vector<1024x32xf32>
    %add3A_141 = arith.constant 9.99999974E-6 : f32
    %add3A_142 = vector.broadcast %add3A_141 : f32 to vector<1x32xf32>
    %add3A_143 = arith.addf %div3A_138, %add3A_142 : vector<1x32xf32>
    %sqrt3A_144 = math.sqrt %add3A_143 : vector<1x32xf32>
    %div3A_145 = vector.broadcast %sqrt3A_144 : vector<1x32xf32> to vector<1024x32xf32>
    %div3A_146 = arith.divf %sub3A_140, %div3A_145 : vector<1024x32xf32>
    %get3A_147 = arith.constant 0 : index
    %get3A_148 = arith.constant 0 : index
    %get3A_149 = vector.load %arg7[%get3A_147, %get3A_148] : memref<1x32xf32, #tpu.memory_space<vmem>>, vector<1x32xf32>
    %mul3A_150 = vector.broadcast %get3A_149 : vector<1x32xf32> to vector<1024x32xf32>
    %mul3A_151 = arith.mulf %div3A_146, %mul3A_150 : vector<1024x32xf32>
    %get3A_152 = arith.constant 0 : index
    %get3A_153 = arith.constant 0 : index
    %get3A_154 = vector.load %arg8[%get3A_152, %get3A_153] : memref<1x32xf32, #tpu.memory_space<vmem>>, vector<1x32xf32>
    %add3A_155 = vector.broadcast %get3A_154 : vector<1x32xf32> to vector<1024x32xf32>
    %add3A_156 = arith.addf %mul3A_151, %add3A_155 : vector<1024x32xf32>
    %get3A_157 = arith.constant 0 : index
    %get3A_158 = arith.constant 0 : index
    %get3A_159 = vector.load %arg10[%get3A_157, %get3A_158] : memref<32x32xf32, #tpu.memory_space<vmem>>, vector<32x32xf32>
    %dot_general3A_160 = arith.constant dense<0.000000e+00> : vector<1024x32xf32>
    %dot_general3A_161 = tpu.matmul %add3A_156, %get3A_159, %dot_general3A_160 {dimension_numbers = #tpu.dot_dimension_numbers<[1], [0], [0], [1], [0, 0, 1, 1], [], []>, precision = #tpu.contract_precision<fp32>, transpose_lhs_hint = false} : vector<1024x32xf32>, vector<32x32xf32>, vector<1024x32xf32> -> vector<1024x32xf32>
    %reduce_sum3A_162 = arith.constant dense<0.000000e+00> : vector<32xf32>
    %reduce_sum3A_163 = vector.multi_reduction <add>, %dot_general3A_161, %reduce_sum3A_162 [0] : vector<1024x32xf32> to vector<32xf32>
    %broadcast_in_dim3A_164 = vector.shape_cast %reduce_sum3A_163 : vector<32xf32> to vector<1x32xf32>
    %div3A_165 = arith.constant 1.024000e+03 : f32
    %div3A_166 = vector.broadcast %div3A_165 : f32 to vector<1x32xf32>
    %div3A_167 = arith.divf %broadcast_in_dim3A_164, %div3A_166 : vector<1x32xf32>
    %tanh3A_168 = math.tanh %div3A_167 : vector<1x32xf32>
    %dot_general3A_169 = arith.constant dense<0.000000e+00> : vector<1024x1xf32>
    %dot_general3A_170 = tpu.matmul %add3A_156, %tanh3A_168, %dot_general3A_169 {dimension_numbers = #tpu.dot_dimension_numbers<[1], [1], [0], [0], [0, 0, 1, 0], [], []>, precision = #tpu.contract_precision<fp32>, transpose_lhs_hint = false} : vector<1024x32xf32>, vector<1x32xf32>, vector<1024x1xf32> -> vector<1024x1xf32>
    %logistic3A_171 = arith.negf %dot_general3A_170 : vector<1024x1xf32>
    %logistic3A_172 = math.exp %logistic3A_171 : vector<1024x1xf32>
    %logistic3A_173 = arith.constant 1.000000e+00 : f32
    %logistic3A_174 = vector.broadcast %logistic3A_173 : f32 to vector<1024x1xf32>
    %logistic3A_175 = arith.addf %logistic3A_174, %logistic3A_172 : vector<1024x1xf32>
    %logistic3A_176 = arith.divf %logistic3A_174, %logistic3A_175 : vector<1024x1xf32>
    %dot_general3A_177 = arith.constant dense<0.000000e+00> : vector<1x32xf32>
    %dot_general3A_178 = tpu.matmul %logistic3A_176, %add3A_156, %dot_general3A_177 {dimension_numbers = #tpu.dot_dimension_numbers<[0], [0], [1], [1], [0, 1, 1, 1], [], []>, precision = #tpu.contract_precision<fp32>, transpose_lhs_hint = false} : vector<1024x1xf32>, vector<1024x32xf32>, vector<1x32xf32> -> vector<1x32xf32>
    %squeeze3A_179 = vector.shape_cast %dot_general3A_178 : vector<1x32xf32> to vector<32xf32>
    %swap3A_180 = arith.constant 1 : index
    %swap3A_181 = arith.constant 0 : index
    %swap3A_182 = vector.load %arg13[%swap3A_180, %swap3A_181] : memref<2x32xf32, #tpu.memory_space<vmem>>, vector<1x32xf32>
    %swap3A_183 = vector.shape_cast %swap3A_182 : vector<1x32xf32> to vector<32xf32>
    %swap3A_184 = vector.shape_cast %squeeze3A_179 : vector<32xf32> to vector<1x32xf32>
    tpu.vector_store %arg13[%swap3A_180, %swap3A_181], %swap3A_184 {strides = array<i32>} : memref<2x32xf32, #tpu.memory_space<vmem>>, vector<1x32xf32>,
    %convert_element_type3A = arith.truncf %add3A_61 : vector<1024x32xf32> to vector<1024x32xbf16>
    %get3A_185 = arith.constant 0 : index
    %get3A_186 = arith.constant 0 : index
    %get3A_187 = vector.load %arg9[%get3A_185, %get3A_186] : memref<32x1024xbf16, #tpu.memory_space<vmem>>, vector<32x1024xbf16>
    %dot_general3A_188 = arith.constant dense<0.000000e+00> : vector<1024x1024xf32>
    %dot_general3A_189 = tpu.matmul %convert_element_type3A, %get3A_187, %dot_general3A_188 {dimension_numbers = #tpu.dot_dimension_numbers<[1], [0], [0], [1], [0, 0, 1, 1], [], []>, transpose_lhs_hint = false} : vector<1024x32xbf16>, vector<32x1024xbf16>, vector<1024x1024xf32> -> vector<1024x1024xf32>
    %convert_element_type3A_190 = arith.truncf %dot_general3A_189 : vector<1024x1024xf32> to vector<1024x1024xbf16>
    %swap3A_191 = arith.constant 0 : index
    %swap3A_192 = arith.constant 0 : index
    %swap3A_193 = vector.load %arg11[%swap3A_191, %swap3A_192] : memref<1024x1024xbf16, #tpu.memory_space<vmem>>, vector<1024x1024xbf16>
    tpu.vector_store %arg11[%swap3A_191, %swap3A_192], %convert_element_type3A_190 {strides = array<i32>} : memref<1024x1024xbf16, #tpu.memory_space<vmem>>, vector<1024x1024xbf16>,
    %convert_element_type3A_194 = arith.truncf %add3A_156 : vector<1024x32xf32> to vector<1024x32xbf16>
    %swap3A_195 = arith.constant 0 : index
    %swap3A_196 = arith.constant 0 : index
    %swap3A_197 = vector.load %arg12[%swap3A_195, %swap3A_196] : memref<1024x32xbf16, #tpu.memory_space<vmem>>, vector<1024x32xbf16>
    tpu.vector_store %arg12[%swap3A_195, %swap3A_196], %convert_element_type3A_194 {strides = array<i32>} : memref<1024x32xbf16, #tpu.memory_space<vmem>>, vector<1024x32xbf16>,
    return
  }
}

module attributes {stable_mosaic.version = 14 : i64} {
  func.func @_pair_body(%arg0: i32, %arg1: memref<128x1024xbf16, #tpu.memory_space<vmem>>, %arg2: memref<1024x32xbf16, #tpu.memory_space<vmem>>, %arg3: memref<2x256x128xbf16, #tpu.memory_space<vmem>>, %arg4: memref<2x8x256xbf16, #tpu.memory_space<vmem>>, %arg5: memref<2x256x1xf32, #tpu.memory_space<vmem>>, %arg6: memref<1x2xf32, #tpu.memory_space<smem>>, %arg7: memref<128x1024xf32, #tpu.memory_space<vmem>>, %arg8: memref<1x1xf32, #tpu.memory_space<vmem>>, %arg9: memref<16x128x1024xbf16, #tpu.memory_space<vmem>>, %arg10: memref<128x1024xf32, #tpu.memory_space<vmem>>) attributes {dimension_semantics = [#tpu.dimension_semantics<arbitrary>], iteration_bounds = array<i64: 8>, scalar_prefetch = 0 : i64, scratch_operands = 2 : i64, tpu.core_type = #tpu.core_type<tc>, window_params = [{transform_indices = @transform_0, window_bounds = array<i64: 128, 1024>}, {pipeline_mode = #tpu.pipeline_mode<synchronous>, transform_indices = @transform_1, window_bounds = array<i64: 1024, 32>}, {pipeline_mode = #tpu.pipeline_mode<synchronous>, transform_indices = @transform_2, window_bounds = array<i64: 2, 256, 128>}, {pipeline_mode = #tpu.pipeline_mode<synchronous>, transform_indices = @transform_3, window_bounds = array<i64: 2, 8, 256>}, {pipeline_mode = #tpu.pipeline_mode<synchronous>, transform_indices = @transform_4, window_bounds = array<i64: 2, 256, 1>}, {transform_indices = @transform_5, window_bounds = array<i64: 1, 2>}, {transform_indices = @transform_6, window_bounds = array<i64: 128, 1024>}, {pipeline_mode = #tpu.pipeline_mode<synchronous>, transform_indices = @transform_7, window_bounds = array<i64: 1, 1>}]} {
    %get3A = arith.constant 0 : index
    %get3A_0 = arith.constant 0 : index
    %get3A_1 = vector.load %arg2[%get3A, %get3A_0] : memref<1024x32xbf16, #tpu.memory_space<vmem>>, vector<1024x32xbf16>
    %get3A_2 = arith.constant 0 : index
    %get3A_3 = arith.constant 0 : index
    %get3A_4 = vector.load %arg1[%get3A_2, %get3A_3] : memref<128x1024xbf16, #tpu.memory_space<vmem>>, vector<128x32xbf16>
    %dot_general3A = arith.constant dense<0.000000e+00> : vector<128x1024xf32>
    %dot_general3A_5 = tpu.matmul %get3A_4, %get3A_1, %dot_general3A {dimension_numbers = #tpu.dot_dimension_numbers<[1], [1], [0], [0], [0, 0, 1, 0], [], []>, transpose_lhs_hint = false} : vector<128x32xbf16>, vector<1024x32xbf16>, vector<128x1024xf32> -> vector<128x1024xf32>
    %convert_element_type3A = arith.truncf %dot_general3A_5 : vector<128x1024xf32> to vector<128x1024xbf16>
    %swap3A = arith.constant 0 : index
    %swap3A_6 = arith.constant 0 : index
    %swap3A_7 = arith.constant 0 : index
    %swap3A_8 = vector.load %arg9[%swap3A, %swap3A_6, %swap3A_7] : memref<16x128x1024xbf16, #tpu.memory_space<vmem>>, vector<1x128x1024xbf16>
    %swap3A_9 = vector.shape_cast %swap3A_8 : vector<1x128x1024xbf16> to vector<128x1024xbf16>
    %swap3A_10 = vector.shape_cast %convert_element_type3A : vector<128x1024xbf16> to vector<1x128x1024xbf16>
    tpu.vector_store %arg9[%swap3A, %swap3A_6, %swap3A_7], %swap3A_10 {strides = array<i32>} : memref<16x128x1024xbf16, #tpu.memory_space<vmem>>, vector<1x128x1024xbf16>,
    %get3A_11 = arith.constant 0 : index
    %get3A_12 = arith.constant 32 : index
    %get3A_13 = vector.load %arg1[%get3A_11, %get3A_12] : memref<128x1024xbf16, #tpu.memory_space<vmem>>, vector<128x32xbf16>
    %dot_general3A_14 = arith.constant dense<0.000000e+00> : vector<128x1024xf32>
    %dot_general3A_15 = tpu.matmul %get3A_13, %get3A_1, %dot_general3A_14 {dimension_numbers = #tpu.dot_dimension_numbers<[1], [1], [0], [0], [0, 0, 1, 0], [], []>, transpose_lhs_hint = false} : vector<128x32xbf16>, vector<1024x32xbf16>, vector<128x1024xf32> -> vector<128x1024xf32>
    %convert_element_type3A_16 = arith.truncf %dot_general3A_15 : vector<128x1024xf32> to vector<128x1024xbf16>
    %swap3A_17 = arith.constant 1 : index
    %swap3A_18 = arith.constant 0 : index
    %swap3A_19 = arith.constant 0 : index
    %swap3A_20 = vector.load %arg9[%swap3A_17, %swap3A_18, %swap3A_19] : memref<16x128x1024xbf16, #tpu.memory_space<vmem>>, vector<1x128x1024xbf16>
    %swap3A_21 = vector.shape_cast %swap3A_20 : vector<1x128x1024xbf16> to vector<128x1024xbf16>
    %swap3A_22 = vector.shape_cast %convert_element_type3A_16 : vector<128x1024xbf16> to vector<1x128x1024xbf16>
    tpu.vector_store %arg9[%swap3A_17, %swap3A_18, %swap3A_19], %swap3A_22 {strides = array<i32>} : memref<16x128x1024xbf16, #tpu.memory_space<vmem>>, vector<1x128x1024xbf16>,
    %get3A_23 = arith.constant 0 : index
    %get3A_24 = arith.constant 64 : index
    %get3A_25 = vector.load %arg1[%get3A_23, %get3A_24] : memref<128x1024xbf16, #tpu.memory_space<vmem>>, vector<128x32xbf16>
    %dot_general3A_26 = arith.constant dense<0.000000e+00> : vector<128x1024xf32>
    %dot_general3A_27 = tpu.matmul %get3A_25, %get3A_1, %dot_general3A_26 {dimension_numbers = #tpu.dot_dimension_numbers<[1], [1], [0], [0], [0, 0, 1, 0], [], []>, transpose_lhs_hint = false} : vector<128x32xbf16>, vector<1024x32xbf16>, vector<128x1024xf32> -> vector<128x1024xf32>
    %convert_element_type3A_28 = arith.truncf %dot_general3A_27 : vector<128x1024xf32> to vector<128x1024xbf16>
    %swap3A_29 = arith.constant 2 : index
    %swap3A_30 = arith.constant 0 : index
    %swap3A_31 = arith.constant 0 : index
    %swap3A_32 = vector.load %arg9[%swap3A_29, %swap3A_30, %swap3A_31] : memref<16x128x1024xbf16, #tpu.memory_space<vmem>>, vector<1x128x1024xbf16>
    %swap3A_33 = vector.shape_cast %swap3A_32 : vector<1x128x1024xbf16> to vector<128x1024xbf16>
    %swap3A_34 = vector.shape_cast %convert_element_type3A_28 : vector<128x1024xbf16> to vector<1x128x1024xbf16>
    tpu.vector_store %arg9[%swap3A_29, %swap3A_30, %swap3A_31], %swap3A_34 {strides = array<i32>} : memref<16x128x1024xbf16, #tpu.memory_space<vmem>>, vector<1x128x1024xbf16>,
    %get3A_35 = arith.constant 0 : index
    %get3A_36 = arith.constant 96 : index
    %get3A_37 = vector.load %arg1[%get3A_35, %get3A_36] : memref<128x1024xbf16, #tpu.memory_space<vmem>>, vector<128x32xbf16>
    %dot_general3A_38 = arith.constant dense<0.000000e+00> : vector<128x1024xf32>
    %dot_general3A_39 = tpu.matmul %get3A_37, %get3A_1, %dot_general3A_38 {dimension_numbers = #tpu.dot_dimension_numbers<[1], [1], [0], [0], [0, 0, 1, 0], [], []>, transpose_lhs_hint = false} : vector<128x32xbf16>, vector<1024x32xbf16>, vector<128x1024xf32> -> vector<128x1024xf32>
    %convert_element_type3A_40 = arith.truncf %dot_general3A_39 : vector<128x1024xf32> to vector<128x1024xbf16>
    %swap3A_41 = arith.constant 3 : index
    %swap3A_42 = arith.constant 0 : index
    %swap3A_43 = arith.constant 0 : index
    %swap3A_44 = vector.load %arg9[%swap3A_41, %swap3A_42, %swap3A_43] : memref<16x128x1024xbf16, #tpu.memory_space<vmem>>, vector<1x128x1024xbf16>
    %swap3A_45 = vector.shape_cast %swap3A_44 : vector<1x128x1024xbf16> to vector<128x1024xbf16>
    %swap3A_46 = vector.shape_cast %convert_element_type3A_40 : vector<128x1024xbf16> to vector<1x128x1024xbf16>
    tpu.vector_store %arg9[%swap3A_41, %swap3A_42, %swap3A_43], %swap3A_46 {strides = array<i32>} : memref<16x128x1024xbf16, #tpu.memory_space<vmem>>, vector<1x128x1024xbf16>,
    %get3A_47 = arith.constant 0 : index
    %get3A_48 = arith.constant 128 : index
    %get3A_49 = vector.load %arg1[%get3A_47, %get3A_48] : memref<128x1024xbf16, #tpu.memory_space<vmem>>, vector<128x32xbf16>
    %dot_general3A_50 = arith.constant dense<0.000000e+00> : vector<128x1024xf32>
    %dot_general3A_51 = tpu.matmul %get3A_49, %get3A_1, %dot_general3A_50 {dimension_numbers = #tpu.dot_dimension_numbers<[1], [1], [0], [0], [0, 0, 1, 0], [], []>, transpose_lhs_hint = false} : vector<128x32xbf16>, vector<1024x32xbf16>, vector<128x1024xf32> -> vector<128x1024xf32>
    %convert_element_type3A_52 = arith.truncf %dot_general3A_51 : vector<128x1024xf32> to vector<128x1024xbf16>
    %swap3A_53 = arith.constant 4 : index
    %swap3A_54 = arith.constant 0 : index
    %swap3A_55 = arith.constant 0 : index
    %swap3A_56 = vector.load %arg9[%swap3A_53, %swap3A_54, %swap3A_55] : memref<16x128x1024xbf16, #tpu.memory_space<vmem>>, vector<1x128x1024xbf16>
    %swap3A_57 = vector.shape_cast %swap3A_56 : vector<1x128x1024xbf16> to vector<128x1024xbf16>
    %swap3A_58 = vector.shape_cast %convert_element_type3A_52 : vector<128x1024xbf16> to vector<1x128x1024xbf16>
    tpu.vector_store %arg9[%swap3A_53, %swap3A_54, %swap3A_55], %swap3A_58 {strides = array<i32>} : memref<16x128x1024xbf16, #tpu.memory_space<vmem>>, vector<1x128x1024xbf16>,
    %get3A_59 = arith.constant 0 : index
    %get3A_60 = arith.constant 160 : index
    %get3A_61 = vector.load %arg1[%get3A_59, %get3A_60] : memref<128x1024xbf16, #tpu.memory_space<vmem>>, vector<128x32xbf16>
    %dot_general3A_62 = arith.constant dense<0.000000e+00> : vector<128x1024xf32>
    %dot_general3A_63 = tpu.matmul %get3A_61, %get3A_1, %dot_general3A_62 {dimension_numbers = #tpu.dot_dimension_numbers<[1], [1], [0], [0], [0, 0, 1, 0], [], []>, transpose_lhs_hint = false} : vector<128x32xbf16>, vector<1024x32xbf16>, vector<128x1024xf32> -> vector<128x1024xf32>
    %convert_element_type3A_64 = arith.truncf %dot_general3A_63 : vector<128x1024xf32> to vector<128x1024xbf16>
    %swap3A_65 = arith.constant 5 : index
    %swap3A_66 = arith.constant 0 : index
    %swap3A_67 = arith.constant 0 : index
    %swap3A_68 = vector.load %arg9[%swap3A_65, %swap3A_66, %swap3A_67] : memref<16x128x1024xbf16, #tpu.memory_space<vmem>>, vector<1x128x1024xbf16>
    %swap3A_69 = vector.shape_cast %swap3A_68 : vector<1x128x1024xbf16> to vector<128x1024xbf16>
    %swap3A_70 = vector.shape_cast %convert_element_type3A_64 : vector<128x1024xbf16> to vector<1x128x1024xbf16>
    tpu.vector_store %arg9[%swap3A_65, %swap3A_66, %swap3A_67], %swap3A_70 {strides = array<i32>} : memref<16x128x1024xbf16, #tpu.memory_space<vmem>>, vector<1x128x1024xbf16>,
    %get3A_71 = arith.constant 0 : index
    %get3A_72 = arith.constant 192 : index
    %get3A_73 = vector.load %arg1[%get3A_71, %get3A_72] : memref<128x1024xbf16, #tpu.memory_space<vmem>>, vector<128x32xbf16>
    %dot_general3A_74 = arith.constant dense<0.000000e+00> : vector<128x1024xf32>
    %dot_general3A_75 = tpu.matmul %get3A_73, %get3A_1, %dot_general3A_74 {dimension_numbers = #tpu.dot_dimension_numbers<[1], [1], [0], [0], [0, 0, 1, 0], [], []>, transpose_lhs_hint = false} : vector<128x32xbf16>, vector<1024x32xbf16>, vector<128x1024xf32> -> vector<128x1024xf32>
    %convert_element_type3A_76 = arith.truncf %dot_general3A_75 : vector<128x1024xf32> to vector<128x1024xbf16>
    %swap3A_77 = arith.constant 6 : index
    %swap3A_78 = arith.constant 0 : index
    %swap3A_79 = arith.constant 0 : index
    %swap3A_80 = vector.load %arg9[%swap3A_77, %swap3A_78, %swap3A_79] : memref<16x128x1024xbf16, #tpu.memory_space<vmem>>, vector<1x128x1024xbf16>
    %swap3A_81 = vector.shape_cast %swap3A_80 : vector<1x128x1024xbf16> to vector<128x1024xbf16>
    %swap3A_82 = vector.shape_cast %convert_element_type3A_76 : vector<128x1024xbf16> to vector<1x128x1024xbf16>
    tpu.vector_store %arg9[%swap3A_77, %swap3A_78, %swap3A_79], %swap3A_82 {strides = array<i32>} : memref<16x128x1024xbf16, #tpu.memory_space<vmem>>, vector<1x128x1024xbf16>,
    %get3A_83 = arith.constant 0 : index
    %get3A_84 = arith.constant 224 : index
    %get3A_85 = vector.load %arg1[%get3A_83, %get3A_84] : memref<128x1024xbf16, #tpu.memory_space<vmem>>, vector<128x32xbf16>
    %dot_general3A_86 = arith.constant dense<0.000000e+00> : vector<128x1024xf32>
    %dot_general3A_87 = tpu.matmul %get3A_85, %get3A_1, %dot_general3A_86 {dimension_numbers = #tpu.dot_dimension_numbers<[1], [1], [0], [0], [0, 0, 1, 0], [], []>, transpose_lhs_hint = false} : vector<128x32xbf16>, vector<1024x32xbf16>, vector<128x1024xf32> -> vector<128x1024xf32>
    %convert_element_type3A_88 = arith.truncf %dot_general3A_87 : vector<128x1024xf32> to vector<128x1024xbf16>
    %swap3A_89 = arith.constant 7 : index
    %swap3A_90 = arith.constant 0 : index
    %swap3A_91 = arith.constant 0 : index
    %swap3A_92 = vector.load %arg9[%swap3A_89, %swap3A_90, %swap3A_91] : memref<16x128x1024xbf16, #tpu.memory_space<vmem>>, vector<1x128x1024xbf16>
    %swap3A_93 = vector.shape_cast %swap3A_92 : vector<1x128x1024xbf16> to vector<128x1024xbf16>
    %swap3A_94 = vector.shape_cast %convert_element_type3A_88 : vector<128x1024xbf16> to vector<1x128x1024xbf16>
    tpu.vector_store %arg9[%swap3A_89, %swap3A_90, %swap3A_91], %swap3A_94 {strides = array<i32>} : memref<16x128x1024xbf16, #tpu.memory_space<vmem>>, vector<1x128x1024xbf16>,
    %get3A_95 = arith.constant 0 : index
    %get3A_96 = arith.constant 256 : index
    %get3A_97 = vector.load %arg1[%get3A_95, %get3A_96] : memref<128x1024xbf16, #tpu.memory_space<vmem>>, vector<128x32xbf16>
    %dot_general3A_98 = arith.constant dense<0.000000e+00> : vector<128x1024xf32>
    %dot_general3A_99 = tpu.matmul %get3A_97, %get3A_1, %dot_general3A_98 {dimension_numbers = #tpu.dot_dimension_numbers<[1], [1], [0], [0], [0, 0, 1, 0], [], []>, transpose_lhs_hint = false} : vector<128x32xbf16>, vector<1024x32xbf16>, vector<128x1024xf32> -> vector<128x1024xf32>
    %convert_element_type3A_100 = arith.truncf %dot_general3A_99 : vector<128x1024xf32> to vector<128x1024xbf16>
    %swap3A_101 = arith.constant 8 : index
    %swap3A_102 = arith.constant 0 : index
    %swap3A_103 = arith.constant 0 : index
    %swap3A_104 = vector.load %arg9[%swap3A_101, %swap3A_102, %swap3A_103] : memref<16x128x1024xbf16, #tpu.memory_space<vmem>>, vector<1x128x1024xbf16>
    %swap3A_105 = vector.shape_cast %swap3A_104 : vector<1x128x1024xbf16> to vector<128x1024xbf16>
    %swap3A_106 = vector.shape_cast %convert_element_type3A_100 : vector<128x1024xbf16> to vector<1x128x1024xbf16>
    tpu.vector_store %arg9[%swap3A_101, %swap3A_102, %swap3A_103], %swap3A_106 {strides = array<i32>} : memref<16x128x1024xbf16, #tpu.memory_space<vmem>>, vector<1x128x1024xbf16>,
    %get3A_107 = arith.constant 0 : index
    %get3A_108 = arith.constant 288 : index
    %get3A_109 = vector.load %arg1[%get3A_107, %get3A_108] : memref<128x1024xbf16, #tpu.memory_space<vmem>>, vector<128x32xbf16>
    %dot_general3A_110 = arith.constant dense<0.000000e+00> : vector<128x1024xf32>
    %dot_general3A_111 = tpu.matmul %get3A_109, %get3A_1, %dot_general3A_110 {dimension_numbers = #tpu.dot_dimension_numbers<[1], [1], [0], [0], [0, 0, 1, 0], [], []>, transpose_lhs_hint = false} : vector<128x32xbf16>, vector<1024x32xbf16>, vector<128x1024xf32> -> vector<128x1024xf32>
    %convert_element_type3A_112 = arith.truncf %dot_general3A_111 : vector<128x1024xf32> to vector<128x1024xbf16>
    %swap3A_113 = arith.constant 9 : index
    %swap3A_114 = arith.constant 0 : index
    %swap3A_115 = arith.constant 0 : index
    %swap3A_116 = vector.load %arg9[%swap3A_113, %swap3A_114, %swap3A_115] : memref<16x128x1024xbf16, #tpu.memory_space<vmem>>, vector<1x128x1024xbf16>
    %swap3A_117 = vector.shape_cast %swap3A_116 : vector<1x128x1024xbf16> to vector<128x1024xbf16>
    %swap3A_118 = vector.shape_cast %convert_element_type3A_112 : vector<128x1024xbf16> to vector<1x128x1024xbf16>
    tpu.vector_store %arg9[%swap3A_113, %swap3A_114, %swap3A_115], %swap3A_118 {strides = array<i32>} : memref<16x128x1024xbf16, #tpu.memory_space<vmem>>, vector<1x128x1024xbf16>,
    %get3A_119 = arith.constant 0 : index
    %get3A_120 = arith.constant 320 : index
    %get3A_121 = vector.load %arg1[%get3A_119, %get3A_120] : memref<128x1024xbf16, #tpu.memory_space<vmem>>, vector<128x32xbf16>
    %dot_general3A_122 = arith.constant dense<0.000000e+00> : vector<128x1024xf32>
    %dot_general3A_123 = tpu.matmul %get3A_121, %get3A_1, %dot_general3A_122 {dimension_numbers = #tpu.dot_dimension_numbers<[1], [1], [0], [0], [0, 0, 1, 0], [], []>, transpose_lhs_hint = false} : vector<128x32xbf16>, vector<1024x32xbf16>, vector<128x1024xf32> -> vector<128x1024xf32>
    %convert_element_type3A_124 = arith.truncf %dot_general3A_123 : vector<128x1024xf32> to vector<128x1024xbf16>
    %swap3A_125 = arith.constant 10 : index
    %swap3A_126 = arith.constant 0 : index
    %swap3A_127 = arith.constant 0 : index
    %swap3A_128 = vector.load %arg9[%swap3A_125, %swap3A_126, %swap3A_127] : memref<16x128x1024xbf16, #tpu.memory_space<vmem>>, vector<1x128x1024xbf16>
    %swap3A_129 = vector.shape_cast %swap3A_128 : vector<1x128x1024xbf16> to vector<128x1024xbf16>
    %swap3A_130 = vector.shape_cast %convert_element_type3A_124 : vector<128x1024xbf16> to vector<1x128x1024xbf16>
    tpu.vector_store %arg9[%swap3A_125, %swap3A_126, %swap3A_127], %swap3A_130 {strides = array<i32>} : memref<16x128x1024xbf16, #tpu.memory_space<vmem>>, vector<1x128x1024xbf16>,
    %get3A_131 = arith.constant 0 : index
    %get3A_132 = arith.constant 352 : index
    %get3A_133 = vector.load %arg1[%get3A_131, %get3A_132] : memref<128x1024xbf16, #tpu.memory_space<vmem>>, vector<128x32xbf16>
    %dot_general3A_134 = arith.constant dense<0.000000e+00> : vector<128x1024xf32>
    %dot_general3A_135 = tpu.matmul %get3A_133, %get3A_1, %dot_general3A_134 {dimension_numbers = #tpu.dot_dimension_numbers<[1], [1], [0], [0], [0, 0, 1, 0], [], []>, transpose_lhs_hint = false} : vector<128x32xbf16>, vector<1024x32xbf16>, vector<128x1024xf32> -> vector<128x1024xf32>
    %convert_element_type3A_136 = arith.truncf %dot_general3A_135 : vector<128x1024xf32> to vector<128x1024xbf16>
    %swap3A_137 = arith.constant 11 : index
    %swap3A_138 = arith.constant 0 : index
    %swap3A_139 = arith.constant 0 : index
    %swap3A_140 = vector.load %arg9[%swap3A_137, %swap3A_138, %swap3A_139] : memref<16x128x1024xbf16, #tpu.memory_space<vmem>>, vector<1x128x1024xbf16>
    %swap3A_141 = vector.shape_cast %swap3A_140 : vector<1x128x1024xbf16> to vector<128x1024xbf16>
    %swap3A_142 = vector.shape_cast %convert_element_type3A_136 : vector<128x1024xbf16> to vector<1x128x1024xbf16>
    tpu.vector_store %arg9[%swap3A_137, %swap3A_138, %swap3A_139], %swap3A_142 {strides = array<i32>} : memref<16x128x1024xbf16, #tpu.memory_space<vmem>>, vector<1x128x1024xbf16>,
    %get3A_143 = arith.constant 0 : index
    %get3A_144 = arith.constant 384 : index
    %get3A_145 = vector.load %arg1[%get3A_143, %get3A_144] : memref<128x1024xbf16, #tpu.memory_space<vmem>>, vector<128x32xbf16>
    %dot_general3A_146 = arith.constant dense<0.000000e+00> : vector<128x1024xf32>
    %dot_general3A_147 = tpu.matmul %get3A_145, %get3A_1, %dot_general3A_146 {dimension_numbers = #tpu.dot_dimension_numbers<[1], [1], [0], [0], [0, 0, 1, 0], [], []>, transpose_lhs_hint = false} : vector<128x32xbf16>, vector<1024x32xbf16>, vector<128x1024xf32> -> vector<128x1024xf32>
    %convert_element_type3A_148 = arith.truncf %dot_general3A_147 : vector<128x1024xf32> to vector<128x1024xbf16>
    %swap3A_149 = arith.constant 12 : index
    %swap3A_150 = arith.constant 0 : index
    %swap3A_151 = arith.constant 0 : index
    %swap3A_152 = vector.load %arg9[%swap3A_149, %swap3A_150, %swap3A_151] : memref<16x128x1024xbf16, #tpu.memory_space<vmem>>, vector<1x128x1024xbf16>
    %swap3A_153 = vector.shape_cast %swap3A_152 : vector<1x128x1024xbf16> to vector<128x1024xbf16>
    %swap3A_154 = vector.shape_cast %convert_element_type3A_148 : vector<128x1024xbf16> to vector<1x128x1024xbf16>
    tpu.vector_store %arg9[%swap3A_149, %swap3A_150, %swap3A_151], %swap3A_154 {strides = array<i32>} : memref<16x128x1024xbf16, #tpu.memory_space<vmem>>, vector<1x128x1024xbf16>,
    %get3A_155 = arith.constant 0 : index
    %get3A_156 = arith.constant 416 : index
    %get3A_157 = vector.load %arg1[%get3A_155, %get3A_156] : memref<128x1024xbf16, #tpu.memory_space<vmem>>, vector<128x32xbf16>
    %dot_general3A_158 = arith.constant dense<0.000000e+00> : vector<128x1024xf32>
    %dot_general3A_159 = tpu.matmul %get3A_157, %get3A_1, %dot_general3A_158 {dimension_numbers = #tpu.dot_dimension_numbers<[1], [1], [0], [0], [0, 0, 1, 0], [], []>, transpose_lhs_hint = false} : vector<128x32xbf16>, vector<1024x32xbf16>, vector<128x1024xf32> -> vector<128x1024xf32>
    %convert_element_type3A_160 = arith.truncf %dot_general3A_159 : vector<128x1024xf32> to vector<128x1024xbf16>
    %swap3A_161 = arith.constant 13 : index
    %swap3A_162 = arith.constant 0 : index
    %swap3A_163 = arith.constant 0 : index
    %swap3A_164 = vector.load %arg9[%swap3A_161, %swap3A_162, %swap3A_163] : memref<16x128x1024xbf16, #tpu.memory_space<vmem>>, vector<1x128x1024xbf16>
    %swap3A_165 = vector.shape_cast %swap3A_164 : vector<1x128x1024xbf16> to vector<128x1024xbf16>
    %swap3A_166 = vector.shape_cast %convert_element_type3A_160 : vector<128x1024xbf16> to vector<1x128x1024xbf16>
    tpu.vector_store %arg9[%swap3A_161, %swap3A_162, %swap3A_163], %swap3A_166 {strides = array<i32>} : memref<16x128x1024xbf16, #tpu.memory_space<vmem>>, vector<1x128x1024xbf16>,
    %get3A_167 = arith.constant 0 : index
    %get3A_168 = arith.constant 448 : index
    %get3A_169 = vector.load %arg1[%get3A_167, %get3A_168] : memref<128x1024xbf16, #tpu.memory_space<vmem>>, vector<128x32xbf16>
    %dot_general3A_170 = arith.constant dense<0.000000e+00> : vector<128x1024xf32>
    %dot_general3A_171 = tpu.matmul %get3A_169, %get3A_1, %dot_general3A_170 {dimension_numbers = #tpu.dot_dimension_numbers<[1], [1], [0], [0], [0, 0, 1, 0], [], []>, transpose_lhs_hint = false} : vector<128x32xbf16>, vector<1024x32xbf16>, vector<128x1024xf32> -> vector<128x1024xf32>
    %convert_element_type3A_172 = arith.truncf %dot_general3A_171 : vector<128x1024xf32> to vector<128x1024xbf16>
    %swap3A_173 = arith.constant 14 : index
    %swap3A_174 = arith.constant 0 : index
    %swap3A_175 = arith.constant 0 : index
    %swap3A_176 = vector.load %arg9[%swap3A_173, %swap3A_174, %swap3A_175] : memref<16x128x1024xbf16, #tpu.memory_space<vmem>>, vector<1x128x1024xbf16>
    %swap3A_177 = vector.shape_cast %swap3A_176 : vector<1x128x1024xbf16> to vector<128x1024xbf16>
    %swap3A_178 = vector.shape_cast %convert_element_type3A_172 : vector<128x1024xbf16> to vector<1x128x1024xbf16>
    tpu.vector_store %arg9[%swap3A_173, %swap3A_174, %swap3A_175], %swap3A_178 {strides = array<i32>} : memref<16x128x1024xbf16, #tpu.memory_space<vmem>>, vector<1x128x1024xbf16>,
    %get3A_179 = arith.constant 0 : index
    %get3A_180 = arith.constant 480 : index
    %get3A_181 = vector.load %arg1[%get3A_179, %get3A_180] : memref<128x1024xbf16, #tpu.memory_space<vmem>>, vector<128x32xbf16>
    %dot_general3A_182 = arith.constant dense<0.000000e+00> : vector<128x1024xf32>
    %dot_general3A_183 = tpu.matmul %get3A_181, %get3A_1, %dot_general3A_182 {dimension_numbers = #tpu.dot_dimension_numbers<[1], [1], [0], [0], [0, 0, 1, 0], [], []>, transpose_lhs_hint = false} : vector<128x32xbf16>, vector<1024x32xbf16>, vector<128x1024xf32> -> vector<128x1024xf32>
    %convert_element_type3A_184 = arith.truncf %dot_general3A_183 : vector<128x1024xf32> to vector<128x1024xbf16>
    %swap3A_185 = arith.constant 15 : index
    %swap3A_186 = arith.constant 0 : index
    %swap3A_187 = arith.constant 0 : index
    %swap3A_188 = vector.load %arg9[%swap3A_185, %swap3A_186, %swap3A_187] : memref<16x128x1024xbf16, #tpu.memory_space<vmem>>, vector<1x128x1024xbf16>
    %swap3A_189 = vector.shape_cast %swap3A_188 : vector<1x128x1024xbf16> to vector<128x1024xbf16>
    %swap3A_190 = vector.shape_cast %convert_element_type3A_184 : vector<128x1024xbf16> to vector<1x128x1024xbf16>
    tpu.vector_store %arg9[%swap3A_185, %swap3A_186, %swap3A_187], %swap3A_190 {strides = array<i32>} : memref<16x128x1024xbf16, #tpu.memory_space<vmem>>, vector<1x128x1024xbf16>,
    %get3A_191 = arith.constant 0 : index
    %get3A_192 = arith.constant 0 : index
    %get3A_193 = arith.constant 0 : index
    %get3A_194 = vector.load %arg9[%get3A_191, %get3A_192, %get3A_193] : memref<16x128x1024xbf16, #tpu.memory_space<vmem>>, vector<16x8x1024xbf16>
    %reshape3A = vector.shape_cast %get3A_194 : vector<16x8x1024xbf16> to vector<128x1024xbf16>
    %get3A_195 = arith.constant 0 : index
    %get3A_196 = arith.constant 0 : index
    %get3A_197 = arith.constant 0 : index
    %get3A_198 = vector.load %arg3[%get3A_195, %get3A_196, %get3A_197] : memref<2x256x128xbf16, #tpu.memory_space<vmem>>, vector<1x256x128xbf16>
    %get3A_199 = vector.shape_cast %get3A_198 : vector<1x256x128xbf16> to vector<256x128xbf16>
    %dot_general3A_200 = arith.constant dense<0.000000e+00> : vector<256x1024xf32>
    %dot_general3A_201 = tpu.matmul %get3A_199, %reshape3A, %dot_general3A_200 {dimension_numbers = #tpu.dot_dimension_numbers<[1], [0], [0], [1], [0, 0, 1, 1], [], []>, transpose_lhs_hint = false} : vector<256x128xbf16>, vector<128x1024xbf16>, vector<256x1024xf32> -> vector<256x1024xf32>
    %get3A_202 = arith.constant 0 : index
    %get3A_203 = arith.constant 0 : index
    %get3A_204 = arith.constant 0 : index
    %get3A_205 = vector.load %arg5[%get3A_202, %get3A_203, %get3A_204] : memref<2x256x1xf32, #tpu.memory_space<vmem>>, vector<1x256x1xf32>
    %get3A_206 = vector.shape_cast %get3A_205 : vector<1x256x1xf32> to vector<256x1xf32>
    %add3A = vector.broadcast %get3A_206 : vector<256x1xf32> to vector<256x1024xf32>
    %add3A_207 = arith.addf %dot_general3A_201, %add3A : vector<256x1024xf32>
    %max3A = arith.constant 0.000000e+00 : f32
    %max3A_208 = vector.broadcast %max3A : f32 to vector<256x1024xf32>
    %max3A_209 = arith.maximumf %add3A_207, %max3A_208 : vector<256x1024xf32>
    %convert_element_type3A_210 = arith.truncf %max3A_209 : vector<256x1024xf32> to vector<256x1024xbf16>
    %get3A_211 = arith.constant 0 : index
    %get3A_212 = arith.constant 0 : index
    %get3A_213 = arith.constant 0 : index
    %get3A_214 = vector.load %arg4[%get3A_211, %get3A_212, %get3A_213] : memref<2x8x256xbf16, #tpu.memory_space<vmem>>, vector<1x8x256xbf16>
    %get3A_215 = vector.shape_cast %get3A_214 : vector<1x8x256xbf16> to vector<8x256xbf16>
    %dot_general3A_216 = arith.constant dense<0.000000e+00> : vector<8x1024xf32>
    %dot_general3A_217 = tpu.matmul %get3A_215, %convert_element_type3A_210, %dot_general3A_216 {dimension_numbers = #tpu.dot_dimension_numbers<[1], [0], [0], [1], [0, 0, 1, 1], [], []>, transpose_lhs_hint = false} : vector<8x256xbf16>, vector<256x1024xbf16>, vector<8x1024xf32> -> vector<8x1024xf32>
    %get3A_218 = arith.constant 0 : index
    %get3A_219 = arith.constant 0 : index
    %get3A_220 = memref.load %arg6[%get3A_218, %get3A_219] : memref<1x2xf32, #tpu.memory_space<smem>>
    %add3A_221 = vector.broadcast %get3A_220 : f32 to vector<8x1024xf32>
    %add3A_222 = arith.addf %dot_general3A_217, %add3A_221 : vector<8x1024xf32>
    %swap3A_223 = arith.constant 0 : index
    %swap3A_224 = arith.constant 0 : index
    %swap3A_225 = vector.load %arg10[%swap3A_223, %swap3A_224] : memref<128x1024xf32, #tpu.memory_space<vmem>>, vector<8x1024xf32>
    tpu.vector_store %arg10[%swap3A_223, %swap3A_224], %add3A_222 {strides = array<i32>} : memref<128x1024xf32, #tpu.memory_space<vmem>>, vector<8x1024xf32>,
    %get3A_226 = arith.constant 0 : index
    %get3A_227 = arith.constant 8 : index
    %get3A_228 = arith.constant 0 : index
    %get3A_229 = vector.load %arg9[%get3A_226, %get3A_227, %get3A_228] : memref<16x128x1024xbf16, #tpu.memory_space<vmem>>, vector<16x8x1024xbf16>
    %reshape3A_230 = vector.shape_cast %get3A_229 : vector<16x8x1024xbf16> to vector<128x1024xbf16>
    %get3A_231 = arith.constant 0 : index
    %get3A_232 = arith.constant 0 : index
    %get3A_233 = arith.constant 0 : index
    %get3A_234 = vector.load %arg3[%get3A_231, %get3A_232, %get3A_233] : memref<2x256x128xbf16, #tpu.memory_space<vmem>>, vector<1x256x128xbf16>
    %get3A_235 = vector.shape_cast %get3A_234 : vector<1x256x128xbf16> to vector<256x128xbf16>
    %dot_general3A_236 = arith.constant dense<0.000000e+00> : vector<256x1024xf32>
    %dot_general3A_237 = tpu.matmul %get3A_235, %reshape3A_230, %dot_general3A_236 {dimension_numbers = #tpu.dot_dimension_numbers<[1], [0], [0], [1], [0, 0, 1, 1], [], []>, transpose_lhs_hint = false} : vector<256x128xbf16>, vector<128x1024xbf16>, vector<256x1024xf32> -> vector<256x1024xf32>
    %get3A_238 = arith.constant 0 : index
    %get3A_239 = arith.constant 0 : index
    %get3A_240 = arith.constant 0 : index
    %get3A_241 = vector.load %arg5[%get3A_238, %get3A_239, %get3A_240] : memref<2x256x1xf32, #tpu.memory_space<vmem>>, vector<1x256x1xf32>
    %get3A_242 = vector.shape_cast %get3A_241 : vector<1x256x1xf32> to vector<256x1xf32>
    %add3A_243 = vector.broadcast %get3A_242 : vector<256x1xf32> to vector<256x1024xf32>
    %add3A_244 = arith.addf %dot_general3A_237, %add3A_243 : vector<256x1024xf32>
    %max3A_245 = arith.constant 0.000000e+00 : f32
    %max3A_246 = vector.broadcast %max3A_245 : f32 to vector<256x1024xf32>
    %max3A_247 = arith.maximumf %add3A_244, %max3A_246 : vector<256x1024xf32>
    %convert_element_type3A_248 = arith.truncf %max3A_247 : vector<256x1024xf32> to vector<256x1024xbf16>
    %get3A_249 = arith.constant 0 : index
    %get3A_250 = arith.constant 0 : index
    %get3A_251 = arith.constant 0 : index
    %get3A_252 = vector.load %arg4[%get3A_249, %get3A_250, %get3A_251] : memref<2x8x256xbf16, #tpu.memory_space<vmem>>, vector<1x8x256xbf16>
    %get3A_253 = vector.shape_cast %get3A_252 : vector<1x8x256xbf16> to vector<8x256xbf16>
    %dot_general3A_254 = arith.constant dense<0.000000e+00> : vector<8x1024xf32>
    %dot_general3A_255 = tpu.matmul %get3A_253, %convert_element_type3A_248, %dot_general3A_254 {dimension_numbers = #tpu.dot_dimension_numbers<[1], [0], [0], [1], [0, 0, 1, 1], [], []>, transpose_lhs_hint = false} : vector<8x256xbf16>, vector<256x1024xbf16>, vector<8x1024xf32> -> vector<8x1024xf32>
    %get3A_256 = arith.constant 0 : index
    %get3A_257 = arith.constant 0 : index
    %get3A_258 = memref.load %arg6[%get3A_256, %get3A_257] : memref<1x2xf32, #tpu.memory_space<smem>>
    %add3A_259 = vector.broadcast %get3A_258 : f32 to vector<8x1024xf32>
    %add3A_260 = arith.addf %dot_general3A_255, %add3A_259 : vector<8x1024xf32>
    %swap3A_261 = arith.constant 8 : index
    %swap3A_262 = arith.constant 0 : index
    %swap3A_263 = vector.load %arg10[%swap3A_261, %swap3A_262] : memref<128x1024xf32, #tpu.memory_space<vmem>>, vector<8x1024xf32>
    tpu.vector_store %arg10[%swap3A_261, %swap3A_262], %add3A_260 {strides = array<i32>} : memref<128x1024xf32, #tpu.memory_space<vmem>>, vector<8x1024xf32>,
    %get3A_264 = arith.constant 0 : index
    %get3A_265 = arith.constant 16 : index
    %get3A_266 = arith.constant 0 : index
    %get3A_267 = vector.load %arg9[%get3A_264, %get3A_265, %get3A_266] : memref<16x128x1024xbf16, #tpu.memory_space<vmem>>, vector<16x8x1024xbf16>
    %reshape3A_268 = vector.shape_cast %get3A_267 : vector<16x8x1024xbf16> to vector<128x1024xbf16>
    %get3A_269 = arith.constant 0 : index
    %get3A_270 = arith.constant 0 : index
    %get3A_271 = arith.constant 0 : index
    %get3A_272 = vector.load %arg3[%get3A_269, %get3A_270, %get3A_271] : memref<2x256x128xbf16, #tpu.memory_space<vmem>>, vector<1x256x128xbf16>
    %get3A_273 = vector.shape_cast %get3A_272 : vector<1x256x128xbf16> to vector<256x128xbf16>
    %dot_general3A_274 = arith.constant dense<0.000000e+00> : vector<256x1024xf32>
    %dot_general3A_275 = tpu.matmul %get3A_273, %reshape3A_268, %dot_general3A_274 {dimension_numbers = #tpu.dot_dimension_numbers<[1], [0], [0], [1], [0, 0, 1, 1], [], []>, transpose_lhs_hint = false} : vector<256x128xbf16>, vector<128x1024xbf16>, vector<256x1024xf32> -> vector<256x1024xf32>
    %get3A_276 = arith.constant 0 : index
    %get3A_277 = arith.constant 0 : index
    %get3A_278 = arith.constant 0 : index
    %get3A_279 = vector.load %arg5[%get3A_276, %get3A_277, %get3A_278] : memref<2x256x1xf32, #tpu.memory_space<vmem>>, vector<1x256x1xf32>
    %get3A_280 = vector.shape_cast %get3A_279 : vector<1x256x1xf32> to vector<256x1xf32>
    %add3A_281 = vector.broadcast %get3A_280 : vector<256x1xf32> to vector<256x1024xf32>
    %add3A_282 = arith.addf %dot_general3A_275, %add3A_281 : vector<256x1024xf32>
    %max3A_283 = arith.constant 0.000000e+00 : f32
    %max3A_284 = vector.broadcast %max3A_283 : f32 to vector<256x1024xf32>
    %max3A_285 = arith.maximumf %add3A_282, %max3A_284 : vector<256x1024xf32>
    %convert_element_type3A_286 = arith.truncf %max3A_285 : vector<256x1024xf32> to vector<256x1024xbf16>
    %get3A_287 = arith.constant 0 : index
    %get3A_288 = arith.constant 0 : index
    %get3A_289 = arith.constant 0 : index
    %get3A_290 = vector.load %arg4[%get3A_287, %get3A_288, %get3A_289] : memref<2x8x256xbf16, #tpu.memory_space<vmem>>, vector<1x8x256xbf16>
    %get3A_291 = vector.shape_cast %get3A_290 : vector<1x8x256xbf16> to vector<8x256xbf16>
    %dot_general3A_292 = arith.constant dense<0.000000e+00> : vector<8x1024xf32>
    %dot_general3A_293 = tpu.matmul %get3A_291, %convert_element_type3A_286, %dot_general3A_292 {dimension_numbers = #tpu.dot_dimension_numbers<[1], [0], [0], [1], [0, 0, 1, 1], [], []>, transpose_lhs_hint = false} : vector<8x256xbf16>, vector<256x1024xbf16>, vector<8x1024xf32> -> vector<8x1024xf32>
    %get3A_294 = arith.constant 0 : index
    %get3A_295 = arith.constant 0 : index
    %get3A_296 = memref.load %arg6[%get3A_294, %get3A_295] : memref<1x2xf32, #tpu.memory_space<smem>>
    %add3A_297 = vector.broadcast %get3A_296 : f32 to vector<8x1024xf32>
    %add3A_298 = arith.addf %dot_general3A_293, %add3A_297 : vector<8x1024xf32>
    %swap3A_299 = arith.constant 16 : index
    %swap3A_300 = arith.constant 0 : index
    %swap3A_301 = vector.load %arg10[%swap3A_299, %swap3A_300] : memref<128x1024xf32, #tpu.memory_space<vmem>>, vector<8x1024xf32>
    tpu.vector_store %arg10[%swap3A_299, %swap3A_300], %add3A_298 {strides = array<i32>} : memref<128x1024xf32, #tpu.memory_space<vmem>>, vector<8x1024xf32>,
    %get3A_302 = arith.constant 0 : index
    %get3A_303 = arith.constant 24 : index
    %get3A_304 = arith.constant 0 : index
    %get3A_305 = vector.load %arg9[%get3A_302, %get3A_303, %get3A_304] : memref<16x128x1024xbf16, #tpu.memory_space<vmem>>, vector<16x8x1024xbf16>
    %reshape3A_306 = vector.shape_cast %get3A_305 : vector<16x8x1024xbf16> to vector<128x1024xbf16>
    %get3A_307 = arith.constant 0 : index
    %get3A_308 = arith.constant 0 : index
    %get3A_309 = arith.constant 0 : index
    %get3A_310 = vector.load %arg3[%get3A_307, %get3A_308, %get3A_309] : memref<2x256x128xbf16, #tpu.memory_space<vmem>>, vector<1x256x128xbf16>
    %get3A_311 = vector.shape_cast %get3A_310 : vector<1x256x128xbf16> to vector<256x128xbf16>
    %dot_general3A_312 = arith.constant dense<0.000000e+00> : vector<256x1024xf32>
    %dot_general3A_313 = tpu.matmul %get3A_311, %reshape3A_306, %dot_general3A_312 {dimension_numbers = #tpu.dot_dimension_numbers<[1], [0], [0], [1], [0, 0, 1, 1], [], []>, transpose_lhs_hint = false} : vector<256x128xbf16>, vector<128x1024xbf16>, vector<256x1024xf32> -> vector<256x1024xf32>
    %get3A_314 = arith.constant 0 : index
    %get3A_315 = arith.constant 0 : index
    %get3A_316 = arith.constant 0 : index
    %get3A_317 = vector.load %arg5[%get3A_314, %get3A_315, %get3A_316] : memref<2x256x1xf32, #tpu.memory_space<vmem>>, vector<1x256x1xf32>
    %get3A_318 = vector.shape_cast %get3A_317 : vector<1x256x1xf32> to vector<256x1xf32>
    %add3A_319 = vector.broadcast %get3A_318 : vector<256x1xf32> to vector<256x1024xf32>
    %add3A_320 = arith.addf %dot_general3A_313, %add3A_319 : vector<256x1024xf32>
    %max3A_321 = arith.constant 0.000000e+00 : f32
    %max3A_322 = vector.broadcast %max3A_321 : f32 to vector<256x1024xf32>
    %max3A_323 = arith.maximumf %add3A_320, %max3A_322 : vector<256x1024xf32>
    %convert_element_type3A_324 = arith.truncf %max3A_323 : vector<256x1024xf32> to vector<256x1024xbf16>
    %get3A_325 = arith.constant 0 : index
    %get3A_326 = arith.constant 0 : index
    %get3A_327 = arith.constant 0 : index
    %get3A_328 = vector.load %arg4[%get3A_325, %get3A_326, %get3A_327] : memref<2x8x256xbf16, #tpu.memory_space<vmem>>, vector<1x8x256xbf16>
    %get3A_329 = vector.shape_cast %get3A_328 : vector<1x8x256xbf16> to vector<8x256xbf16>
    %dot_general3A_330 = arith.constant dense<0.000000e+00> : vector<8x1024xf32>
    %dot_general3A_331 = tpu.matmul %get3A_329, %convert_element_type3A_324, %dot_general3A_330 {dimension_numbers = #tpu.dot_dimension_numbers<[1], [0], [0], [1], [0, 0, 1, 1], [], []>, transpose_lhs_hint = false} : vector<8x256xbf16>, vector<256x1024xbf16>, vector<8x1024xf32> -> vector<8x1024xf32>
    %get3A_332 = arith.constant 0 : index
    %get3A_333 = arith.constant 0 : index
    %get3A_334 = memref.load %arg6[%get3A_332, %get3A_333] : memref<1x2xf32, #tpu.memory_space<smem>>
    %add3A_335 = vector.broadcast %get3A_334 : f32 to vector<8x1024xf32>
    %add3A_336 = arith.addf %dot_general3A_331, %add3A_335 : vector<8x1024xf32>
    %swap3A_337 = arith.constant 24 : index
    %swap3A_338 = arith.constant 0 : index
    %swap3A_339 = vector.load %arg10[%swap3A_337, %swap3A_338] : memref<128x1024xf32, #tpu.memory_space<vmem>>, vector<8x1024xf32>
    tpu.vector_store %arg10[%swap3A_337, %swap3A_338], %add3A_336 {strides = array<i32>} : memref<128x1024xf32, #tpu.memory_space<vmem>>, vector<8x1024xf32>,
    %get3A_340 = arith.constant 0 : index
    %get3A_341 = arith.constant 32 : index
    %get3A_342 = arith.constant 0 : index
    %get3A_343 = vector.load %arg9[%get3A_340, %get3A_341, %get3A_342] : memref<16x128x1024xbf16, #tpu.memory_space<vmem>>, vector<16x8x1024xbf16>
    %reshape3A_344 = vector.shape_cast %get3A_343 : vector<16x8x1024xbf16> to vector<128x1024xbf16>
    %get3A_345 = arith.constant 0 : index
    %get3A_346 = arith.constant 0 : index
    %get3A_347 = arith.constant 0 : index
    %get3A_348 = vector.load %arg3[%get3A_345, %get3A_346, %get3A_347] : memref<2x256x128xbf16, #tpu.memory_space<vmem>>, vector<1x256x128xbf16>
    %get3A_349 = vector.shape_cast %get3A_348 : vector<1x256x128xbf16> to vector<256x128xbf16>
    %dot_general3A_350 = arith.constant dense<0.000000e+00> : vector<256x1024xf32>
    %dot_general3A_351 = tpu.matmul %get3A_349, %reshape3A_344, %dot_general3A_350 {dimension_numbers = #tpu.dot_dimension_numbers<[1], [0], [0], [1], [0, 0, 1, 1], [], []>, transpose_lhs_hint = false} : vector<256x128xbf16>, vector<128x1024xbf16>, vector<256x1024xf32> -> vector<256x1024xf32>
    %get3A_352 = arith.constant 0 : index
    %get3A_353 = arith.constant 0 : index
    %get3A_354 = arith.constant 0 : index
    %get3A_355 = vector.load %arg5[%get3A_352, %get3A_353, %get3A_354] : memref<2x256x1xf32, #tpu.memory_space<vmem>>, vector<1x256x1xf32>
    %get3A_356 = vector.shape_cast %get3A_355 : vector<1x256x1xf32> to vector<256x1xf32>
    %add3A_357 = vector.broadcast %get3A_356 : vector<256x1xf32> to vector<256x1024xf32>
    %add3A_358 = arith.addf %dot_general3A_351, %add3A_357 : vector<256x1024xf32>
    %max3A_359 = arith.constant 0.000000e+00 : f32
    %max3A_360 = vector.broadcast %max3A_359 : f32 to vector<256x1024xf32>
    %max3A_361 = arith.maximumf %add3A_358, %max3A_360 : vector<256x1024xf32>
    %convert_element_type3A_362 = arith.truncf %max3A_361 : vector<256x1024xf32> to vector<256x1024xbf16>
    %get3A_363 = arith.constant 0 : index
    %get3A_364 = arith.constant 0 : index
    %get3A_365 = arith.constant 0 : index
    %get3A_366 = vector.load %arg4[%get3A_363, %get3A_364, %get3A_365] : memref<2x8x256xbf16, #tpu.memory_space<vmem>>, vector<1x8x256xbf16>
    %get3A_367 = vector.shape_cast %get3A_366 : vector<1x8x256xbf16> to vector<8x256xbf16>
    %dot_general3A_368 = arith.constant dense<0.000000e+00> : vector<8x1024xf32>
    %dot_general3A_369 = tpu.matmul %get3A_367, %convert_element_type3A_362, %dot_general3A_368 {dimension_numbers = #tpu.dot_dimension_numbers<[1], [0], [0], [1], [0, 0, 1, 1], [], []>, transpose_lhs_hint = false} : vector<8x256xbf16>, vector<256x1024xbf16>, vector<8x1024xf32> -> vector<8x1024xf32>
    %get3A_370 = arith.constant 0 : index
    %get3A_371 = arith.constant 0 : index
    %get3A_372 = memref.load %arg6[%get3A_370, %get3A_371] : memref<1x2xf32, #tpu.memory_space<smem>>
    %add3A_373 = vector.broadcast %get3A_372 : f32 to vector<8x1024xf32>
    %add3A_374 = arith.addf %dot_general3A_369, %add3A_373 : vector<8x1024xf32>
    %swap3A_375 = arith.constant 32 : index
    %swap3A_376 = arith.constant 0 : index
    %swap3A_377 = vector.load %arg10[%swap3A_375, %swap3A_376] : memref<128x1024xf32, #tpu.memory_space<vmem>>, vector<8x1024xf32>
    tpu.vector_store %arg10[%swap3A_375, %swap3A_376], %add3A_374 {strides = array<i32>} : memref<128x1024xf32, #tpu.memory_space<vmem>>, vector<8x1024xf32>,
    %get3A_378 = arith.constant 0 : index
    %get3A_379 = arith.constant 40 : index
    %get3A_380 = arith.constant 0 : index
    %get3A_381 = vector.load %arg9[%get3A_378, %get3A_379, %get3A_380] : memref<16x128x1024xbf16, #tpu.memory_space<vmem>>, vector<16x8x1024xbf16>
    %reshape3A_382 = vector.shape_cast %get3A_381 : vector<16x8x1024xbf16> to vector<128x1024xbf16>
    %get3A_383 = arith.constant 0 : index
    %get3A_384 = arith.constant 0 : index
    %get3A_385 = arith.constant 0 : index
    %get3A_386 = vector.load %arg3[%get3A_383, %get3A_384, %get3A_385] : memref<2x256x128xbf16, #tpu.memory_space<vmem>>, vector<1x256x128xbf16>
    %get3A_387 = vector.shape_cast %get3A_386 : vector<1x256x128xbf16> to vector<256x128xbf16>
    %dot_general3A_388 = arith.constant dense<0.000000e+00> : vector<256x1024xf32>
    %dot_general3A_389 = tpu.matmul %get3A_387, %reshape3A_382, %dot_general3A_388 {dimension_numbers = #tpu.dot_dimension_numbers<[1], [0], [0], [1], [0, 0, 1, 1], [], []>, transpose_lhs_hint = false} : vector<256x128xbf16>, vector<128x1024xbf16>, vector<256x1024xf32> -> vector<256x1024xf32>
    %get3A_390 = arith.constant 0 : index
    %get3A_391 = arith.constant 0 : index
    %get3A_392 = arith.constant 0 : index
    %get3A_393 = vector.load %arg5[%get3A_390, %get3A_391, %get3A_392] : memref<2x256x1xf32, #tpu.memory_space<vmem>>, vector<1x256x1xf32>
    %get3A_394 = vector.shape_cast %get3A_393 : vector<1x256x1xf32> to vector<256x1xf32>
    %add3A_395 = vector.broadcast %get3A_394 : vector<256x1xf32> to vector<256x1024xf32>
    %add3A_396 = arith.addf %dot_general3A_389, %add3A_395 : vector<256x1024xf32>
    %max3A_397 = arith.constant 0.000000e+00 : f32
    %max3A_398 = vector.broadcast %max3A_397 : f32 to vector<256x1024xf32>
    %max3A_399 = arith.maximumf %add3A_396, %max3A_398 : vector<256x1024xf32>
    %convert_element_type3A_400 = arith.truncf %max3A_399 : vector<256x1024xf32> to vector<256x1024xbf16>
    %get3A_401 = arith.constant 0 : index
    %get3A_402 = arith.constant 0 : index
    %get3A_403 = arith.constant 0 : index
    %get3A_404 = vector.load %arg4[%get3A_401, %get3A_402, %get3A_403] : memref<2x8x256xbf16, #tpu.memory_space<vmem>>, vector<1x8x256xbf16>
    %get3A_405 = vector.shape_cast %get3A_404 : vector<1x8x256xbf16> to vector<8x256xbf16>
    %dot_general3A_406 = arith.constant dense<0.000000e+00> : vector<8x1024xf32>
    %dot_general3A_407 = tpu.matmul %get3A_405, %convert_element_type3A_400, %dot_general3A_406 {dimension_numbers = #tpu.dot_dimension_numbers<[1], [0], [0], [1], [0, 0, 1, 1], [], []>, transpose_lhs_hint = false} : vector<8x256xbf16>, vector<256x1024xbf16>, vector<8x1024xf32> -> vector<8x1024xf32>
    %get3A_408 = arith.constant 0 : index
    %get3A_409 = arith.constant 0 : index
    %get3A_410 = memref.load %arg6[%get3A_408, %get3A_409] : memref<1x2xf32, #tpu.memory_space<smem>>
    %add3A_411 = vector.broadcast %get3A_410 : f32 to vector<8x1024xf32>
    %add3A_412 = arith.addf %dot_general3A_407, %add3A_411 : vector<8x1024xf32>
    %swap3A_413 = arith.constant 40 : index
    %swap3A_414 = arith.constant 0 : index
    %swap3A_415 = vector.load %arg10[%swap3A_413, %swap3A_414] : memref<128x1024xf32, #tpu.memory_space<vmem>>, vector<8x1024xf32>
    tpu.vector_store %arg10[%swap3A_413, %swap3A_414], %add3A_412 {strides = array<i32>} : memref<128x1024xf32, #tpu.memory_space<vmem>>, vector<8x1024xf32>,
    %get3A_416 = arith.constant 0 : index
    %get3A_417 = arith.constant 48 : index
    %get3A_418 = arith.constant 0 : index
    %get3A_419 = vector.load %arg9[%get3A_416, %get3A_417, %get3A_418] : memref<16x128x1024xbf16, #tpu.memory_space<vmem>>, vector<16x8x1024xbf16>
    %reshape3A_420 = vector.shape_cast %get3A_419 : vector<16x8x1024xbf16> to vector<128x1024xbf16>
    %get3A_421 = arith.constant 0 : index
    %get3A_422 = arith.constant 0 : index
    %get3A_423 = arith.constant 0 : index
    %get3A_424 = vector.load %arg3[%get3A_421, %get3A_422, %get3A_423] : memref<2x256x128xbf16, #tpu.memory_space<vmem>>, vector<1x256x128xbf16>
    %get3A_425 = vector.shape_cast %get3A_424 : vector<1x256x128xbf16> to vector<256x128xbf16>
    %dot_general3A_426 = arith.constant dense<0.000000e+00> : vector<256x1024xf32>
    %dot_general3A_427 = tpu.matmul %get3A_425, %reshape3A_420, %dot_general3A_426 {dimension_numbers = #tpu.dot_dimension_numbers<[1], [0], [0], [1], [0, 0, 1, 1], [], []>, transpose_lhs_hint = false} : vector<256x128xbf16>, vector<128x1024xbf16>, vector<256x1024xf32> -> vector<256x1024xf32>
    %get3A_428 = arith.constant 0 : index
    %get3A_429 = arith.constant 0 : index
    %get3A_430 = arith.constant 0 : index
    %get3A_431 = vector.load %arg5[%get3A_428, %get3A_429, %get3A_430] : memref<2x256x1xf32, #tpu.memory_space<vmem>>, vector<1x256x1xf32>
    %get3A_432 = vector.shape_cast %get3A_431 : vector<1x256x1xf32> to vector<256x1xf32>
    %add3A_433 = vector.broadcast %get3A_432 : vector<256x1xf32> to vector<256x1024xf32>
    %add3A_434 = arith.addf %dot_general3A_427, %add3A_433 : vector<256x1024xf32>
    %max3A_435 = arith.constant 0.000000e+00 : f32
    %max3A_436 = vector.broadcast %max3A_435 : f32 to vector<256x1024xf32>
    %max3A_437 = arith.maximumf %add3A_434, %max3A_436 : vector<256x1024xf32>
    %convert_element_type3A_438 = arith.truncf %max3A_437 : vector<256x1024xf32> to vector<256x1024xbf16>
    %get3A_439 = arith.constant 0 : index
    %get3A_440 = arith.constant 0 : index
    %get3A_441 = arith.constant 0 : index
    %get3A_442 = vector.load %arg4[%get3A_439, %get3A_440, %get3A_441] : memref<2x8x256xbf16, #tpu.memory_space<vmem>>, vector<1x8x256xbf16>
    %get3A_443 = vector.shape_cast %get3A_442 : vector<1x8x256xbf16> to vector<8x256xbf16>
    %dot_general3A_444 = arith.constant dense<0.000000e+00> : vector<8x1024xf32>
    %dot_general3A_445 = tpu.matmul %get3A_443, %convert_element_type3A_438, %dot_general3A_444 {dimension_numbers = #tpu.dot_dimension_numbers<[1], [0], [0], [1], [0, 0, 1, 1], [], []>, transpose_lhs_hint = false} : vector<8x256xbf16>, vector<256x1024xbf16>, vector<8x1024xf32> -> vector<8x1024xf32>
    %get3A_446 = arith.constant 0 : index
    %get3A_447 = arith.constant 0 : index
    %get3A_448 = memref.load %arg6[%get3A_446, %get3A_447] : memref<1x2xf32, #tpu.memory_space<smem>>
    %add3A_449 = vector.broadcast %get3A_448 : f32 to vector<8x1024xf32>
    %add3A_450 = arith.addf %dot_general3A_445, %add3A_449 : vector<8x1024xf32>
    %swap3A_451 = arith.constant 48 : index
    %swap3A_452 = arith.constant 0 : index
    %swap3A_453 = vector.load %arg10[%swap3A_451, %swap3A_452] : memref<128x1024xf32, #tpu.memory_space<vmem>>, vector<8x1024xf32>
    tpu.vector_store %arg10[%swap3A_451, %swap3A_452], %add3A_450 {strides = array<i32>} : memref<128x1024xf32, #tpu.memory_space<vmem>>, vector<8x1024xf32>,
    %get3A_454 = arith.constant 0 : index
    %get3A_455 = arith.constant 56 : index
    %get3A_456 = arith.constant 0 : index
    %get3A_457 = vector.load %arg9[%get3A_454, %get3A_455, %get3A_456] : memref<16x128x1024xbf16, #tpu.memory_space<vmem>>, vector<16x8x1024xbf16>
    %reshape3A_458 = vector.shape_cast %get3A_457 : vector<16x8x1024xbf16> to vector<128x1024xbf16>
    %get3A_459 = arith.constant 0 : index
    %get3A_460 = arith.constant 0 : index
    %get3A_461 = arith.constant 0 : index
    %get3A_462 = vector.load %arg3[%get3A_459, %get3A_460, %get3A_461] : memref<2x256x128xbf16, #tpu.memory_space<vmem>>, vector<1x256x128xbf16>
    %get3A_463 = vector.shape_cast %get3A_462 : vector<1x256x128xbf16> to vector<256x128xbf16>
    %dot_general3A_464 = arith.constant dense<0.000000e+00> : vector<256x1024xf32>
    %dot_general3A_465 = tpu.matmul %get3A_463, %reshape3A_458, %dot_general3A_464 {dimension_numbers = #tpu.dot_dimension_numbers<[1], [0], [0], [1], [0, 0, 1, 1], [], []>, transpose_lhs_hint = false} : vector<256x128xbf16>, vector<128x1024xbf16>, vector<256x1024xf32> -> vector<256x1024xf32>
    %get3A_466 = arith.constant 0 : index
    %get3A_467 = arith.constant 0 : index
    %get3A_468 = arith.constant 0 : index
    %get3A_469 = vector.load %arg5[%get3A_466, %get3A_467, %get3A_468] : memref<2x256x1xf32, #tpu.memory_space<vmem>>, vector<1x256x1xf32>
    %get3A_470 = vector.shape_cast %get3A_469 : vector<1x256x1xf32> to vector<256x1xf32>
    %add3A_471 = vector.broadcast %get3A_470 : vector<256x1xf32> to vector<256x1024xf32>
    %add3A_472 = arith.addf %dot_general3A_465, %add3A_471 : vector<256x1024xf32>
    %max3A_473 = arith.constant 0.000000e+00 : f32
    %max3A_474 = vector.broadcast %max3A_473 : f32 to vector<256x1024xf32>
    %max3A_475 = arith.maximumf %add3A_472, %max3A_474 : vector<256x1024xf32>
    %convert_element_type3A_476 = arith.truncf %max3A_475 : vector<256x1024xf32> to vector<256x1024xbf16>
    %get3A_477 = arith.constant 0 : index
    %get3A_478 = arith.constant 0 : index
    %get3A_479 = arith.constant 0 : index
    %get3A_480 = vector.load %arg4[%get3A_477, %get3A_478, %get3A_479] : memref<2x8x256xbf16, #tpu.memory_space<vmem>>, vector<1x8x256xbf16>
    %get3A_481 = vector.shape_cast %get3A_480 : vector<1x8x256xbf16> to vector<8x256xbf16>
    %dot_general3A_482 = arith.constant dense<0.000000e+00> : vector<8x1024xf32>
    %dot_general3A_483 = tpu.matmul %get3A_481, %convert_element_type3A_476, %dot_general3A_482 {dimension_numbers = #tpu.dot_dimension_numbers<[1], [0], [0], [1], [0, 0, 1, 1], [], []>, transpose_lhs_hint = false} : vector<8x256xbf16>, vector<256x1024xbf16>, vector<8x1024xf32> -> vector<8x1024xf32>
    %get3A_484 = arith.constant 0 : index
    %get3A_485 = arith.constant 0 : index
    %get3A_486 = memref.load %arg6[%get3A_484, %get3A_485] : memref<1x2xf32, #tpu.memory_space<smem>>
    %add3A_487 = vector.broadcast %get3A_486 : f32 to vector<8x1024xf32>
    %add3A_488 = arith.addf %dot_general3A_483, %add3A_487 : vector<8x1024xf32>
    %swap3A_489 = arith.constant 56 : index
    %swap3A_490 = arith.constant 0 : index
    %swap3A_491 = vector.load %arg10[%swap3A_489, %swap3A_490] : memref<128x1024xf32, #tpu.memory_space<vmem>>, vector<8x1024xf32>
    tpu.vector_store %arg10[%swap3A_489, %swap3A_490], %add3A_488 {strides = array<i32>} : memref<128x1024xf32, #tpu.memory_space<vmem>>, vector<8x1024xf32>,
    %get3A_492 = arith.constant 0 : index
    %get3A_493 = arith.constant 64 : index
    %get3A_494 = arith.constant 0 : index
    %get3A_495 = vector.load %arg9[%get3A_492, %get3A_493, %get3A_494] : memref<16x128x1024xbf16, #tpu.memory_space<vmem>>, vector<16x8x1024xbf16>
    %reshape3A_496 = vector.shape_cast %get3A_495 : vector<16x8x1024xbf16> to vector<128x1024xbf16>
    %get3A_497 = arith.constant 0 : index
    %get3A_498 = arith.constant 0 : index
    %get3A_499 = arith.constant 0 : index
    %get3A_500 = vector.load %arg3[%get3A_497, %get3A_498, %get3A_499] : memref<2x256x128xbf16, #tpu.memory_space<vmem>>, vector<1x256x128xbf16>
    %get3A_501 = vector.shape_cast %get3A_500 : vector<1x256x128xbf16> to vector<256x128xbf16>
    %dot_general3A_502 = arith.constant dense<0.000000e+00> : vector<256x1024xf32>
    %dot_general3A_503 = tpu.matmul %get3A_501, %reshape3A_496, %dot_general3A_502 {dimension_numbers = #tpu.dot_dimension_numbers<[1], [0], [0], [1], [0, 0, 1, 1], [], []>, transpose_lhs_hint = false} : vector<256x128xbf16>, vector<128x1024xbf16>, vector<256x1024xf32> -> vector<256x1024xf32>
    %get3A_504 = arith.constant 0 : index
    %get3A_505 = arith.constant 0 : index
    %get3A_506 = arith.constant 0 : index
    %get3A_507 = vector.load %arg5[%get3A_504, %get3A_505, %get3A_506] : memref<2x256x1xf32, #tpu.memory_space<vmem>>, vector<1x256x1xf32>
    %get3A_508 = vector.shape_cast %get3A_507 : vector<1x256x1xf32> to vector<256x1xf32>
    %add3A_509 = vector.broadcast %get3A_508 : vector<256x1xf32> to vector<256x1024xf32>
    %add3A_510 = arith.addf %dot_general3A_503, %add3A_509 : vector<256x1024xf32>
    %max3A_511 = arith.constant 0.000000e+00 : f32
    %max3A_512 = vector.broadcast %max3A_511 : f32 to vector<256x1024xf32>
    %max3A_513 = arith.maximumf %add3A_510, %max3A_512 : vector<256x1024xf32>
    %convert_element_type3A_514 = arith.truncf %max3A_513 : vector<256x1024xf32> to vector<256x1024xbf16>
    %get3A_515 = arith.constant 0 : index
    %get3A_516 = arith.constant 0 : index
    %get3A_517 = arith.constant 0 : index
    %get3A_518 = vector.load %arg4[%get3A_515, %get3A_516, %get3A_517] : memref<2x8x256xbf16, #tpu.memory_space<vmem>>, vector<1x8x256xbf16>
    %get3A_519 = vector.shape_cast %get3A_518 : vector<1x8x256xbf16> to vector<8x256xbf16>
    %dot_general3A_520 = arith.constant dense<0.000000e+00> : vector<8x1024xf32>
    %dot_general3A_521 = tpu.matmul %get3A_519, %convert_element_type3A_514, %dot_general3A_520 {dimension_numbers = #tpu.dot_dimension_numbers<[1], [0], [0], [1], [0, 0, 1, 1], [], []>, transpose_lhs_hint = false} : vector<8x256xbf16>, vector<256x1024xbf16>, vector<8x1024xf32> -> vector<8x1024xf32>
    %get3A_522 = arith.constant 0 : index
    %get3A_523 = arith.constant 0 : index
    %get3A_524 = memref.load %arg6[%get3A_522, %get3A_523] : memref<1x2xf32, #tpu.memory_space<smem>>
    %add3A_525 = vector.broadcast %get3A_524 : f32 to vector<8x1024xf32>
    %add3A_526 = arith.addf %dot_general3A_521, %add3A_525 : vector<8x1024xf32>
    %swap3A_527 = arith.constant 64 : index
    %swap3A_528 = arith.constant 0 : index
    %swap3A_529 = vector.load %arg10[%swap3A_527, %swap3A_528] : memref<128x1024xf32, #tpu.memory_space<vmem>>, vector<8x1024xf32>
    tpu.vector_store %arg10[%swap3A_527, %swap3A_528], %add3A_526 {strides = array<i32>} : memref<128x1024xf32, #tpu.memory_space<vmem>>, vector<8x1024xf32>,
    %get3A_530 = arith.constant 0 : index
    %get3A_531 = arith.constant 72 : index
    %get3A_532 = arith.constant 0 : index
    %get3A_533 = vector.load %arg9[%get3A_530, %get3A_531, %get3A_532] : memref<16x128x1024xbf16, #tpu.memory_space<vmem>>, vector<16x8x1024xbf16>
    %reshape3A_534 = vector.shape_cast %get3A_533 : vector<16x8x1024xbf16> to vector<128x1024xbf16>
    %get3A_535 = arith.constant 0 : index
    %get3A_536 = arith.constant 0 : index
    %get3A_537 = arith.constant 0 : index
    %get3A_538 = vector.load %arg3[%get3A_535, %get3A_536, %get3A_537] : memref<2x256x128xbf16, #tpu.memory_space<vmem>>, vector<1x256x128xbf16>
    %get3A_539 = vector.shape_cast %get3A_538 : vector<1x256x128xbf16> to vector<256x128xbf16>
    %dot_general3A_540 = arith.constant dense<0.000000e+00> : vector<256x1024xf32>
    %dot_general3A_541 = tpu.matmul %get3A_539, %reshape3A_534, %dot_general3A_540 {dimension_numbers = #tpu.dot_dimension_numbers<[1], [0], [0], [1], [0, 0, 1, 1], [], []>, transpose_lhs_hint = false} : vector<256x128xbf16>, vector<128x1024xbf16>, vector<256x1024xf32> -> vector<256x1024xf32>
    %get3A_542 = arith.constant 0 : index
    %get3A_543 = arith.constant 0 : index
    %get3A_544 = arith.constant 0 : index
    %get3A_545 = vector.load %arg5[%get3A_542, %get3A_543, %get3A_544] : memref<2x256x1xf32, #tpu.memory_space<vmem>>, vector<1x256x1xf32>
    %get3A_546 = vector.shape_cast %get3A_545 : vector<1x256x1xf32> to vector<256x1xf32>
    %add3A_547 = vector.broadcast %get3A_546 : vector<256x1xf32> to vector<256x1024xf32>
    %add3A_548 = arith.addf %dot_general3A_541, %add3A_547 : vector<256x1024xf32>
    %max3A_549 = arith.constant 0.000000e+00 : f32
    %max3A_550 = vector.broadcast %max3A_549 : f32 to vector<256x1024xf32>
    %max3A_551 = arith.maximumf %add3A_548, %max3A_550 : vector<256x1024xf32>
    %convert_element_type3A_552 = arith.truncf %max3A_551 : vector<256x1024xf32> to vector<256x1024xbf16>
    %get3A_553 = arith.constant 0 : index
    %get3A_554 = arith.constant 0 : index
    %get3A_555 = arith.constant 0 : index
    %get3A_556 = vector.load %arg4[%get3A_553, %get3A_554, %get3A_555] : memref<2x8x256xbf16, #tpu.memory_space<vmem>>, vector<1x8x256xbf16>
    %get3A_557 = vector.shape_cast %get3A_556 : vector<1x8x256xbf16> to vector<8x256xbf16>
    %dot_general3A_558 = arith.constant dense<0.000000e+00> : vector<8x1024xf32>
    %dot_general3A_559 = tpu.matmul %get3A_557, %convert_element_type3A_552, %dot_general3A_558 {dimension_numbers = #tpu.dot_dimension_numbers<[1], [0], [0], [1], [0, 0, 1, 1], [], []>, transpose_lhs_hint = false} : vector<8x256xbf16>, vector<256x1024xbf16>, vector<8x1024xf32> -> vector<8x1024xf32>
    %get3A_560 = arith.constant 0 : index
    %get3A_561 = arith.constant 0 : index
    %get3A_562 = memref.load %arg6[%get3A_560, %get3A_561] : memref<1x2xf32, #tpu.memory_space<smem>>
    %add3A_563 = vector.broadcast %get3A_562 : f32 to vector<8x1024xf32>
    %add3A_564 = arith.addf %dot_general3A_559, %add3A_563 : vector<8x1024xf32>
    %swap3A_565 = arith.constant 72 : index
    %swap3A_566 = arith.constant 0 : index
    %swap3A_567 = vector.load %arg10[%swap3A_565, %swap3A_566] : memref<128x1024xf32, #tpu.memory_space<vmem>>, vector<8x1024xf32>
    tpu.vector_store %arg10[%swap3A_565, %swap3A_566], %add3A_564 {strides = array<i32>} : memref<128x1024xf32, #tpu.memory_space<vmem>>, vector<8x1024xf32>,
    %get3A_568 = arith.constant 0 : index
    %get3A_569 = arith.constant 80 : index
    %get3A_570 = arith.constant 0 : index
    %get3A_571 = vector.load %arg9[%get3A_568, %get3A_569, %get3A_570] : memref<16x128x1024xbf16, #tpu.memory_space<vmem>>, vector<16x8x1024xbf16>
    %reshape3A_572 = vector.shape_cast %get3A_571 : vector<16x8x1024xbf16> to vector<128x1024xbf16>
    %get3A_573 = arith.constant 0 : index
    %get3A_574 = arith.constant 0 : index
    %get3A_575 = arith.constant 0 : index
    %get3A_576 = vector.load %arg3[%get3A_573, %get3A_574, %get3A_575] : memref<2x256x128xbf16, #tpu.memory_space<vmem>>, vector<1x256x128xbf16>
    %get3A_577 = vector.shape_cast %get3A_576 : vector<1x256x128xbf16> to vector<256x128xbf16>
    %dot_general3A_578 = arith.constant dense<0.000000e+00> : vector<256x1024xf32>
    %dot_general3A_579 = tpu.matmul %get3A_577, %reshape3A_572, %dot_general3A_578 {dimension_numbers = #tpu.dot_dimension_numbers<[1], [0], [0], [1], [0, 0, 1, 1], [], []>, transpose_lhs_hint = false} : vector<256x128xbf16>, vector<128x1024xbf16>, vector<256x1024xf32> -> vector<256x1024xf32>
    %get3A_580 = arith.constant 0 : index
    %get3A_581 = arith.constant 0 : index
    %get3A_582 = arith.constant 0 : index
    %get3A_583 = vector.load %arg5[%get3A_580, %get3A_581, %get3A_582] : memref<2x256x1xf32, #tpu.memory_space<vmem>>, vector<1x256x1xf32>
    %get3A_584 = vector.shape_cast %get3A_583 : vector<1x256x1xf32> to vector<256x1xf32>
    %add3A_585 = vector.broadcast %get3A_584 : vector<256x1xf32> to vector<256x1024xf32>
    %add3A_586 = arith.addf %dot_general3A_579, %add3A_585 : vector<256x1024xf32>
    %max3A_587 = arith.constant 0.000000e+00 : f32
    %max3A_588 = vector.broadcast %max3A_587 : f32 to vector<256x1024xf32>
    %max3A_589 = arith.maximumf %add3A_586, %max3A_588 : vector<256x1024xf32>
    %convert_element_type3A_590 = arith.truncf %max3A_589 : vector<256x1024xf32> to vector<256x1024xbf16>
    %get3A_591 = arith.constant 0 : index
    %get3A_592 = arith.constant 0 : index
    %get3A_593 = arith.constant 0 : index
    %get3A_594 = vector.load %arg4[%get3A_591, %get3A_592, %get3A_593] : memref<2x8x256xbf16, #tpu.memory_space<vmem>>, vector<1x8x256xbf16>
    %get3A_595 = vector.shape_cast %get3A_594 : vector<1x8x256xbf16> to vector<8x256xbf16>
    %dot_general3A_596 = arith.constant dense<0.000000e+00> : vector<8x1024xf32>
    %dot_general3A_597 = tpu.matmul %get3A_595, %convert_element_type3A_590, %dot_general3A_596 {dimension_numbers = #tpu.dot_dimension_numbers<[1], [0], [0], [1], [0, 0, 1, 1], [], []>, transpose_lhs_hint = false} : vector<8x256xbf16>, vector<256x1024xbf16>, vector<8x1024xf32> -> vector<8x1024xf32>
    %get3A_598 = arith.constant 0 : index
    %get3A_599 = arith.constant 0 : index
    %get3A_600 = memref.load %arg6[%get3A_598, %get3A_599] : memref<1x2xf32, #tpu.memory_space<smem>>
    %add3A_601 = vector.broadcast %get3A_600 : f32 to vector<8x1024xf32>
    %add3A_602 = arith.addf %dot_general3A_597, %add3A_601 : vector<8x1024xf32>
    %swap3A_603 = arith.constant 80 : index
    %swap3A_604 = arith.constant 0 : index
    %swap3A_605 = vector.load %arg10[%swap3A_603, %swap3A_604] : memref<128x1024xf32, #tpu.memory_space<vmem>>, vector<8x1024xf32>
    tpu.vector_store %arg10[%swap3A_603, %swap3A_604], %add3A_602 {strides = array<i32>} : memref<128x1024xf32, #tpu.memory_space<vmem>>, vector<8x1024xf32>,
    %get3A_606 = arith.constant 0 : index
    %get3A_607 = arith.constant 88 : index
    %get3A_608 = arith.constant 0 : index
    %get3A_609 = vector.load %arg9[%get3A_606, %get3A_607, %get3A_608] : memref<16x128x1024xbf16, #tpu.memory_space<vmem>>, vector<16x8x1024xbf16>
    %reshape3A_610 = vector.shape_cast %get3A_609 : vector<16x8x1024xbf16> to vector<128x1024xbf16>
    %get3A_611 = arith.constant 0 : index
    %get3A_612 = arith.constant 0 : index
    %get3A_613 = arith.constant 0 : index
    %get3A_614 = vector.load %arg3[%get3A_611, %get3A_612, %get3A_613] : memref<2x256x128xbf16, #tpu.memory_space<vmem>>, vector<1x256x128xbf16>
    %get3A_615 = vector.shape_cast %get3A_614 : vector<1x256x128xbf16> to vector<256x128xbf16>
    %dot_general3A_616 = arith.constant dense<0.000000e+00> : vector<256x1024xf32>
    %dot_general3A_617 = tpu.matmul %get3A_615, %reshape3A_610, %dot_general3A_616 {dimension_numbers = #tpu.dot_dimension_numbers<[1], [0], [0], [1], [0, 0, 1, 1], [], []>, transpose_lhs_hint = false} : vector<256x128xbf16>, vector<128x1024xbf16>, vector<256x1024xf32> -> vector<256x1024xf32>
    %get3A_618 = arith.constant 0 : index
    %get3A_619 = arith.constant 0 : index
    %get3A_620 = arith.constant 0 : index
    %get3A_621 = vector.load %arg5[%get3A_618, %get3A_619, %get3A_620] : memref<2x256x1xf32, #tpu.memory_space<vmem>>, vector<1x256x1xf32>
    %get3A_622 = vector.shape_cast %get3A_621 : vector<1x256x1xf32> to vector<256x1xf32>
    %add3A_623 = vector.broadcast %get3A_622 : vector<256x1xf32> to vector<256x1024xf32>
    %add3A_624 = arith.addf %dot_general3A_617, %add3A_623 : vector<256x1024xf32>
    %max3A_625 = arith.constant 0.000000e+00 : f32
    %max3A_626 = vector.broadcast %max3A_625 : f32 to vector<256x1024xf32>
    %max3A_627 = arith.maximumf %add3A_624, %max3A_626 : vector<256x1024xf32>
    %convert_element_type3A_628 = arith.truncf %max3A_627 : vector<256x1024xf32> to vector<256x1024xbf16>
    %get3A_629 = arith.constant 0 : index
    %get3A_630 = arith.constant 0 : index
    %get3A_631 = arith.constant 0 : index
    %get3A_632 = vector.load %arg4[%get3A_629, %get3A_630, %get3A_631] : memref<2x8x256xbf16, #tpu.memory_space<vmem>>, vector<1x8x256xbf16>
    %get3A_633 = vector.shape_cast %get3A_632 : vector<1x8x256xbf16> to vector<8x256xbf16>
    %dot_general3A_634 = arith.constant dense<0.000000e+00> : vector<8x1024xf32>
    %dot_general3A_635 = tpu.matmul %get3A_633, %convert_element_type3A_628, %dot_general3A_634 {dimension_numbers = #tpu.dot_dimension_numbers<[1], [0], [0], [1], [0, 0, 1, 1], [], []>, transpose_lhs_hint = false} : vector<8x256xbf16>, vector<256x1024xbf16>, vector<8x1024xf32> -> vector<8x1024xf32>
    %get3A_636 = arith.constant 0 : index
    %get3A_637 = arith.constant 0 : index
    %get3A_638 = memref.load %arg6[%get3A_636, %get3A_637] : memref<1x2xf32, #tpu.memory_space<smem>>
    %add3A_639 = vector.broadcast %get3A_638 : f32 to vector<8x1024xf32>
    %add3A_640 = arith.addf %dot_general3A_635, %add3A_639 : vector<8x1024xf32>
    %swap3A_641 = arith.constant 88 : index
    %swap3A_642 = arith.constant 0 : index
    %swap3A_643 = vector.load %arg10[%swap3A_641, %swap3A_642] : memref<128x1024xf32, #tpu.memory_space<vmem>>, vector<8x1024xf32>
    tpu.vector_store %arg10[%swap3A_641, %swap3A_642], %add3A_640 {strides = array<i32>} : memref<128x1024xf32, #tpu.memory_space<vmem>>, vector<8x1024xf32>,
    %get3A_644 = arith.constant 0 : index
    %get3A_645 = arith.constant 96 : index
    %get3A_646 = arith.constant 0 : index
    %get3A_647 = vector.load %arg9[%get3A_644, %get3A_645, %get3A_646] : memref<16x128x1024xbf16, #tpu.memory_space<vmem>>, vector<16x8x1024xbf16>
    %reshape3A_648 = vector.shape_cast %get3A_647 : vector<16x8x1024xbf16> to vector<128x1024xbf16>
    %get3A_649 = arith.constant 0 : index
    %get3A_650 = arith.constant 0 : index
    %get3A_651 = arith.constant 0 : index
    %get3A_652 = vector.load %arg3[%get3A_649, %get3A_650, %get3A_651] : memref<2x256x128xbf16, #tpu.memory_space<vmem>>, vector<1x256x128xbf16>
    %get3A_653 = vector.shape_cast %get3A_652 : vector<1x256x128xbf16> to vector<256x128xbf16>
    %dot_general3A_654 = arith.constant dense<0.000000e+00> : vector<256x1024xf32>
    %dot_general3A_655 = tpu.matmul %get3A_653, %reshape3A_648, %dot_general3A_654 {dimension_numbers = #tpu.dot_dimension_numbers<[1], [0], [0], [1], [0, 0, 1, 1], [], []>, transpose_lhs_hint = false} : vector<256x128xbf16>, vector<128x1024xbf16>, vector<256x1024xf32> -> vector<256x1024xf32>
    %get3A_656 = arith.constant 0 : index
    %get3A_657 = arith.constant 0 : index
    %get3A_658 = arith.constant 0 : index
    %get3A_659 = vector.load %arg5[%get3A_656, %get3A_657, %get3A_658] : memref<2x256x1xf32, #tpu.memory_space<vmem>>, vector<1x256x1xf32>
    %get3A_660 = vector.shape_cast %get3A_659 : vector<1x256x1xf32> to vector<256x1xf32>
    %add3A_661 = vector.broadcast %get3A_660 : vector<256x1xf32> to vector<256x1024xf32>
    %add3A_662 = arith.addf %dot_general3A_655, %add3A_661 : vector<256x1024xf32>
    %max3A_663 = arith.constant 0.000000e+00 : f32
    %max3A_664 = vector.broadcast %max3A_663 : f32 to vector<256x1024xf32>
    %max3A_665 = arith.maximumf %add3A_662, %max3A_664 : vector<256x1024xf32>
    %convert_element_type3A_666 = arith.truncf %max3A_665 : vector<256x1024xf32> to vector<256x1024xbf16>
    %get3A_667 = arith.constant 0 : index
    %get3A_668 = arith.constant 0 : index
    %get3A_669 = arith.constant 0 : index
    %get3A_670 = vector.load %arg4[%get3A_667, %get3A_668, %get3A_669] : memref<2x8x256xbf16, #tpu.memory_space<vmem>>, vector<1x8x256xbf16>
    %get3A_671 = vector.shape_cast %get3A_670 : vector<1x8x256xbf16> to vector<8x256xbf16>
    %dot_general3A_672 = arith.constant dense<0.000000e+00> : vector<8x1024xf32>
    %dot_general3A_673 = tpu.matmul %get3A_671, %convert_element_type3A_666, %dot_general3A_672 {dimension_numbers = #tpu.dot_dimension_numbers<[1], [0], [0], [1], [0, 0, 1, 1], [], []>, transpose_lhs_hint = false} : vector<8x256xbf16>, vector<256x1024xbf16>, vector<8x1024xf32> -> vector<8x1024xf32>
    %get3A_674 = arith.constant 0 : index
    %get3A_675 = arith.constant 0 : index
    %get3A_676 = memref.load %arg6[%get3A_674, %get3A_675] : memref<1x2xf32, #tpu.memory_space<smem>>
    %add3A_677 = vector.broadcast %get3A_676 : f32 to vector<8x1024xf32>
    %add3A_678 = arith.addf %dot_general3A_673, %add3A_677 : vector<8x1024xf32>
    %swap3A_679 = arith.constant 96 : index
    %swap3A_680 = arith.constant 0 : index
    %swap3A_681 = vector.load %arg10[%swap3A_679, %swap3A_680] : memref<128x1024xf32, #tpu.memory_space<vmem>>, vector<8x1024xf32>
    tpu.vector_store %arg10[%swap3A_679, %swap3A_680], %add3A_678 {strides = array<i32>} : memref<128x1024xf32, #tpu.memory_space<vmem>>, vector<8x1024xf32>,
    %get3A_682 = arith.constant 0 : index
    %get3A_683 = arith.constant 104 : index
    %get3A_684 = arith.constant 0 : index
    %get3A_685 = vector.load %arg9[%get3A_682, %get3A_683, %get3A_684] : memref<16x128x1024xbf16, #tpu.memory_space<vmem>>, vector<16x8x1024xbf16>
    %reshape3A_686 = vector.shape_cast %get3A_685 : vector<16x8x1024xbf16> to vector<128x1024xbf16>
    %get3A_687 = arith.constant 0 : index
    %get3A_688 = arith.constant 0 : index
    %get3A_689 = arith.constant 0 : index
    %get3A_690 = vector.load %arg3[%get3A_687, %get3A_688, %get3A_689] : memref<2x256x128xbf16, #tpu.memory_space<vmem>>, vector<1x256x128xbf16>
    %get3A_691 = vector.shape_cast %get3A_690 : vector<1x256x128xbf16> to vector<256x128xbf16>
    %dot_general3A_692 = arith.constant dense<0.000000e+00> : vector<256x1024xf32>
    %dot_general3A_693 = tpu.matmul %get3A_691, %reshape3A_686, %dot_general3A_692 {dimension_numbers = #tpu.dot_dimension_numbers<[1], [0], [0], [1], [0, 0, 1, 1], [], []>, transpose_lhs_hint = false} : vector<256x128xbf16>, vector<128x1024xbf16>, vector<256x1024xf32> -> vector<256x1024xf32>
    %get3A_694 = arith.constant 0 : index
    %get3A_695 = arith.constant 0 : index
    %get3A_696 = arith.constant 0 : index
    %get3A_697 = vector.load %arg5[%get3A_694, %get3A_695, %get3A_696] : memref<2x256x1xf32, #tpu.memory_space<vmem>>, vector<1x256x1xf32>
    %get3A_698 = vector.shape_cast %get3A_697 : vector<1x256x1xf32> to vector<256x1xf32>
    %add3A_699 = vector.broadcast %get3A_698 : vector<256x1xf32> to vector<256x1024xf32>
    %add3A_700 = arith.addf %dot_general3A_693, %add3A_699 : vector<256x1024xf32>
    %max3A_701 = arith.constant 0.000000e+00 : f32
    %max3A_702 = vector.broadcast %max3A_701 : f32 to vector<256x1024xf32>
    %max3A_703 = arith.maximumf %add3A_700, %max3A_702 : vector<256x1024xf32>
    %convert_element_type3A_704 = arith.truncf %max3A_703 : vector<256x1024xf32> to vector<256x1024xbf16>
    %get3A_705 = arith.constant 0 : index
    %get3A_706 = arith.constant 0 : index
    %get3A_707 = arith.constant 0 : index
    %get3A_708 = vector.load %arg4[%get3A_705, %get3A_706, %get3A_707] : memref<2x8x256xbf16, #tpu.memory_space<vmem>>, vector<1x8x256xbf16>
    %get3A_709 = vector.shape_cast %get3A_708 : vector<1x8x256xbf16> to vector<8x256xbf16>
    %dot_general3A_710 = arith.constant dense<0.000000e+00> : vector<8x1024xf32>
    %dot_general3A_711 = tpu.matmul %get3A_709, %convert_element_type3A_704, %dot_general3A_710 {dimension_numbers = #tpu.dot_dimension_numbers<[1], [0], [0], [1], [0, 0, 1, 1], [], []>, transpose_lhs_hint = false} : vector<8x256xbf16>, vector<256x1024xbf16>, vector<8x1024xf32> -> vector<8x1024xf32>
    %get3A_712 = arith.constant 0 : index
    %get3A_713 = arith.constant 0 : index
    %get3A_714 = memref.load %arg6[%get3A_712, %get3A_713] : memref<1x2xf32, #tpu.memory_space<smem>>
    %add3A_715 = vector.broadcast %get3A_714 : f32 to vector<8x1024xf32>
    %add3A_716 = arith.addf %dot_general3A_711, %add3A_715 : vector<8x1024xf32>
    %swap3A_717 = arith.constant 104 : index
    %swap3A_718 = arith.constant 0 : index
    %swap3A_719 = vector.load %arg10[%swap3A_717, %swap3A_718] : memref<128x1024xf32, #tpu.memory_space<vmem>>, vector<8x1024xf32>
    tpu.vector_store %arg10[%swap3A_717, %swap3A_718], %add3A_716 {strides = array<i32>} : memref<128x1024xf32, #tpu.memory_space<vmem>>, vector<8x1024xf32>,
    %get3A_720 = arith.constant 0 : index
    %get3A_721 = arith.constant 112 : index
    %get3A_722 = arith.constant 0 : index
    %get3A_723 = vector.load %arg9[%get3A_720, %get3A_721, %get3A_722] : memref<16x128x1024xbf16, #tpu.memory_space<vmem>>, vector<16x8x1024xbf16>
    %reshape3A_724 = vector.shape_cast %get3A_723 : vector<16x8x1024xbf16> to vector<128x1024xbf16>
    %get3A_725 = arith.constant 0 : index
    %get3A_726 = arith.constant 0 : index
    %get3A_727 = arith.constant 0 : index
    %get3A_728 = vector.load %arg3[%get3A_725, %get3A_726, %get3A_727] : memref<2x256x128xbf16, #tpu.memory_space<vmem>>, vector<1x256x128xbf16>
    %get3A_729 = vector.shape_cast %get3A_728 : vector<1x256x128xbf16> to vector<256x128xbf16>
    %dot_general3A_730 = arith.constant dense<0.000000e+00> : vector<256x1024xf32>
    %dot_general3A_731 = tpu.matmul %get3A_729, %reshape3A_724, %dot_general3A_730 {dimension_numbers = #tpu.dot_dimension_numbers<[1], [0], [0], [1], [0, 0, 1, 1], [], []>, transpose_lhs_hint = false} : vector<256x128xbf16>, vector<128x1024xbf16>, vector<256x1024xf32> -> vector<256x1024xf32>
    %get3A_732 = arith.constant 0 : index
    %get3A_733 = arith.constant 0 : index
    %get3A_734 = arith.constant 0 : index
    %get3A_735 = vector.load %arg5[%get3A_732, %get3A_733, %get3A_734] : memref<2x256x1xf32, #tpu.memory_space<vmem>>, vector<1x256x1xf32>
    %get3A_736 = vector.shape_cast %get3A_735 : vector<1x256x1xf32> to vector<256x1xf32>
    %add3A_737 = vector.broadcast %get3A_736 : vector<256x1xf32> to vector<256x1024xf32>
    %add3A_738 = arith.addf %dot_general3A_731, %add3A_737 : vector<256x1024xf32>
    %max3A_739 = arith.constant 0.000000e+00 : f32
    %max3A_740 = vector.broadcast %max3A_739 : f32 to vector<256x1024xf32>
    %max3A_741 = arith.maximumf %add3A_738, %max3A_740 : vector<256x1024xf32>
    %convert_element_type3A_742 = arith.truncf %max3A_741 : vector<256x1024xf32> to vector<256x1024xbf16>
    %get3A_743 = arith.constant 0 : index
    %get3A_744 = arith.constant 0 : index
    %get3A_745 = arith.constant 0 : index
    %get3A_746 = vector.load %arg4[%get3A_743, %get3A_744, %get3A_745] : memref<2x8x256xbf16, #tpu.memory_space<vmem>>, vector<1x8x256xbf16>
    %get3A_747 = vector.shape_cast %get3A_746 : vector<1x8x256xbf16> to vector<8x256xbf16>
    %dot_general3A_748 = arith.constant dense<0.000000e+00> : vector<8x1024xf32>
    %dot_general3A_749 = tpu.matmul %get3A_747, %convert_element_type3A_742, %dot_general3A_748 {dimension_numbers = #tpu.dot_dimension_numbers<[1], [0], [0], [1], [0, 0, 1, 1], [], []>, transpose_lhs_hint = false} : vector<8x256xbf16>, vector<256x1024xbf16>, vector<8x1024xf32> -> vector<8x1024xf32>
    %get3A_750 = arith.constant 0 : index
    %get3A_751 = arith.constant 0 : index
    %get3A_752 = memref.load %arg6[%get3A_750, %get3A_751] : memref<1x2xf32, #tpu.memory_space<smem>>
    %add3A_753 = vector.broadcast %get3A_752 : f32 to vector<8x1024xf32>
    %add3A_754 = arith.addf %dot_general3A_749, %add3A_753 : vector<8x1024xf32>
    %swap3A_755 = arith.constant 112 : index
    %swap3A_756 = arith.constant 0 : index
    %swap3A_757 = vector.load %arg10[%swap3A_755, %swap3A_756] : memref<128x1024xf32, #tpu.memory_space<vmem>>, vector<8x1024xf32>
    tpu.vector_store %arg10[%swap3A_755, %swap3A_756], %add3A_754 {strides = array<i32>} : memref<128x1024xf32, #tpu.memory_space<vmem>>, vector<8x1024xf32>,
    %get3A_758 = arith.constant 0 : index
    %get3A_759 = arith.constant 120 : index
    %get3A_760 = arith.constant 0 : index
    %get3A_761 = vector.load %arg9[%get3A_758, %get3A_759, %get3A_760] : memref<16x128x1024xbf16, #tpu.memory_space<vmem>>, vector<16x8x1024xbf16>
    %reshape3A_762 = vector.shape_cast %get3A_761 : vector<16x8x1024xbf16> to vector<128x1024xbf16>
    %get3A_763 = arith.constant 0 : index
    %get3A_764 = arith.constant 0 : index
    %get3A_765 = arith.constant 0 : index
    %get3A_766 = vector.load %arg3[%get3A_763, %get3A_764, %get3A_765] : memref<2x256x128xbf16, #tpu.memory_space<vmem>>, vector<1x256x128xbf16>
    %get3A_767 = vector.shape_cast %get3A_766 : vector<1x256x128xbf16> to vector<256x128xbf16>
    %dot_general3A_768 = arith.constant dense<0.000000e+00> : vector<256x1024xf32>
    %dot_general3A_769 = tpu.matmul %get3A_767, %reshape3A_762, %dot_general3A_768 {dimension_numbers = #tpu.dot_dimension_numbers<[1], [0], [0], [1], [0, 0, 1, 1], [], []>, transpose_lhs_hint = false} : vector<256x128xbf16>, vector<128x1024xbf16>, vector<256x1024xf32> -> vector<256x1024xf32>
    %get3A_770 = arith.constant 0 : index
    %get3A_771 = arith.constant 0 : index
    %get3A_772 = arith.constant 0 : index
    %get3A_773 = vector.load %arg5[%get3A_770, %get3A_771, %get3A_772] : memref<2x256x1xf32, #tpu.memory_space<vmem>>, vector<1x256x1xf32>
    %get3A_774 = vector.shape_cast %get3A_773 : vector<1x256x1xf32> to vector<256x1xf32>
    %add3A_775 = vector.broadcast %get3A_774 : vector<256x1xf32> to vector<256x1024xf32>
    %add3A_776 = arith.addf %dot_general3A_769, %add3A_775 : vector<256x1024xf32>
    %max3A_777 = arith.constant 0.000000e+00 : f32
    %max3A_778 = vector.broadcast %max3A_777 : f32 to vector<256x1024xf32>
    %max3A_779 = arith.maximumf %add3A_776, %max3A_778 : vector<256x1024xf32>
    %convert_element_type3A_780 = arith.truncf %max3A_779 : vector<256x1024xf32> to vector<256x1024xbf16>
    %get3A_781 = arith.constant 0 : index
    %get3A_782 = arith.constant 0 : index
    %get3A_783 = arith.constant 0 : index
    %get3A_784 = vector.load %arg4[%get3A_781, %get3A_782, %get3A_783] : memref<2x8x256xbf16, #tpu.memory_space<vmem>>, vector<1x8x256xbf16>
    %get3A_785 = vector.shape_cast %get3A_784 : vector<1x8x256xbf16> to vector<8x256xbf16>
    %dot_general3A_786 = arith.constant dense<0.000000e+00> : vector<8x1024xf32>
    %dot_general3A_787 = tpu.matmul %get3A_785, %convert_element_type3A_780, %dot_general3A_786 {dimension_numbers = #tpu.dot_dimension_numbers<[1], [0], [0], [1], [0, 0, 1, 1], [], []>, transpose_lhs_hint = false} : vector<8x256xbf16>, vector<256x1024xbf16>, vector<8x1024xf32> -> vector<8x1024xf32>
    %get3A_788 = arith.constant 0 : index
    %get3A_789 = arith.constant 0 : index
    %get3A_790 = memref.load %arg6[%get3A_788, %get3A_789] : memref<1x2xf32, #tpu.memory_space<smem>>
    %add3A_791 = vector.broadcast %get3A_790 : f32 to vector<8x1024xf32>
    %add3A_792 = arith.addf %dot_general3A_787, %add3A_791 : vector<8x1024xf32>
    %swap3A_793 = arith.constant 120 : index
    %swap3A_794 = arith.constant 0 : index
    %swap3A_795 = vector.load %arg10[%swap3A_793, %swap3A_794] : memref<128x1024xf32, #tpu.memory_space<vmem>>, vector<8x1024xf32>
    tpu.vector_store %arg10[%swap3A_793, %swap3A_794], %add3A_792 {strides = array<i32>} : memref<128x1024xf32, #tpu.memory_space<vmem>>, vector<8x1024xf32>,
    %get3A_796 = arith.constant 0 : index
    %get3A_797 = arith.constant 512 : index
    %get3A_798 = vector.load %arg1[%get3A_796, %get3A_797] : memref<128x1024xbf16, #tpu.memory_space<vmem>>, vector<128x32xbf16>
    %dot_general3A_799 = arith.constant dense<0.000000e+00> : vector<128x1024xf32>
    %dot_general3A_800 = tpu.matmul %get3A_798, %get3A_1, %dot_general3A_799 {dimension_numbers = #tpu.dot_dimension_numbers<[1], [1], [0], [0], [0, 0, 1, 0], [], []>, transpose_lhs_hint = false} : vector<128x32xbf16>, vector<1024x32xbf16>, vector<128x1024xf32> -> vector<128x1024xf32>
    %convert_element_type3A_801 = arith.truncf %dot_general3A_800 : vector<128x1024xf32> to vector<128x1024xbf16>
    %swap3A_802 = arith.constant 0 : index
    %swap3A_803 = arith.constant 0 : index
    %swap3A_804 = arith.constant 0 : index
    %swap3A_805 = vector.load %arg9[%swap3A_802, %swap3A_803, %swap3A_804] : memref<16x128x1024xbf16, #tpu.memory_space<vmem>>, vector<1x128x1024xbf16>
    %swap3A_806 = vector.shape_cast %swap3A_805 : vector<1x128x1024xbf16> to vector<128x1024xbf16>
    %swap3A_807 = vector.shape_cast %convert_element_type3A_801 : vector<128x1024xbf16> to vector<1x128x1024xbf16>
    tpu.vector_store %arg9[%swap3A_802, %swap3A_803, %swap3A_804], %swap3A_807 {strides = array<i32>} : memref<16x128x1024xbf16, #tpu.memory_space<vmem>>, vector<1x128x1024xbf16>,
    %get3A_808 = arith.constant 0 : index
    %get3A_809 = arith.constant 544 : index
    %get3A_810 = vector.load %arg1[%get3A_808, %get3A_809] : memref<128x1024xbf16, #tpu.memory_space<vmem>>, vector<128x32xbf16>
    %dot_general3A_811 = arith.constant dense<0.000000e+00> : vector<128x1024xf32>
    %dot_general3A_812 = tpu.matmul %get3A_810, %get3A_1, %dot_general3A_811 {dimension_numbers = #tpu.dot_dimension_numbers<[1], [1], [0], [0], [0, 0, 1, 0], [], []>, transpose_lhs_hint = false} : vector<128x32xbf16>, vector<1024x32xbf16>, vector<128x1024xf32> -> vector<128x1024xf32>
    %convert_element_type3A_813 = arith.truncf %dot_general3A_812 : vector<128x1024xf32> to vector<128x1024xbf16>
    %swap3A_814 = arith.constant 1 : index
    %swap3A_815 = arith.constant 0 : index
    %swap3A_816 = arith.constant 0 : index
    %swap3A_817 = vector.load %arg9[%swap3A_814, %swap3A_815, %swap3A_816] : memref<16x128x1024xbf16, #tpu.memory_space<vmem>>, vector<1x128x1024xbf16>
    %swap3A_818 = vector.shape_cast %swap3A_817 : vector<1x128x1024xbf16> to vector<128x1024xbf16>
    %swap3A_819 = vector.shape_cast %convert_element_type3A_813 : vector<128x1024xbf16> to vector<1x128x1024xbf16>
    tpu.vector_store %arg9[%swap3A_814, %swap3A_815, %swap3A_816], %swap3A_819 {strides = array<i32>} : memref<16x128x1024xbf16, #tpu.memory_space<vmem>>, vector<1x128x1024xbf16>,
    %get3A_820 = arith.constant 0 : index
    %get3A_821 = arith.constant 576 : index
    %get3A_822 = vector.load %arg1[%get3A_820, %get3A_821] : memref<128x1024xbf16, #tpu.memory_space<vmem>>, vector<128x32xbf16>
    %dot_general3A_823 = arith.constant dense<0.000000e+00> : vector<128x1024xf32>
    %dot_general3A_824 = tpu.matmul %get3A_822, %get3A_1, %dot_general3A_823 {dimension_numbers = #tpu.dot_dimension_numbers<[1], [1], [0], [0], [0, 0, 1, 0], [], []>, transpose_lhs_hint = false} : vector<128x32xbf16>, vector<1024x32xbf16>, vector<128x1024xf32> -> vector<128x1024xf32>
    %convert_element_type3A_825 = arith.truncf %dot_general3A_824 : vector<128x1024xf32> to vector<128x1024xbf16>
    %swap3A_826 = arith.constant 2 : index
    %swap3A_827 = arith.constant 0 : index
    %swap3A_828 = arith.constant 0 : index
    %swap3A_829 = vector.load %arg9[%swap3A_826, %swap3A_827, %swap3A_828] : memref<16x128x1024xbf16, #tpu.memory_space<vmem>>, vector<1x128x1024xbf16>
    %swap3A_830 = vector.shape_cast %swap3A_829 : vector<1x128x1024xbf16> to vector<128x1024xbf16>
    %swap3A_831 = vector.shape_cast %convert_element_type3A_825 : vector<128x1024xbf16> to vector<1x128x1024xbf16>
    tpu.vector_store %arg9[%swap3A_826, %swap3A_827, %swap3A_828], %swap3A_831 {strides = array<i32>} : memref<16x128x1024xbf16, #tpu.memory_space<vmem>>, vector<1x128x1024xbf16>,
    %get3A_832 = arith.constant 0 : index
    %get3A_833 = arith.constant 608 : index
    %get3A_834 = vector.load %arg1[%get3A_832, %get3A_833] : memref<128x1024xbf16, #tpu.memory_space<vmem>>, vector<128x32xbf16>
    %dot_general3A_835 = arith.constant dense<0.000000e+00> : vector<128x1024xf32>
    %dot_general3A_836 = tpu.matmul %get3A_834, %get3A_1, %dot_general3A_835 {dimension_numbers = #tpu.dot_dimension_numbers<[1], [1], [0], [0], [0, 0, 1, 0], [], []>, transpose_lhs_hint = false} : vector<128x32xbf16>, vector<1024x32xbf16>, vector<128x1024xf32> -> vector<128x1024xf32>
    %convert_element_type3A_837 = arith.truncf %dot_general3A_836 : vector<128x1024xf32> to vector<128x1024xbf16>
    %swap3A_838 = arith.constant 3 : index
    %swap3A_839 = arith.constant 0 : index
    %swap3A_840 = arith.constant 0 : index
    %swap3A_841 = vector.load %arg9[%swap3A_838, %swap3A_839, %swap3A_840] : memref<16x128x1024xbf16, #tpu.memory_space<vmem>>, vector<1x128x1024xbf16>
    %swap3A_842 = vector.shape_cast %swap3A_841 : vector<1x128x1024xbf16> to vector<128x1024xbf16>
    %swap3A_843 = vector.shape_cast %convert_element_type3A_837 : vector<128x1024xbf16> to vector<1x128x1024xbf16>
    tpu.vector_store %arg9[%swap3A_838, %swap3A_839, %swap3A_840], %swap3A_843 {strides = array<i32>} : memref<16x128x1024xbf16, #tpu.memory_space<vmem>>, vector<1x128x1024xbf16>,
    %get3A_844 = arith.constant 0 : index
    %get3A_845 = arith.constant 640 : index
    %get3A_846 = vector.load %arg1[%get3A_844, %get3A_845] : memref<128x1024xbf16, #tpu.memory_space<vmem>>, vector<128x32xbf16>
    %dot_general3A_847 = arith.constant dense<0.000000e+00> : vector<128x1024xf32>
    %dot_general3A_848 = tpu.matmul %get3A_846, %get3A_1, %dot_general3A_847 {dimension_numbers = #tpu.dot_dimension_numbers<[1], [1], [0], [0], [0, 0, 1, 0], [], []>, transpose_lhs_hint = false} : vector<128x32xbf16>, vector<1024x32xbf16>, vector<128x1024xf32> -> vector<128x1024xf32>
    %convert_element_type3A_849 = arith.truncf %dot_general3A_848 : vector<128x1024xf32> to vector<128x1024xbf16>
    %swap3A_850 = arith.constant 4 : index
    %swap3A_851 = arith.constant 0 : index
    %swap3A_852 = arith.constant 0 : index
    %swap3A_853 = vector.load %arg9[%swap3A_850, %swap3A_851, %swap3A_852] : memref<16x128x1024xbf16, #tpu.memory_space<vmem>>, vector<1x128x1024xbf16>
    %swap3A_854 = vector.shape_cast %swap3A_853 : vector<1x128x1024xbf16> to vector<128x1024xbf16>
    %swap3A_855 = vector.shape_cast %convert_element_type3A_849 : vector<128x1024xbf16> to vector<1x128x1024xbf16>
    tpu.vector_store %arg9[%swap3A_850, %swap3A_851, %swap3A_852], %swap3A_855 {strides = array<i32>} : memref<16x128x1024xbf16, #tpu.memory_space<vmem>>, vector<1x128x1024xbf16>,
    %get3A_856 = arith.constant 0 : index
    %get3A_857 = arith.constant 672 : index
    %get3A_858 = vector.load %arg1[%get3A_856, %get3A_857] : memref<128x1024xbf16, #tpu.memory_space<vmem>>, vector<128x32xbf16>
    %dot_general3A_859 = arith.constant dense<0.000000e+00> : vector<128x1024xf32>
    %dot_general3A_860 = tpu.matmul %get3A_858, %get3A_1, %dot_general3A_859 {dimension_numbers = #tpu.dot_dimension_numbers<[1], [1], [0], [0], [0, 0, 1, 0], [], []>, transpose_lhs_hint = false} : vector<128x32xbf16>, vector<1024x32xbf16>, vector<128x1024xf32> -> vector<128x1024xf32>
    %convert_element_type3A_861 = arith.truncf %dot_general3A_860 : vector<128x1024xf32> to vector<128x1024xbf16>
    %swap3A_862 = arith.constant 5 : index
    %swap3A_863 = arith.constant 0 : index
    %swap3A_864 = arith.constant 0 : index
    %swap3A_865 = vector.load %arg9[%swap3A_862, %swap3A_863, %swap3A_864] : memref<16x128x1024xbf16, #tpu.memory_space<vmem>>, vector<1x128x1024xbf16>
    %swap3A_866 = vector.shape_cast %swap3A_865 : vector<1x128x1024xbf16> to vector<128x1024xbf16>
    %swap3A_867 = vector.shape_cast %convert_element_type3A_861 : vector<128x1024xbf16> to vector<1x128x1024xbf16>
    tpu.vector_store %arg9[%swap3A_862, %swap3A_863, %swap3A_864], %swap3A_867 {strides = array<i32>} : memref<16x128x1024xbf16, #tpu.memory_space<vmem>>, vector<1x128x1024xbf16>,
    %get3A_868 = arith.constant 0 : index
    %get3A_869 = arith.constant 704 : index
    %get3A_870 = vector.load %arg1[%get3A_868, %get3A_869] : memref<128x1024xbf16, #tpu.memory_space<vmem>>, vector<128x32xbf16>
    %dot_general3A_871 = arith.constant dense<0.000000e+00> : vector<128x1024xf32>
    %dot_general3A_872 = tpu.matmul %get3A_870, %get3A_1, %dot_general3A_871 {dimension_numbers = #tpu.dot_dimension_numbers<[1], [1], [0], [0], [0, 0, 1, 0], [], []>, transpose_lhs_hint = false} : vector<128x32xbf16>, vector<1024x32xbf16>, vector<128x1024xf32> -> vector<128x1024xf32>
    %convert_element_type3A_873 = arith.truncf %dot_general3A_872 : vector<128x1024xf32> to vector<128x1024xbf16>
    %swap3A_874 = arith.constant 6 : index
    %swap3A_875 = arith.constant 0 : index
    %swap3A_876 = arith.constant 0 : index
    %swap3A_877 = vector.load %arg9[%swap3A_874, %swap3A_875, %swap3A_876] : memref<16x128x1024xbf16, #tpu.memory_space<vmem>>, vector<1x128x1024xbf16>
    %swap3A_878 = vector.shape_cast %swap3A_877 : vector<1x128x1024xbf16> to vector<128x1024xbf16>
    %swap3A_879 = vector.shape_cast %convert_element_type3A_873 : vector<128x1024xbf16> to vector<1x128x1024xbf16>
    tpu.vector_store %arg9[%swap3A_874, %swap3A_875, %swap3A_876], %swap3A_879 {strides = array<i32>} : memref<16x128x1024xbf16, #tpu.memory_space<vmem>>, vector<1x128x1024xbf16>,
    %get3A_880 = arith.constant 0 : index
    %get3A_881 = arith.constant 736 : index
    %get3A_882 = vector.load %arg1[%get3A_880, %get3A_881] : memref<128x1024xbf16, #tpu.memory_space<vmem>>, vector<128x32xbf16>
    %dot_general3A_883 = arith.constant dense<0.000000e+00> : vector<128x1024xf32>
    %dot_general3A_884 = tpu.matmul %get3A_882, %get3A_1, %dot_general3A_883 {dimension_numbers = #tpu.dot_dimension_numbers<[1], [1], [0], [0], [0, 0, 1, 0], [], []>, transpose_lhs_hint = false} : vector<128x32xbf16>, vector<1024x32xbf16>, vector<128x1024xf32> -> vector<128x1024xf32>
    %convert_element_type3A_885 = arith.truncf %dot_general3A_884 : vector<128x1024xf32> to vector<128x1024xbf16>
    %swap3A_886 = arith.constant 7 : index
    %swap3A_887 = arith.constant 0 : index
    %swap3A_888 = arith.constant 0 : index
    %swap3A_889 = vector.load %arg9[%swap3A_886, %swap3A_887, %swap3A_888] : memref<16x128x1024xbf16, #tpu.memory_space<vmem>>, vector<1x128x1024xbf16>
    %swap3A_890 = vector.shape_cast %swap3A_889 : vector<1x128x1024xbf16> to vector<128x1024xbf16>
    %swap3A_891 = vector.shape_cast %convert_element_type3A_885 : vector<128x1024xbf16> to vector<1x128x1024xbf16>
    tpu.vector_store %arg9[%swap3A_886, %swap3A_887, %swap3A_888], %swap3A_891 {strides = array<i32>} : memref<16x128x1024xbf16, #tpu.memory_space<vmem>>, vector<1x128x1024xbf16>,
    %get3A_892 = arith.constant 0 : index
    %get3A_893 = arith.constant 768 : index
    %get3A_894 = vector.load %arg1[%get3A_892, %get3A_893] : memref<128x1024xbf16, #tpu.memory_space<vmem>>, vector<128x32xbf16>
    %dot_general3A_895 = arith.constant dense<0.000000e+00> : vector<128x1024xf32>
    %dot_general3A_896 = tpu.matmul %get3A_894, %get3A_1, %dot_general3A_895 {dimension_numbers = #tpu.dot_dimension_numbers<[1], [1], [0], [0], [0, 0, 1, 0], [], []>, transpose_lhs_hint = false} : vector<128x32xbf16>, vector<1024x32xbf16>, vector<128x1024xf32> -> vector<128x1024xf32>
    %convert_element_type3A_897 = arith.truncf %dot_general3A_896 : vector<128x1024xf32> to vector<128x1024xbf16>
    %swap3A_898 = arith.constant 8 : index
    %swap3A_899 = arith.constant 0 : index
    %swap3A_900 = arith.constant 0 : index
    %swap3A_901 = vector.load %arg9[%swap3A_898, %swap3A_899, %swap3A_900] : memref<16x128x1024xbf16, #tpu.memory_space<vmem>>, vector<1x128x1024xbf16>
    %swap3A_902 = vector.shape_cast %swap3A_901 : vector<1x128x1024xbf16> to vector<128x1024xbf16>
    %swap3A_903 = vector.shape_cast %convert_element_type3A_897 : vector<128x1024xbf16> to vector<1x128x1024xbf16>
    tpu.vector_store %arg9[%swap3A_898, %swap3A_899, %swap3A_900], %swap3A_903 {strides = array<i32>} : memref<16x128x1024xbf16, #tpu.memory_space<vmem>>, vector<1x128x1024xbf16>,
    %get3A_904 = arith.constant 0 : index
    %get3A_905 = arith.constant 800 : index
    %get3A_906 = vector.load %arg1[%get3A_904, %get3A_905] : memref<128x1024xbf16, #tpu.memory_space<vmem>>, vector<128x32xbf16>
    %dot_general3A_907 = arith.constant dense<0.000000e+00> : vector<128x1024xf32>
    %dot_general3A_908 = tpu.matmul %get3A_906, %get3A_1, %dot_general3A_907 {dimension_numbers = #tpu.dot_dimension_numbers<[1], [1], [0], [0], [0, 0, 1, 0], [], []>, transpose_lhs_hint = false} : vector<128x32xbf16>, vector<1024x32xbf16>, vector<128x1024xf32> -> vector<128x1024xf32>
    %convert_element_type3A_909 = arith.truncf %dot_general3A_908 : vector<128x1024xf32> to vector<128x1024xbf16>
    %swap3A_910 = arith.constant 9 : index
    %swap3A_911 = arith.constant 0 : index
    %swap3A_912 = arith.constant 0 : index
    %swap3A_913 = vector.load %arg9[%swap3A_910, %swap3A_911, %swap3A_912] : memref<16x128x1024xbf16, #tpu.memory_space<vmem>>, vector<1x128x1024xbf16>
    %swap3A_914 = vector.shape_cast %swap3A_913 : vector<1x128x1024xbf16> to vector<128x1024xbf16>
    %swap3A_915 = vector.shape_cast %convert_element_type3A_909 : vector<128x1024xbf16> to vector<1x128x1024xbf16>
    tpu.vector_store %arg9[%swap3A_910, %swap3A_911, %swap3A_912], %swap3A_915 {strides = array<i32>} : memref<16x128x1024xbf16, #tpu.memory_space<vmem>>, vector<1x128x1024xbf16>,
    %get3A_916 = arith.constant 0 : index
    %get3A_917 = arith.constant 832 : index
    %get3A_918 = vector.load %arg1[%get3A_916, %get3A_917] : memref<128x1024xbf16, #tpu.memory_space<vmem>>, vector<128x32xbf16>
    %dot_general3A_919 = arith.constant dense<0.000000e+00> : vector<128x1024xf32>
    %dot_general3A_920 = tpu.matmul %get3A_918, %get3A_1, %dot_general3A_919 {dimension_numbers = #tpu.dot_dimension_numbers<[1], [1], [0], [0], [0, 0, 1, 0], [], []>, transpose_lhs_hint = false} : vector<128x32xbf16>, vector<1024x32xbf16>, vector<128x1024xf32> -> vector<128x1024xf32>
    %convert_element_type3A_921 = arith.truncf %dot_general3A_920 : vector<128x1024xf32> to vector<128x1024xbf16>
    %swap3A_922 = arith.constant 10 : index
    %swap3A_923 = arith.constant 0 : index
    %swap3A_924 = arith.constant 0 : index
    %swap3A_925 = vector.load %arg9[%swap3A_922, %swap3A_923, %swap3A_924] : memref<16x128x1024xbf16, #tpu.memory_space<vmem>>, vector<1x128x1024xbf16>
    %swap3A_926 = vector.shape_cast %swap3A_925 : vector<1x128x1024xbf16> to vector<128x1024xbf16>
    %swap3A_927 = vector.shape_cast %convert_element_type3A_921 : vector<128x1024xbf16> to vector<1x128x1024xbf16>
    tpu.vector_store %arg9[%swap3A_922, %swap3A_923, %swap3A_924], %swap3A_927 {strides = array<i32>} : memref<16x128x1024xbf16, #tpu.memory_space<vmem>>, vector<1x128x1024xbf16>,
    %get3A_928 = arith.constant 0 : index
    %get3A_929 = arith.constant 864 : index
    %get3A_930 = vector.load %arg1[%get3A_928, %get3A_929] : memref<128x1024xbf16, #tpu.memory_space<vmem>>, vector<128x32xbf16>
    %dot_general3A_931 = arith.constant dense<0.000000e+00> : vector<128x1024xf32>
    %dot_general3A_932 = tpu.matmul %get3A_930, %get3A_1, %dot_general3A_931 {dimension_numbers = #tpu.dot_dimension_numbers<[1], [1], [0], [0], [0, 0, 1, 0], [], []>, transpose_lhs_hint = false} : vector<128x32xbf16>, vector<1024x32xbf16>, vector<128x1024xf32> -> vector<128x1024xf32>
    %convert_element_type3A_933 = arith.truncf %dot_general3A_932 : vector<128x1024xf32> to vector<128x1024xbf16>
    %swap3A_934 = arith.constant 11 : index
    %swap3A_935 = arith.constant 0 : index
    %swap3A_936 = arith.constant 0 : index
    %swap3A_937 = vector.load %arg9[%swap3A_934, %swap3A_935, %swap3A_936] : memref<16x128x1024xbf16, #tpu.memory_space<vmem>>, vector<1x128x1024xbf16>
    %swap3A_938 = vector.shape_cast %swap3A_937 : vector<1x128x1024xbf16> to vector<128x1024xbf16>
    %swap3A_939 = vector.shape_cast %convert_element_type3A_933 : vector<128x1024xbf16> to vector<1x128x1024xbf16>
    tpu.vector_store %arg9[%swap3A_934, %swap3A_935, %swap3A_936], %swap3A_939 {strides = array<i32>} : memref<16x128x1024xbf16, #tpu.memory_space<vmem>>, vector<1x128x1024xbf16>,
    %get3A_940 = arith.constant 0 : index
    %get3A_941 = arith.constant 896 : index
    %get3A_942 = vector.load %arg1[%get3A_940, %get3A_941] : memref<128x1024xbf16, #tpu.memory_space<vmem>>, vector<128x32xbf16>
    %dot_general3A_943 = arith.constant dense<0.000000e+00> : vector<128x1024xf32>
    %dot_general3A_944 = tpu.matmul %get3A_942, %get3A_1, %dot_general3A_943 {dimension_numbers = #tpu.dot_dimension_numbers<[1], [1], [0], [0], [0, 0, 1, 0], [], []>, transpose_lhs_hint = false} : vector<128x32xbf16>, vector<1024x32xbf16>, vector<128x1024xf32> -> vector<128x1024xf32>
    %convert_element_type3A_945 = arith.truncf %dot_general3A_944 : vector<128x1024xf32> to vector<128x1024xbf16>
    %swap3A_946 = arith.constant 12 : index
    %swap3A_947 = arith.constant 0 : index
    %swap3A_948 = arith.constant 0 : index
    %swap3A_949 = vector.load %arg9[%swap3A_946, %swap3A_947, %swap3A_948] : memref<16x128x1024xbf16, #tpu.memory_space<vmem>>, vector<1x128x1024xbf16>
    %swap3A_950 = vector.shape_cast %swap3A_949 : vector<1x128x1024xbf16> to vector<128x1024xbf16>
    %swap3A_951 = vector.shape_cast %convert_element_type3A_945 : vector<128x1024xbf16> to vector<1x128x1024xbf16>
    tpu.vector_store %arg9[%swap3A_946, %swap3A_947, %swap3A_948], %swap3A_951 {strides = array<i32>} : memref<16x128x1024xbf16, #tpu.memory_space<vmem>>, vector<1x128x1024xbf16>,
    %get3A_952 = arith.constant 0 : index
    %get3A_953 = arith.constant 928 : index
    %get3A_954 = vector.load %arg1[%get3A_952, %get3A_953] : memref<128x1024xbf16, #tpu.memory_space<vmem>>, vector<128x32xbf16>
    %dot_general3A_955 = arith.constant dense<0.000000e+00> : vector<128x1024xf32>
    %dot_general3A_956 = tpu.matmul %get3A_954, %get3A_1, %dot_general3A_955 {dimension_numbers = #tpu.dot_dimension_numbers<[1], [1], [0], [0], [0, 0, 1, 0], [], []>, transpose_lhs_hint = false} : vector<128x32xbf16>, vector<1024x32xbf16>, vector<128x1024xf32> -> vector<128x1024xf32>
    %convert_element_type3A_957 = arith.truncf %dot_general3A_956 : vector<128x1024xf32> to vector<128x1024xbf16>
    %swap3A_958 = arith.constant 13 : index
    %swap3A_959 = arith.constant 0 : index
    %swap3A_960 = arith.constant 0 : index
    %swap3A_961 = vector.load %arg9[%swap3A_958, %swap3A_959, %swap3A_960] : memref<16x128x1024xbf16, #tpu.memory_space<vmem>>, vector<1x128x1024xbf16>
    %swap3A_962 = vector.shape_cast %swap3A_961 : vector<1x128x1024xbf16> to vector<128x1024xbf16>
    %swap3A_963 = vector.shape_cast %convert_element_type3A_957 : vector<128x1024xbf16> to vector<1x128x1024xbf16>
    tpu.vector_store %arg9[%swap3A_958, %swap3A_959, %swap3A_960], %swap3A_963 {strides = array<i32>} : memref<16x128x1024xbf16, #tpu.memory_space<vmem>>, vector<1x128x1024xbf16>,
    %get3A_964 = arith.constant 0 : index
    %get3A_965 = arith.constant 960 : index
    %get3A_966 = vector.load %arg1[%get3A_964, %get3A_965] : memref<128x1024xbf16, #tpu.memory_space<vmem>>, vector<128x32xbf16>
    %dot_general3A_967 = arith.constant dense<0.000000e+00> : vector<128x1024xf32>
    %dot_general3A_968 = tpu.matmul %get3A_966, %get3A_1, %dot_general3A_967 {dimension_numbers = #tpu.dot_dimension_numbers<[1], [1], [0], [0], [0, 0, 1, 0], [], []>, transpose_lhs_hint = false} : vector<128x32xbf16>, vector<1024x32xbf16>, vector<128x1024xf32> -> vector<128x1024xf32>
    %convert_element_type3A_969 = arith.truncf %dot_general3A_968 : vector<128x1024xf32> to vector<128x1024xbf16>
    %swap3A_970 = arith.constant 14 : index
    %swap3A_971 = arith.constant 0 : index
    %swap3A_972 = arith.constant 0 : index
    %swap3A_973 = vector.load %arg9[%swap3A_970, %swap3A_971, %swap3A_972] : memref<16x128x1024xbf16, #tpu.memory_space<vmem>>, vector<1x128x1024xbf16>
    %swap3A_974 = vector.shape_cast %swap3A_973 : vector<1x128x1024xbf16> to vector<128x1024xbf16>
    %swap3A_975 = vector.shape_cast %convert_element_type3A_969 : vector<128x1024xbf16> to vector<1x128x1024xbf16>
    tpu.vector_store %arg9[%swap3A_970, %swap3A_971, %swap3A_972], %swap3A_975 {strides = array<i32>} : memref<16x128x1024xbf16, #tpu.memory_space<vmem>>, vector<1x128x1024xbf16>,
    %get3A_976 = arith.constant 0 : index
    %get3A_977 = arith.constant 992 : index
    %get3A_978 = vector.load %arg1[%get3A_976, %get3A_977] : memref<128x1024xbf16, #tpu.memory_space<vmem>>, vector<128x32xbf16>
    %dot_general3A_979 = arith.constant dense<0.000000e+00> : vector<128x1024xf32>
    %dot_general3A_980 = tpu.matmul %get3A_978, %get3A_1, %dot_general3A_979 {dimension_numbers = #tpu.dot_dimension_numbers<[1], [1], [0], [0], [0, 0, 1, 0], [], []>, transpose_lhs_hint = false} : vector<128x32xbf16>, vector<1024x32xbf16>, vector<128x1024xf32> -> vector<128x1024xf32>
    %convert_element_type3A_981 = arith.truncf %dot_general3A_980 : vector<128x1024xf32> to vector<128x1024xbf16>
    %swap3A_982 = arith.constant 15 : index
    %swap3A_983 = arith.constant 0 : index
    %swap3A_984 = arith.constant 0 : index
    %swap3A_985 = vector.load %arg9[%swap3A_982, %swap3A_983, %swap3A_984] : memref<16x128x1024xbf16, #tpu.memory_space<vmem>>, vector<1x128x1024xbf16>
    %swap3A_986 = vector.shape_cast %swap3A_985 : vector<1x128x1024xbf16> to vector<128x1024xbf16>
    %swap3A_987 = vector.shape_cast %convert_element_type3A_981 : vector<128x1024xbf16> to vector<1x128x1024xbf16>
    tpu.vector_store %arg9[%swap3A_982, %swap3A_983, %swap3A_984], %swap3A_987 {strides = array<i32>} : memref<16x128x1024xbf16, #tpu.memory_space<vmem>>, vector<1x128x1024xbf16>,
    %get3A_988 = arith.constant 0 : index
    %get3A_989 = arith.constant 0 : index
    %get3A_990 = arith.constant 0 : index
    %get3A_991 = vector.load %arg9[%get3A_988, %get3A_989, %get3A_990] : memref<16x128x1024xbf16, #tpu.memory_space<vmem>>, vector<16x8x1024xbf16>
    %reshape3A_992 = vector.shape_cast %get3A_991 : vector<16x8x1024xbf16> to vector<128x1024xbf16>
    %get3A_993 = arith.constant 1 : index
    %get3A_994 = arith.constant 0 : index
    %get3A_995 = arith.constant 0 : index
    %get3A_996 = vector.load %arg3[%get3A_993, %get3A_994, %get3A_995] : memref<2x256x128xbf16, #tpu.memory_space<vmem>>, vector<1x256x128xbf16>
    %get3A_997 = vector.shape_cast %get3A_996 : vector<1x256x128xbf16> to vector<256x128xbf16>
    %dot_general3A_998 = arith.constant dense<0.000000e+00> : vector<256x1024xf32>
    %dot_general3A_999 = tpu.matmul %get3A_997, %reshape3A_992, %dot_general3A_998 {dimension_numbers = #tpu.dot_dimension_numbers<[1], [0], [0], [1], [0, 0, 1, 1], [], []>, transpose_lhs_hint = false} : vector<256x128xbf16>, vector<128x1024xbf16>, vector<256x1024xf32> -> vector<256x1024xf32>
    %get3A_1000 = arith.constant 1 : index
    %get3A_1001 = arith.constant 0 : index
    %get3A_1002 = arith.constant 0 : index
    %get3A_1003 = vector.load %arg5[%get3A_1000, %get3A_1001, %get3A_1002] : memref<2x256x1xf32, #tpu.memory_space<vmem>>, vector<1x256x1xf32>
    %get3A_1004 = vector.shape_cast %get3A_1003 : vector<1x256x1xf32> to vector<256x1xf32>
    %add3A_1005 = vector.broadcast %get3A_1004 : vector<256x1xf32> to vector<256x1024xf32>
    %add3A_1006 = arith.addf %dot_general3A_999, %add3A_1005 : vector<256x1024xf32>
    %max3A_1007 = arith.constant 0.000000e+00 : f32
    %max3A_1008 = vector.broadcast %max3A_1007 : f32 to vector<256x1024xf32>
    %max3A_1009 = arith.maximumf %add3A_1006, %max3A_1008 : vector<256x1024xf32>
    %convert_element_type3A_1010 = arith.truncf %max3A_1009 : vector<256x1024xf32> to vector<256x1024xbf16>
    %get3A_1011 = arith.constant 1 : index
    %get3A_1012 = arith.constant 0 : index
    %get3A_1013 = arith.constant 0 : index
    %get3A_1014 = vector.load %arg4[%get3A_1011, %get3A_1012, %get3A_1013] : memref<2x8x256xbf16, #tpu.memory_space<vmem>>, vector<1x8x256xbf16>
    %get3A_1015 = vector.shape_cast %get3A_1014 : vector<1x8x256xbf16> to vector<8x256xbf16>
    %dot_general3A_1016 = arith.constant dense<0.000000e+00> : vector<8x1024xf32>
    %dot_general3A_1017 = tpu.matmul %get3A_1015, %convert_element_type3A_1010, %dot_general3A_1016 {dimension_numbers = #tpu.dot_dimension_numbers<[1], [0], [0], [1], [0, 0, 1, 1], [], []>, transpose_lhs_hint = false} : vector<8x256xbf16>, vector<256x1024xbf16>, vector<8x1024xf32> -> vector<8x1024xf32>
    %get3A_1018 = arith.constant 0 : index
    %get3A_1019 = arith.constant 1 : index
    %get3A_1020 = memref.load %arg6[%get3A_1018, %get3A_1019] : memref<1x2xf32, #tpu.memory_space<smem>>
    %add3A_1021 = vector.broadcast %get3A_1020 : f32 to vector<8x1024xf32>
    %add3A_1022 = arith.addf %dot_general3A_1017, %add3A_1021 : vector<8x1024xf32>
    %swap3A_1023 = arith.constant 0 : index
    %swap3A_1024 = arith.constant 0 : index
    %swap3A_1025 = vector.load %arg7[%swap3A_1023, %swap3A_1024] : memref<128x1024xf32, #tpu.memory_space<vmem>>, vector<8x1024xf32>
    tpu.vector_store %arg7[%swap3A_1023, %swap3A_1024], %add3A_1022 {strides = array<i32>} : memref<128x1024xf32, #tpu.memory_space<vmem>>, vector<8x1024xf32>,
    %get3A_1026 = arith.constant 0 : index
    %get3A_1027 = arith.constant 8 : index
    %get3A_1028 = arith.constant 0 : index
    %get3A_1029 = vector.load %arg9[%get3A_1026, %get3A_1027, %get3A_1028] : memref<16x128x1024xbf16, #tpu.memory_space<vmem>>, vector<16x8x1024xbf16>
    %reshape3A_1030 = vector.shape_cast %get3A_1029 : vector<16x8x1024xbf16> to vector<128x1024xbf16>
    %get3A_1031 = arith.constant 1 : index
    %get3A_1032 = arith.constant 0 : index
    %get3A_1033 = arith.constant 0 : index
    %get3A_1034 = vector.load %arg3[%get3A_1031, %get3A_1032, %get3A_1033] : memref<2x256x128xbf16, #tpu.memory_space<vmem>>, vector<1x256x128xbf16>
    %get3A_1035 = vector.shape_cast %get3A_1034 : vector<1x256x128xbf16> to vector<256x128xbf16>
    %dot_general3A_1036 = arith.constant dense<0.000000e+00> : vector<256x1024xf32>
    %dot_general3A_1037 = tpu.matmul %get3A_1035, %reshape3A_1030, %dot_general3A_1036 {dimension_numbers = #tpu.dot_dimension_numbers<[1], [0], [0], [1], [0, 0, 1, 1], [], []>, transpose_lhs_hint = false} : vector<256x128xbf16>, vector<128x1024xbf16>, vector<256x1024xf32> -> vector<256x1024xf32>
    %get3A_1038 = arith.constant 1 : index
    %get3A_1039 = arith.constant 0 : index
    %get3A_1040 = arith.constant 0 : index
    %get3A_1041 = vector.load %arg5[%get3A_1038, %get3A_1039, %get3A_1040] : memref<2x256x1xf32, #tpu.memory_space<vmem>>, vector<1x256x1xf32>
    %get3A_1042 = vector.shape_cast %get3A_1041 : vector<1x256x1xf32> to vector<256x1xf32>
    %add3A_1043 = vector.broadcast %get3A_1042 : vector<256x1xf32> to vector<256x1024xf32>
    %add3A_1044 = arith.addf %dot_general3A_1037, %add3A_1043 : vector<256x1024xf32>
    %max3A_1045 = arith.constant 0.000000e+00 : f32
    %max3A_1046 = vector.broadcast %max3A_1045 : f32 to vector<256x1024xf32>
    %max3A_1047 = arith.maximumf %add3A_1044, %max3A_1046 : vector<256x1024xf32>
    %convert_element_type3A_1048 = arith.truncf %max3A_1047 : vector<256x1024xf32> to vector<256x1024xbf16>
    %get3A_1049 = arith.constant 1 : index
    %get3A_1050 = arith.constant 0 : index
    %get3A_1051 = arith.constant 0 : index
    %get3A_1052 = vector.load %arg4[%get3A_1049, %get3A_1050, %get3A_1051] : memref<2x8x256xbf16, #tpu.memory_space<vmem>>, vector<1x8x256xbf16>
    %get3A_1053 = vector.shape_cast %get3A_1052 : vector<1x8x256xbf16> to vector<8x256xbf16>
    %dot_general3A_1054 = arith.constant dense<0.000000e+00> : vector<8x1024xf32>
    %dot_general3A_1055 = tpu.matmul %get3A_1053, %convert_element_type3A_1048, %dot_general3A_1054 {dimension_numbers = #tpu.dot_dimension_numbers<[1], [0], [0], [1], [0, 0, 1, 1], [], []>, transpose_lhs_hint = false} : vector<8x256xbf16>, vector<256x1024xbf16>, vector<8x1024xf32> -> vector<8x1024xf32>
    %get3A_1056 = arith.constant 0 : index
    %get3A_1057 = arith.constant 1 : index
    %get3A_1058 = memref.load %arg6[%get3A_1056, %get3A_1057] : memref<1x2xf32, #tpu.memory_space<smem>>
    %add3A_1059 = vector.broadcast %get3A_1058 : f32 to vector<8x1024xf32>
    %add3A_1060 = arith.addf %dot_general3A_1055, %add3A_1059 : vector<8x1024xf32>
    %swap3A_1061 = arith.constant 8 : index
    %swap3A_1062 = arith.constant 0 : index
    %swap3A_1063 = vector.load %arg7[%swap3A_1061, %swap3A_1062] : memref<128x1024xf32, #tpu.memory_space<vmem>>, vector<8x1024xf32>
    tpu.vector_store %arg7[%swap3A_1061, %swap3A_1062], %add3A_1060 {strides = array<i32>} : memref<128x1024xf32, #tpu.memory_space<vmem>>, vector<8x1024xf32>,
    %get3A_1064 = arith.constant 0 : index
    %get3A_1065 = arith.constant 16 : index
    %get3A_1066 = arith.constant 0 : index
    %get3A_1067 = vector.load %arg9[%get3A_1064, %get3A_1065, %get3A_1066] : memref<16x128x1024xbf16, #tpu.memory_space<vmem>>, vector<16x8x1024xbf16>
    %reshape3A_1068 = vector.shape_cast %get3A_1067 : vector<16x8x1024xbf16> to vector<128x1024xbf16>
    %get3A_1069 = arith.constant 1 : index
    %get3A_1070 = arith.constant 0 : index
    %get3A_1071 = arith.constant 0 : index
    %get3A_1072 = vector.load %arg3[%get3A_1069, %get3A_1070, %get3A_1071] : memref<2x256x128xbf16, #tpu.memory_space<vmem>>, vector<1x256x128xbf16>
    %get3A_1073 = vector.shape_cast %get3A_1072 : vector<1x256x128xbf16> to vector<256x128xbf16>
    %dot_general3A_1074 = arith.constant dense<0.000000e+00> : vector<256x1024xf32>
    %dot_general3A_1075 = tpu.matmul %get3A_1073, %reshape3A_1068, %dot_general3A_1074 {dimension_numbers = #tpu.dot_dimension_numbers<[1], [0], [0], [1], [0, 0, 1, 1], [], []>, transpose_lhs_hint = false} : vector<256x128xbf16>, vector<128x1024xbf16>, vector<256x1024xf32> -> vector<256x1024xf32>
    %get3A_1076 = arith.constant 1 : index
    %get3A_1077 = arith.constant 0 : index
    %get3A_1078 = arith.constant 0 : index
    %get3A_1079 = vector.load %arg5[%get3A_1076, %get3A_1077, %get3A_1078] : memref<2x256x1xf32, #tpu.memory_space<vmem>>, vector<1x256x1xf32>
    %get3A_1080 = vector.shape_cast %get3A_1079 : vector<1x256x1xf32> to vector<256x1xf32>
    %add3A_1081 = vector.broadcast %get3A_1080 : vector<256x1xf32> to vector<256x1024xf32>
    %add3A_1082 = arith.addf %dot_general3A_1075, %add3A_1081 : vector<256x1024xf32>
    %max3A_1083 = arith.constant 0.000000e+00 : f32
    %max3A_1084 = vector.broadcast %max3A_1083 : f32 to vector<256x1024xf32>
    %max3A_1085 = arith.maximumf %add3A_1082, %max3A_1084 : vector<256x1024xf32>
    %convert_element_type3A_1086 = arith.truncf %max3A_1085 : vector<256x1024xf32> to vector<256x1024xbf16>
    %get3A_1087 = arith.constant 1 : index
    %get3A_1088 = arith.constant 0 : index
    %get3A_1089 = arith.constant 0 : index
    %get3A_1090 = vector.load %arg4[%get3A_1087, %get3A_1088, %get3A_1089] : memref<2x8x256xbf16, #tpu.memory_space<vmem>>, vector<1x8x256xbf16>
    %get3A_1091 = vector.shape_cast %get3A_1090 : vector<1x8x256xbf16> to vector<8x256xbf16>
    %dot_general3A_1092 = arith.constant dense<0.000000e+00> : vector<8x1024xf32>
    %dot_general3A_1093 = tpu.matmul %get3A_1091, %convert_element_type3A_1086, %dot_general3A_1092 {dimension_numbers = #tpu.dot_dimension_numbers<[1], [0], [0], [1], [0, 0, 1, 1], [], []>, transpose_lhs_hint = false} : vector<8x256xbf16>, vector<256x1024xbf16>, vector<8x1024xf32> -> vector<8x1024xf32>
    %get3A_1094 = arith.constant 0 : index
    %get3A_1095 = arith.constant 1 : index
    %get3A_1096 = memref.load %arg6[%get3A_1094, %get3A_1095] : memref<1x2xf32, #tpu.memory_space<smem>>
    %add3A_1097 = vector.broadcast %get3A_1096 : f32 to vector<8x1024xf32>
    %add3A_1098 = arith.addf %dot_general3A_1093, %add3A_1097 : vector<8x1024xf32>
    %swap3A_1099 = arith.constant 16 : index
    %swap3A_1100 = arith.constant 0 : index
    %swap3A_1101 = vector.load %arg7[%swap3A_1099, %swap3A_1100] : memref<128x1024xf32, #tpu.memory_space<vmem>>, vector<8x1024xf32>
    tpu.vector_store %arg7[%swap3A_1099, %swap3A_1100], %add3A_1098 {strides = array<i32>} : memref<128x1024xf32, #tpu.memory_space<vmem>>, vector<8x1024xf32>,
    %get3A_1102 = arith.constant 0 : index
    %get3A_1103 = arith.constant 24 : index
    %get3A_1104 = arith.constant 0 : index
    %get3A_1105 = vector.load %arg9[%get3A_1102, %get3A_1103, %get3A_1104] : memref<16x128x1024xbf16, #tpu.memory_space<vmem>>, vector<16x8x1024xbf16>
    %reshape3A_1106 = vector.shape_cast %get3A_1105 : vector<16x8x1024xbf16> to vector<128x1024xbf16>
    %get3A_1107 = arith.constant 1 : index
    %get3A_1108 = arith.constant 0 : index
    %get3A_1109 = arith.constant 0 : index
    %get3A_1110 = vector.load %arg3[%get3A_1107, %get3A_1108, %get3A_1109] : memref<2x256x128xbf16, #tpu.memory_space<vmem>>, vector<1x256x128xbf16>
    %get3A_1111 = vector.shape_cast %get3A_1110 : vector<1x256x128xbf16> to vector<256x128xbf16>
    %dot_general3A_1112 = arith.constant dense<0.000000e+00> : vector<256x1024xf32>
    %dot_general3A_1113 = tpu.matmul %get3A_1111, %reshape3A_1106, %dot_general3A_1112 {dimension_numbers = #tpu.dot_dimension_numbers<[1], [0], [0], [1], [0, 0, 1, 1], [], []>, transpose_lhs_hint = false} : vector<256x128xbf16>, vector<128x1024xbf16>, vector<256x1024xf32> -> vector<256x1024xf32>
    %get3A_1114 = arith.constant 1 : index
    %get3A_1115 = arith.constant 0 : index
    %get3A_1116 = arith.constant 0 : index
    %get3A_1117 = vector.load %arg5[%get3A_1114, %get3A_1115, %get3A_1116] : memref<2x256x1xf32, #tpu.memory_space<vmem>>, vector<1x256x1xf32>
    %get3A_1118 = vector.shape_cast %get3A_1117 : vector<1x256x1xf32> to vector<256x1xf32>
    %add3A_1119 = vector.broadcast %get3A_1118 : vector<256x1xf32> to vector<256x1024xf32>
    %add3A_1120 = arith.addf %dot_general3A_1113, %add3A_1119 : vector<256x1024xf32>
    %max3A_1121 = arith.constant 0.000000e+00 : f32
    %max3A_1122 = vector.broadcast %max3A_1121 : f32 to vector<256x1024xf32>
    %max3A_1123 = arith.maximumf %add3A_1120, %max3A_1122 : vector<256x1024xf32>
    %convert_element_type3A_1124 = arith.truncf %max3A_1123 : vector<256x1024xf32> to vector<256x1024xbf16>
    %get3A_1125 = arith.constant 1 : index
    %get3A_1126 = arith.constant 0 : index
    %get3A_1127 = arith.constant 0 : index
    %get3A_1128 = vector.load %arg4[%get3A_1125, %get3A_1126, %get3A_1127] : memref<2x8x256xbf16, #tpu.memory_space<vmem>>, vector<1x8x256xbf16>
    %get3A_1129 = vector.shape_cast %get3A_1128 : vector<1x8x256xbf16> to vector<8x256xbf16>
    %dot_general3A_1130 = arith.constant dense<0.000000e+00> : vector<8x1024xf32>
    %dot_general3A_1131 = tpu.matmul %get3A_1129, %convert_element_type3A_1124, %dot_general3A_1130 {dimension_numbers = #tpu.dot_dimension_numbers<[1], [0], [0], [1], [0, 0, 1, 1], [], []>, transpose_lhs_hint = false} : vector<8x256xbf16>, vector<256x1024xbf16>, vector<8x1024xf32> -> vector<8x1024xf32>
    %get3A_1132 = arith.constant 0 : index
    %get3A_1133 = arith.constant 1 : index
    %get3A_1134 = memref.load %arg6[%get3A_1132, %get3A_1133] : memref<1x2xf32, #tpu.memory_space<smem>>
    %add3A_1135 = vector.broadcast %get3A_1134 : f32 to vector<8x1024xf32>
    %add3A_1136 = arith.addf %dot_general3A_1131, %add3A_1135 : vector<8x1024xf32>
    %swap3A_1137 = arith.constant 24 : index
    %swap3A_1138 = arith.constant 0 : index
    %swap3A_1139 = vector.load %arg7[%swap3A_1137, %swap3A_1138] : memref<128x1024xf32, #tpu.memory_space<vmem>>, vector<8x1024xf32>
    tpu.vector_store %arg7[%swap3A_1137, %swap3A_1138], %add3A_1136 {strides = array<i32>} : memref<128x1024xf32, #tpu.memory_space<vmem>>, vector<8x1024xf32>,
    %get3A_1140 = arith.constant 0 : index
    %get3A_1141 = arith.constant 32 : index
    %get3A_1142 = arith.constant 0 : index
    %get3A_1143 = vector.load %arg9[%get3A_1140, %get3A_1141, %get3A_1142] : memref<16x128x1024xbf16, #tpu.memory_space<vmem>>, vector<16x8x1024xbf16>
    %reshape3A_1144 = vector.shape_cast %get3A_1143 : vector<16x8x1024xbf16> to vector<128x1024xbf16>
    %get3A_1145 = arith.constant 1 : index
    %get3A_1146 = arith.constant 0 : index
    %get3A_1147 = arith.constant 0 : index
    %get3A_1148 = vector.load %arg3[%get3A_1145, %get3A_1146, %get3A_1147] : memref<2x256x128xbf16, #tpu.memory_space<vmem>>, vector<1x256x128xbf16>
    %get3A_1149 = vector.shape_cast %get3A_1148 : vector<1x256x128xbf16> to vector<256x128xbf16>
    %dot_general3A_1150 = arith.constant dense<0.000000e+00> : vector<256x1024xf32>
    %dot_general3A_1151 = tpu.matmul %get3A_1149, %reshape3A_1144, %dot_general3A_1150 {dimension_numbers = #tpu.dot_dimension_numbers<[1], [0], [0], [1], [0, 0, 1, 1], [], []>, transpose_lhs_hint = false} : vector<256x128xbf16>, vector<128x1024xbf16>, vector<256x1024xf32> -> vector<256x1024xf32>
    %get3A_1152 = arith.constant 1 : index
    %get3A_1153 = arith.constant 0 : index
    %get3A_1154 = arith.constant 0 : index
    %get3A_1155 = vector.load %arg5[%get3A_1152, %get3A_1153, %get3A_1154] : memref<2x256x1xf32, #tpu.memory_space<vmem>>, vector<1x256x1xf32>
    %get3A_1156 = vector.shape_cast %get3A_1155 : vector<1x256x1xf32> to vector<256x1xf32>
    %add3A_1157 = vector.broadcast %get3A_1156 : vector<256x1xf32> to vector<256x1024xf32>
    %add3A_1158 = arith.addf %dot_general3A_1151, %add3A_1157 : vector<256x1024xf32>
    %max3A_1159 = arith.constant 0.000000e+00 : f32
    %max3A_1160 = vector.broadcast %max3A_1159 : f32 to vector<256x1024xf32>
    %max3A_1161 = arith.maximumf %add3A_1158, %max3A_1160 : vector<256x1024xf32>
    %convert_element_type3A_1162 = arith.truncf %max3A_1161 : vector<256x1024xf32> to vector<256x1024xbf16>
    %get3A_1163 = arith.constant 1 : index
    %get3A_1164 = arith.constant 0 : index
    %get3A_1165 = arith.constant 0 : index
    %get3A_1166 = vector.load %arg4[%get3A_1163, %get3A_1164, %get3A_1165] : memref<2x8x256xbf16, #tpu.memory_space<vmem>>, vector<1x8x256xbf16>
    %get3A_1167 = vector.shape_cast %get3A_1166 : vector<1x8x256xbf16> to vector<8x256xbf16>
    %dot_general3A_1168 = arith.constant dense<0.000000e+00> : vector<8x1024xf32>
    %dot_general3A_1169 = tpu.matmul %get3A_1167, %convert_element_type3A_1162, %dot_general3A_1168 {dimension_numbers = #tpu.dot_dimension_numbers<[1], [0], [0], [1], [0, 0, 1, 1], [], []>, transpose_lhs_hint = false} : vector<8x256xbf16>, vector<256x1024xbf16>, vector<8x1024xf32> -> vector<8x1024xf32>
    %get3A_1170 = arith.constant 0 : index
    %get3A_1171 = arith.constant 1 : index
    %get3A_1172 = memref.load %arg6[%get3A_1170, %get3A_1171] : memref<1x2xf32, #tpu.memory_space<smem>>
    %add3A_1173 = vector.broadcast %get3A_1172 : f32 to vector<8x1024xf32>
    %add3A_1174 = arith.addf %dot_general3A_1169, %add3A_1173 : vector<8x1024xf32>
    %swap3A_1175 = arith.constant 32 : index
    %swap3A_1176 = arith.constant 0 : index
    %swap3A_1177 = vector.load %arg7[%swap3A_1175, %swap3A_1176] : memref<128x1024xf32, #tpu.memory_space<vmem>>, vector<8x1024xf32>
    tpu.vector_store %arg7[%swap3A_1175, %swap3A_1176], %add3A_1174 {strides = array<i32>} : memref<128x1024xf32, #tpu.memory_space<vmem>>, vector<8x1024xf32>,
    %get3A_1178 = arith.constant 0 : index
    %get3A_1179 = arith.constant 40 : index
    %get3A_1180 = arith.constant 0 : index
    %get3A_1181 = vector.load %arg9[%get3A_1178, %get3A_1179, %get3A_1180] : memref<16x128x1024xbf16, #tpu.memory_space<vmem>>, vector<16x8x1024xbf16>
    %reshape3A_1182 = vector.shape_cast %get3A_1181 : vector<16x8x1024xbf16> to vector<128x1024xbf16>
    %get3A_1183 = arith.constant 1 : index
    %get3A_1184 = arith.constant 0 : index
    %get3A_1185 = arith.constant 0 : index
    %get3A_1186 = vector.load %arg3[%get3A_1183, %get3A_1184, %get3A_1185] : memref<2x256x128xbf16, #tpu.memory_space<vmem>>, vector<1x256x128xbf16>
    %get3A_1187 = vector.shape_cast %get3A_1186 : vector<1x256x128xbf16> to vector<256x128xbf16>
    %dot_general3A_1188 = arith.constant dense<0.000000e+00> : vector<256x1024xf32>
    %dot_general3A_1189 = tpu.matmul %get3A_1187, %reshape3A_1182, %dot_general3A_1188 {dimension_numbers = #tpu.dot_dimension_numbers<[1], [0], [0], [1], [0, 0, 1, 1], [], []>, transpose_lhs_hint = false} : vector<256x128xbf16>, vector<128x1024xbf16>, vector<256x1024xf32> -> vector<256x1024xf32>
    %get3A_1190 = arith.constant 1 : index
    %get3A_1191 = arith.constant 0 : index
    %get3A_1192 = arith.constant 0 : index
    %get3A_1193 = vector.load %arg5[%get3A_1190, %get3A_1191, %get3A_1192] : memref<2x256x1xf32, #tpu.memory_space<vmem>>, vector<1x256x1xf32>
    %get3A_1194 = vector.shape_cast %get3A_1193 : vector<1x256x1xf32> to vector<256x1xf32>
    %add3A_1195 = vector.broadcast %get3A_1194 : vector<256x1xf32> to vector<256x1024xf32>
    %add3A_1196 = arith.addf %dot_general3A_1189, %add3A_1195 : vector<256x1024xf32>
    %max3A_1197 = arith.constant 0.000000e+00 : f32
    %max3A_1198 = vector.broadcast %max3A_1197 : f32 to vector<256x1024xf32>
    %max3A_1199 = arith.maximumf %add3A_1196, %max3A_1198 : vector<256x1024xf32>
    %convert_element_type3A_1200 = arith.truncf %max3A_1199 : vector<256x1024xf32> to vector<256x1024xbf16>
    %get3A_1201 = arith.constant 1 : index
    %get3A_1202 = arith.constant 0 : index
    %get3A_1203 = arith.constant 0 : index
    %get3A_1204 = vector.load %arg4[%get3A_1201, %get3A_1202, %get3A_1203] : memref<2x8x256xbf16, #tpu.memory_space<vmem>>, vector<1x8x256xbf16>
    %get3A_1205 = vector.shape_cast %get3A_1204 : vector<1x8x256xbf16> to vector<8x256xbf16>
    %dot_general3A_1206 = arith.constant dense<0.000000e+00> : vector<8x1024xf32>
    %dot_general3A_1207 = tpu.matmul %get3A_1205, %convert_element_type3A_1200, %dot_general3A_1206 {dimension_numbers = #tpu.dot_dimension_numbers<[1], [0], [0], [1], [0, 0, 1, 1], [], []>, transpose_lhs_hint = false} : vector<8x256xbf16>, vector<256x1024xbf16>, vector<8x1024xf32> -> vector<8x1024xf32>
    %get3A_1208 = arith.constant 0 : index
    %get3A_1209 = arith.constant 1 : index
    %get3A_1210 = memref.load %arg6[%get3A_1208, %get3A_1209] : memref<1x2xf32, #tpu.memory_space<smem>>
    %add3A_1211 = vector.broadcast %get3A_1210 : f32 to vector<8x1024xf32>
    %add3A_1212 = arith.addf %dot_general3A_1207, %add3A_1211 : vector<8x1024xf32>
    %swap3A_1213 = arith.constant 40 : index
    %swap3A_1214 = arith.constant 0 : index
    %swap3A_1215 = vector.load %arg7[%swap3A_1213, %swap3A_1214] : memref<128x1024xf32, #tpu.memory_space<vmem>>, vector<8x1024xf32>
    tpu.vector_store %arg7[%swap3A_1213, %swap3A_1214], %add3A_1212 {strides = array<i32>} : memref<128x1024xf32, #tpu.memory_space<vmem>>, vector<8x1024xf32>,
    %get3A_1216 = arith.constant 0 : index
    %get3A_1217 = arith.constant 48 : index
    %get3A_1218 = arith.constant 0 : index
    %get3A_1219 = vector.load %arg9[%get3A_1216, %get3A_1217, %get3A_1218] : memref<16x128x1024xbf16, #tpu.memory_space<vmem>>, vector<16x8x1024xbf16>
    %reshape3A_1220 = vector.shape_cast %get3A_1219 : vector<16x8x1024xbf16> to vector<128x1024xbf16>
    %get3A_1221 = arith.constant 1 : index
    %get3A_1222 = arith.constant 0 : index
    %get3A_1223 = arith.constant 0 : index
    %get3A_1224 = vector.load %arg3[%get3A_1221, %get3A_1222, %get3A_1223] : memref<2x256x128xbf16, #tpu.memory_space<vmem>>, vector<1x256x128xbf16>
    %get3A_1225 = vector.shape_cast %get3A_1224 : vector<1x256x128xbf16> to vector<256x128xbf16>
    %dot_general3A_1226 = arith.constant dense<0.000000e+00> : vector<256x1024xf32>
    %dot_general3A_1227 = tpu.matmul %get3A_1225, %reshape3A_1220, %dot_general3A_1226 {dimension_numbers = #tpu.dot_dimension_numbers<[1], [0], [0], [1], [0, 0, 1, 1], [], []>, transpose_lhs_hint = false} : vector<256x128xbf16>, vector<128x1024xbf16>, vector<256x1024xf32> -> vector<256x1024xf32>
    %get3A_1228 = arith.constant 1 : index
    %get3A_1229 = arith.constant 0 : index
    %get3A_1230 = arith.constant 0 : index
    %get3A_1231 = vector.load %arg5[%get3A_1228, %get3A_1229, %get3A_1230] : memref<2x256x1xf32, #tpu.memory_space<vmem>>, vector<1x256x1xf32>
    %get3A_1232 = vector.shape_cast %get3A_1231 : vector<1x256x1xf32> to vector<256x1xf32>
    %add3A_1233 = vector.broadcast %get3A_1232 : vector<256x1xf32> to vector<256x1024xf32>
    %add3A_1234 = arith.addf %dot_general3A_1227, %add3A_1233 : vector<256x1024xf32>
    %max3A_1235 = arith.constant 0.000000e+00 : f32
    %max3A_1236 = vector.broadcast %max3A_1235 : f32 to vector<256x1024xf32>
    %max3A_1237 = arith.maximumf %add3A_1234, %max3A_1236 : vector<256x1024xf32>
    %convert_element_type3A_1238 = arith.truncf %max3A_1237 : vector<256x1024xf32> to vector<256x1024xbf16>
    %get3A_1239 = arith.constant 1 : index
    %get3A_1240 = arith.constant 0 : index
    %get3A_1241 = arith.constant 0 : index
    %get3A_1242 = vector.load %arg4[%get3A_1239, %get3A_1240, %get3A_1241] : memref<2x8x256xbf16, #tpu.memory_space<vmem>>, vector<1x8x256xbf16>
    %get3A_1243 = vector.shape_cast %get3A_1242 : vector<1x8x256xbf16> to vector<8x256xbf16>
    %dot_general3A_1244 = arith.constant dense<0.000000e+00> : vector<8x1024xf32>
    %dot_general3A_1245 = tpu.matmul %get3A_1243, %convert_element_type3A_1238, %dot_general3A_1244 {dimension_numbers = #tpu.dot_dimension_numbers<[1], [0], [0], [1], [0, 0, 1, 1], [], []>, transpose_lhs_hint = false} : vector<8x256xbf16>, vector<256x1024xbf16>, vector<8x1024xf32> -> vector<8x1024xf32>
    %get3A_1246 = arith.constant 0 : index
    %get3A_1247 = arith.constant 1 : index
    %get3A_1248 = memref.load %arg6[%get3A_1246, %get3A_1247] : memref<1x2xf32, #tpu.memory_space<smem>>
    %add3A_1249 = vector.broadcast %get3A_1248 : f32 to vector<8x1024xf32>
    %add3A_1250 = arith.addf %dot_general3A_1245, %add3A_1249 : vector<8x1024xf32>
    %swap3A_1251 = arith.constant 48 : index
    %swap3A_1252 = arith.constant 0 : index
    %swap3A_1253 = vector.load %arg7[%swap3A_1251, %swap3A_1252] : memref<128x1024xf32, #tpu.memory_space<vmem>>, vector<8x1024xf32>
    tpu.vector_store %arg7[%swap3A_1251, %swap3A_1252], %add3A_1250 {strides = array<i32>} : memref<128x1024xf32, #tpu.memory_space<vmem>>, vector<8x1024xf32>,
    %get3A_1254 = arith.constant 0 : index
    %get3A_1255 = arith.constant 56 : index
    %get3A_1256 = arith.constant 0 : index
    %get3A_1257 = vector.load %arg9[%get3A_1254, %get3A_1255, %get3A_1256] : memref<16x128x1024xbf16, #tpu.memory_space<vmem>>, vector<16x8x1024xbf16>
    %reshape3A_1258 = vector.shape_cast %get3A_1257 : vector<16x8x1024xbf16> to vector<128x1024xbf16>
    %get3A_1259 = arith.constant 1 : index
    %get3A_1260 = arith.constant 0 : index
    %get3A_1261 = arith.constant 0 : index
    %get3A_1262 = vector.load %arg3[%get3A_1259, %get3A_1260, %get3A_1261] : memref<2x256x128xbf16, #tpu.memory_space<vmem>>, vector<1x256x128xbf16>
    %get3A_1263 = vector.shape_cast %get3A_1262 : vector<1x256x128xbf16> to vector<256x128xbf16>
    %dot_general3A_1264 = arith.constant dense<0.000000e+00> : vector<256x1024xf32>
    %dot_general3A_1265 = tpu.matmul %get3A_1263, %reshape3A_1258, %dot_general3A_1264 {dimension_numbers = #tpu.dot_dimension_numbers<[1], [0], [0], [1], [0, 0, 1, 1], [], []>, transpose_lhs_hint = false} : vector<256x128xbf16>, vector<128x1024xbf16>, vector<256x1024xf32> -> vector<256x1024xf32>
    %get3A_1266 = arith.constant 1 : index
    %get3A_1267 = arith.constant 0 : index
    %get3A_1268 = arith.constant 0 : index
    %get3A_1269 = vector.load %arg5[%get3A_1266, %get3A_1267, %get3A_1268] : memref<2x256x1xf32, #tpu.memory_space<vmem>>, vector<1x256x1xf32>
    %get3A_1270 = vector.shape_cast %get3A_1269 : vector<1x256x1xf32> to vector<256x1xf32>
    %add3A_1271 = vector.broadcast %get3A_1270 : vector<256x1xf32> to vector<256x1024xf32>
    %add3A_1272 = arith.addf %dot_general3A_1265, %add3A_1271 : vector<256x1024xf32>
    %max3A_1273 = arith.constant 0.000000e+00 : f32
    %max3A_1274 = vector.broadcast %max3A_1273 : f32 to vector<256x1024xf32>
    %max3A_1275 = arith.maximumf %add3A_1272, %max3A_1274 : vector<256x1024xf32>
    %convert_element_type3A_1276 = arith.truncf %max3A_1275 : vector<256x1024xf32> to vector<256x1024xbf16>
    %get3A_1277 = arith.constant 1 : index
    %get3A_1278 = arith.constant 0 : index
    %get3A_1279 = arith.constant 0 : index
    %get3A_1280 = vector.load %arg4[%get3A_1277, %get3A_1278, %get3A_1279] : memref<2x8x256xbf16, #tpu.memory_space<vmem>>, vector<1x8x256xbf16>
    %get3A_1281 = vector.shape_cast %get3A_1280 : vector<1x8x256xbf16> to vector<8x256xbf16>
    %dot_general3A_1282 = arith.constant dense<0.000000e+00> : vector<8x1024xf32>
    %dot_general3A_1283 = tpu.matmul %get3A_1281, %convert_element_type3A_1276, %dot_general3A_1282 {dimension_numbers = #tpu.dot_dimension_numbers<[1], [0], [0], [1], [0, 0, 1, 1], [], []>, transpose_lhs_hint = false} : vector<8x256xbf16>, vector<256x1024xbf16>, vector<8x1024xf32> -> vector<8x1024xf32>
    %get3A_1284 = arith.constant 0 : index
    %get3A_1285 = arith.constant 1 : index
    %get3A_1286 = memref.load %arg6[%get3A_1284, %get3A_1285] : memref<1x2xf32, #tpu.memory_space<smem>>
    %add3A_1287 = vector.broadcast %get3A_1286 : f32 to vector<8x1024xf32>
    %add3A_1288 = arith.addf %dot_general3A_1283, %add3A_1287 : vector<8x1024xf32>
    %swap3A_1289 = arith.constant 56 : index
    %swap3A_1290 = arith.constant 0 : index
    %swap3A_1291 = vector.load %arg7[%swap3A_1289, %swap3A_1290] : memref<128x1024xf32, #tpu.memory_space<vmem>>, vector<8x1024xf32>
    tpu.vector_store %arg7[%swap3A_1289, %swap3A_1290], %add3A_1288 {strides = array<i32>} : memref<128x1024xf32, #tpu.memory_space<vmem>>, vector<8x1024xf32>,
    %get3A_1292 = arith.constant 0 : index
    %get3A_1293 = arith.constant 64 : index
    %get3A_1294 = arith.constant 0 : index
    %get3A_1295 = vector.load %arg9[%get3A_1292, %get3A_1293, %get3A_1294] : memref<16x128x1024xbf16, #tpu.memory_space<vmem>>, vector<16x8x1024xbf16>
    %reshape3A_1296 = vector.shape_cast %get3A_1295 : vector<16x8x1024xbf16> to vector<128x1024xbf16>
    %get3A_1297 = arith.constant 1 : index
    %get3A_1298 = arith.constant 0 : index
    %get3A_1299 = arith.constant 0 : index
    %get3A_1300 = vector.load %arg3[%get3A_1297, %get3A_1298, %get3A_1299] : memref<2x256x128xbf16, #tpu.memory_space<vmem>>, vector<1x256x128xbf16>
    %get3A_1301 = vector.shape_cast %get3A_1300 : vector<1x256x128xbf16> to vector<256x128xbf16>
    %dot_general3A_1302 = arith.constant dense<0.000000e+00> : vector<256x1024xf32>
    %dot_general3A_1303 = tpu.matmul %get3A_1301, %reshape3A_1296, %dot_general3A_1302 {dimension_numbers = #tpu.dot_dimension_numbers<[1], [0], [0], [1], [0, 0, 1, 1], [], []>, transpose_lhs_hint = false} : vector<256x128xbf16>, vector<128x1024xbf16>, vector<256x1024xf32> -> vector<256x1024xf32>
    %get3A_1304 = arith.constant 1 : index
    %get3A_1305 = arith.constant 0 : index
    %get3A_1306 = arith.constant 0 : index
    %get3A_1307 = vector.load %arg5[%get3A_1304, %get3A_1305, %get3A_1306] : memref<2x256x1xf32, #tpu.memory_space<vmem>>, vector<1x256x1xf32>
    %get3A_1308 = vector.shape_cast %get3A_1307 : vector<1x256x1xf32> to vector<256x1xf32>
    %add3A_1309 = vector.broadcast %get3A_1308 : vector<256x1xf32> to vector<256x1024xf32>
    %add3A_1310 = arith.addf %dot_general3A_1303, %add3A_1309 : vector<256x1024xf32>
    %max3A_1311 = arith.constant 0.000000e+00 : f32
    %max3A_1312 = vector.broadcast %max3A_1311 : f32 to vector<256x1024xf32>
    %max3A_1313 = arith.maximumf %add3A_1310, %max3A_1312 : vector<256x1024xf32>
    %convert_element_type3A_1314 = arith.truncf %max3A_1313 : vector<256x1024xf32> to vector<256x1024xbf16>
    %get3A_1315 = arith.constant 1 : index
    %get3A_1316 = arith.constant 0 : index
    %get3A_1317 = arith.constant 0 : index
    %get3A_1318 = vector.load %arg4[%get3A_1315, %get3A_1316, %get3A_1317] : memref<2x8x256xbf16, #tpu.memory_space<vmem>>, vector<1x8x256xbf16>
    %get3A_1319 = vector.shape_cast %get3A_1318 : vector<1x8x256xbf16> to vector<8x256xbf16>
    %dot_general3A_1320 = arith.constant dense<0.000000e+00> : vector<8x1024xf32>
    %dot_general3A_1321 = tpu.matmul %get3A_1319, %convert_element_type3A_1314, %dot_general3A_1320 {dimension_numbers = #tpu.dot_dimension_numbers<[1], [0], [0], [1], [0, 0, 1, 1], [], []>, transpose_lhs_hint = false} : vector<8x256xbf16>, vector<256x1024xbf16>, vector<8x1024xf32> -> vector<8x1024xf32>
    %get3A_1322 = arith.constant 0 : index
    %get3A_1323 = arith.constant 1 : index
    %get3A_1324 = memref.load %arg6[%get3A_1322, %get3A_1323] : memref<1x2xf32, #tpu.memory_space<smem>>
    %add3A_1325 = vector.broadcast %get3A_1324 : f32 to vector<8x1024xf32>
    %add3A_1326 = arith.addf %dot_general3A_1321, %add3A_1325 : vector<8x1024xf32>
    %swap3A_1327 = arith.constant 64 : index
    %swap3A_1328 = arith.constant 0 : index
    %swap3A_1329 = vector.load %arg7[%swap3A_1327, %swap3A_1328] : memref<128x1024xf32, #tpu.memory_space<vmem>>, vector<8x1024xf32>
    tpu.vector_store %arg7[%swap3A_1327, %swap3A_1328], %add3A_1326 {strides = array<i32>} : memref<128x1024xf32, #tpu.memory_space<vmem>>, vector<8x1024xf32>,
    %get3A_1330 = arith.constant 0 : index
    %get3A_1331 = arith.constant 72 : index
    %get3A_1332 = arith.constant 0 : index
    %get3A_1333 = vector.load %arg9[%get3A_1330, %get3A_1331, %get3A_1332] : memref<16x128x1024xbf16, #tpu.memory_space<vmem>>, vector<16x8x1024xbf16>
    %reshape3A_1334 = vector.shape_cast %get3A_1333 : vector<16x8x1024xbf16> to vector<128x1024xbf16>
    %get3A_1335 = arith.constant 1 : index
    %get3A_1336 = arith.constant 0 : index
    %get3A_1337 = arith.constant 0 : index
    %get3A_1338 = vector.load %arg3[%get3A_1335, %get3A_1336, %get3A_1337] : memref<2x256x128xbf16, #tpu.memory_space<vmem>>, vector<1x256x128xbf16>
    %get3A_1339 = vector.shape_cast %get3A_1338 : vector<1x256x128xbf16> to vector<256x128xbf16>
    %dot_general3A_1340 = arith.constant dense<0.000000e+00> : vector<256x1024xf32>
    %dot_general3A_1341 = tpu.matmul %get3A_1339, %reshape3A_1334, %dot_general3A_1340 {dimension_numbers = #tpu.dot_dimension_numbers<[1], [0], [0], [1], [0, 0, 1, 1], [], []>, transpose_lhs_hint = false} : vector<256x128xbf16>, vector<128x1024xbf16>, vector<256x1024xf32> -> vector<256x1024xf32>
    %get3A_1342 = arith.constant 1 : index
    %get3A_1343 = arith.constant 0 : index
    %get3A_1344 = arith.constant 0 : index
    %get3A_1345 = vector.load %arg5[%get3A_1342, %get3A_1343, %get3A_1344] : memref<2x256x1xf32, #tpu.memory_space<vmem>>, vector<1x256x1xf32>
    %get3A_1346 = vector.shape_cast %get3A_1345 : vector<1x256x1xf32> to vector<256x1xf32>
    %add3A_1347 = vector.broadcast %get3A_1346 : vector<256x1xf32> to vector<256x1024xf32>
    %add3A_1348 = arith.addf %dot_general3A_1341, %add3A_1347 : vector<256x1024xf32>
    %max3A_1349 = arith.constant 0.000000e+00 : f32
    %max3A_1350 = vector.broadcast %max3A_1349 : f32 to vector<256x1024xf32>
    %max3A_1351 = arith.maximumf %add3A_1348, %max3A_1350 : vector<256x1024xf32>
    %convert_element_type3A_1352 = arith.truncf %max3A_1351 : vector<256x1024xf32> to vector<256x1024xbf16>
    %get3A_1353 = arith.constant 1 : index
    %get3A_1354 = arith.constant 0 : index
    %get3A_1355 = arith.constant 0 : index
    %get3A_1356 = vector.load %arg4[%get3A_1353, %get3A_1354, %get3A_1355] : memref<2x8x256xbf16, #tpu.memory_space<vmem>>, vector<1x8x256xbf16>
    %get3A_1357 = vector.shape_cast %get3A_1356 : vector<1x8x256xbf16> to vector<8x256xbf16>
    %dot_general3A_1358 = arith.constant dense<0.000000e+00> : vector<8x1024xf32>
    %dot_general3A_1359 = tpu.matmul %get3A_1357, %convert_element_type3A_1352, %dot_general3A_1358 {dimension_numbers = #tpu.dot_dimension_numbers<[1], [0], [0], [1], [0, 0, 1, 1], [], []>, transpose_lhs_hint = false} : vector<8x256xbf16>, vector<256x1024xbf16>, vector<8x1024xf32> -> vector<8x1024xf32>
    %get3A_1360 = arith.constant 0 : index
    %get3A_1361 = arith.constant 1 : index
    %get3A_1362 = memref.load %arg6[%get3A_1360, %get3A_1361] : memref<1x2xf32, #tpu.memory_space<smem>>
    %add3A_1363 = vector.broadcast %get3A_1362 : f32 to vector<8x1024xf32>
    %add3A_1364 = arith.addf %dot_general3A_1359, %add3A_1363 : vector<8x1024xf32>
    %swap3A_1365 = arith.constant 72 : index
    %swap3A_1366 = arith.constant 0 : index
    %swap3A_1367 = vector.load %arg7[%swap3A_1365, %swap3A_1366] : memref<128x1024xf32, #tpu.memory_space<vmem>>, vector<8x1024xf32>
    tpu.vector_store %arg7[%swap3A_1365, %swap3A_1366], %add3A_1364 {strides = array<i32>} : memref<128x1024xf32, #tpu.memory_space<vmem>>, vector<8x1024xf32>,
    %get3A_1368 = arith.constant 0 : index
    %get3A_1369 = arith.constant 80 : index
    %get3A_1370 = arith.constant 0 : index
    %get3A_1371 = vector.load %arg9[%get3A_1368, %get3A_1369, %get3A_1370] : memref<16x128x1024xbf16, #tpu.memory_space<vmem>>, vector<16x8x1024xbf16>
    %reshape3A_1372 = vector.shape_cast %get3A_1371 : vector<16x8x1024xbf16> to vector<128x1024xbf16>
    %get3A_1373 = arith.constant 1 : index
    %get3A_1374 = arith.constant 0 : index
    %get3A_1375 = arith.constant 0 : index
    %get3A_1376 = vector.load %arg3[%get3A_1373, %get3A_1374, %get3A_1375] : memref<2x256x128xbf16, #tpu.memory_space<vmem>>, vector<1x256x128xbf16>
    %get3A_1377 = vector.shape_cast %get3A_1376 : vector<1x256x128xbf16> to vector<256x128xbf16>
    %dot_general3A_1378 = arith.constant dense<0.000000e+00> : vector<256x1024xf32>
    %dot_general3A_1379 = tpu.matmul %get3A_1377, %reshape3A_1372, %dot_general3A_1378 {dimension_numbers = #tpu.dot_dimension_numbers<[1], [0], [0], [1], [0, 0, 1, 1], [], []>, transpose_lhs_hint = false} : vector<256x128xbf16>, vector<128x1024xbf16>, vector<256x1024xf32> -> vector<256x1024xf32>
    %get3A_1380 = arith.constant 1 : index
    %get3A_1381 = arith.constant 0 : index
    %get3A_1382 = arith.constant 0 : index
    %get3A_1383 = vector.load %arg5[%get3A_1380, %get3A_1381, %get3A_1382] : memref<2x256x1xf32, #tpu.memory_space<vmem>>, vector<1x256x1xf32>
    %get3A_1384 = vector.shape_cast %get3A_1383 : vector<1x256x1xf32> to vector<256x1xf32>
    %add3A_1385 = vector.broadcast %get3A_1384 : vector<256x1xf32> to vector<256x1024xf32>
    %add3A_1386 = arith.addf %dot_general3A_1379, %add3A_1385 : vector<256x1024xf32>
    %max3A_1387 = arith.constant 0.000000e+00 : f32
    %max3A_1388 = vector.broadcast %max3A_1387 : f32 to vector<256x1024xf32>
    %max3A_1389 = arith.maximumf %add3A_1386, %max3A_1388 : vector<256x1024xf32>
    %convert_element_type3A_1390 = arith.truncf %max3A_1389 : vector<256x1024xf32> to vector<256x1024xbf16>
    %get3A_1391 = arith.constant 1 : index
    %get3A_1392 = arith.constant 0 : index
    %get3A_1393 = arith.constant 0 : index
    %get3A_1394 = vector.load %arg4[%get3A_1391, %get3A_1392, %get3A_1393] : memref<2x8x256xbf16, #tpu.memory_space<vmem>>, vector<1x8x256xbf16>
    %get3A_1395 = vector.shape_cast %get3A_1394 : vector<1x8x256xbf16> to vector<8x256xbf16>
    %dot_general3A_1396 = arith.constant dense<0.000000e+00> : vector<8x1024xf32>
    %dot_general3A_1397 = tpu.matmul %get3A_1395, %convert_element_type3A_1390, %dot_general3A_1396 {dimension_numbers = #tpu.dot_dimension_numbers<[1], [0], [0], [1], [0, 0, 1, 1], [], []>, transpose_lhs_hint = false} : vector<8x256xbf16>, vector<256x1024xbf16>, vector<8x1024xf32> -> vector<8x1024xf32>
    %get3A_1398 = arith.constant 0 : index
    %get3A_1399 = arith.constant 1 : index
    %get3A_1400 = memref.load %arg6[%get3A_1398, %get3A_1399] : memref<1x2xf32, #tpu.memory_space<smem>>
    %add3A_1401 = vector.broadcast %get3A_1400 : f32 to vector<8x1024xf32>
    %add3A_1402 = arith.addf %dot_general3A_1397, %add3A_1401 : vector<8x1024xf32>
    %swap3A_1403 = arith.constant 80 : index
    %swap3A_1404 = arith.constant 0 : index
    %swap3A_1405 = vector.load %arg7[%swap3A_1403, %swap3A_1404] : memref<128x1024xf32, #tpu.memory_space<vmem>>, vector<8x1024xf32>
    tpu.vector_store %arg7[%swap3A_1403, %swap3A_1404], %add3A_1402 {strides = array<i32>} : memref<128x1024xf32, #tpu.memory_space<vmem>>, vector<8x1024xf32>,
    %get3A_1406 = arith.constant 0 : index
    %get3A_1407 = arith.constant 88 : index
    %get3A_1408 = arith.constant 0 : index
    %get3A_1409 = vector.load %arg9[%get3A_1406, %get3A_1407, %get3A_1408] : memref<16x128x1024xbf16, #tpu.memory_space<vmem>>, vector<16x8x1024xbf16>
    %reshape3A_1410 = vector.shape_cast %get3A_1409 : vector<16x8x1024xbf16> to vector<128x1024xbf16>
    %get3A_1411 = arith.constant 1 : index
    %get3A_1412 = arith.constant 0 : index
    %get3A_1413 = arith.constant 0 : index
    %get3A_1414 = vector.load %arg3[%get3A_1411, %get3A_1412, %get3A_1413] : memref<2x256x128xbf16, #tpu.memory_space<vmem>>, vector<1x256x128xbf16>
    %get3A_1415 = vector.shape_cast %get3A_1414 : vector<1x256x128xbf16> to vector<256x128xbf16>
    %dot_general3A_1416 = arith.constant dense<0.000000e+00> : vector<256x1024xf32>
    %dot_general3A_1417 = tpu.matmul %get3A_1415, %reshape3A_1410, %dot_general3A_1416 {dimension_numbers = #tpu.dot_dimension_numbers<[1], [0], [0], [1], [0, 0, 1, 1], [], []>, transpose_lhs_hint = false} : vector<256x128xbf16>, vector<128x1024xbf16>, vector<256x1024xf32> -> vector<256x1024xf32>
    %get3A_1418 = arith.constant 1 : index
    %get3A_1419 = arith.constant 0 : index
    %get3A_1420 = arith.constant 0 : index
    %get3A_1421 = vector.load %arg5[%get3A_1418, %get3A_1419, %get3A_1420] : memref<2x256x1xf32, #tpu.memory_space<vmem>>, vector<1x256x1xf32>
    %get3A_1422 = vector.shape_cast %get3A_1421 : vector<1x256x1xf32> to vector<256x1xf32>
    %add3A_1423 = vector.broadcast %get3A_1422 : vector<256x1xf32> to vector<256x1024xf32>
    %add3A_1424 = arith.addf %dot_general3A_1417, %add3A_1423 : vector<256x1024xf32>
    %max3A_1425 = arith.constant 0.000000e+00 : f32
    %max3A_1426 = vector.broadcast %max3A_1425 : f32 to vector<256x1024xf32>
    %max3A_1427 = arith.maximumf %add3A_1424, %max3A_1426 : vector<256x1024xf32>
    %convert_element_type3A_1428 = arith.truncf %max3A_1427 : vector<256x1024xf32> to vector<256x1024xbf16>
    %get3A_1429 = arith.constant 1 : index
    %get3A_1430 = arith.constant 0 : index
    %get3A_1431 = arith.constant 0 : index
    %get3A_1432 = vector.load %arg4[%get3A_1429, %get3A_1430, %get3A_1431] : memref<2x8x256xbf16, #tpu.memory_space<vmem>>, vector<1x8x256xbf16>
    %get3A_1433 = vector.shape_cast %get3A_1432 : vector<1x8x256xbf16> to vector<8x256xbf16>
    %dot_general3A_1434 = arith.constant dense<0.000000e+00> : vector<8x1024xf32>
    %dot_general3A_1435 = tpu.matmul %get3A_1433, %convert_element_type3A_1428, %dot_general3A_1434 {dimension_numbers = #tpu.dot_dimension_numbers<[1], [0], [0], [1], [0, 0, 1, 1], [], []>, transpose_lhs_hint = false} : vector<8x256xbf16>, vector<256x1024xbf16>, vector<8x1024xf32> -> vector<8x1024xf32>
    %get3A_1436 = arith.constant 0 : index
    %get3A_1437 = arith.constant 1 : index
    %get3A_1438 = memref.load %arg6[%get3A_1436, %get3A_1437] : memref<1x2xf32, #tpu.memory_space<smem>>
    %add3A_1439 = vector.broadcast %get3A_1438 : f32 to vector<8x1024xf32>
    %add3A_1440 = arith.addf %dot_general3A_1435, %add3A_1439 : vector<8x1024xf32>
    %swap3A_1441 = arith.constant 88 : index
    %swap3A_1442 = arith.constant 0 : index
    %swap3A_1443 = vector.load %arg7[%swap3A_1441, %swap3A_1442] : memref<128x1024xf32, #tpu.memory_space<vmem>>, vector<8x1024xf32>
    tpu.vector_store %arg7[%swap3A_1441, %swap3A_1442], %add3A_1440 {strides = array<i32>} : memref<128x1024xf32, #tpu.memory_space<vmem>>, vector<8x1024xf32>,
    %get3A_1444 = arith.constant 0 : index
    %get3A_1445 = arith.constant 96 : index
    %get3A_1446 = arith.constant 0 : index
    %get3A_1447 = vector.load %arg9[%get3A_1444, %get3A_1445, %get3A_1446] : memref<16x128x1024xbf16, #tpu.memory_space<vmem>>, vector<16x8x1024xbf16>
    %reshape3A_1448 = vector.shape_cast %get3A_1447 : vector<16x8x1024xbf16> to vector<128x1024xbf16>
    %get3A_1449 = arith.constant 1 : index
    %get3A_1450 = arith.constant 0 : index
    %get3A_1451 = arith.constant 0 : index
    %get3A_1452 = vector.load %arg3[%get3A_1449, %get3A_1450, %get3A_1451] : memref<2x256x128xbf16, #tpu.memory_space<vmem>>, vector<1x256x128xbf16>
    %get3A_1453 = vector.shape_cast %get3A_1452 : vector<1x256x128xbf16> to vector<256x128xbf16>
    %dot_general3A_1454 = arith.constant dense<0.000000e+00> : vector<256x1024xf32>
    %dot_general3A_1455 = tpu.matmul %get3A_1453, %reshape3A_1448, %dot_general3A_1454 {dimension_numbers = #tpu.dot_dimension_numbers<[1], [0], [0], [1], [0, 0, 1, 1], [], []>, transpose_lhs_hint = false} : vector<256x128xbf16>, vector<128x1024xbf16>, vector<256x1024xf32> -> vector<256x1024xf32>
    %get3A_1456 = arith.constant 1 : index
    %get3A_1457 = arith.constant 0 : index
    %get3A_1458 = arith.constant 0 : index
    %get3A_1459 = vector.load %arg5[%get3A_1456, %get3A_1457, %get3A_1458] : memref<2x256x1xf32, #tpu.memory_space<vmem>>, vector<1x256x1xf32>
    %get3A_1460 = vector.shape_cast %get3A_1459 : vector<1x256x1xf32> to vector<256x1xf32>
    %add3A_1461 = vector.broadcast %get3A_1460 : vector<256x1xf32> to vector<256x1024xf32>
    %add3A_1462 = arith.addf %dot_general3A_1455, %add3A_1461 : vector<256x1024xf32>
    %max3A_1463 = arith.constant 0.000000e+00 : f32
    %max3A_1464 = vector.broadcast %max3A_1463 : f32 to vector<256x1024xf32>
    %max3A_1465 = arith.maximumf %add3A_1462, %max3A_1464 : vector<256x1024xf32>
    %convert_element_type3A_1466 = arith.truncf %max3A_1465 : vector<256x1024xf32> to vector<256x1024xbf16>
    %get3A_1467 = arith.constant 1 : index
    %get3A_1468 = arith.constant 0 : index
    %get3A_1469 = arith.constant 0 : index
    %get3A_1470 = vector.load %arg4[%get3A_1467, %get3A_1468, %get3A_1469] : memref<2x8x256xbf16, #tpu.memory_space<vmem>>, vector<1x8x256xbf16>
    %get3A_1471 = vector.shape_cast %get3A_1470 : vector<1x8x256xbf16> to vector<8x256xbf16>
    %dot_general3A_1472 = arith.constant dense<0.000000e+00> : vector<8x1024xf32>
    %dot_general3A_1473 = tpu.matmul %get3A_1471, %convert_element_type3A_1466, %dot_general3A_1472 {dimension_numbers = #tpu.dot_dimension_numbers<[1], [0], [0], [1], [0, 0, 1, 1], [], []>, transpose_lhs_hint = false} : vector<8x256xbf16>, vector<256x1024xbf16>, vector<8x1024xf32> -> vector<8x1024xf32>
    %get3A_1474 = arith.constant 0 : index
    %get3A_1475 = arith.constant 1 : index
    %get3A_1476 = memref.load %arg6[%get3A_1474, %get3A_1475] : memref<1x2xf32, #tpu.memory_space<smem>>
    %add3A_1477 = vector.broadcast %get3A_1476 : f32 to vector<8x1024xf32>
    %add3A_1478 = arith.addf %dot_general3A_1473, %add3A_1477 : vector<8x1024xf32>
    %swap3A_1479 = arith.constant 96 : index
    %swap3A_1480 = arith.constant 0 : index
    %swap3A_1481 = vector.load %arg7[%swap3A_1479, %swap3A_1480] : memref<128x1024xf32, #tpu.memory_space<vmem>>, vector<8x1024xf32>
    tpu.vector_store %arg7[%swap3A_1479, %swap3A_1480], %add3A_1478 {strides = array<i32>} : memref<128x1024xf32, #tpu.memory_space<vmem>>, vector<8x1024xf32>,
    %get3A_1482 = arith.constant 0 : index
    %get3A_1483 = arith.constant 104 : index
    %get3A_1484 = arith.constant 0 : index
    %get3A_1485 = vector.load %arg9[%get3A_1482, %get3A_1483, %get3A_1484] : memref<16x128x1024xbf16, #tpu.memory_space<vmem>>, vector<16x8x1024xbf16>
    %reshape3A_1486 = vector.shape_cast %get3A_1485 : vector<16x8x1024xbf16> to vector<128x1024xbf16>
    %get3A_1487 = arith.constant 1 : index
    %get3A_1488 = arith.constant 0 : index
    %get3A_1489 = arith.constant 0 : index
    %get3A_1490 = vector.load %arg3[%get3A_1487, %get3A_1488, %get3A_1489] : memref<2x256x128xbf16, #tpu.memory_space<vmem>>, vector<1x256x128xbf16>
    %get3A_1491 = vector.shape_cast %get3A_1490 : vector<1x256x128xbf16> to vector<256x128xbf16>
    %dot_general3A_1492 = arith.constant dense<0.000000e+00> : vector<256x1024xf32>
    %dot_general3A_1493 = tpu.matmul %get3A_1491, %reshape3A_1486, %dot_general3A_1492 {dimension_numbers = #tpu.dot_dimension_numbers<[1], [0], [0], [1], [0, 0, 1, 1], [], []>, transpose_lhs_hint = false} : vector<256x128xbf16>, vector<128x1024xbf16>, vector<256x1024xf32> -> vector<256x1024xf32>
    %get3A_1494 = arith.constant 1 : index
    %get3A_1495 = arith.constant 0 : index
    %get3A_1496 = arith.constant 0 : index
    %get3A_1497 = vector.load %arg5[%get3A_1494, %get3A_1495, %get3A_1496] : memref<2x256x1xf32, #tpu.memory_space<vmem>>, vector<1x256x1xf32>
    %get3A_1498 = vector.shape_cast %get3A_1497 : vector<1x256x1xf32> to vector<256x1xf32>
    %add3A_1499 = vector.broadcast %get3A_1498 : vector<256x1xf32> to vector<256x1024xf32>
    %add3A_1500 = arith.addf %dot_general3A_1493, %add3A_1499 : vector<256x1024xf32>
    %max3A_1501 = arith.constant 0.000000e+00 : f32
    %max3A_1502 = vector.broadcast %max3A_1501 : f32 to vector<256x1024xf32>
    %max3A_1503 = arith.maximumf %add3A_1500, %max3A_1502 : vector<256x1024xf32>
    %convert_element_type3A_1504 = arith.truncf %max3A_1503 : vector<256x1024xf32> to vector<256x1024xbf16>
    %get3A_1505 = arith.constant 1 : index
    %get3A_1506 = arith.constant 0 : index
    %get3A_1507 = arith.constant 0 : index
    %get3A_1508 = vector.load %arg4[%get3A_1505, %get3A_1506, %get3A_1507] : memref<2x8x256xbf16, #tpu.memory_space<vmem>>, vector<1x8x256xbf16>
    %get3A_1509 = vector.shape_cast %get3A_1508 : vector<1x8x256xbf16> to vector<8x256xbf16>
    %dot_general3A_1510 = arith.constant dense<0.000000e+00> : vector<8x1024xf32>
    %dot_general3A_1511 = tpu.matmul %get3A_1509, %convert_element_type3A_1504, %dot_general3A_1510 {dimension_numbers = #tpu.dot_dimension_numbers<[1], [0], [0], [1], [0, 0, 1, 1], [], []>, transpose_lhs_hint = false} : vector<8x256xbf16>, vector<256x1024xbf16>, vector<8x1024xf32> -> vector<8x1024xf32>
    %get3A_1512 = arith.constant 0 : index
    %get3A_1513 = arith.constant 1 : index
    %get3A_1514 = memref.load %arg6[%get3A_1512, %get3A_1513] : memref<1x2xf32, #tpu.memory_space<smem>>
    %add3A_1515 = vector.broadcast %get3A_1514 : f32 to vector<8x1024xf32>
    %add3A_1516 = arith.addf %dot_general3A_1511, %add3A_1515 : vector<8x1024xf32>
    %swap3A_1517 = arith.constant 104 : index
    %swap3A_1518 = arith.constant 0 : index
    %swap3A_1519 = vector.load %arg7[%swap3A_1517, %swap3A_1518] : memref<128x1024xf32, #tpu.memory_space<vmem>>, vector<8x1024xf32>
    tpu.vector_store %arg7[%swap3A_1517, %swap3A_1518], %add3A_1516 {strides = array<i32>} : memref<128x1024xf32, #tpu.memory_space<vmem>>, vector<8x1024xf32>,
    %get3A_1520 = arith.constant 0 : index
    %get3A_1521 = arith.constant 112 : index
    %get3A_1522 = arith.constant 0 : index
    %get3A_1523 = vector.load %arg9[%get3A_1520, %get3A_1521, %get3A_1522] : memref<16x128x1024xbf16, #tpu.memory_space<vmem>>, vector<16x8x1024xbf16>
    %reshape3A_1524 = vector.shape_cast %get3A_1523 : vector<16x8x1024xbf16> to vector<128x1024xbf16>
    %get3A_1525 = arith.constant 1 : index
    %get3A_1526 = arith.constant 0 : index
    %get3A_1527 = arith.constant 0 : index
    %get3A_1528 = vector.load %arg3[%get3A_1525, %get3A_1526, %get3A_1527] : memref<2x256x128xbf16, #tpu.memory_space<vmem>>, vector<1x256x128xbf16>
    %get3A_1529 = vector.shape_cast %get3A_1528 : vector<1x256x128xbf16> to vector<256x128xbf16>
    %dot_general3A_1530 = arith.constant dense<0.000000e+00> : vector<256x1024xf32>
    %dot_general3A_1531 = tpu.matmul %get3A_1529, %reshape3A_1524, %dot_general3A_1530 {dimension_numbers = #tpu.dot_dimension_numbers<[1], [0], [0], [1], [0, 0, 1, 1], [], []>, transpose_lhs_hint = false} : vector<256x128xbf16>, vector<128x1024xbf16>, vector<256x1024xf32> -> vector<256x1024xf32>
    %get3A_1532 = arith.constant 1 : index
    %get3A_1533 = arith.constant 0 : index
    %get3A_1534 = arith.constant 0 : index
    %get3A_1535 = vector.load %arg5[%get3A_1532, %get3A_1533, %get3A_1534] : memref<2x256x1xf32, #tpu.memory_space<vmem>>, vector<1x256x1xf32>
    %get3A_1536 = vector.shape_cast %get3A_1535 : vector<1x256x1xf32> to vector<256x1xf32>
    %add3A_1537 = vector.broadcast %get3A_1536 : vector<256x1xf32> to vector<256x1024xf32>
    %add3A_1538 = arith.addf %dot_general3A_1531, %add3A_1537 : vector<256x1024xf32>
    %max3A_1539 = arith.constant 0.000000e+00 : f32
    %max3A_1540 = vector.broadcast %max3A_1539 : f32 to vector<256x1024xf32>
    %max3A_1541 = arith.maximumf %add3A_1538, %max3A_1540 : vector<256x1024xf32>
    %convert_element_type3A_1542 = arith.truncf %max3A_1541 : vector<256x1024xf32> to vector<256x1024xbf16>
    %get3A_1543 = arith.constant 1 : index
    %get3A_1544 = arith.constant 0 : index
    %get3A_1545 = arith.constant 0 : index
    %get3A_1546 = vector.load %arg4[%get3A_1543, %get3A_1544, %get3A_1545] : memref<2x8x256xbf16, #tpu.memory_space<vmem>>, vector<1x8x256xbf16>
    %get3A_1547 = vector.shape_cast %get3A_1546 : vector<1x8x256xbf16> to vector<8x256xbf16>
    %dot_general3A_1548 = arith.constant dense<0.000000e+00> : vector<8x1024xf32>
    %dot_general3A_1549 = tpu.matmul %get3A_1547, %convert_element_type3A_1542, %dot_general3A_1548 {dimension_numbers = #tpu.dot_dimension_numbers<[1], [0], [0], [1], [0, 0, 1, 1], [], []>, transpose_lhs_hint = false} : vector<8x256xbf16>, vector<256x1024xbf16>, vector<8x1024xf32> -> vector<8x1024xf32>
    %get3A_1550 = arith.constant 0 : index
    %get3A_1551 = arith.constant 1 : index
    %get3A_1552 = memref.load %arg6[%get3A_1550, %get3A_1551] : memref<1x2xf32, #tpu.memory_space<smem>>
    %add3A_1553 = vector.broadcast %get3A_1552 : f32 to vector<8x1024xf32>
    %add3A_1554 = arith.addf %dot_general3A_1549, %add3A_1553 : vector<8x1024xf32>
    %swap3A_1555 = arith.constant 112 : index
    %swap3A_1556 = arith.constant 0 : index
    %swap3A_1557 = vector.load %arg7[%swap3A_1555, %swap3A_1556] : memref<128x1024xf32, #tpu.memory_space<vmem>>, vector<8x1024xf32>
    tpu.vector_store %arg7[%swap3A_1555, %swap3A_1556], %add3A_1554 {strides = array<i32>} : memref<128x1024xf32, #tpu.memory_space<vmem>>, vector<8x1024xf32>,
    %get3A_1558 = arith.constant 0 : index
    %get3A_1559 = arith.constant 120 : index
    %get3A_1560 = arith.constant 0 : index
    %get3A_1561 = vector.load %arg9[%get3A_1558, %get3A_1559, %get3A_1560] : memref<16x128x1024xbf16, #tpu.memory_space<vmem>>, vector<16x8x1024xbf16>
    %reshape3A_1562 = vector.shape_cast %get3A_1561 : vector<16x8x1024xbf16> to vector<128x1024xbf16>
    %get3A_1563 = arith.constant 1 : index
    %get3A_1564 = arith.constant 0 : index
    %get3A_1565 = arith.constant 0 : index
    %get3A_1566 = vector.load %arg3[%get3A_1563, %get3A_1564, %get3A_1565] : memref<2x256x128xbf16, #tpu.memory_space<vmem>>, vector<1x256x128xbf16>
    %get3A_1567 = vector.shape_cast %get3A_1566 : vector<1x256x128xbf16> to vector<256x128xbf16>
    %dot_general3A_1568 = arith.constant dense<0.000000e+00> : vector<256x1024xf32>
    %dot_general3A_1569 = tpu.matmul %get3A_1567, %reshape3A_1562, %dot_general3A_1568 {dimension_numbers = #tpu.dot_dimension_numbers<[1], [0], [0], [1], [0, 0, 1, 1], [], []>, transpose_lhs_hint = false} : vector<256x128xbf16>, vector<128x1024xbf16>, vector<256x1024xf32> -> vector<256x1024xf32>
    %get3A_1570 = arith.constant 1 : index
    %get3A_1571 = arith.constant 0 : index
    %get3A_1572 = arith.constant 0 : index
    %get3A_1573 = vector.load %arg5[%get3A_1570, %get3A_1571, %get3A_1572] : memref<2x256x1xf32, #tpu.memory_space<vmem>>, vector<1x256x1xf32>
    %get3A_1574 = vector.shape_cast %get3A_1573 : vector<1x256x1xf32> to vector<256x1xf32>
    %add3A_1575 = vector.broadcast %get3A_1574 : vector<256x1xf32> to vector<256x1024xf32>
    %add3A_1576 = arith.addf %dot_general3A_1569, %add3A_1575 : vector<256x1024xf32>
    %max3A_1577 = arith.constant 0.000000e+00 : f32
    %max3A_1578 = vector.broadcast %max3A_1577 : f32 to vector<256x1024xf32>
    %max3A_1579 = arith.maximumf %add3A_1576, %max3A_1578 : vector<256x1024xf32>
    %convert_element_type3A_1580 = arith.truncf %max3A_1579 : vector<256x1024xf32> to vector<256x1024xbf16>
    %get3A_1581 = arith.constant 1 : index
    %get3A_1582 = arith.constant 0 : index
    %get3A_1583 = arith.constant 0 : index
    %get3A_1584 = vector.load %arg4[%get3A_1581, %get3A_1582, %get3A_1583] : memref<2x8x256xbf16, #tpu.memory_space<vmem>>, vector<1x8x256xbf16>
    %get3A_1585 = vector.shape_cast %get3A_1584 : vector<1x8x256xbf16> to vector<8x256xbf16>
    %dot_general3A_1586 = arith.constant dense<0.000000e+00> : vector<8x1024xf32>
    %dot_general3A_1587 = tpu.matmul %get3A_1585, %convert_element_type3A_1580, %dot_general3A_1586 {dimension_numbers = #tpu.dot_dimension_numbers<[1], [0], [0], [1], [0, 0, 1, 1], [], []>, transpose_lhs_hint = false} : vector<8x256xbf16>, vector<256x1024xbf16>, vector<8x1024xf32> -> vector<8x1024xf32>
    %get3A_1588 = arith.constant 0 : index
    %get3A_1589 = arith.constant 1 : index
    %get3A_1590 = memref.load %arg6[%get3A_1588, %get3A_1589] : memref<1x2xf32, #tpu.memory_space<smem>>
    %add3A_1591 = vector.broadcast %get3A_1590 : f32 to vector<8x1024xf32>
    %add3A_1592 = arith.addf %dot_general3A_1587, %add3A_1591 : vector<8x1024xf32>
    %swap3A_1593 = arith.constant 120 : index
    %swap3A_1594 = arith.constant 0 : index
    %swap3A_1595 = vector.load %arg7[%swap3A_1593, %swap3A_1594] : memref<128x1024xf32, #tpu.memory_space<vmem>>, vector<8x1024xf32>
    tpu.vector_store %arg7[%swap3A_1593, %swap3A_1594], %add3A_1592 {strides = array<i32>} : memref<128x1024xf32, #tpu.memory_space<vmem>>, vector<8x1024xf32>,
    %get3A_1596 = arith.constant 0 : index
    %get3A_1597 = arith.constant 0 : index
    %get3A_1598 = vector.load %arg7[%get3A_1596, %get3A_1597] : memref<128x1024xf32, #tpu.memory_space<vmem>>, vector<128x1024xf32>
    %reduce_max3A = arith.constant dense<0xFF800000> : vector<128xf32>
    %reduce_max3A_1599 = vector.multi_reduction <maximumf>, %get3A_1598, %reduce_max3A [1] : vector<128x1024xf32> to vector<128xf32>
    %broadcast_in_dim3A = vector.shape_cast %reduce_max3A_1599 : vector<128xf32> to vector<128x1xf32>
    %sub3A = vector.broadcast %broadcast_in_dim3A : vector<128x1xf32> to vector<128x1024xf32>
    %sub3A_1600 = arith.subf %get3A_1598, %sub3A : vector<128x1024xf32>
    %exp3A = math.exp %sub3A_1600 : vector<128x1024xf32>
    %reduce_sum3A = arith.constant dense<0.000000e+00> : vector<128xf32>
    %reduce_sum3A_1601 = vector.multi_reduction <add>, %exp3A, %reduce_sum3A [1] : vector<128x1024xf32> to vector<128xf32>
    %broadcast_in_dim3A_1602 = vector.shape_cast %reduce_sum3A_1601 : vector<128xf32> to vector<128x1xf32>
    %get3A_1603 = arith.constant 0 : index
    %get3A_1604 = arith.constant 0 : index
    %get3A_1605 = vector.load %arg10[%get3A_1603, %get3A_1604] : memref<128x1024xf32, #tpu.memory_space<vmem>>, vector<128x1024xf32>
    %mul3A = arith.mulf %exp3A, %get3A_1605 : vector<128x1024xf32>
    %reduce_sum3A_1606 = arith.constant dense<0.000000e+00> : vector<128xf32>
    %reduce_sum3A_1607 = vector.multi_reduction <add>, %mul3A, %reduce_sum3A_1606 [1] : vector<128x1024xf32> to vector<128xf32>
    %broadcast_in_dim3A_1608 = vector.shape_cast %reduce_sum3A_1607 : vector<128xf32> to vector<128x1xf32>
    %div3A = arith.divf %broadcast_in_dim3A_1608, %broadcast_in_dim3A_1602 : vector<128x1xf32>
    %reduce_sum3A_1609 = arith.constant dense<0.000000e+00> : vector<1xf32>
    %reduce_sum3A_1610 = vector.multi_reduction <add>, %div3A, %reduce_sum3A_1609 [0] : vector<128x1xf32> to vector<1xf32>
    %broadcast_in_dim3A_1611 = vector.shape_cast %reduce_sum3A_1610 : vector<1xf32> to vector<1x1xf32>
    %eq3A = arith.constant 0 : i32
    %eq3A_1612 = arith.cmpi eq, %arg0, %eq3A : i32
    %convert_element_type3A_1613 = arith.extui %eq3A_1612 : i1 to i32
    %cond3A = arith.constant 0 : i32
    %cond3A_1614 = arith.cmpi ne, %convert_element_type3A_1613, %cond3A : i32
    scf.if %cond3A_1614 {
      %swap3A_1619 = arith.constant 0 : index
      %swap3A_1620 = arith.constant 0 : index
      %swap3A_1621 = vector.load %arg8[%swap3A_1619, %swap3A_1620] : memref<1x1xf32, #tpu.memory_space<vmem>>, vector<1x1xf32>
      tpu.vector_store %arg8[%swap3A_1619, %swap3A_1620], %broadcast_in_dim3A_1611 {strides = array<i32>} : memref<1x1xf32, #tpu.memory_space<vmem>>, vector<1x1xf32>,
    } else {
    }
    %gt3A = arith.constant 0 : i32
    %gt3A_1615 = arith.cmpi sgt, %arg0, %gt3A : i32
    %convert_element_type3A_1616 = arith.extui %gt3A_1615 : i1 to i32
    %cond3A_1617 = arith.constant 0 : i32
    %cond3A_1618 = arith.cmpi ne, %convert_element_type3A_1616, %cond3A_1617 : i32
    scf.if %cond3A_1618 {
      %get3A_1619 = arith.constant 0 : index
      %get3A_1620 = arith.constant 0 : index
      %get3A_1621 = vector.load %arg8[%get3A_1619, %get3A_1620] : memref<1x1xf32, #tpu.memory_space<vmem>>, vector<1x1xf32>
      %add3A_1622 = arith.addf %get3A_1621, %broadcast_in_dim3A_1611 : vector<1x1xf32>
      %swap3A_1623 = arith.constant 0 : index
      %swap3A_1624 = arith.constant 0 : index
      %swap3A_1625 = vector.load %arg8[%swap3A_1623, %swap3A_1624] : memref<1x1xf32, #tpu.memory_space<vmem>>, vector<1x1xf32>
      tpu.vector_store %arg8[%swap3A_1623, %swap3A_1624], %add3A_1622 {strides = array<i32>} : memref<1x1xf32, #tpu.memory_space<vmem>>, vector<1x1xf32>,
    } else {
    }
    return
  }
  func.func @transform_0(%arg0: i32) -> (i32, i32) {
    %c0_i32 = arith.constant 0 : i32
    %c0_i32_0 = arith.constant 0 : i32
    return %arg0, %c0_i32 : i32, i32
  }
  func.func @transform_1(%arg0: i32) -> (i32, i32) {
    %c0_i32 = arith.constant 0 : i32
    %c0_i32_0 = arith.constant 0 : i32
    %c0_i32_1 = arith.constant 0 : i32
    return %c0_i32, %c0_i32_0 : i32, i32
  }
  func.func @transform_2(%arg0: i32) -> (i32, i32, i32) {
    %c0_i32 = arith.constant 0 : i32
    %c0_i32_0 = arith.constant 0 : i32
    %c0_i32_1 = arith.constant 0 : i32
    %c0_i32_2 = arith.constant 0 : i32
    return %c0_i32, %c0_i32_0, %c0_i32_1 : i32, i32, i32
  }
  func.func @transform_3(%arg0: i32) -> (i32, i32, i32) {
    %c0_i32 = arith.constant 0 : i32
    %c0_i32_0 = arith.constant 0 : i32
    %c0_i32_1 = arith.constant 0 : i32
    %c0_i32_2 = arith.constant 0 : i32
    return %c0_i32, %c0_i32_0, %c0_i32_1 : i32, i32, i32
  }
  func.func @transform_4(%arg0: i32) -> (i32, i32, i32) {
    %c0_i32 = arith.constant 0 : i32
    %c0_i32_0 = arith.constant 0 : i32
    %c0_i32_1 = arith.constant 0 : i32
    %c0_i32_2 = arith.constant 0 : i32
    return %c0_i32, %c0_i32_0, %c0_i32_1 : i32, i32, i32
  }
  func.func @transform_5(%arg0: i32) -> (i32, i32) {
    %c0_i32 = arith.constant 0 : i32
    %c0_i32_0 = arith.constant 0 : i32
    %c0_i32_1 = arith.constant 0 : i32
    return %c0_i32, %c0_i32_0 : i32, i32
  }
  func.func @transform_6(%arg0: i32) -> (i32, i32) {
    %c0_i32 = arith.constant 0 : i32
    %c0_i32_0 = arith.constant 0 : i32
    return %arg0, %c0_i32 : i32, i32
  }
  func.func @transform_7(%arg0: i32) -> (i32, i32) {
    %c0_i32 = arith.constant 0 : i32
    %c0_i32_0 = arith.constant 0 : i32
    %c0_i32_1 = arith.constant 0 : i32
    return %c0_i32, %c0_i32_0 : i32, i32
  }
}

module attributes {stable_mosaic.version = 14 : i64} {
  func.func @_head_body(%arg0: memref<2x32xf32, #tpu.memory_space<vmem>>, %arg1: memref<16x32x32xf32, #tpu.memory_space<vmem>>, %arg2: memref<32x16xf32, #tpu.memory_space<vmem>>, %arg3: memref<32x16xf32, #tpu.memory_space<vmem>>, %arg4: memref<1x16xf32, #tpu.memory_space<vmem>>, %arg5: memref<16x16xf32, #tpu.memory_space<vmem>>, %arg6: memref<1x16xf32, #tpu.memory_space<vmem>>, %arg7: memref<16x8xf32, #tpu.memory_space<vmem>>, %arg8: memref<1x8xf32, #tpu.memory_space<vmem>>, %arg9: memref<8x4xf32, #tpu.memory_space<vmem>>, %arg10: memref<1x4xf32, #tpu.memory_space<vmem>>, %arg11: memref<4x1xf32, #tpu.memory_space<vmem>>, %arg12: memref<1x1xf32, #tpu.memory_space<vmem>>, %arg13: memref<1x1xf32, #tpu.memory_space<vmem>>, %arg14: memref<1x1xf32, #tpu.memory_space<vmem>>, %arg15: memref<1x1xf32, #tpu.memory_space<vmem>>, %arg16: memref<1x1xf32, #tpu.memory_space<vmem>>) attributes {dimension_semantics = [], scalar_prefetch = 0 : i64, scratch_operands = 0 : i64, tpu.core_type = #tpu.core_type<tc>} {
    %get3A = arith.constant 0 : index
    %get3A_0 = arith.constant 0 : index
    %get3A_1 = vector.load %arg0[%get3A, %get3A_0] : memref<2x32xf32, #tpu.memory_space<vmem>>, vector<1x32xf32>
    %get3A_2 = arith.constant 1 : index
    %get3A_3 = arith.constant 0 : index
    %get3A_4 = vector.load %arg0[%get3A_2, %get3A_3] : memref<2x32xf32, #tpu.memory_space<vmem>>, vector<1x32xf32>
    %get3A_5 = arith.constant 0 : index
    %get3A_6 = arith.constant 0 : index
    %get3A_7 = arith.constant 0 : index
    %get3A_8 = vector.load %arg1[%get3A_5, %get3A_6, %get3A_7] : memref<16x32x32xf32, #tpu.memory_space<vmem>>, vector<1x32x32xf32>
    %get3A_9 = vector.shape_cast %get3A_8 : vector<1x32x32xf32> to vector<32x32xf32>
    %dot_general3A = arith.constant dense<0.000000e+00> : vector<1x32xf32>
    %dot_general3A_10 = tpu.matmul %get3A_1, %get3A_9, %dot_general3A {dimension_numbers = #tpu.dot_dimension_numbers<[1], [0], [0], [1], [0, 0, 1, 1], [], []>, precision = #tpu.contract_precision<fp32>, transpose_lhs_hint = false} : vector<1x32xf32>, vector<32x32xf32>, vector<1x32xf32> -> vector<1x32xf32>
    %mul3A = arith.mulf %dot_general3A_10, %get3A_4 : vector<1x32xf32>
    %reduce_sum3A = arith.constant dense<0.000000e+00> : vector<1xf32>
    %reduce_sum3A_11 = vector.multi_reduction <add>, %mul3A, %reduce_sum3A [1] : vector<1x32xf32> to vector<1xf32>
    %broadcast_in_dim3A = vector.shape_cast %reduce_sum3A_11 : vector<1xf32> to vector<1x1xf32>
    %get3A_12 = arith.constant 1 : index
    %get3A_13 = arith.constant 0 : index
    %get3A_14 = arith.constant 0 : index
    %get3A_15 = vector.load %arg1[%get3A_12, %get3A_13, %get3A_14] : memref<16x32x32xf32, #tpu.memory_space<vmem>>, vector<1x32x32xf32>
    %get3A_16 = vector.shape_cast %get3A_15 : vector<1x32x32xf32> to vector<32x32xf32>
    %dot_general3A_17 = arith.constant dense<0.000000e+00> : vector<1x32xf32>
    %dot_general3A_18 = tpu.matmul %get3A_1, %get3A_16, %dot_general3A_17 {dimension_numbers = #tpu.dot_dimension_numbers<[1], [0], [0], [1], [0, 0, 1, 1], [], []>, precision = #tpu.contract_precision<fp32>, transpose_lhs_hint = false} : vector<1x32xf32>, vector<32x32xf32>, vector<1x32xf32> -> vector<1x32xf32>
    %mul3A_19 = arith.mulf %dot_general3A_18, %get3A_4 : vector<1x32xf32>
    %reduce_sum3A_20 = arith.constant dense<0.000000e+00> : vector<1xf32>
    %reduce_sum3A_21 = vector.multi_reduction <add>, %mul3A_19, %reduce_sum3A_20 [1] : vector<1x32xf32> to vector<1xf32>
    %broadcast_in_dim3A_22 = vector.shape_cast %reduce_sum3A_21 : vector<1xf32> to vector<1x1xf32>
    %get3A_23 = arith.constant 2 : index
    %get3A_24 = arith.constant 0 : index
    %get3A_25 = arith.constant 0 : index
    %get3A_26 = vector.load %arg1[%get3A_23, %get3A_24, %get3A_25] : memref<16x32x32xf32, #tpu.memory_space<vmem>>, vector<1x32x32xf32>
    %get3A_27 = vector.shape_cast %get3A_26 : vector<1x32x32xf32> to vector<32x32xf32>
    %dot_general3A_28 = arith.constant dense<0.000000e+00> : vector<1x32xf32>
    %dot_general3A_29 = tpu.matmul %get3A_1, %get3A_27, %dot_general3A_28 {dimension_numbers = #tpu.dot_dimension_numbers<[1], [0], [0], [1], [0, 0, 1, 1], [], []>, precision = #tpu.contract_precision<fp32>, transpose_lhs_hint = false} : vector<1x32xf32>, vector<32x32xf32>, vector<1x32xf32> -> vector<1x32xf32>
    %mul3A_30 = arith.mulf %dot_general3A_29, %get3A_4 : vector<1x32xf32>
    %reduce_sum3A_31 = arith.constant dense<0.000000e+00> : vector<1xf32>
    %reduce_sum3A_32 = vector.multi_reduction <add>, %mul3A_30, %reduce_sum3A_31 [1] : vector<1x32xf32> to vector<1xf32>
    %broadcast_in_dim3A_33 = vector.shape_cast %reduce_sum3A_32 : vector<1xf32> to vector<1x1xf32>
    %get3A_34 = arith.constant 3 : index
    %get3A_35 = arith.constant 0 : index
    %get3A_36 = arith.constant 0 : index
    %get3A_37 = vector.load %arg1[%get3A_34, %get3A_35, %get3A_36] : memref<16x32x32xf32, #tpu.memory_space<vmem>>, vector<1x32x32xf32>
    %get3A_38 = vector.shape_cast %get3A_37 : vector<1x32x32xf32> to vector<32x32xf32>
    %dot_general3A_39 = arith.constant dense<0.000000e+00> : vector<1x32xf32>
    %dot_general3A_40 = tpu.matmul %get3A_1, %get3A_38, %dot_general3A_39 {dimension_numbers = #tpu.dot_dimension_numbers<[1], [0], [0], [1], [0, 0, 1, 1], [], []>, precision = #tpu.contract_precision<fp32>, transpose_lhs_hint = false} : vector<1x32xf32>, vector<32x32xf32>, vector<1x32xf32> -> vector<1x32xf32>
    %mul3A_41 = arith.mulf %dot_general3A_40, %get3A_4 : vector<1x32xf32>
    %reduce_sum3A_42 = arith.constant dense<0.000000e+00> : vector<1xf32>
    %reduce_sum3A_43 = vector.multi_reduction <add>, %mul3A_41, %reduce_sum3A_42 [1] : vector<1x32xf32> to vector<1xf32>
    %broadcast_in_dim3A_44 = vector.shape_cast %reduce_sum3A_43 : vector<1xf32> to vector<1x1xf32>
    %get3A_45 = arith.constant 4 : index
    %get3A_46 = arith.constant 0 : index
    %get3A_47 = arith.constant 0 : index
    %get3A_48 = vector.load %arg1[%get3A_45, %get3A_46, %get3A_47] : memref<16x32x32xf32, #tpu.memory_space<vmem>>, vector<1x32x32xf32>
    %get3A_49 = vector.shape_cast %get3A_48 : vector<1x32x32xf32> to vector<32x32xf32>
    %dot_general3A_50 = arith.constant dense<0.000000e+00> : vector<1x32xf32>
    %dot_general3A_51 = tpu.matmul %get3A_1, %get3A_49, %dot_general3A_50 {dimension_numbers = #tpu.dot_dimension_numbers<[1], [0], [0], [1], [0, 0, 1, 1], [], []>, precision = #tpu.contract_precision<fp32>, transpose_lhs_hint = false} : vector<1x32xf32>, vector<32x32xf32>, vector<1x32xf32> -> vector<1x32xf32>
    %mul3A_52 = arith.mulf %dot_general3A_51, %get3A_4 : vector<1x32xf32>
    %reduce_sum3A_53 = arith.constant dense<0.000000e+00> : vector<1xf32>
    %reduce_sum3A_54 = vector.multi_reduction <add>, %mul3A_52, %reduce_sum3A_53 [1] : vector<1x32xf32> to vector<1xf32>
    %broadcast_in_dim3A_55 = vector.shape_cast %reduce_sum3A_54 : vector<1xf32> to vector<1x1xf32>
    %get3A_56 = arith.constant 5 : index
    %get3A_57 = arith.constant 0 : index
    %get3A_58 = arith.constant 0 : index
    %get3A_59 = vector.load %arg1[%get3A_56, %get3A_57, %get3A_58] : memref<16x32x32xf32, #tpu.memory_space<vmem>>, vector<1x32x32xf32>
    %get3A_60 = vector.shape_cast %get3A_59 : vector<1x32x32xf32> to vector<32x32xf32>
    %dot_general3A_61 = arith.constant dense<0.000000e+00> : vector<1x32xf32>
    %dot_general3A_62 = tpu.matmul %get3A_1, %get3A_60, %dot_general3A_61 {dimension_numbers = #tpu.dot_dimension_numbers<[1], [0], [0], [1], [0, 0, 1, 1], [], []>, precision = #tpu.contract_precision<fp32>, transpose_lhs_hint = false} : vector<1x32xf32>, vector<32x32xf32>, vector<1x32xf32> -> vector<1x32xf32>
    %mul3A_63 = arith.mulf %dot_general3A_62, %get3A_4 : vector<1x32xf32>
    %reduce_sum3A_64 = arith.constant dense<0.000000e+00> : vector<1xf32>
    %reduce_sum3A_65 = vector.multi_reduction <add>, %mul3A_63, %reduce_sum3A_64 [1] : vector<1x32xf32> to vector<1xf32>
    %broadcast_in_dim3A_66 = vector.shape_cast %reduce_sum3A_65 : vector<1xf32> to vector<1x1xf32>
    %get3A_67 = arith.constant 6 : index
    %get3A_68 = arith.constant 0 : index
    %get3A_69 = arith.constant 0 : index
    %get3A_70 = vector.load %arg1[%get3A_67, %get3A_68, %get3A_69] : memref<16x32x32xf32, #tpu.memory_space<vmem>>, vector<1x32x32xf32>
    %get3A_71 = vector.shape_cast %get3A_70 : vector<1x32x32xf32> to vector<32x32xf32>
    %dot_general3A_72 = arith.constant dense<0.000000e+00> : vector<1x32xf32>
    %dot_general3A_73 = tpu.matmul %get3A_1, %get3A_71, %dot_general3A_72 {dimension_numbers = #tpu.dot_dimension_numbers<[1], [0], [0], [1], [0, 0, 1, 1], [], []>, precision = #tpu.contract_precision<fp32>, transpose_lhs_hint = false} : vector<1x32xf32>, vector<32x32xf32>, vector<1x32xf32> -> vector<1x32xf32>
    %mul3A_74 = arith.mulf %dot_general3A_73, %get3A_4 : vector<1x32xf32>
    %reduce_sum3A_75 = arith.constant dense<0.000000e+00> : vector<1xf32>
    %reduce_sum3A_76 = vector.multi_reduction <add>, %mul3A_74, %reduce_sum3A_75 [1] : vector<1x32xf32> to vector<1xf32>
    %broadcast_in_dim3A_77 = vector.shape_cast %reduce_sum3A_76 : vector<1xf32> to vector<1x1xf32>
    %get3A_78 = arith.constant 7 : index
    %get3A_79 = arith.constant 0 : index
    %get3A_80 = arith.constant 0 : index
    %get3A_81 = vector.load %arg1[%get3A_78, %get3A_79, %get3A_80] : memref<16x32x32xf32, #tpu.memory_space<vmem>>, vector<1x32x32xf32>
    %get3A_82 = vector.shape_cast %get3A_81 : vector<1x32x32xf32> to vector<32x32xf32>
    %dot_general3A_83 = arith.constant dense<0.000000e+00> : vector<1x32xf32>
    %dot_general3A_84 = tpu.matmul %get3A_1, %get3A_82, %dot_general3A_83 {dimension_numbers = #tpu.dot_dimension_numbers<[1], [0], [0], [1], [0, 0, 1, 1], [], []>, precision = #tpu.contract_precision<fp32>, transpose_lhs_hint = false} : vector<1x32xf32>, vector<32x32xf32>, vector<1x32xf32> -> vector<1x32xf32>
    %mul3A_85 = arith.mulf %dot_general3A_84, %get3A_4 : vector<1x32xf32>
    %reduce_sum3A_86 = arith.constant dense<0.000000e+00> : vector<1xf32>
    %reduce_sum3A_87 = vector.multi_reduction <add>, %mul3A_85, %reduce_sum3A_86 [1] : vector<1x32xf32> to vector<1xf32>
    %broadcast_in_dim3A_88 = vector.shape_cast %reduce_sum3A_87 : vector<1xf32> to vector<1x1xf32>
    %get3A_89 = arith.constant 8 : index
    %get3A_90 = arith.constant 0 : index
    %get3A_91 = arith.constant 0 : index
    %get3A_92 = vector.load %arg1[%get3A_89, %get3A_90, %get3A_91] : memref<16x32x32xf32, #tpu.memory_space<vmem>>, vector<1x32x32xf32>
    %get3A_93 = vector.shape_cast %get3A_92 : vector<1x32x32xf32> to vector<32x32xf32>
    %dot_general3A_94 = arith.constant dense<0.000000e+00> : vector<1x32xf32>
    %dot_general3A_95 = tpu.matmul %get3A_1, %get3A_93, %dot_general3A_94 {dimension_numbers = #tpu.dot_dimension_numbers<[1], [0], [0], [1], [0, 0, 1, 1], [], []>, precision = #tpu.contract_precision<fp32>, transpose_lhs_hint = false} : vector<1x32xf32>, vector<32x32xf32>, vector<1x32xf32> -> vector<1x32xf32>
    %mul3A_96 = arith.mulf %dot_general3A_95, %get3A_4 : vector<1x32xf32>
    %reduce_sum3A_97 = arith.constant dense<0.000000e+00> : vector<1xf32>
    %reduce_sum3A_98 = vector.multi_reduction <add>, %mul3A_96, %reduce_sum3A_97 [1] : vector<1x32xf32> to vector<1xf32>
    %broadcast_in_dim3A_99 = vector.shape_cast %reduce_sum3A_98 : vector<1xf32> to vector<1x1xf32>
    %get3A_100 = arith.constant 9 : index
    %get3A_101 = arith.constant 0 : index
    %get3A_102 = arith.constant 0 : index
    %get3A_103 = vector.load %arg1[%get3A_100, %get3A_101, %get3A_102] : memref<16x32x32xf32, #tpu.memory_space<vmem>>, vector<1x32x32xf32>
    %get3A_104 = vector.shape_cast %get3A_103 : vector<1x32x32xf32> to vector<32x32xf32>
    %dot_general3A_105 = arith.constant dense<0.000000e+00> : vector<1x32xf32>
    %dot_general3A_106 = tpu.matmul %get3A_1, %get3A_104, %dot_general3A_105 {dimension_numbers = #tpu.dot_dimension_numbers<[1], [0], [0], [1], [0, 0, 1, 1], [], []>, precision = #tpu.contract_precision<fp32>, transpose_lhs_hint = false} : vector<1x32xf32>, vector<32x32xf32>, vector<1x32xf32> -> vector<1x32xf32>
    %mul3A_107 = arith.mulf %dot_general3A_106, %get3A_4 : vector<1x32xf32>
    %reduce_sum3A_108 = arith.constant dense<0.000000e+00> : vector<1xf32>
    %reduce_sum3A_109 = vector.multi_reduction <add>, %mul3A_107, %reduce_sum3A_108 [1] : vector<1x32xf32> to vector<1xf32>
    %broadcast_in_dim3A_110 = vector.shape_cast %reduce_sum3A_109 : vector<1xf32> to vector<1x1xf32>
    %get3A_111 = arith.constant 10 : index
    %get3A_112 = arith.constant 0 : index
    %get3A_113 = arith.constant 0 : index
    %get3A_114 = vector.load %arg1[%get3A_111, %get3A_112, %get3A_113] : memref<16x32x32xf32, #tpu.memory_space<vmem>>, vector<1x32x32xf32>
    %get3A_115 = vector.shape_cast %get3A_114 : vector<1x32x32xf32> to vector<32x32xf32>
    %dot_general3A_116 = arith.constant dense<0.000000e+00> : vector<1x32xf32>
    %dot_general3A_117 = tpu.matmul %get3A_1, %get3A_115, %dot_general3A_116 {dimension_numbers = #tpu.dot_dimension_numbers<[1], [0], [0], [1], [0, 0, 1, 1], [], []>, precision = #tpu.contract_precision<fp32>, transpose_lhs_hint = false} : vector<1x32xf32>, vector<32x32xf32>, vector<1x32xf32> -> vector<1x32xf32>
    %mul3A_118 = arith.mulf %dot_general3A_117, %get3A_4 : vector<1x32xf32>
    %reduce_sum3A_119 = arith.constant dense<0.000000e+00> : vector<1xf32>
    %reduce_sum3A_120 = vector.multi_reduction <add>, %mul3A_118, %reduce_sum3A_119 [1] : vector<1x32xf32> to vector<1xf32>
    %broadcast_in_dim3A_121 = vector.shape_cast %reduce_sum3A_120 : vector<1xf32> to vector<1x1xf32>
    %get3A_122 = arith.constant 11 : index
    %get3A_123 = arith.constant 0 : index
    %get3A_124 = arith.constant 0 : index
    %get3A_125 = vector.load %arg1[%get3A_122, %get3A_123, %get3A_124] : memref<16x32x32xf32, #tpu.memory_space<vmem>>, vector<1x32x32xf32>
    %get3A_126 = vector.shape_cast %get3A_125 : vector<1x32x32xf32> to vector<32x32xf32>
    %dot_general3A_127 = arith.constant dense<0.000000e+00> : vector<1x32xf32>
    %dot_general3A_128 = tpu.matmul %get3A_1, %get3A_126, %dot_general3A_127 {dimension_numbers = #tpu.dot_dimension_numbers<[1], [0], [0], [1], [0, 0, 1, 1], [], []>, precision = #tpu.contract_precision<fp32>, transpose_lhs_hint = false} : vector<1x32xf32>, vector<32x32xf32>, vector<1x32xf32> -> vector<1x32xf32>
    %mul3A_129 = arith.mulf %dot_general3A_128, %get3A_4 : vector<1x32xf32>
    %reduce_sum3A_130 = arith.constant dense<0.000000e+00> : vector<1xf32>
    %reduce_sum3A_131 = vector.multi_reduction <add>, %mul3A_129, %reduce_sum3A_130 [1] : vector<1x32xf32> to vector<1xf32>
    %broadcast_in_dim3A_132 = vector.shape_cast %reduce_sum3A_131 : vector<1xf32> to vector<1x1xf32>
    %get3A_133 = arith.constant 12 : index
    %get3A_134 = arith.constant 0 : index
    %get3A_135 = arith.constant 0 : index
    %get3A_136 = vector.load %arg1[%get3A_133, %get3A_134, %get3A_135] : memref<16x32x32xf32, #tpu.memory_space<vmem>>, vector<1x32x32xf32>
    %get3A_137 = vector.shape_cast %get3A_136 : vector<1x32x32xf32> to vector<32x32xf32>
    %dot_general3A_138 = arith.constant dense<0.000000e+00> : vector<1x32xf32>
    %dot_general3A_139 = tpu.matmul %get3A_1, %get3A_137, %dot_general3A_138 {dimension_numbers = #tpu.dot_dimension_numbers<[1], [0], [0], [1], [0, 0, 1, 1], [], []>, precision = #tpu.contract_precision<fp32>, transpose_lhs_hint = false} : vector<1x32xf32>, vector<32x32xf32>, vector<1x32xf32> -> vector<1x32xf32>
    %mul3A_140 = arith.mulf %dot_general3A_139, %get3A_4 : vector<1x32xf32>
    %reduce_sum3A_141 = arith.constant dense<0.000000e+00> : vector<1xf32>
    %reduce_sum3A_142 = vector.multi_reduction <add>, %mul3A_140, %reduce_sum3A_141 [1] : vector<1x32xf32> to vector<1xf32>
    %broadcast_in_dim3A_143 = vector.shape_cast %reduce_sum3A_142 : vector<1xf32> to vector<1x1xf32>
    %get3A_144 = arith.constant 13 : index
    %get3A_145 = arith.constant 0 : index
    %get3A_146 = arith.constant 0 : index
    %get3A_147 = vector.load %arg1[%get3A_144, %get3A_145, %get3A_146] : memref<16x32x32xf32, #tpu.memory_space<vmem>>, vector<1x32x32xf32>
    %get3A_148 = vector.shape_cast %get3A_147 : vector<1x32x32xf32> to vector<32x32xf32>
    %dot_general3A_149 = arith.constant dense<0.000000e+00> : vector<1x32xf32>
    %dot_general3A_150 = tpu.matmul %get3A_1, %get3A_148, %dot_general3A_149 {dimension_numbers = #tpu.dot_dimension_numbers<[1], [0], [0], [1], [0, 0, 1, 1], [], []>, precision = #tpu.contract_precision<fp32>, transpose_lhs_hint = false} : vector<1x32xf32>, vector<32x32xf32>, vector<1x32xf32> -> vector<1x32xf32>
    %mul3A_151 = arith.mulf %dot_general3A_150, %get3A_4 : vector<1x32xf32>
    %reduce_sum3A_152 = arith.constant dense<0.000000e+00> : vector<1xf32>
    %reduce_sum3A_153 = vector.multi_reduction <add>, %mul3A_151, %reduce_sum3A_152 [1] : vector<1x32xf32> to vector<1xf32>
    %broadcast_in_dim3A_154 = vector.shape_cast %reduce_sum3A_153 : vector<1xf32> to vector<1x1xf32>
    %get3A_155 = arith.constant 14 : index
    %get3A_156 = arith.constant 0 : index
    %get3A_157 = arith.constant 0 : index
    %get3A_158 = vector.load %arg1[%get3A_155, %get3A_156, %get3A_157] : memref<16x32x32xf32, #tpu.memory_space<vmem>>, vector<1x32x32xf32>
    %get3A_159 = vector.shape_cast %get3A_158 : vector<1x32x32xf32> to vector<32x32xf32>
    %dot_general3A_160 = arith.constant dense<0.000000e+00> : vector<1x32xf32>
    %dot_general3A_161 = tpu.matmul %get3A_1, %get3A_159, %dot_general3A_160 {dimension_numbers = #tpu.dot_dimension_numbers<[1], [0], [0], [1], [0, 0, 1, 1], [], []>, precision = #tpu.contract_precision<fp32>, transpose_lhs_hint = false} : vector<1x32xf32>, vector<32x32xf32>, vector<1x32xf32> -> vector<1x32xf32>
    %mul3A_162 = arith.mulf %dot_general3A_161, %get3A_4 : vector<1x32xf32>
    %reduce_sum3A_163 = arith.constant dense<0.000000e+00> : vector<1xf32>
    %reduce_sum3A_164 = vector.multi_reduction <add>, %mul3A_162, %reduce_sum3A_163 [1] : vector<1x32xf32> to vector<1xf32>
    %broadcast_in_dim3A_165 = vector.shape_cast %reduce_sum3A_164 : vector<1xf32> to vector<1x1xf32>
    %get3A_166 = arith.constant 15 : index
    %get3A_167 = arith.constant 0 : index
    %get3A_168 = arith.constant 0 : index
    %get3A_169 = vector.load %arg1[%get3A_166, %get3A_167, %get3A_168] : memref<16x32x32xf32, #tpu.memory_space<vmem>>, vector<1x32x32xf32>
    %get3A_170 = vector.shape_cast %get3A_169 : vector<1x32x32xf32> to vector<32x32xf32>
    %dot_general3A_171 = arith.constant dense<0.000000e+00> : vector<1x32xf32>
    %dot_general3A_172 = tpu.matmul %get3A_1, %get3A_170, %dot_general3A_171 {dimension_numbers = #tpu.dot_dimension_numbers<[1], [0], [0], [1], [0, 0, 1, 1], [], []>, precision = #tpu.contract_precision<fp32>, transpose_lhs_hint = false} : vector<1x32xf32>, vector<32x32xf32>, vector<1x32xf32> -> vector<1x32xf32>
    %mul3A_173 = arith.mulf %dot_general3A_172, %get3A_4 : vector<1x32xf32>
    %reduce_sum3A_174 = arith.constant dense<0.000000e+00> : vector<1xf32>
    %reduce_sum3A_175 = vector.multi_reduction <add>, %mul3A_173, %reduce_sum3A_174 [1] : vector<1x32xf32> to vector<1xf32>
    %broadcast_in_dim3A_176 = vector.shape_cast %reduce_sum3A_175 : vector<1xf32> to vector<1x1xf32>
    %concatenate3A = tpu.concatenate %broadcast_in_dim3A, %broadcast_in_dim3A_22, %broadcast_in_dim3A_33, %broadcast_in_dim3A_44, %broadcast_in_dim3A_55, %broadcast_in_dim3A_66, %broadcast_in_dim3A_77, %broadcast_in_dim3A_88, %broadcast_in_dim3A_99, %broadcast_in_dim3A_110, %broadcast_in_dim3A_121, %broadcast_in_dim3A_132, %broadcast_in_dim3A_143, %broadcast_in_dim3A_154, %broadcast_in_dim3A_165, %broadcast_in_dim3A_176 in 1 : vector<1x1xf32>, vector<1x1xf32>, vector<1x1xf32>, vector<1x1xf32>, vector<1x1xf32>, vector<1x1xf32>, vector<1x1xf32>, vector<1x1xf32>, vector<1x1xf32>, vector<1x1xf32>, vector<1x1xf32>, vector<1x1xf32>, vector<1x1xf32>, vector<1x1xf32>, vector<1x1xf32>, vector<1x1xf32> -> vector<1x16xf32>
    %get3A_177 = arith.constant 0 : index
    %get3A_178 = arith.constant 0 : index
    %get3A_179 = vector.load %arg2[%get3A_177, %get3A_178] : memref<32x16xf32, #tpu.memory_space<vmem>>, vector<32x16xf32>
    %dot_general3A_180 = arith.constant dense<0.000000e+00> : vector<1x16xf32>
    %dot_general3A_181 = tpu.matmul %get3A_1, %get3A_179, %dot_general3A_180 {dimension_numbers = #tpu.dot_dimension_numbers<[1], [0], [0], [1], [0, 0, 1, 1], [], []>, precision = #tpu.contract_precision<fp32>, transpose_lhs_hint = false} : vector<1x32xf32>, vector<32x16xf32>, vector<1x16xf32> -> vector<1x16xf32>
    %get3A_182 = arith.constant 0 : index
    %get3A_183 = arith.constant 0 : index
    %get3A_184 = vector.load %arg3[%get3A_182, %get3A_183] : memref<32x16xf32, #tpu.memory_space<vmem>>, vector<32x16xf32>
    %dot_general3A_185 = arith.constant dense<0.000000e+00> : vector<1x16xf32>
    %dot_general3A_186 = tpu.matmul %get3A_4, %get3A_184, %dot_general3A_185 {dimension_numbers = #tpu.dot_dimension_numbers<[1], [0], [0], [1], [0, 0, 1, 1], [], []>, precision = #tpu.contract_precision<fp32>, transpose_lhs_hint = false} : vector<1x32xf32>, vector<32x16xf32>, vector<1x16xf32> -> vector<1x16xf32>
    %add3A = arith.addf %dot_general3A_181, %dot_general3A_186 : vector<1x16xf32>
    %add3A_187 = arith.addf %concatenate3A, %add3A : vector<1x16xf32>
    %get3A_188 = arith.constant 0 : index
    %get3A_189 = arith.constant 0 : index
    %get3A_190 = vector.load %arg4[%get3A_188, %get3A_189] : memref<1x16xf32, #tpu.memory_space<vmem>>, vector<1x16xf32>
    %add3A_191 = arith.addf %add3A_187, %get3A_190 : vector<1x16xf32>
    %max3A = arith.constant 0.000000e+00 : f32
    %max3A_192 = vector.broadcast %max3A : f32 to vector<1x16xf32>
    %max3A_193 = arith.maximumf %add3A_191, %max3A_192 : vector<1x16xf32>
    %get3A_194 = arith.constant 0 : index
    %get3A_195 = arith.constant 0 : index
    %get3A_196 = vector.load %arg5[%get3A_194, %get3A_195] : memref<16x16xf32, #tpu.memory_space<vmem>>, vector<16x16xf32>
    %dot_general3A_197 = arith.constant dense<0.000000e+00> : vector<1x16xf32>
    %dot_general3A_198 = tpu.matmul %max3A_193, %get3A_196, %dot_general3A_197 {dimension_numbers = #tpu.dot_dimension_numbers<[1], [0], [0], [1], [0, 0, 1, 1], [], []>, precision = #tpu.contract_precision<fp32>, transpose_lhs_hint = false} : vector<1x16xf32>, vector<16x16xf32>, vector<1x16xf32> -> vector<1x16xf32>
    %get3A_199 = arith.constant 0 : index
    %get3A_200 = arith.constant 0 : index
    %get3A_201 = vector.load %arg6[%get3A_199, %get3A_200] : memref<1x16xf32, #tpu.memory_space<vmem>>, vector<1x16xf32>
    %add3A_202 = arith.addf %dot_general3A_198, %get3A_201 : vector<1x16xf32>
    %max3A_203 = arith.constant 0.000000e+00 : f32
    %max3A_204 = vector.broadcast %max3A_203 : f32 to vector<1x16xf32>
    %max3A_205 = arith.maximumf %add3A_202, %max3A_204 : vector<1x16xf32>
    %get3A_206 = arith.constant 0 : index
    %get3A_207 = arith.constant 0 : index
    %get3A_208 = vector.load %arg7[%get3A_206, %get3A_207] : memref<16x8xf32, #tpu.memory_space<vmem>>, vector<16x8xf32>
    %dot_general3A_209 = arith.constant dense<0.000000e+00> : vector<1x8xf32>
    %dot_general3A_210 = tpu.matmul %max3A_205, %get3A_208, %dot_general3A_209 {dimension_numbers = #tpu.dot_dimension_numbers<[1], [0], [0], [1], [0, 0, 1, 1], [], []>, precision = #tpu.contract_precision<fp32>, transpose_lhs_hint = false} : vector<1x16xf32>, vector<16x8xf32>, vector<1x8xf32> -> vector<1x8xf32>
    %get3A_211 = arith.constant 0 : index
    %get3A_212 = arith.constant 0 : index
    %get3A_213 = vector.load %arg8[%get3A_211, %get3A_212] : memref<1x8xf32, #tpu.memory_space<vmem>>, vector<1x8xf32>
    %add3A_214 = arith.addf %dot_general3A_210, %get3A_213 : vector<1x8xf32>
    %max3A_215 = arith.constant 0.000000e+00 : f32
    %max3A_216 = vector.broadcast %max3A_215 : f32 to vector<1x8xf32>
    %max3A_217 = arith.maximumf %add3A_214, %max3A_216 : vector<1x8xf32>
    %get3A_218 = arith.constant 0 : index
    %get3A_219 = arith.constant 0 : index
    %get3A_220 = vector.load %arg9[%get3A_218, %get3A_219] : memref<8x4xf32, #tpu.memory_space<vmem>>, vector<8x4xf32>
    %dot_general3A_221 = arith.constant dense<0.000000e+00> : vector<1x4xf32>
    %dot_general3A_222 = tpu.matmul %max3A_217, %get3A_220, %dot_general3A_221 {dimension_numbers = #tpu.dot_dimension_numbers<[1], [0], [0], [1], [0, 0, 1, 1], [], []>, precision = #tpu.contract_precision<fp32>, transpose_lhs_hint = false} : vector<1x8xf32>, vector<8x4xf32>, vector<1x4xf32> -> vector<1x4xf32>
    %get3A_223 = arith.constant 0 : index
    %get3A_224 = arith.constant 0 : index
    %get3A_225 = vector.load %arg10[%get3A_223, %get3A_224] : memref<1x4xf32, #tpu.memory_space<vmem>>, vector<1x4xf32>
    %add3A_226 = arith.addf %dot_general3A_222, %get3A_225 : vector<1x4xf32>
    %max3A_227 = arith.constant 0.000000e+00 : f32
    %max3A_228 = vector.broadcast %max3A_227 : f32 to vector<1x4xf32>
    %max3A_229 = arith.maximumf %add3A_226, %max3A_228 : vector<1x4xf32>
    %get3A_230 = arith.constant 0 : index
    %get3A_231 = arith.constant 0 : index
    %get3A_232 = vector.load %arg11[%get3A_230, %get3A_231] : memref<4x1xf32, #tpu.memory_space<vmem>>, vector<4x1xf32>
    %dot_general3A_233 = arith.constant dense<0.000000e+00> : vector<1x1xf32>
    %dot_general3A_234 = tpu.matmul %max3A_229, %get3A_232, %dot_general3A_233 {dimension_numbers = #tpu.dot_dimension_numbers<[1], [0], [0], [1], [0, 0, 1, 1], [], []>, precision = #tpu.contract_precision<fp32>, transpose_lhs_hint = false} : vector<1x4xf32>, vector<4x1xf32>, vector<1x1xf32> -> vector<1x1xf32>
    %get3A_235 = arith.constant 0 : index
    %get3A_236 = arith.constant 0 : index
    %get3A_237 = vector.load %arg12[%get3A_235, %get3A_236] : memref<1x1xf32, #tpu.memory_space<vmem>>, vector<1x1xf32>
    %add3A_238 = arith.addf %dot_general3A_234, %get3A_237 : vector<1x1xf32>
    %get3A_239 = arith.constant 0 : index
    %get3A_240 = arith.constant 0 : index
    %get3A_241 = vector.load %arg13[%get3A_239, %get3A_240] : memref<1x1xf32, #tpu.memory_space<vmem>>, vector<1x1xf32>
    %add3A_242 = arith.addf %get3A_241, %add3A_238 : vector<1x1xf32>
    %logistic3A = arith.negf %add3A_242 : vector<1x1xf32>
    %logistic3A_243 = math.exp %logistic3A : vector<1x1xf32>
    %logistic3A_244 = arith.constant 1.000000e+00 : f32
    %logistic3A_245 = vector.broadcast %logistic3A_244 : f32 to vector<1x1xf32>
    %logistic3A_246 = arith.addf %logistic3A_245, %logistic3A_243 : vector<1x1xf32>
    %logistic3A_247 = arith.divf %logistic3A_245, %logistic3A_246 : vector<1x1xf32>
    %swap3A = arith.constant 0 : index
    %swap3A_248 = arith.constant 0 : index
    %swap3A_249 = vector.load %arg15[%swap3A, %swap3A_248] : memref<1x1xf32, #tpu.memory_space<vmem>>, vector<1x1xf32>
    tpu.vector_store %arg15[%swap3A, %swap3A_248], %logistic3A_247 {strides = array<i32>} : memref<1x1xf32, #tpu.memory_space<vmem>>, vector<1x1xf32>,
    %log3A = math.log %logistic3A_247 : vector<1x1xf32>
    %neg3A = arith.constant 0.000000e+00 : f32
    %neg3A_250 = vector.broadcast %neg3A : f32 to vector<1x1xf32>
    %neg3A_251 = arith.subf %neg3A_250, %log3A : vector<1x1xf32>
    %get3A_252 = arith.constant 0 : index
    %get3A_253 = arith.constant 0 : index
    %get3A_254 = vector.load %arg14[%get3A_252, %get3A_253] : memref<1x1xf32, #tpu.memory_space<vmem>>, vector<1x1xf32>
    %mul3A_255 = arith.mulf %neg3A_251, %get3A_254 : vector<1x1xf32>
    %swap3A_256 = arith.constant 0 : index
    %swap3A_257 = arith.constant 0 : index
    %swap3A_258 = vector.load %arg16[%swap3A_256, %swap3A_257] : memref<1x1xf32, #tpu.memory_space<vmem>>, vector<1x1xf32>
    tpu.vector_store %arg16[%swap3A_256, %swap3A_257], %mul3A_255 {strides = array<i32>} : memref<1x1xf32, #tpu.memory_space<vmem>>, vector<1x1xf32>,
    return
  }
}

</mosaic_0001>

<sc_bundles>
// kernel: kernel.10.cloned.1.call-start
scs
__scs_entry_jumppad:
0x0: {  	(pc) =	sbr.rel $0x88, $3  }
0x1: {  	(tag) =	ssettag $0x0;
	lr =	simm.s32 $0x1  }
0x2: {  	[smem:$0x3F71] =	sst lr;
	_ =	strace $0xD0000000  }
0x3: {  	_ = 	snop  }
0x4: {  	_ = 	snop  }
0x5: {  	_ = 	snop  }
0x6: {  	_ = 	snop  }
0x7: {  	_ = 	snop  }
__scs_overlays_trampoline_lowered:
0x8: {  	[smem:$0x3F80] =	sst s0  }
0x9: {  	[smem:$0x3F81] =	sst s1  }
0xa: {  	[smem:$0x3F82] =	sst s2  }
0xb: {  	[smem:$0x3F83] =	sst s3  }
0xc: {  	[smem:$0x3F84] =	sst s4  }
0xd: {  	[smem:$0x3F85] =	sst s5  }
0xe: {  	[smem:$0x3F86] =	sst s6  }
0xf: {  	[smem:$0x3F87] =	sst s7  }
0x10: {  	[smem:$0x3F88] =	sst s8  }
0x11: {  	[smem:$0x3F89] =	sst s9;
	s0 =	simm.s32 @!p0 $0x0  }
0x12: {  	s1 =	sld [smem:$0x3F6F];
	s0 =	simm.s32 @p0 $0x1  }
0x13: {  	[smem:$0x3F8A] =	sst s0;
	s0 =	simm.s32 @!p1 $0x0  }
0x14: {  	s2 =	sld [smem:$0x3F6E];
	s0 =	simm.s32 @p1 $0x1  }
0x15: {  	[smem:$0x3F8B] =	sst s0;
	s0 =	simm.s32 @!p2 $0x0  }
0x16: {  	s3 =	sld [smem:$0x3FDB];
	s0 =	simm.s32 @p2 $0x1  }
0x17: {  	s4 =	simm.s32 $0x1BF5;
	[smem:$0x3F8D] =	sst s0  }
0x18: {  	s0 =	sld [smem:$0x3F70];
	_ =	swait.ge [sflag:s4], $0x0  }
0x19: {  	s7 =	sld [smem:$0x3F71]  }
0x1a: {  	s8 =	sadd.s32 $0xFFFFE003, lr  }
0x1b: {  	s9 =	sadd.s32 $0xFFFFFEF7, lr;
	s5 =	simm.s32 $0xFFFFFFFF;
	p2 =	slt.u32 s8, $0xFFFFF086  }
0x1c: {  	p1 =	slt.u32 s9, $0xF7A;
	s5 =	simm.s32 @!p2 $0x0  }
0x1d: {  	s5 =	simm.s32 @p1 $0x1;
	p0 =	seq.s32 s7, s2  }
0x1e: {  	s7 =	smul.u32 @!p0 $0xF7A, s2;
	p2 =	seq.s32 @!p0 s5, $0x0  }
0x1f: {  	s9 =	smul.u32 $0xF7A, s1;
	s8 =	simm.s32 @!p0 $0x1BF5;
	p2 =	por !p2, p0  }
0x20: {  	[sflag:s8] =	ssyncset.s32 @!p0 $0xFFFFF086;
	s6 =	sadd.s32 @!p0 s3, s7;
	s7 =	simm.s32 @!p0 $0x108  }
0x21: {  	s3 =	sadd.s32 s3, s9;
	s6 =	sadd.s32 @!p0 $0x88, s6;
	s7 =	simm.s32 @p2 $0x1082  }
0x22: {  	[simem:s7], [sflag:s8] =	dma.local @!p0 [hbm:s6], $0xF7A  }
0x23: {  	s9 =	sor.u32 $0xD0000000, s2;
	s6 =	simm.s32 $0x108;
	_ =	swait.ge @!p0 [sflag:s8], $0x0  }
0x24: {  	s3 =	sadd.s32 $0x88, s3;
	s6 =	simm.s32 @!p1 $0x1082;
	[sflag:s4] =	ssyncset.s32 $0xFFFFF086  }
0x25: {  	[simem:s6], [sflag:s4] =	dma.local [hbm:s3], $0xF7A  }
0x26: {  	[smem:$0x3F71] =	sst s1;
	(tag) =	ssettag s2;
	_ =	strace s9  }
0x27: {  	s1 =	sld [smem:$0x3F81]  }
0x28: {  	s2 =	sld [smem:$0x3F82]  }
0x29: {  	s4 =	sld [smem:$0x3F84]  }
0x2a: {  	p0 =	seq.s32 s5, $0x0;
	s5 =	sld [smem:$0x3F85]  }
0x2b: {  	s6 =	sld [smem:$0x3F86]  }
0x2c: {  	s7 =	sld [smem:$0x3F87]  }
0x2d: {  	s3 =	simm.s32 $0x108;
	s8 =	sld [smem:$0x3F88]  }
0x2e: {  	s3 =	simm.s32 @!p0 $0x1082;
	s9 =	sld [smem:$0x3F89]  }
0x2f: {  	lr =	sadd.s32 s0, s3;
	s0 =	sld [smem:$0x3F80]  }
0x30: {  	s3 =	sld [smem:$0x3F83]  }
0x31: {  	[smem:$0x3F8C] =	sst s10  }
0x32: {  	s10 =	sld [smem:$0x3F8A];
	_ =	sdelay $0x3  }
0x33: {  	p0 =	seq.s32 s10, $0x1;
	s10 =	sld [smem:$0x3F8C];
	_ =	sdelay $0x3  }
0x34: {  	[smem:$0x3F8C] =	sst s10  }
0x35: {  	s10 =	sld [smem:$0x3F8B];
	_ =	sdelay $0x3  }
0x36: {  	p1 =	seq.s32 s10, $0x1;
	s10 =	sld [smem:$0x3F8C];
	_ =	sdelay $0x3  }
0x37: {  	[smem:$0x3F8C] =	sst s10  }
0x38: {  	s10 =	sld [smem:$0x3F8D]  }
0x39: {  	_ = 	snop;
	(pc) =	sbr.ind lr, $3  }
0x3a: {  	_ = 	snop  }
0x3b: {  	_ = 	snop  }
0x3c: {  	p2 =	seq.s32 s10, $0x1;
	s10 =	sld [smem:$0x3F8C]  }
0x3d: {  	_ =	shalt  }
0x3e: {  	_ =	shalt  }
0x3f: {  	_ =	shalt  }
0x40: {  	_ =	shalt  }
0x41: {  	_ =	shalt  }
0x42: {  	_ =	shalt  }
0x43: {  	_ =	shalt  }
0x44: {  	_ =	shalt  }
0x45: {  	_ =	shalt  }
0x46: {  	_ =	shalt  }
0x47: {  	_ =	shalt  }
0x48: {  	_ =	shalt  }
0x49: {  	_ =	shalt  }
0x4a: {  	_ =	shalt  }
0x4b: {  	_ =	shalt  }
0x4c: {  	_ =	shalt  }
0x4d: {  	_ =	shalt  }
0x4e: {  	_ =	shalt  }
0x4f: {  	_ =	shalt  }
0x50: {  	_ =	shalt  }
0x51: {  	_ =	shalt  }
0x52: {  	_ =	shalt  }
0x53: {  	_ =	shalt  }
0x54: {  	_ =	shalt  }
0x55: {  	_ =	shalt  }
0x56: {  	_ =	shalt  }
0x57: {  	_ =	shalt  }
0x58: {  	_ =	shalt  }
0x59: {  	_ =	shalt  }
0x5a: {  	_ =	shalt  }
0x5b: {  	_ =	shalt  }
0x5c: {  	_ =	shalt  }
0x5d: {  	_ =	shalt  }
0x5e: {  	_ =	shalt  }
0x5f: {  	_ =	shalt  }
0x60: {  	_ =	shalt  }
0x61: {  	_ =	shalt  }
0x62: {  	_ =	shalt  }
0x63: {  	_ =	shalt  }
0x64: {  	_ =	shalt  }
0x65: {  	_ =	shalt  }
0x66: {  	_ =	shalt  }
0x67: {  	_ =	shalt  }
0x68: {  	_ =	shalt  }
0x69: {  	_ =	shalt  }
0x6a: {  	_ =	shalt  }
0x6b: {  	_ =	shalt  }
0x6c: {  	_ =	shalt  }
0x6d: {  	_ =	shalt  }
0x6e: {  	_ =	shalt  }
0x6f: {  	_ =	shalt  }
0x70: {  	_ =	shalt  }
0x71: {  	_ =	shalt  }
0x72: {  	_ =	shalt  }
0x73: {  	_ =	shalt  }
0x74: {  	_ =	shalt  }
0x75: {  	_ =	shalt  }
0x76: {  	_ =	shalt  }
0x77: {  	_ =	shalt  }
0x78: {  	_ =	shalt  }
0x79: {  	_ =	shalt  }
0x7a: {  	_ =	shalt  }
0x7b: {  	_ =	shalt  }
0x7c: {  	_ =	shalt  }
0x7d: {  	_ =	shalt  }
0x7e: {  	_ =	shalt  }
0x7f: {  	_ =	shalt  }
0x80: {  	_ =	shalt  }
0x81: {  	_ =	shalt  }
0x82: {  	_ =	shalt  }
0x83: {  	_ =	shalt  }
0x84: {  	_ =	shalt  }
0x85: {  	_ =	shalt  }
0x86: {  	_ =	shalt  }
0x87: {  	_ =	shalt  }
.Lfunc_end0:
.L_simem_size_0:
called_computation_lowered:
.L_overlay_start_0:
0x88: {  	s2 =	sld [smem:$0x3FD9]  }
0x89: {  	s3 =	sld [smem:$0x3FFE];
	_ =	sdelay $0x1  }
0x8a: {  	s1 =	srdreg.scid  }
0x8b: {  	s0 =	sand.u32 $0x1, s1  }
0x8c: {  	s14 =	sshll.u32 s0, $0xA;
	s2 =	sadd.s32 s3, s2  }
0x8d: {  	s2 =	sadd.s32 s2, s14  }
0x8e: {  	[smem:$0x3F98] =	sst s2  }
0x8f: {  	_ = 	snop  }
0x90: {  	s2 =	sld [smem:$0x3FD0];
	_ =	sdelay $0x2  }
0x91: {  	s15 =	simm.s32 $0xA;
	s4 =	simm.s32 $0x10  }
0x92: {  	[smem:s4], [sflag:s15] =	dma.local [hbm:s2], $0x1  }
0x93: {  	_ =	swait.eq [sflag:s15], $0x1  }
0x94: {  	[sflag:s15] =	ssyncset.done $0x0  }
0x95: {  	[sflag:s15] =	ssyncadd.s32 $0xFFFFFFFF  }
0x96: {  	s16 =	sld [smem:$0x12];
	(tm) =	ssettm $0x1  }
0x97: {  	s17 =	sld [smem:$0x3FFB];
	_ =	sdelay $0x3  }
0x98: {  	_ =	strace s17  }
0x99: {  	s3 =	sld [smem:$0x3FFC];
	_ =	sdelay $0x3  }
0x9a: {  	_ =	strace s3  }
0x9b: {  	s3 =	sld [smem:$0x3FFD];
	_ =	sdelay $0x3  }
0x9c: {  	_ =	strace s3  }
0x9d: {  	_ =	strace $0x8FFFFFFF  }
0x9e: {  	s18 =	sld [smem:$0x3FDB];
	_ =	sdelay $0x1  }
0x9f: {  	s19 =	simm.s32 $_scs_section_size  }
0xa0: {  	s5 =	simm.s32 $_size__tile_overlayer_lowered;
	s6 =	simm.s32 $_tile_overlayer_lowered  }
0xa1: {  	s22 =	simm.s32 $0x1BFF;
	s21 =	sshll.u32 s6, $0x1;
	s3 =	sadd.s32 s19, s18  }
0xa2: {  	s7 =	simm.s32 $0x0;
	s20 =	sshll.u32 s5, $0x1;
	s5 =	sadd.s32 s21, s3  }
0xa3: {  	[timem:s7], [sflag:s22] =	dma.local [hbm:s5], s20  }
0xa4: {  	_ =	swait.ge [sflag:s22], s20  }
0xa5: {  	s4 =	ssub.s32 $0x0, s20;
	[sflag:s22] =	ssyncset.done $0x0  }
0xa6: {  	[sflag:s22] =	ssyncadd.s32 s4;
	_ =	sdelay $0x1  }
0xa7: {  	s23 =	simm.s32 $0x1B8B  }
0xa8: {  	_ =	swait.ge [sflag:s23], $0x1  }
0xa9: {  	[sflag:s23] =	ssyncset.done $0x0  }
0xaa: {  	s25 =	simm.s32 $0x1B8E;
	s24 =	sld [smem:$0x3FFE];
	[sflag:s23] =	ssyncadd.s32 $0xFFFFFFFF  }
0xab: {  	s26 =	simm.s32 $execute0_lowered;
	[smem:$0x3FD2] =	sst s25  }
0xac: {  	s5 =	sshll.u32 s26, $0x1;
	_ =	strace $0x80000046;
	[dreg:$0x1] =	wrdreg $0xFFFFFFFF  }
0xad: {  	s28 =	simm.s32 $_size_execute0_lowered;
	s3 =	sadd.s32 s3, s5;
	[dreg:$0x0] =	wrdreg $0x0  }
0xae: {  	s5 =	sshll.u32 s28, $0x1;
	[dreg:$0x2] =	wrdreg s3  }
0xaf: {  	[dreg:$0x3] =	wrdreg s5  }
0xb0: {  	[dreg:$0x4] =	wrdreg $0xC0  }
0xb1: {  	_ =	task [dreg:s7], $0x5FFFF  }
0xb2: {  	[dreg:$0x1] =	wrdreg $0xFFFFFFFF  }
0xb3: {  	[dreg:$0x0] =	wrdreg $0x60  }
0xb4: {  	[dreg:$0x2] =	wrdreg s16  }
0xb5: {  	[dreg:$0x3] =	wrdreg s24  }
0xb6: {  	[dreg:$0x4] =	wrdreg $0x48000  }
0xb7: {  	[dreg:$0x5] =	wrdreg $0x9  }
0xb8: {  	_ =	task.clear_ibuf [dreg:s7], $0x6FFFF;
	_ =	strace $0x90000046  }
0xb9: {  	s29 =	simm.s32 $0x9;
	_ =	strace $0x80000048  }
0xba: {  	_ =	swait.ge [sflag:s29], $0x1  }
0xbb: {  	[sflag:s29] =	ssyncadd.s32 $0xFFFFFFFF  }
0xbc: {  	_ =	strace $0x90000048  }
0xbd: {  	_ =	sfence  }
0xbe: {  	s30 =	sld [smem:$0x0];
	_ =	sdelay $0x2  }
0xbf: {  	s31 =	sshll.u32 s1, $0xD;
	s1 =	sshrl.u32 s1, $0x2  }
0xc0: {  	s3 =	sand.u32 $0x4000, s31;
	s1 =	sadd.s32 s1, s30  }
0xc1: {  	s0 =	sor.u32 s3, s0;
	s1 =	sshll.u32 s1, $0x11  }
0xc2: {  	s0 =	sor.u32 s1, s0  }
0xc3: {  	s0 =	sadd.s32 $0x8F2B, s0  }
0xc4: {  	[sflag:s0] =	ssyncadd.remote.s32 $0x1  }
0xc5: {  	_ =	sfence.sel $0xFFFF  }
0xc6: {  	[dreg:$0x0] =	wrdreg $0xFFFFFFFF;
	(pc) =	sbr.abs _section_cstart, $3  }
0xc7: {  	[dreg:$0x1] =	wrdreg $0xFFFFFFFF  }
0xc8: {  	_ =	task.clear_ibuf [dreg:s7], $0x2FFFF;
	_ =	strace $0x9FFFFFFF  }
0xc9: {  	(tm) =	ssettm $0x7FFFFFFF  }
tec
execute0_lowered:
.L_overlay_start_1:
0x0: {  	(tag) =	ssettag $0x1  }
0x1: {  	s11 =	rddreg [dreg:$0x0]  }
0x2: {  	s8 =	rddreg [dreg:$0x1]  }
0x3: {  	s2 =	rddreg [dreg:$0x2]  }
0x4: {  	s0 =	rddreg [dreg:$0x3];
	s4 =	srdreg.scid  }
0x5: {  	s3 =	simm.s32 $0x0;
	s1 =	stileid.u32;
	s29 =	sand.u32 $0x1, s4  }
0x6: {  	[smem:$0x7FF] =	sst s3;
	s24 =	sshll.u32 s1, $0xA;
	s25 =	sshll.u32 s1, $0xD  }
0x7: {  	s31 =	sshll.u32 s1, $0x6;
	s12 =	sshll.u32 s29, $0xE;
	_ =	strace $0x80000047  }
0x8: {  	s5 =	sshll.u32 s29, $0xF;
	s26 =	sadd.s32 s25, s2;
	s6 =	sor.u32 s24, s12  }
0x9: {  	s9 =	sor.u32 s24, s5;
	s5 =	sor.u32 $0x1C02, s31;
	s30 =	sadd.s32 s6, s8  }
0xa: {  	s7 =	sshrl.u32 s26, $0x3;
	s6 =	simm.s32 $0x2;
	s4 =	sadd.s32 $0x9400, s30  }
0xb: {  	[spmem:s7], [sflag:s5] =	dma.local [hbm:s4], $0x400  }
0xc: {  	s9 =	sshrl.u32 s9, $0x3;
	_ =	swait.ge [sflag:s6], $0x400  }
0xd: {  	s9 =	sadd.s32 s9, s8;
	[sflag:s6] =	ssyncset.done $0x0  }
0xe: {  	s8 =	sadd.s32 $0x7400, s9;
	[sflag:s6] =	ssyncadd.s32 $0xFFFFFC00  }
0xf: {  	[tilespmem:s3], [sflag:$0x2] =	stream.linear.gather [hbm4b:s8+s3], $0x400, $0x38;
	[tilespmem:$0x6800] =	vst v63  }
0x10: {  	_ =	swait.ge [sflag:s6], $0x400  }
0x11: {  	[sflag:s6] =	ssyncset.done $0x0  }
0x12: {  	s10 =	simm.s32 $0x400;
	s9 =	sadd.s32 $0x7C00, s9;
	[sflag:s6] =	ssyncadd.s32 $0xFFFFFC00  }
0x13: {  	[tilespmem:s10], [sflag:$0x2] =	stream.linear.gather [hbm4b:s9+s3], $0x400, $0x38;
	[tilespmem:$0x6800] =	vst v63  }
0x14: {  	_ =	swait.ge [sflag:s6], $0x400  }
0x15: {  	[sflag:s6] =	ssyncset.done $0x0  }
0x16: {  	s13 =	simm.s32 $0x800;
	s14 =	simm.s32 $0x1;
	[sflag:s6] =	ssyncadd.s32 $0xFFFFFC00  }
0x17: {  	s11 =	sadd.s32 s11, s12;
	s12 =	simm.s32 $0x80;
	[bflag:$0x0] =	sbarrier.arrive $0xFFFF  }
0x18: {  	[tilespmem:s13], [sflag:$0x1] =	stream.indirect.gather [hbm4b:s11+s12], $0x80, s3, s12, $0xb8;
	[tilespmem:$0x6800] =	vst v63  }
0x19: {  	_ =	swait.ge [sflag:s14], $0x4000  }
0x1a: {  	[sflag:s14] =	ssyncset.done $0x0  }
0x1b: {  	[sflag:s14] =	ssyncadd.s32 $0xFFFFC000  }
0x1c: {  	[spmem:s2] =	stream.indirect.scatter.add.f32 [tilespmem:s13], [sflag:$0x2], $0x80, s10, s12, $0xb8;
	[tilespmem:$0x6800] =	vst v63  }
0x1d: {  	_ =	swait.ge [sflag:s6], $0x4000  }
0x1e: {  	[sflag:s6] =	ssyncset.done $0x0  }
0x1f: {  	[sflag:s6] =	ssyncadd.s32 $0xFFFFC000  }
0x20: {  	[tilespmem:s13], [sflag:$0x1] =	stream.indirect.gather [hbm4b:s11+s12], $0x80, s12, s12, $0xb8;
	[tilespmem:$0x6800] =	vst v63  }
0x21: {  	_ =	swait.ge [sflag:s14], $0x4000  }
0x22: {  	[sflag:s14] =	ssyncset.done $0x0  }
0x23: {  	s15 =	simm.s32 $0x480;
	[sflag:s14] =	ssyncadd.s32 $0xFFFFC000  }
0x24: {  	[spmem:s2] =	stream.indirect.scatter.add.f32 [tilespmem:s13], [sflag:$0x2], $0x80, s15, s12, $0xb8;
	[tilespmem:$0x6800] =	vst v63  }
0x25: {  	_ =	swait.ge [sflag:s6], $0x4000  }
0x26: {  	[sflag:s6] =	ssyncset.done $0x0  }
0x27: {  	s16 =	simm.s32 $0x100;
	[sflag:s6] =	ssyncadd.s32 $0xFFFFC000  }
0x28: {  	[tilespmem:s13], [sflag:$0x1] =	stream.indirect.gather [hbm4b:s11+s12], $0x80, s16, s12, $0xb8;
	[tilespmem:$0x6800] =	vst v63  }
0x29: {  	_ =	swait.ge [sflag:s14], $0x4000  }
0x2a: {  	[sflag:s14] =	ssyncset.done $0x0  }
0x2b: {  	s17 =	simm.s32 $0x500;
	[sflag:s14] =	ssyncadd.s32 $0xFFFFC000  }
0x2c: {  	[spmem:s2] =	stream.indirect.scatter.add.f32 [tilespmem:s13], [sflag:$0x2], $0x80, s17, s12, $0xb8;
	[tilespmem:$0x6800] =	vst v63  }
0x2d: {  	_ =	swait.ge [sflag:s6], $0x4000  }
0x2e: {  	[sflag:s6] =	ssyncset.done $0x0  }
0x2f: {  	s18 =	simm.s32 $0x180;
	[sflag:s6] =	ssyncadd.s32 $0xFFFFC000  }
0x30: {  	[tilespmem:s13], [sflag:$0x1] =	stream.indirect.gather [hbm4b:s11+s12], $0x80, s18, s12, $0xb8;
	[tilespmem:$0x6800] =	vst v63  }
0x31: {  	_ =	swait.ge [sflag:s14], $0x4000  }
0x32: {  	[sflag:s14] =	ssyncset.done $0x0  }
0x33: {  	s19 =	simm.s32 $0x580;
	[sflag:s14] =	ssyncadd.s32 $0xFFFFC000  }
0x34: {  	[spmem:s2] =	stream.indirect.scatter.add.f32 [tilespmem:s13], [sflag:$0x2], $0x80, s19, s12, $0xb8;
	[tilespmem:$0x6800] =	vst v63  }
0x35: {  	_ =	swait.ge [sflag:s6], $0x4000  }
0x36: {  	[sflag:s6] =	ssyncset.done $0x0  }
0x37: {  	s20 =	simm.s32 $0x200;
	[sflag:s6] =	ssyncadd.s32 $0xFFFFC000  }
0x38: {  	[tilespmem:s13], [sflag:$0x1] =	stream.indirect.gather [hbm4b:s11+s12], $0x80, s20, s12, $0xb8;
	[tilespmem:$0x6800] =	vst v63  }
0x39: {  	_ =	swait.ge [sflag:s14], $0x4000  }
0x3a: {  	[sflag:s14] =	ssyncset.done $0x0  }
0x3b: {  	s21 =	simm.s32 $0x600;
	[sflag:s14] =	ssyncadd.s32 $0xFFFFC000  }
0x3c: {  	[spmem:s2] =	stream.indirect.scatter.add.f32 [tilespmem:s13], [sflag:$0x2], $0x80, s21, s12, $0xb8;
	[tilespmem:$0x6800] =	vst v63  }
0x3d: {  	_ =	swait.ge [sflag:s6], $0x4000  }
0x3e: {  	[sflag:s6] =	ssyncset.done $0x0  }
0x3f: {  	s22 =	simm.s32 $0x280;
	[sflag:s6] =	ssyncadd.s32 $0xFFFFC000  }
0x40: {  	[tilespmem:s13], [sflag:$0x1] =	stream.indirect.gather [hbm4b:s11+s12], $0x80, s22, s12, $0xb8;
	[tilespmem:$0x6800] =	vst v63  }
0x41: {  	_ =	swait.ge [sflag:s14], $0x4000  }
0x42: {  	[sflag:s14] =	ssyncset.done $0x0  }
0x43: {  	s23 =	simm.s32 $0x680;
	[sflag:s14] =	ssyncadd.s32 $0xFFFFC000  }
0x44: {  	[spmem:s2] =	stream.indirect.scatter.add.f32 [tilespmem:s13], [sflag:$0x2], $0x80, s23, s12, $0xb8;
	[tilespmem:$0x6800] =	vst v63  }
0x45: {  	_ =	swait.ge [sflag:s6], $0x4000  }
0x46: {  	[sflag:s6] =	ssyncset.done $0x0  }
0x47: {  	s24 =	simm.s32 $0x300;
	[sflag:s6] =	ssyncadd.s32 $0xFFFFC000  }
0x48: {  	[tilespmem:s13], [sflag:$0x1] =	stream.indirect.gather [hbm4b:s11+s12], $0x80, s24, s12, $0xb8;
	[tilespmem:$0x6800] =	vst v63  }
0x49: {  	_ =	swait.ge [sflag:s14], $0x4000  }
0x4a: {  	[sflag:s14] =	ssyncset.done $0x0  }
0x4b: {  	s25 =	simm.s32 $0x700;
	[sflag:s14] =	ssyncadd.s32 $0xFFFFC000  }
0x4c: {  	[spmem:s2] =	stream.indirect.scatter.add.f32 [tilespmem:s13], [sflag:$0x2], $0x80, s25, s12, $0xb8;
	[tilespmem:$0x6800] =	vst v63  }
0x4d: {  	_ =	swait.ge [sflag:s6], $0x4000  }
0x4e: {  	[sflag:s6] =	ssyncset.done $0x0  }
0x4f: {  	s26 =	simm.s32 $0x380;
	[sflag:s6] =	ssyncadd.s32 $0xFFFFC000  }
0x50: {  	[tilespmem:s13], [sflag:$0x1] =	stream.indirect.gather [hbm4b:s11+s12], $0x80, s26, s12, $0xb8;
	[tilespmem:$0x6800] =	vst v63  }
0x51: {  	s29 =	ssub.s32 $0x2, s29;
	_ =	swait.ge [sflag:s14], $0x4000  }
0x52: {  	s31 =	sshrl.u32 s29, $0x1;
	[sflag:s14] =	ssyncset.done $0x0  }
0x53: {  	s28 =	simm.s32 $0x780;
	s31 =	ssub.s32 s29, s31;
	[sflag:s14] =	ssyncadd.s32 $0xFFFFC000  }
0x54: {  	[spmem:s2] =	stream.indirect.scatter.add.f32 [tilespmem:s13], [sflag:$0x2], $0x80, s28, s12, $0xb8;
	[tilespmem:$0x6800] =	vst v63  }
0x55: {  	s29 =	sadd.s32 $0x11400, s30;
	s30 =	smax.u32 s31, $0x1;
	_ =	swait.ge [sflag:s6], $0x4000  }
0x56: {  	p0 =	sne.s32 s30, $0x1;
	[sflag:s6] =	ssyncset.done $0x0  }
.Ltmp0:
0x57: {  	[sflag:s6] =	ssyncadd.s32 $0xFFFFC000;
	(pc) =	sbr.rel @!p0 .LBB2_2-.Ltmp0, $4  }
0x58: {  	[bflag:$0x0] =	sbarrier.arrive $0xFFFF  }
0x59: {  	[hbm:s29], [sflag:s5] =	dma.local [spmem:s7], $0x400  }
0x5a: {  	_ =	swait.ge [sflag:s6], $0x400  }
0x5b: {  	s30 =	sadd.s32 $0xFFFFFFFF, s30;
	[sflag:s6] =	ssyncset.done $0x0  }
.LBB2_1:
0x5c: {  	p0 =	sne.s32 s30, $0x1;
	s30 =	sadd.s32 $0xFFFFFFFF, s30;
	[sflag:s6] =	ssyncadd.s32 $0xFFFFFC00  }
0x5d: {  	[spmem:s7], [sflag:s5] =	dma.local [hbm:s4], $0x400  }
0x5e: {  	_ =	swait.ge [sflag:s6], $0x400  }
0x5f: {  	[sflag:s6] =	ssyncset.done $0x0  }
0x60: {  	[sflag:s6] =	ssyncadd.s32 $0xFFFFFC00  }
0x61: {  	[tilespmem:s3], [sflag:$0x2] =	stream.linear.gather [hbm4b:s8+s3], $0x400, $0x38;
	[tilespmem:$0x6800] =	vst v63  }
0x62: {  	_ =	swait.ge [sflag:s6], $0x400  }
0x63: {  	[sflag:s6] =	ssyncset.done $0x0  }
0x64: {  	[sflag:s6] =	ssyncadd.s32 $0xFFFFFC00  }
0x65: {  	[tilespmem:s10], [sflag:$0x2] =	stream.linear.gather [hbm4b:s9+s3], $0x400, $0x38;
	[tilespmem:$0x6800] =	vst v63  }
0x66: {  	_ =	swait.ge [sflag:s6], $0x400  }
0x67: {  	[sflag:s6] =	ssyncset.done $0x0  }
0x68: {  	[sflag:s6] =	ssyncadd.s32 $0xFFFFFC00  }
0x69: {  	[bflag:$0x0] =	sbarrier.arrive $0xFFFF  }
0x6a: {  	[tilespmem:s13], [sflag:$0x1] =	stream.indirect.gather [hbm4b:s11+s12], $0x80, s3, s12, $0xb8;
	[tilespmem:$0x6800] =	vst v63  }
0x6b: {  	_ =	swait.ge [sflag:s14], $0x4000  }
0x6c: {  	[sflag:s14] =	ssyncset.done $0x0  }
0x6d: {  	[sflag:s14] =	ssyncadd.s32 $0xFFFFC000  }
0x6e: {  	[spmem:s2] =	stream.indirect.scatter.add.f32 [tilespmem:s13], [sflag:$0x2], $0x80, s10, s12, $0xb8;
	[tilespmem:$0x6800] =	vst v63  }
0x6f: {  	_ =	swait.ge [sflag:s6], $0x4000  }
0x70: {  	[sflag:s6] =	ssyncset.done $0x0  }
0x71: {  	[sflag:s6] =	ssyncadd.s32 $0xFFFFC000  }
0x72: {  	[tilespmem:s13], [sflag:$0x1] =	stream.indirect.gather [hbm4b:s11+s12], $0x80, s12, s12, $0xb8;
	[tilespmem:$0x6800] =	vst v63  }
0x73: {  	_ =	swait.ge [sflag:s14], $0x4000  }
0x74: {  	[sflag:s14] =	ssyncset.done $0x0  }
0x75: {  	[sflag:s14] =	ssyncadd.s32 $0xFFFFC000  }
0x76: {  	[spmem:s2] =	stream.indirect.scatter.add.f32 [tilespmem:s13], [sflag:$0x2], $0x80, s15, s12, $0xb8;
	[tilespmem:$0x6800] =	vst v63  }
0x77: {  	_ =	swait.ge [sflag:s6], $0x4000  }
0x78: {  	[sflag:s6] =	ssyncset.done $0x0  }
0x79: {  	[sflag:s6] =	ssyncadd.s32 $0xFFFFC000  }
0x7a: {  	[tilespmem:s13], [sflag:$0x1] =	stream.indirect.gather [hbm4b:s11+s12], $0x80, s16, s12, $0xb8;
	[tilespmem:$0x6800] =	vst v63  }
0x7b: {  	_ =	swait.ge [sflag:s14], $0x4000  }
0x7c: {  	[sflag:s14] =	ssyncset.done $0x0  }
0x7d: {  	[sflag:s14] =	ssyncadd.s32 $0xFFFFC000  }
0x7e: {  	[spmem:s2] =	stream.indirect.scatter.add.f32 [tilespmem:s13], [sflag:$0x2], $0x80, s17, s12, $0xb8;
	[tilespmem:$0x6800] =	vst v63  }
0x7f: {  	_ =	swait.ge [sflag:s6], $0x4000  }
0x80: {  	[sflag:s6] =	ssyncset.done $0x0  }
0x81: {  	[sflag:s6] =	ssyncadd.s32 $0xFFFFC000  }
0x82: {  	[tilespmem:s13], [sflag:$0x1] =	stream.indirect.gather [hbm4b:s11+s12], $0x80, s18, s12, $0xb8;
	[tilespmem:$0x6800] =	vst v63  }
0x83: {  	_ =	swait.ge [sflag:s14], $0x4000  }
0x84: {  	[sflag:s14] =	ssyncset.done $0x0  }
0x85: {  	[sflag:s14] =	ssyncadd.s32 $0xFFFFC000  }
0x86: {  	[spmem:s2] =	stream.indirect.scatter.add.f32 [tilespmem:s13], [sflag:$0x2], $0x80, s19, s12, $0xb8;
	[tilespmem:$0x6800] =	vst v63  }
0x87: {  	_ =	swait.ge [sflag:s6], $0x4000  }
0x88: {  	[sflag:s6] =	ssyncset.done $0x0  }
0x89: {  	[sflag:s6] =	ssyncadd.s32 $0xFFFFC000  }
0x8a: {  	[tilespmem:s13], [sflag:$0x1] =	stream.indirect.gather [hbm4b:s11+s12], $0x80, s20, s12, $0xb8;
	[tilespmem:$0x6800] =	vst v63  }
0x8b: {  	_ =	swait.ge [sflag:s14], $0x4000  }
0x8c: {  	[sflag:s14] =	ssyncset.done $0x0  }
0x8d: {  	[sflag:s14] =	ssyncadd.s32 $0xFFFFC000  }
0x8e: {  	[spmem:s2] =	stream.indirect.scatter.add.f32 [tilespmem:s13], [sflag:$0x2], $0x80, s21, s12, $0xb8;
	[tilespmem:$0x6800] =	vst v63  }
0x8f: {  	_ =	swait.ge [sflag:s6], $0x4000  }
0x90: {  	[sflag:s6] =	ssyncset.done $0x0  }
0x91: {  	[sflag:s6] =	ssyncadd.s32 $0xFFFFC000  }
0x92: {  	[tilespmem:s13], [sflag:$0x1] =	stream.indirect.gather [hbm4b:s11+s12], $0x80, s22, s12, $0xb8;
	[tilespmem:$0x6800] =	vst v63  }
0x93: {  	_ =	swait.ge [sflag:s14], $0x4000  }
0x94: {  	[sflag:s14] =	ssyncset.done $0x0  }
0x95: {  	[sflag:s14] =	ssyncadd.s32 $0xFFFFC000  }
0x96: {  	[spmem:s2] =	stream.indirect.scatter.add.f32 [tilespmem:s13], [sflag:$0x2], $0x80, s23, s12, $0xb8;
	[tilespmem:$0x6800] =	vst v63  }
0x97: {  	_ =	swait.ge [sflag:s6], $0x4000  }
0x98: {  	[sflag:s6] =	ssyncset.done $0x0  }
0x99: {  	[sflag:s6] =	ssyncadd.s32 $0xFFFFC000  }
0x9a: {  	[tilespmem:s13], [sflag:$0x1] =	stream.indirect.gather [hbm4b:s11+s12], $0x80, s24, s12, $0xb8;
	[tilespmem:$0x6800] =	vst v63  }
0x9b: {  	_ =	swait.ge [sflag:s14], $0x4000  }
0x9c: {  	[sflag:s14] =	ssyncset.done $0x0  }
0x9d: {  	[sflag:s14] =	ssyncadd.s32 $0xFFFFC000  }
0x9e: {  	[spmem:s2] =	stream.indirect.scatter.add.f32 [tilespmem:s13], [sflag:$0x2], $0x80, s25, s12, $0xb8;
	[tilespmem:$0x6800] =	vst v63  }
0x9f: {  	_ =	swait.ge [sflag:s6], $0x4000  }
0xa0: {  	[sflag:s6] =	ssyncset.done $0x0  }
0xa1: {  	[sflag:s6] =	ssyncadd.s32 $0xFFFFC000  }
0xa2: {  	[tilespmem:s13], [sflag:$0x1] =	stream.indirect.gather [hbm4b:s11+s12], $0x80, s26, s12, $0xb8;
	[tilespmem:$0x6800] =	vst v63  }
0xa3: {  	_ =	swait.ge [sflag:s14], $0x4000  }
0xa4: {  	[sflag:s14] =	ssyncset.done $0x0  }
0xa5: {  	[sflag:s14] =	ssyncadd.s32 $0xFFFFC000  }
0xa6: {  	[spmem:s2] =	stream.indirect.scatter.add.f32 [tilespmem:s13], [sflag:$0x2], $0x80, s28, s12, $0xb8;
	[tilespmem:$0x6800] =	vst v63  }
0xa7: {  	_ =	swait.ge [sflag:s6], $0x4000  }
0xa8: {  	[sflag:s6] =	ssyncset.done $0x0  }
.Ltmp1:
0xa9: {  	[sflag:s6] =	ssyncadd.s32 $0xFFFFC000;
	(pc) =	sbr.rel @p0 .LBB2_1-.Ltmp1, $4  }
0xaa: {  	[bflag:$0x0] =	sbarrier.arrive $0xFFFF  }
0xab: {  	[hbm:s29], [sflag:s5] =	dma.local [spmem:s7], $0x400  }
0xac: {  	_ =	swait.ge [sflag:s6], $0x400  }
0xad: {  	[sflag:s6] =	ssyncset.done $0x0  }
.LBB2_2:
0xae: {  	[sflag:s6] =	ssyncadd.s32 $0xFFFFFC00  }
0xaf: {  	_ =	sfence.sel $0x180000  }
0xb0: {  	[bflag:$0x0] =	sbarrier.arrive $0xFFFF  }
0xb1: {  	p0 =	sne.s32 s1, $0x0;
	_ =	strace $0x90000047  }
0xb2: {  	s0 =	sadd.s32 @!p0 $0x100000, s0;
	[bflag:$0x2] =	sbarrier.arrive $0xFFFF  }
0xb3: {  	[sflag:s0] =	ssyncadd.tile.s32 @!p0 $0x1;
	_ =	shalt  }
.Lfunc_end2:
_tile_overlayer_lowered:
.L_overlay_start_2:
0xb4: {  	(tag) =	ssettag $0x2  }
0xb5: {  	s0 =	rddreg [dreg:$0x0];
	s2 =	stileid.u32  }
0xb6: {  	s1 =	rddreg [dreg:$0x1];
	p0 =	sne.s32 s2, $0x0  }
0xb7: {  	s3 =	rddreg [dreg:$0x2];
	[bflag:$0x3] =	sbarrier.arrive $0xFFFF;
	s2 =	simm.s32 @!p0 $0x1C02  }
0xb8: {  	[timem:s3], [sflag:s2] =	dma.local @!p0 [hbm:s0], s1  }
0xb9: {  	s0 =	simm.s32 @!p0 $0x2  }
0xba: {  	_ =	swait.ge @!p0 [sflag:s0], s1  }
0xbb: {  	s1 =	ssub.s32 @!p0 $0x0, s1;
	[sflag:s0] =	ssyncset.done @!p0 $0x0  }
0xbc: {  	[sflag:s0] =	ssyncadd.s32 @!p0 s1  }
0xbd: {  	[bflag:$0x3] =	sbarrier.arrive $0xFFFF  }
0xbe: {  	_ =	shalt  }

// kernel: kernel.13.cloned.1.call-start
scs
__scs_entry_jumppad:
0x0: {  	(pc) =	sbr.rel $0x88, $3  }
0x1: {  	(tag) =	ssettag $0x0;
	lr =	simm.s32 $0x1  }
0x2: {  	[smem:$0x3F71] =	sst lr;
	_ =	strace $0xD0000000  }
0x3: {  	_ = 	snop  }
0x4: {  	_ = 	snop  }
0x5: {  	_ = 	snop  }
0x6: {  	_ = 	snop  }
0x7: {  	_ = 	snop  }
__scs_overlays_trampoline_lowered:
0x8: {  	[smem:$0x3F80] =	sst s0  }
0x9: {  	[smem:$0x3F81] =	sst s1  }
0xa: {  	[smem:$0x3F82] =	sst s2  }
0xb: {  	[smem:$0x3F83] =	sst s3  }
0xc: {  	[smem:$0x3F84] =	sst s4  }
0xd: {  	[smem:$0x3F85] =	sst s5  }
0xe: {  	[smem:$0x3F86] =	sst s6  }
0xf: {  	[smem:$0x3F87] =	sst s7  }
0x10: {  	[smem:$0x3F88] =	sst s8  }
0x11: {  	[smem:$0x3F89] =	sst s9;
	s0 =	simm.s32 @!p0 $0x0  }
0x12: {  	s1 =	sld [smem:$0x3F6F];
	s0 =	simm.s32 @p0 $0x1  }
0x13: {  	[smem:$0x3F8A] =	sst s0;
	s0 =	simm.s32 @!p1 $0x0  }
0x14: {  	s2 =	sld [smem:$0x3F6E];
	s0 =	simm.s32 @p1 $0x1  }
0x15: {  	[smem:$0x3F8B] =	sst s0;
	s0 =	simm.s32 @!p2 $0x0  }
0x16: {  	s3 =	sld [smem:$0x3FDB];
	s0 =	simm.s32 @p2 $0x1  }
0x17: {  	s4 =	simm.s32 $0x1BF5;
	[smem:$0x3F8D] =	sst s0  }
0x18: {  	s0 =	sld [smem:$0x3F70];
	_ =	swait.ge [sflag:s4], $0x0  }
0x19: {  	s7 =	sld [smem:$0x3F71]  }
0x1a: {  	s8 =	sadd.s32 $0xFFFFE003, lr  }
0x1b: {  	s9 =	sadd.s32 $0xFFFFFEF7, lr;
	s5 =	simm.s32 $0xFFFFFFFF;
	p2 =	slt.u32 s8, $0xFFFFF086  }
0x1c: {  	p1 =	slt.u32 s9, $0xF7A;
	s5 =	simm.s32 @!p2 $0x0  }
0x1d: {  	s5 =	simm.s32 @p1 $0x1;
	p0 =	seq.s32 s7, s2  }
0x1e: {  	s7 =	smul.u32 @!p0 $0xF7A, s2;
	p2 =	seq.s32 @!p0 s5, $0x0  }
0x1f: {  	s9 =	smul.u32 $0xF7A, s1;
	s8 =	simm.s32 @!p0 $0x1BF5;
	p2 =	por !p2, p0  }
0x20: {  	[sflag:s8] =	ssyncset.s32 @!p0 $0xFFFFF086;
	s6 =	sadd.s32 @!p0 s3, s7;
	s7 =	simm.s32 @!p0 $0x108  }
0x21: {  	s3 =	sadd.s32 s3, s9;
	s6 =	sadd.s32 @!p0 $0x88, s6;
	s7 =	simm.s32 @p2 $0x1082  }
0x22: {  	[simem:s7], [sflag:s8] =	dma.local @!p0 [hbm:s6], $0xF7A  }
0x23: {  	s9 =	sor.u32 $0xD0000000, s2;
	s6 =	simm.s32 $0x108;
	_ =	swait.ge @!p0 [sflag:s8], $0x0  }
0x24: {  	s3 =	sadd.s32 $0x88, s3;
	s6 =	simm.s32 @!p1 $0x1082;
	[sflag:s4] =	ssyncset.s32 $0xFFFFF086  }
0x25: {  	[simem:s6], [sflag:s4] =	dma.local [hbm:s3], $0xF7A  }
0x26: {  	[smem:$0x3F71] =	sst s1;
	(tag) =	ssettag s2;
	_ =	strace s9  }
0x27: {  	s1 =	sld [smem:$0x3F81]  }
0x28: {  	s2 =	sld [smem:$0x3F82]  }
0x29: {  	s4 =	sld [smem:$0x3F84]  }
0x2a: {  	p0 =	seq.s32 s5, $0x0;
	s5 =	sld [smem:$0x3F85]  }
0x2b: {  	s6 =	sld [smem:$0x3F86]  }
0x2c: {  	s7 =	sld [smem:$0x3F87]  }
0x2d: {  	s3 =	simm.s32 $0x108;
	s8 =	sld [smem:$0x3F88]  }
0x2e: {  	s3 =	simm.s32 @!p0 $0x1082;
	s9 =	sld [smem:$0x3F89]  }
0x2f: {  	lr =	sadd.s32 s0, s3;
	s0 =	sld [smem:$0x3F80]  }
0x30: {  	s3 =	sld [smem:$0x3F83]  }
0x31: {  	[smem:$0x3F8C] =	sst s10  }
0x32: {  	s10 =	sld [smem:$0x3F8A];
	_ =	sdelay $0x3  }
0x33: {  	p0 =	seq.s32 s10, $0x1;
	s10 =	sld [smem:$0x3F8C];
	_ =	sdelay $0x3  }
0x34: {  	[smem:$0x3F8C] =	sst s10  }
0x35: {  	s10 =	sld [smem:$0x3F8B];
	_ =	sdelay $0x3  }
0x36: {  	p1 =	seq.s32 s10, $0x1;
	s10 =	sld [smem:$0x3F8C];
	_ =	sdelay $0x3  }
0x37: {  	[smem:$0x3F8C] =	sst s10  }
0x38: {  	s10 =	sld [smem:$0x3F8D]  }
0x39: {  	_ = 	snop;
	(pc) =	sbr.ind lr, $3  }
0x3a: {  	_ = 	snop  }
0x3b: {  	_ = 	snop  }
0x3c: {  	p2 =	seq.s32 s10, $0x1;
	s10 =	sld [smem:$0x3F8C]  }
0x3d: {  	_ =	shalt  }
0x3e: {  	_ =	shalt  }
0x3f: {  	_ =	shalt  }
0x40: {  	_ =	shalt  }
0x41: {  	_ =	shalt  }
0x42: {  	_ =	shalt  }
0x43: {  	_ =	shalt  }
0x44: {  	_ =	shalt  }
0x45: {  	_ =	shalt  }
0x46: {  	_ =	shalt  }
0x47: {  	_ =	shalt  }
0x48: {  	_ =	shalt  }
0x49: {  	_ =	shalt  }
0x4a: {  	_ =	shalt  }
0x4b: {  	_ =	shalt  }
0x4c: {  	_ =	shalt  }
0x4d: {  	_ =	shalt  }
0x4e: {  	_ =	shalt  }
0x4f: {  	_ =	shalt  }
0x50: {  	_ =	shalt  }
0x51: {  	_ =	shalt  }
0x52: {  	_ =	shalt  }
0x53: {  	_ =	shalt  }
0x54: {  	_ =	shalt  }
0x55: {  	_ =	shalt  }
0x56: {  	_ =	shalt  }
0x57: {  	_ =	shalt  }
0x58: {  	_ =	shalt  }
0x59: {  	_ =	shalt  }
0x5a: {  	_ =	shalt  }
0x5b: {  	_ =	shalt  }
0x5c: {  	_ =	shalt  }
0x5d: {  	_ =	shalt  }
0x5e: {  	_ =	shalt  }
0x5f: {  	_ =	shalt  }
0x60: {  	_ =	shalt  }
0x61: {  	_ =	shalt  }
0x62: {  	_ =	shalt  }
0x63: {  	_ =	shalt  }
0x64: {  	_ =	shalt  }
0x65: {  	_ =	shalt  }
0x66: {  	_ =	shalt  }
0x67: {  	_ =	shalt  }
0x68: {  	_ =	shalt  }
0x69: {  	_ =	shalt  }
0x6a: {  	_ =	shalt  }
0x6b: {  	_ =	shalt  }
0x6c: {  	_ =	shalt  }
0x6d: {  	_ =	shalt  }
0x6e: {  	_ =	shalt  }
0x6f: {  	_ =	shalt  }
0x70: {  	_ =	shalt  }
0x71: {  	_ =	shalt  }
0x72: {  	_ =	shalt  }
0x73: {  	_ =	shalt  }
0x74: {  	_ =	shalt  }
0x75: {  	_ =	shalt  }
0x76: {  	_ =	shalt  }
0x77: {  	_ =	shalt  }
0x78: {  	_ =	shalt  }
0x79: {  	_ =	shalt  }
0x7a: {  	_ =	shalt  }
0x7b: {  	_ =	shalt  }
0x7c: {  	_ =	shalt  }
0x7d: {  	_ =	shalt  }
0x7e: {  	_ =	shalt  }
0x7f: {  	_ =	shalt  }
0x80: {  	_ =	shalt  }
0x81: {  	_ =	shalt  }
0x82: {  	_ =	shalt  }
0x83: {  	_ =	shalt  }
0x84: {  	_ =	shalt  }
0x85: {  	_ =	shalt  }
0x86: {  	_ =	shalt  }
0x87: {  	_ =	shalt  }
.Lfunc_end0:
.L_simem_size_0:
called_computation.1_lowered:
.L_overlay_start_0:
0x88: {  	s2 =	sld [smem:$0x3FD9]  }
0x89: {  	s3 =	sld [smem:$0x3FFE];
	_ =	sdelay $0x1  }
0x8a: {  	s1 =	srdreg.scid  }
0x8b: {  	s0 =	sand.u32 $0x1, s1  }
0x8c: {  	s14 =	sshll.u32 s0, $0xA;
	s2 =	sadd.s32 s3, s2  }
0x8d: {  	s2 =	sadd.s32 s2, s14  }
0x8e: {  	[smem:$0x3F98] =	sst s2  }
0x8f: {  	_ = 	snop  }
0x90: {  	s2 =	sld [smem:$0x3FD0];
	_ =	sdelay $0x2  }
0x91: {  	s15 =	simm.s32 $0xA;
	s4 =	simm.s32 $0x10  }
0x92: {  	[smem:s4], [sflag:s15] =	dma.local [hbm:s2], $0x1  }
0x93: {  	_ =	swait.eq [sflag:s15], $0x1  }
0x94: {  	[sflag:s15] =	ssyncset.done $0x0  }
0x95: {  	[sflag:s15] =	ssyncadd.s32 $0xFFFFFFFF  }
0x96: {  	s16 =	sld [smem:$0x12];
	(tm) =	ssettm $0x1  }
0x97: {  	s17 =	sld [smem:$0x3FFB];
	_ =	sdelay $0x3  }
0x98: {  	_ =	strace s17  }
0x99: {  	s3 =	sld [smem:$0x3FFC];
	_ =	sdelay $0x3  }
0x9a: {  	_ =	strace s3  }
0x9b: {  	s3 =	sld [smem:$0x3FFD];
	_ =	sdelay $0x3  }
0x9c: {  	_ =	strace s3  }
0x9d: {  	_ =	strace $0x8FFFFFFF  }
0x9e: {  	s18 =	sld [smem:$0x3FDB];
	_ =	sdelay $0x1  }
0x9f: {  	s19 =	simm.s32 $_scs_section_size  }
0xa0: {  	s5 =	simm.s32 $_size__tile_overlayer_lowered;
	s6 =	simm.s32 $_tile_overlayer_lowered  }
0xa1: {  	s22 =	simm.s32 $0x1BFF;
	s21 =	sshll.u32 s6, $0x1;
	s3 =	sadd.s32 s19, s18  }
0xa2: {  	s7 =	simm.s32 $0x0;
	s20 =	sshll.u32 s5, $0x1;
	s5 =	sadd.s32 s21, s3  }
0xa3: {  	[timem:s7], [sflag:s22] =	dma.local [hbm:s5], s20  }
0xa4: {  	_ =	swait.ge [sflag:s22], s20  }
0xa5: {  	s4 =	ssub.s32 $0x0, s20;
	[sflag:s22] =	ssyncset.done $0x0  }
0xa6: {  	[sflag:s22] =	ssyncadd.s32 s4;
	_ =	sdelay $0x1  }
0xa7: {  	s23 =	simm.s32 $0x1B8B  }
0xa8: {  	_ =	swait.ge [sflag:s23], $0x1  }
0xa9: {  	[sflag:s23] =	ssyncset.done $0x0  }
0xaa: {  	s25 =	simm.s32 $0x1B8E;
	s24 =	sld [smem:$0x3FFE];
	[sflag:s23] =	ssyncadd.s32 $0xFFFFFFFF  }
0xab: {  	s26 =	simm.s32 $execute0_lowered;
	[smem:$0x3FD2] =	sst s25  }
0xac: {  	s5 =	sshll.u32 s26, $0x1;
	_ =	strace $0x80000049;
	[dreg:$0x1] =	wrdreg $0xFFFFFFFF  }
0xad: {  	s28 =	simm.s32 $_size_execute0_lowered;
	s3 =	sadd.s32 s3, s5;
	[dreg:$0x0] =	wrdreg $0x0  }
0xae: {  	s5 =	sshll.u32 s28, $0x1;
	[dreg:$0x2] =	wrdreg s3  }
0xaf: {  	[dreg:$0x3] =	wrdreg s5  }
0xb0: {  	[dreg:$0x4] =	wrdreg $0xC0  }
0xb1: {  	_ =	task [dreg:s7], $0x5FFFF  }
0xb2: {  	[dreg:$0x1] =	wrdreg $0xFFFFFFFF  }
0xb3: {  	[dreg:$0x0] =	wrdreg $0x60  }
0xb4: {  	[dreg:$0x2] =	wrdreg s16  }
0xb5: {  	[dreg:$0x3] =	wrdreg s24  }
0xb6: {  	[dreg:$0x4] =	wrdreg $0x48000  }
0xb7: {  	[dreg:$0x5] =	wrdreg $0x9  }
0xb8: {  	_ =	task.clear_ibuf [dreg:s7], $0x6FFFF;
	_ =	strace $0x90000049  }
0xb9: {  	s29 =	simm.s32 $0x9;
	_ =	strace $0x8000004B  }
0xba: {  	_ =	swait.ge [sflag:s29], $0x1  }
0xbb: {  	[sflag:s29] =	ssyncadd.s32 $0xFFFFFFFF  }
0xbc: {  	_ =	strace $0x9000004B  }
0xbd: {  	_ =	sfence  }
0xbe: {  	s30 =	sld [smem:$0x0];
	_ =	sdelay $0x2  }
0xbf: {  	s31 =	sshll.u32 s1, $0xD;
	s1 =	sshrl.u32 s1, $0x2  }
0xc0: {  	s3 =	sand.u32 $0x4000, s31;
	s1 =	sadd.s32 s1, s30  }
0xc1: {  	s0 =	sor.u32 s3, s0;
	s1 =	sshll.u32 s1, $0x11  }
0xc2: {  	s0 =	sor.u32 s1, s0  }
0xc3: {  	s0 =	sadd.s32 $0x8F2B, s0  }
0xc4: {  	[sflag:s0] =	ssyncadd.remote.s32 $0x1  }
0xc5: {  	_ =	sfence.sel $0xFFFF  }
0xc6: {  	[dreg:$0x0] =	wrdreg $0xFFFFFFFF;
	(pc) =	sbr.abs _section_cstart, $3  }
0xc7: {  	[dreg:$0x1] =	wrdreg $0xFFFFFFFF  }
0xc8: {  	_ =	task.clear_ibuf [dreg:s7], $0x2FFFF;
	_ =	strace $0x9FFFFFFF  }
0xc9: {  	(tm) =	ssettm $0x7FFFFFFF  }
tec
execute0_lowered:
.L_overlay_start_1:
0x0: {  	(tag) =	ssettag $0x1  }
0x1: {  	s11 =	rddreg [dreg:$0x0]  }
0x2: {  	s8 =	rddreg [dreg:$0x1]  }
0x3: {  	s2 =	rddreg [dreg:$0x2]  }
0x4: {  	s0 =	rddreg [dreg:$0x3];
	s4 =	srdreg.scid  }
0x5: {  	s3 =	simm.s32 $0x0;
	s1 =	stileid.u32;
	s29 =	sand.u32 $0x1, s4  }
0x6: {  	[smem:$0x7FF] =	sst s3;
	s24 =	sshll.u32 s1, $0xA;
	s25 =	sshll.u32 s1, $0xD  }
0x7: {  	s31 =	sshll.u32 s1, $0x6;
	s12 =	sshll.u32 s29, $0xE;
	_ =	strace $0x8000004A  }
0x8: {  	s5 =	sshll.u32 s29, $0xF;
	s26 =	sadd.s32 s25, s2;
	s6 =	sor.u32 s24, s12  }
0x9: {  	s9 =	sor.u32 s24, s5;
	s5 =	sor.u32 $0x1C02, s31;
	s30 =	sadd.s32 s6, s8  }
0xa: {  	s7 =	sshrl.u32 s26, $0x3;
	s6 =	simm.s32 $0x2;
	s4 =	sadd.s32 $0x9400, s30  }
0xb: {  	[spmem:s7], [sflag:s5] =	dma.local [hbm:s4], $0x400  }
0xc: {  	s9 =	sshrl.u32 s9, $0x3;
	_ =	swait.ge [sflag:s6], $0x400  }
0xd: {  	s9 =	sadd.s32 s9, s8;
	[sflag:s6] =	ssyncset.done $0x0  }
0xe: {  	s8 =	sadd.s32 $0x7400, s9;
	[sflag:s6] =	ssyncadd.s32 $0xFFFFFC00  }
0xf: {  	[tilespmem:s3], [sflag:$0x2] =	stream.linear.gather [hbm4b:s8+s3], $0x400, $0x38;
	[tilespmem:$0x6800] =	vst v63  }
0x10: {  	_ =	swait.ge [sflag:s6], $0x400  }
0x11: {  	[sflag:s6] =	ssyncset.done $0x0  }
0x12: {  	s10 =	simm.s32 $0x400;
	s9 =	sadd.s32 $0x7C00, s9;
	[sflag:s6] =	ssyncadd.s32 $0xFFFFFC00  }
0x13: {  	[tilespmem:s10], [sflag:$0x2] =	stream.linear.gather [hbm4b:s9+s3], $0x400, $0x38;
	[tilespmem:$0x6800] =	vst v63  }
0x14: {  	_ =	swait.ge [sflag:s6], $0x400  }
0x15: {  	[sflag:s6] =	ssyncset.done $0x0  }
0x16: {  	s13 =	simm.s32 $0x800;
	s14 =	simm.s32 $0x1;
	[sflag:s6] =	ssyncadd.s32 $0xFFFFFC00  }
0x17: {  	s11 =	sadd.s32 s11, s12;
	s12 =	simm.s32 $0x80;
	[bflag:$0x0] =	sbarrier.arrive $0xFFFF  }
0x18: {  	[tilespmem:s13], [sflag:$0x1] =	stream.indirect.gather [hbm4b:s11+s12], $0x80, s3, s12, $0xb8;
	[tilespmem:$0x6800] =	vst v63  }
0x19: {  	_ =	swait.ge [sflag:s14], $0x4000  }
0x1a: {  	[sflag:s14] =	ssyncset.done $0x0  }
0x1b: {  	[sflag:s14] =	ssyncadd.s32 $0xFFFFC000  }
0x1c: {  	[spmem:s2] =	stream.indirect.scatter.add.f32 [tilespmem:s13], [sflag:$0x2], $0x80, s10, s12, $0xb8;
	[tilespmem:$0x6800] =	vst v63  }
0x1d: {  	_ =	swait.ge [sflag:s6], $0x4000  }
0x1e: {  	[sflag:s6] =	ssyncset.done $0x0  }
0x1f: {  	[sflag:s6] =	ssyncadd.s32 $0xFFFFC000  }
0x20: {  	[tilespmem:s13], [sflag:$0x1] =	stream.indirect.gather [hbm4b:s11+s12], $0x80, s12, s12, $0xb8;
	[tilespmem:$0x6800] =	vst v63  }
0x21: {  	_ =	swait.ge [sflag:s14], $0x4000  }
0x22: {  	[sflag:s14] =	ssyncset.done $0x0  }
0x23: {  	s15 =	simm.s32 $0x480;
	[sflag:s14] =	ssyncadd.s32 $0xFFFFC000  }
0x24: {  	[spmem:s2] =	stream.indirect.scatter.add.f32 [tilespmem:s13], [sflag:$0x2], $0x80, s15, s12, $0xb8;
	[tilespmem:$0x6800] =	vst v63  }
0x25: {  	_ =	swait.ge [sflag:s6], $0x4000  }
0x26: {  	[sflag:s6] =	ssyncset.done $0x0  }
0x27: {  	s16 =	simm.s32 $0x100;
	[sflag:s6] =	ssyncadd.s32 $0xFFFFC000  }
0x28: {  	[tilespmem:s13], [sflag:$0x1] =	stream.indirect.gather [hbm4b:s11+s12], $0x80, s16, s12, $0xb8;
	[tilespmem:$0x6800] =	vst v63  }
0x29: {  	_ =	swait.ge [sflag:s14], $0x4000  }
0x2a: {  	[sflag:s14] =	ssyncset.done $0x0  }
0x2b: {  	s17 =	simm.s32 $0x500;
	[sflag:s14] =	ssyncadd.s32 $0xFFFFC000  }
0x2c: {  	[spmem:s2] =	stream.indirect.scatter.add.f32 [tilespmem:s13], [sflag:$0x2], $0x80, s17, s12, $0xb8;
	[tilespmem:$0x6800] =	vst v63  }
0x2d: {  	_ =	swait.ge [sflag:s6], $0x4000  }
0x2e: {  	[sflag:s6] =	ssyncset.done $0x0  }
0x2f: {  	s18 =	simm.s32 $0x180;
	[sflag:s6] =	ssyncadd.s32 $0xFFFFC000  }
0x30: {  	[tilespmem:s13], [sflag:$0x1] =	stream.indirect.gather [hbm4b:s11+s12], $0x80, s18, s12, $0xb8;
	[tilespmem:$0x6800] =	vst v63  }
0x31: {  	_ =	swait.ge [sflag:s14], $0x4000  }
0x32: {  	[sflag:s14] =	ssyncset.done $0x0  }
0x33: {  	s19 =	simm.s32 $0x580;
	[sflag:s14] =	ssyncadd.s32 $0xFFFFC000  }
0x34: {  	[spmem:s2] =	stream.indirect.scatter.add.f32 [tilespmem:s13], [sflag:$0x2], $0x80, s19, s12, $0xb8;
	[tilespmem:$0x6800] =	vst v63  }
0x35: {  	_ =	swait.ge [sflag:s6], $0x4000  }
0x36: {  	[sflag:s6] =	ssyncset.done $0x0  }
0x37: {  	s20 =	simm.s32 $0x200;
	[sflag:s6] =	ssyncadd.s32 $0xFFFFC000  }
0x38: {  	[tilespmem:s13], [sflag:$0x1] =	stream.indirect.gather [hbm4b:s11+s12], $0x80, s20, s12, $0xb8;
	[tilespmem:$0x6800] =	vst v63  }
0x39: {  	_ =	swait.ge [sflag:s14], $0x4000  }
0x3a: {  	[sflag:s14] =	ssyncset.done $0x0  }
0x3b: {  	s21 =	simm.s32 $0x600;
	[sflag:s14] =	ssyncadd.s32 $0xFFFFC000  }
0x3c: {  	[spmem:s2] =	stream.indirect.scatter.add.f32 [tilespmem:s13], [sflag:$0x2], $0x80, s21, s12, $0xb8;
	[tilespmem:$0x6800] =	vst v63  }
0x3d: {  	_ =	swait.ge [sflag:s6], $0x4000  }
0x3e: {  	[sflag:s6] =	ssyncset.done $0x0  }
0x3f: {  	s22 =	simm.s32 $0x280;
	[sflag:s6] =	ssyncadd.s32 $0xFFFFC000  }
0x40: {  	[tilespmem:s13], [sflag:$0x1] =	stream.indirect.gather [hbm4b:s11+s12], $0x80, s22, s12, $0xb8;
	[tilespmem:$0x6800] =	vst v63  }
0x41: {  	_ =	swait.ge [sflag:s14], $0x4000  }
0x42: {  	[sflag:s14] =	ssyncset.done $0x0  }
0x43: {  	s23 =	simm.s32 $0x680;
	[sflag:s14] =	ssyncadd.s32 $0xFFFFC000  }
0x44: {  	[spmem:s2] =	stream.indirect.scatter.add.f32 [tilespmem:s13], [sflag:$0x2], $0x80, s23, s12, $0xb8;
	[tilespmem:$0x6800] =	vst v63  }
0x45: {  	_ =	swait.ge [sflag:s6], $0x4000  }
0x46: {  	[sflag:s6] =	ssyncset.done $0x0  }
0x47: {  	s24 =	simm.s32 $0x300;
	[sflag:s6] =	ssyncadd.s32 $0xFFFFC000  }
0x48: {  	[tilespmem:s13], [sflag:$0x1] =	stream.indirect.gather [hbm4b:s11+s12], $0x80, s24, s12, $0xb8;
	[tilespmem:$0x6800] =	vst v63  }
0x49: {  	_ =	swait.ge [sflag:s14], $0x4000  }
0x4a: {  	[sflag:s14] =	ssyncset.done $0x0  }
0x4b: {  	s25 =	simm.s32 $0x700;
	[sflag:s14] =	ssyncadd.s32 $0xFFFFC000  }
0x4c: {  	[spmem:s2] =	stream.indirect.scatter.add.f32 [tilespmem:s13], [sflag:$0x2], $0x80, s25, s12, $0xb8;
	[tilespmem:$0x6800] =	vst v63  }
0x4d: {  	_ =	swait.ge [sflag:s6], $0x4000  }
0x4e: {  	[sflag:s6] =	ssyncset.done $0x0  }
0x4f: {  	s26 =	simm.s32 $0x380;
	[sflag:s6] =	ssyncadd.s32 $0xFFFFC000  }
0x50: {  	[tilespmem:s13], [sflag:$0x1] =	stream.indirect.gather [hbm4b:s11+s12], $0x80, s26, s12, $0xb8;
	[tilespmem:$0x6800] =	vst v63  }
0x51: {  	s29 =	ssub.s32 $0x2, s29;
	_ =	swait.ge [sflag:s14], $0x4000  }
0x52: {  	s31 =	sshrl.u32 s29, $0x1;
	[sflag:s14] =	ssyncset.done $0x0  }
0x53: {  	s28 =	simm.s32 $0x780;
	s31 =	ssub.s32 s29, s31;
	[sflag:s14] =	ssyncadd.s32 $0xFFFFC000  }
0x54: {  	[spmem:s2] =	stream.indirect.scatter.add.f32 [tilespmem:s13], [sflag:$0x2], $0x80, s28, s12, $0xb8;
	[tilespmem:$0x6800] =	vst v63  }
0x55: {  	s29 =	sadd.s32 $0x11400, s30;
	s30 =	smax.u32 s31, $0x1;
	_ =	swait.ge [sflag:s6], $0x4000  }
0x56: {  	p0 =	sne.s32 s30, $0x1;
	[sflag:s6] =	ssyncset.done $0x0  }
.Ltmp0:
0x57: {  	[sflag:s6] =	ssyncadd.s32 $0xFFFFC000;
	(pc) =	sbr.rel @!p0 .LBB2_2-.Ltmp0, $4  }
0x58: {  	[bflag:$0x0] =	sbarrier.arrive $0xFFFF  }
0x59: {  	[hbm:s29], [sflag:s5] =	dma.local [spmem:s7], $0x400  }
0x5a: {  	_ =	swait.ge [sflag:s6], $0x400  }
0x5b: {  	s30 =	sadd.s32 $0xFFFFFFFF, s30;
	[sflag:s6] =	ssyncset.done $0x0  }
.LBB2_1:
0x5c: {  	p0 =	sne.s32 s30, $0x1;
	s30 =	sadd.s32 $0xFFFFFFFF, s30;
	[sflag:s6] =	ssyncadd.s32 $0xFFFFFC00  }
0x5d: {  	[spmem:s7], [sflag:s5] =	dma.local [hbm:s4], $0x400  }
0x5e: {  	_ =	swait.ge [sflag:s6], $0x400  }
0x5f: {  	[sflag:s6] =	ssyncset.done $0x0  }
0x60: {  	[sflag:s6] =	ssyncadd.s32 $0xFFFFFC00  }
0x61: {  	[tilespmem:s3], [sflag:$0x2] =	stream.linear.gather [hbm4b:s8+s3], $0x400, $0x38;
	[tilespmem:$0x6800] =	vst v63  }
0x62: {  	_ =	swait.ge [sflag:s6], $0x400  }
0x63: {  	[sflag:s6] =	ssyncset.done $0x0  }
0x64: {  	[sflag:s6] =	ssyncadd.s32 $0xFFFFFC00  }
0x65: {  	[tilespmem:s10], [sflag:$0x2] =	stream.linear.gather [hbm4b:s9+s3], $0x400, $0x38;
	[tilespmem:$0x6800] =	vst v63  }
0x66: {  	_ =	swait.ge [sflag:s6], $0x400  }
0x67: {  	[sflag:s6] =	ssyncset.done $0x0  }
0x68: {  	[sflag:s6] =	ssyncadd.s32 $0xFFFFFC00  }
0x69: {  	[bflag:$0x0] =	sbarrier.arrive $0xFFFF  }
0x6a: {  	[tilespmem:s13], [sflag:$0x1] =	stream.indirect.gather [hbm4b:s11+s12], $0x80, s3, s12, $0xb8;
	[tilespmem:$0x6800] =	vst v63  }
0x6b: {  	_ =	swait.ge [sflag:s14], $0x4000  }
0x6c: {  	[sflag:s14] =	ssyncset.done $0x0  }
0x6d: {  	[sflag:s14] =	ssyncadd.s32 $0xFFFFC000  }
0x6e: {  	[spmem:s2] =	stream.indirect.scatter.add.f32 [tilespmem:s13], [sflag:$0x2], $0x80, s10, s12, $0xb8;
	[tilespmem:$0x6800] =	vst v63  }
0x6f: {  	_ =	swait.ge [sflag:s6], $0x4000  }
0x70: {  	[sflag:s6] =	ssyncset.done $0x0  }
0x71: {  	[sflag:s6] =	ssyncadd.s32 $0xFFFFC000  }
0x72: {  	[tilespmem:s13], [sflag:$0x1] =	stream.indirect.gather [hbm4b:s11+s12], $0x80, s12, s12, $0xb8;
	[tilespmem:$0x6800] =	vst v63  }
0x73: {  	_ =	swait.ge [sflag:s14], $0x4000  }
0x74: {  	[sflag:s14] =	ssyncset.done $0x0  }
0x75: {  	[sflag:s14] =	ssyncadd.s32 $0xFFFFC000  }
0x76: {  	[spmem:s2] =	stream.indirect.scatter.add.f32 [tilespmem:s13], [sflag:$0x2], $0x80, s15, s12, $0xb8;
	[tilespmem:$0x6800] =	vst v63  }
0x77: {  	_ =	swait.ge [sflag:s6], $0x4000  }
0x78: {  	[sflag:s6] =	ssyncset.done $0x0  }
0x79: {  	[sflag:s6] =	ssyncadd.s32 $0xFFFFC000  }
0x7a: {  	[tilespmem:s13], [sflag:$0x1] =	stream.indirect.gather [hbm4b:s11+s12], $0x80, s16, s12, $0xb8;
	[tilespmem:$0x6800] =	vst v63  }
0x7b: {  	_ =	swait.ge [sflag:s14], $0x4000  }
0x7c: {  	[sflag:s14] =	ssyncset.done $0x0  }
0x7d: {  	[sflag:s14] =	ssyncadd.s32 $0xFFFFC000  }
0x7e: {  	[spmem:s2] =	stream.indirect.scatter.add.f32 [tilespmem:s13], [sflag:$0x2], $0x80, s17, s12, $0xb8;
	[tilespmem:$0x6800] =	vst v63  }
0x7f: {  	_ =	swait.ge [sflag:s6], $0x4000  }
0x80: {  	[sflag:s6] =	ssyncset.done $0x0  }
0x81: {  	[sflag:s6] =	ssyncadd.s32 $0xFFFFC000  }
0x82: {  	[tilespmem:s13], [sflag:$0x1] =	stream.indirect.gather [hbm4b:s11+s12], $0x80, s18, s12, $0xb8;
	[tilespmem:$0x6800] =	vst v63  }
0x83: {  	_ =	swait.ge [sflag:s14], $0x4000  }
0x84: {  	[sflag:s14] =	ssyncset.done $0x0  }
0x85: {  	[sflag:s14] =	ssyncadd.s32 $0xFFFFC000  }
0x86: {  	[spmem:s2] =	stream.indirect.scatter.add.f32 [tilespmem:s13], [sflag:$0x2], $0x80, s19, s12, $0xb8;
	[tilespmem:$0x6800] =	vst v63  }
0x87: {  	_ =	swait.ge [sflag:s6], $0x4000  }
0x88: {  	[sflag:s6] =	ssyncset.done $0x0  }
0x89: {  	[sflag:s6] =	ssyncadd.s32 $0xFFFFC000  }
0x8a: {  	[tilespmem:s13], [sflag:$0x1] =	stream.indirect.gather [hbm4b:s11+s12], $0x80, s20, s12, $0xb8;
	[tilespmem:$0x6800] =	vst v63  }
0x8b: {  	_ =	swait.ge [sflag:s14], $0x4000  }
0x8c: {  	[sflag:s14] =	ssyncset.done $0x0  }
0x8d: {  	[sflag:s14] =	ssyncadd.s32 $0xFFFFC000  }
0x8e: {  	[spmem:s2] =	stream.indirect.scatter.add.f32 [tilespmem:s13], [sflag:$0x2], $0x80, s21, s12, $0xb8;
	[tilespmem:$0x6800] =	vst v63  }
0x8f: {  	_ =	swait.ge [sflag:s6], $0x4000  }
0x90: {  	[sflag:s6] =	ssyncset.done $0x0  }
0x91: {  	[sflag:s6] =	ssyncadd.s32 $0xFFFFC000  }
0x92: {  	[tilespmem:s13], [sflag:$0x1] =	stream.indirect.gather [hbm4b:s11+s12], $0x80, s22, s12, $0xb8;
	[tilespmem:$0x6800] =	vst v63  }
0x93: {  	_ =	swait.ge [sflag:s14], $0x4000  }
0x94: {  	[sflag:s14] =	ssyncset.done $0x0  }
0x95: {  	[sflag:s14] =	ssyncadd.s32 $0xFFFFC000  }
0x96: {  	[spmem:s2] =	stream.indirect.scatter.add.f32 [tilespmem:s13], [sflag:$0x2], $0x80, s23, s12, $0xb8;
	[tilespmem:$0x6800] =	vst v63  }
0x97: {  	_ =	swait.ge [sflag:s6], $0x4000  }
0x98: {  	[sflag:s6] =	ssyncset.done $0x0  }
0x99: {  	[sflag:s6] =	ssyncadd.s32 $0xFFFFC000  }
0x9a: {  	[tilespmem:s13], [sflag:$0x1] =	stream.indirect.gather [hbm4b:s11+s12], $0x80, s24, s12, $0xb8;
	[tilespmem:$0x6800] =	vst v63  }
0x9b: {  	_ =	swait.ge [sflag:s14], $0x4000  }
0x9c: {  	[sflag:s14] =	ssyncset.done $0x0  }
0x9d: {  	[sflag:s14] =	ssyncadd.s32 $0xFFFFC000  }
0x9e: {  	[spmem:s2] =	stream.indirect.scatter.add.f32 [tilespmem:s13], [sflag:$0x2], $0x80, s25, s12, $0xb8;
	[tilespmem:$0x6800] =	vst v63  }
0x9f: {  	_ =	swait.ge [sflag:s6], $0x4000  }
0xa0: {  	[sflag:s6] =	ssyncset.done $0x0  }
0xa1: {  	[sflag:s6] =	ssyncadd.s32 $0xFFFFC000  }
0xa2: {  	[tilespmem:s13], [sflag:$0x1] =	stream.indirect.gather [hbm4b:s11+s12], $0x80, s26, s12, $0xb8;
	[tilespmem:$0x6800] =	vst v63  }
0xa3: {  	_ =	swait.ge [sflag:s14], $0x4000  }
0xa4: {  	[sflag:s14] =	ssyncset.done $0x0  }
0xa5: {  	[sflag:s14] =	ssyncadd.s32 $0xFFFFC000  }
0xa6: {  	[spmem:s2] =	stream.indirect.scatter.add.f32 [tilespmem:s13], [sflag:$0x2], $0x80, s28, s12, $0xb8;
	[tilespmem:$0x6800] =	vst v63  }
0xa7: {  	_ =	swait.ge [sflag:s6], $0x4000  }
0xa8: {  	[sflag:s6] =	ssyncset.done $0x0  }
.Ltmp1:
0xa9: {  	[sflag:s6] =	ssyncadd.s32 $0xFFFFC000;
	(pc) =	sbr.rel @p0 .LBB2_1-.Ltmp1, $4  }
0xaa: {  	[bflag:$0x0] =	sbarrier.arrive $0xFFFF  }
0xab: {  	[hbm:s29], [sflag:s5] =	dma.local [spmem:s7], $0x400  }
0xac: {  	_ =	swait.ge [sflag:s6], $0x400  }
0xad: {  	[sflag:s6] =	ssyncset.done $0x0  }
.LBB2_2:
0xae: {  	[sflag:s6] =	ssyncadd.s32 $0xFFFFFC00  }
0xaf: {  	_ =	sfence.sel $0x180000  }
0xb0: {  	[bflag:$0x0] =	sbarrier.arrive $0xFFFF  }
0xb1: {  	p0 =	sne.s32 s1, $0x0;
	_ =	strace $0x9000004A  }
0xb2: {  	s0 =	sadd.s32 @!p0 $0x100000, s0;
	[bflag:$0x2] =	sbarrier.arrive $0xFFFF  }
0xb3: {  	[sflag:s0] =	ssyncadd.tile.s32 @!p0 $0x1;
	_ =	shalt  }
.Lfunc_end2:
_tile_overlayer_lowered:
.L_overlay_start_2:
0xb4: {  	(tag) =	ssettag $0x2  }
0xb5: {  	s0 =	rddreg [dreg:$0x0];
	s2 =	stileid.u32  }
0xb6: {  	s1 =	rddreg [dreg:$0x1];
	p0 =	sne.s32 s2, $0x0  }
0xb7: {  	s3 =	rddreg [dreg:$0x2];
	[bflag:$0x3] =	sbarrier.arrive $0xFFFF;
	s2 =	simm.s32 @!p0 $0x1C02  }
0xb8: {  	[timem:s3], [sflag:s2] =	dma.local @!p0 [hbm:s0], s1  }
0xb9: {  	s0 =	simm.s32 @!p0 $0x2  }
0xba: {  	_ =	swait.ge @!p0 [sflag:s0], s1  }
0xbb: {  	s1 =	ssub.s32 @!p0 $0x0, s1;
	[sflag:s0] =	ssyncset.done @!p0 $0x0  }
0xbc: {  	[sflag:s0] =	ssyncadd.s32 @!p0 s1  }
0xbd: {  	[bflag:$0x3] =	sbarrier.arrive $0xFFFF  }
0xbe: {  	_ =	shalt  }

// kernel: kernel.16.cloned.1.call-start
scs
__scs_entry_jumppad:
0x0: {  	(pc) =	sbr.rel $0x88, $3  }
0x1: {  	(tag) =	ssettag $0x0;
	lr =	simm.s32 $0x1  }
0x2: {  	[smem:$0x3F71] =	sst lr;
	_ =	strace $0xD0000000  }
0x3: {  	_ = 	snop  }
0x4: {  	_ = 	snop  }
0x5: {  	_ = 	snop  }
0x6: {  	_ = 	snop  }
0x7: {  	_ = 	snop  }
__scs_overlays_trampoline_lowered:
0x8: {  	[smem:$0x3F80] =	sst s0  }
0x9: {  	[smem:$0x3F81] =	sst s1  }
0xa: {  	[smem:$0x3F82] =	sst s2  }
0xb: {  	[smem:$0x3F83] =	sst s3  }
0xc: {  	[smem:$0x3F84] =	sst s4  }
0xd: {  	[smem:$0x3F85] =	sst s5  }
0xe: {  	[smem:$0x3F86] =	sst s6  }
0xf: {  	[smem:$0x3F87] =	sst s7  }
0x10: {  	[smem:$0x3F88] =	sst s8  }
0x11: {  	[smem:$0x3F89] =	sst s9;
	s0 =	simm.s32 @!p0 $0x0  }
0x12: {  	s1 =	sld [smem:$0x3F6F];
	s0 =	simm.s32 @p0 $0x1  }
0x13: {  	[smem:$0x3F8A] =	sst s0;
	s0 =	simm.s32 @!p1 $0x0  }
0x14: {  	s2 =	sld [smem:$0x3F6E];
	s0 =	simm.s32 @p1 $0x1  }
0x15: {  	[smem:$0x3F8B] =	sst s0;
	s0 =	simm.s32 @!p2 $0x0  }
0x16: {  	s3 =	sld [smem:$0x3FDB];
	s0 =	simm.s32 @p2 $0x1  }
0x17: {  	s4 =	simm.s32 $0x1BF5;
	[smem:$0x3F8D] =	sst s0  }
0x18: {  	s0 =	sld [smem:$0x3F70];
	_ =	swait.ge [sflag:s4], $0x0  }
0x19: {  	s7 =	sld [smem:$0x3F71]  }
0x1a: {  	s8 =	sadd.s32 $0xFFFFE003, lr  }
0x1b: {  	s9 =	sadd.s32 $0xFFFFFEF7, lr;
	s5 =	simm.s32 $0xFFFFFFFF;
	p2 =	slt.u32 s8, $0xFFFFF086  }
0x1c: {  	p1 =	slt.u32 s9, $0xF7A;
	s5 =	simm.s32 @!p2 $0x0  }
0x1d: {  	s5 =	simm.s32 @p1 $0x1;
	p0 =	seq.s32 s7, s2  }
0x1e: {  	s7 =	smul.u32 @!p0 $0xF7A, s2;
	p2 =	seq.s32 @!p0 s5, $0x0  }
0x1f: {  	s9 =	smul.u32 $0xF7A, s1;
	s8 =	simm.s32 @!p0 $0x1BF5;
	p2 =	por !p2, p0  }
0x20: {  	[sflag:s8] =	ssyncset.s32 @!p0 $0xFFFFF086;
	s6 =	sadd.s32 @!p0 s3, s7;
	s7 =	simm.s32 @!p0 $0x108  }
0x21: {  	s3 =	sadd.s32 s3, s9;
	s6 =	sadd.s32 @!p0 $0x88, s6;
	s7 =	simm.s32 @p2 $0x1082  }
0x22: {  	[simem:s7], [sflag:s8] =	dma.local @!p0 [hbm:s6], $0xF7A  }
0x23: {  	s9 =	sor.u32 $0xD0000000, s2;
	s6 =	simm.s32 $0x108;
	_ =	swait.ge @!p0 [sflag:s8], $0x0  }
0x24: {  	s3 =	sadd.s32 $0x88, s3;
	s6 =	simm.s32 @!p1 $0x1082;
	[sflag:s4] =	ssyncset.s32 $0xFFFFF086  }
0x25: {  	[simem:s6], [sflag:s4] =	dma.local [hbm:s3], $0xF7A  }
0x26: {  	[smem:$0x3F71] =	sst s1;
	(tag) =	ssettag s2;
	_ =	strace s9  }
0x27: {  	s1 =	sld [smem:$0x3F81]  }
0x28: {  	s2 =	sld [smem:$0x3F82]  }
0x29: {  	s4 =	sld [smem:$0x3F84]  }
0x2a: {  	p0 =	seq.s32 s5, $0x0;
	s5 =	sld [smem:$0x3F85]  }
0x2b: {  	s6 =	sld [smem:$0x3F86]  }
0x2c: {  	s7 =	sld [smem:$0x3F87]  }
0x2d: {  	s3 =	simm.s32 $0x108;
	s8 =	sld [smem:$0x3F88]  }
0x2e: {  	s3 =	simm.s32 @!p0 $0x1082;
	s9 =	sld [smem:$0x3F89]  }
0x2f: {  	lr =	sadd.s32 s0, s3;
	s0 =	sld [smem:$0x3F80]  }
0x30: {  	s3 =	sld [smem:$0x3F83]  }
0x31: {  	[smem:$0x3F8C] =	sst s10  }
0x32: {  	s10 =	sld [smem:$0x3F8A];
	_ =	sdelay $0x3  }
0x33: {  	p0 =	seq.s32 s10, $0x1;
	s10 =	sld [smem:$0x3F8C];
	_ =	sdelay $0x3  }
0x34: {  	[smem:$0x3F8C] =	sst s10  }
0x35: {  	s10 =	sld [smem:$0x3F8B];
	_ =	sdelay $0x3  }
0x36: {  	p1 =	seq.s32 s10, $0x1;
	s10 =	sld [smem:$0x3F8C];
	_ =	sdelay $0x3  }
0x37: {  	[smem:$0x3F8C] =	sst s10  }
0x38: {  	s10 =	sld [smem:$0x3F8D]  }
0x39: {  	_ = 	snop;
	(pc) =	sbr.ind lr, $3  }
0x3a: {  	_ = 	snop  }
0x3b: {  	_ = 	snop  }
0x3c: {  	p2 =	seq.s32 s10, $0x1;
	s10 =	sld [smem:$0x3F8C]  }
0x3d: {  	_ =	shalt  }
0x3e: {  	_ =	shalt  }
0x3f: {  	_ =	shalt  }
0x40: {  	_ =	shalt  }
0x41: {  	_ =	shalt  }
0x42: {  	_ =	shalt  }
0x43: {  	_ =	shalt  }
0x44: {  	_ =	shalt  }
0x45: {  	_ =	shalt  }
0x46: {  	_ =	shalt  }
0x47: {  	_ =	shalt  }
0x48: {  	_ =	shalt  }
0x49: {  	_ =	shalt  }
0x4a: {  	_ =	shalt  }
0x4b: {  	_ =	shalt  }
0x4c: {  	_ =	shalt  }
0x4d: {  	_ =	shalt  }
0x4e: {  	_ =	shalt  }
0x4f: {  	_ =	shalt  }
0x50: {  	_ =	shalt  }
0x51: {  	_ =	shalt  }
0x52: {  	_ =	shalt  }
0x53: {  	_ =	shalt  }
0x54: {  	_ =	shalt  }
0x55: {  	_ =	shalt  }
0x56: {  	_ =	shalt  }
0x57: {  	_ =	shalt  }
0x58: {  	_ =	shalt  }
0x59: {  	_ =	shalt  }
0x5a: {  	_ =	shalt  }
0x5b: {  	_ =	shalt  }
0x5c: {  	_ =	shalt  }
0x5d: {  	_ =	shalt  }
0x5e: {  	_ =	shalt  }
0x5f: {  	_ =	shalt  }
0x60: {  	_ =	shalt  }
0x61: {  	_ =	shalt  }
0x62: {  	_ =	shalt  }
0x63: {  	_ =	shalt  }
0x64: {  	_ =	shalt  }
0x65: {  	_ =	shalt  }
0x66: {  	_ =	shalt  }
0x67: {  	_ =	shalt  }
0x68: {  	_ =	shalt  }
0x69: {  	_ =	shalt  }
0x6a: {  	_ =	shalt  }
0x6b: {  	_ =	shalt  }
0x6c: {  	_ =	shalt  }
0x6d: {  	_ =	shalt  }
0x6e: {  	_ =	shalt  }
0x6f: {  	_ =	shalt  }
0x70: {  	_ =	shalt  }
0x71: {  	_ =	shalt  }
0x72: {  	_ =	shalt  }
0x73: {  	_ =	shalt  }
0x74: {  	_ =	shalt  }
0x75: {  	_ =	shalt  }
0x76: {  	_ =	shalt  }
0x77: {  	_ =	shalt  }
0x78: {  	_ =	shalt  }
0x79: {  	_ =	shalt  }
0x7a: {  	_ =	shalt  }
0x7b: {  	_ =	shalt  }
0x7c: {  	_ =	shalt  }
0x7d: {  	_ =	shalt  }
0x7e: {  	_ =	shalt  }
0x7f: {  	_ =	shalt  }
0x80: {  	_ =	shalt  }
0x81: {  	_ =	shalt  }
0x82: {  	_ =	shalt  }
0x83: {  	_ =	shalt  }
0x84: {  	_ =	shalt  }
0x85: {  	_ =	shalt  }
0x86: {  	_ =	shalt  }
0x87: {  	_ =	shalt  }
.Lfunc_end0:
.L_simem_size_0:
called_computation.2_lowered:
.L_overlay_start_0:
0x88: {  	s2 =	sld [smem:$0x3FD9]  }
0x89: {  	s3 =	sld [smem:$0x3FFE];
	_ =	sdelay $0x1  }
0x8a: {  	s1 =	srdreg.scid  }
0x8b: {  	s0 =	sand.u32 $0x1, s1  }
0x8c: {  	s14 =	sshll.u32 s0, $0xA;
	s2 =	sadd.s32 s3, s2  }
0x8d: {  	s2 =	sadd.s32 s2, s14  }
0x8e: {  	[smem:$0x3F98] =	sst s2  }
0x8f: {  	_ = 	snop  }
0x90: {  	s2 =	sld [smem:$0x3FD0];
	_ =	sdelay $0x2  }
0x91: {  	s15 =	simm.s32 $0xA;
	s4 =	simm.s32 $0x10  }
0x92: {  	[smem:s4], [sflag:s15] =	dma.local [hbm:s2], $0x1  }
0x93: {  	_ =	swait.eq [sflag:s15], $0x1  }
0x94: {  	[sflag:s15] =	ssyncset.done $0x0  }
0x95: {  	[sflag:s15] =	ssyncadd.s32 $0xFFFFFFFF  }
0x96: {  	s16 =	sld [smem:$0x12];
	(tm) =	ssettm $0x1  }
0x97: {  	s17 =	sld [smem:$0x3FFB];
	_ =	sdelay $0x3  }
0x98: {  	_ =	strace s17  }
0x99: {  	s3 =	sld [smem:$0x3FFC];
	_ =	sdelay $0x3  }
0x9a: {  	_ =	strace s3  }
0x9b: {  	s3 =	sld [smem:$0x3FFD];
	_ =	sdelay $0x3  }
0x9c: {  	_ =	strace s3  }
0x9d: {  	_ =	strace $0x8FFFFFFF  }
0x9e: {  	s18 =	sld [smem:$0x3FDB];
	_ =	sdelay $0x1  }
0x9f: {  	s19 =	simm.s32 $_scs_section_size  }
0xa0: {  	s5 =	simm.s32 $_size__tile_overlayer_lowered;
	s6 =	simm.s32 $_tile_overlayer_lowered  }
0xa1: {  	s22 =	simm.s32 $0x1BFF;
	s21 =	sshll.u32 s6, $0x1;
	s3 =	sadd.s32 s19, s18  }
0xa2: {  	s7 =	simm.s32 $0x0;
	s20 =	sshll.u32 s5, $0x1;
	s5 =	sadd.s32 s21, s3  }
0xa3: {  	[timem:s7], [sflag:s22] =	dma.local [hbm:s5], s20  }
0xa4: {  	_ =	swait.ge [sflag:s22], s20  }
0xa5: {  	s4 =	ssub.s32 $0x0, s20;
	[sflag:s22] =	ssyncset.done $0x0  }
0xa6: {  	[sflag:s22] =	ssyncadd.s32 s4;
	_ =	sdelay $0x1  }
0xa7: {  	s23 =	simm.s32 $0x1B8B  }
0xa8: {  	_ =	swait.ge [sflag:s23], $0x1  }
0xa9: {  	[sflag:s23] =	ssyncset.done $0x0  }
0xaa: {  	s25 =	simm.s32 $0x1B8E;
	s24 =	sld [smem:$0x3FFE];
	[sflag:s23] =	ssyncadd.s32 $0xFFFFFFFF  }
0xab: {  	s26 =	simm.s32 $execute0_lowered;
	[smem:$0x3FD2] =	sst s25  }
0xac: {  	s5 =	sshll.u32 s26, $0x1;
	_ =	strace $0x8000004C;
	[dreg:$0x1] =	wrdreg $0xFFFFFFFF  }
0xad: {  	s28 =	simm.s32 $_size_execute0_lowered;
	s3 =	sadd.s32 s3, s5;
	[dreg:$0x0] =	wrdreg $0x0  }
0xae: {  	s5 =	sshll.u32 s28, $0x1;
	[dreg:$0x2] =	wrdreg s3  }
0xaf: {  	[dreg:$0x3] =	wrdreg s5  }
0xb0: {  	[dreg:$0x4] =	wrdreg $0xC0  }
0xb1: {  	_ =	task [dreg:s7], $0x5FFFF  }
0xb2: {  	[dreg:$0x1] =	wrdreg $0xFFFFFFFF  }
0xb3: {  	[dreg:$0x0] =	wrdreg $0x60  }
0xb4: {  	[dreg:$0x2] =	wrdreg s16  }
0xb5: {  	[dreg:$0x3] =	wrdreg s24  }
0xb6: {  	[dreg:$0x4] =	wrdreg $0x48000  }
0xb7: {  	[dreg:$0x5] =	wrdreg $0x9  }
0xb8: {  	_ =	task.clear_ibuf [dreg:s7], $0x6FFFF;
	_ =	strace $0x9000004C  }
0xb9: {  	s29 =	simm.s32 $0x9;
	_ =	strace $0x8000004E  }
0xba: {  	_ =	swait.ge [sflag:s29], $0x1  }
0xbb: {  	[sflag:s29] =	ssyncadd.s32 $0xFFFFFFFF  }
0xbc: {  	_ =	strace $0x9000004E  }
0xbd: {  	_ =	sfence  }
0xbe: {  	s30 =	sld [smem:$0x0];
	_ =	sdelay $0x2  }
0xbf: {  	s31 =	sshll.u32 s1, $0xD;
	s1 =	sshrl.u32 s1, $0x2  }
0xc0: {  	s3 =	sand.u32 $0x4000, s31;
	s1 =	sadd.s32 s1, s30  }
0xc1: {  	s0 =	sor.u32 s3, s0;
	s1 =	sshll.u32 s1, $0x11  }
0xc2: {  	s0 =	sor.u32 s1, s0  }
0xc3: {  	s0 =	sadd.s32 $0x8F2B, s0  }
0xc4: {  	[sflag:s0] =	ssyncadd.remote.s32 $0x1  }
0xc5: {  	_ =	sfence.sel $0xFFFF  }
0xc6: {  	[dreg:$0x0] =	wrdreg $0xFFFFFFFF;
	(pc) =	sbr.abs _section_cstart, $3  }
0xc7: {  	[dreg:$0x1] =	wrdreg $0xFFFFFFFF  }
0xc8: {  	_ =	task.clear_ibuf [dreg:s7], $0x2FFFF;
	_ =	strace $0x9FFFFFFF  }
0xc9: {  	(tm) =	ssettm $0x7FFFFFFF  }
tec
execute0_lowered:
.L_overlay_start_1:
0x0: {  	(tag) =	ssettag $0x1  }
0x1: {  	s11 =	rddreg [dreg:$0x0]  }
0x2: {  	s8 =	rddreg [dreg:$0x1]  }
0x3: {  	s2 =	rddreg [dreg:$0x2]  }
0x4: {  	s0 =	rddreg [dreg:$0x3];
	s4 =	srdreg.scid  }
0x5: {  	s3 =	simm.s32 $0x0;
	s1 =	stileid.u32;
	s29 =	sand.u32 $0x1, s4  }
0x6: {  	[smem:$0x7FF] =	sst s3;
	s24 =	sshll.u32 s1, $0xA;
	s25 =	sshll.u32 s1, $0xD  }
0x7: {  	s31 =	sshll.u32 s1, $0x6;
	s12 =	sshll.u32 s29, $0xE;
	_ =	strace $0x8000004D  }
0x8: {  	s5 =	sshll.u32 s29, $0xF;
	s26 =	sadd.s32 s25, s2;
	s6 =	sor.u32 s24, s12  }
0x9: {  	s9 =	sor.u32 s24, s5;
	s5 =	sor.u32 $0x1C02, s31;
	s30 =	sadd.s32 s6, s8  }
0xa: {  	s7 =	sshrl.u32 s26, $0x3;
	s6 =	simm.s32 $0x2;
	s4 =	sadd.s32 $0x9400, s30  }
0xb: {  	[spmem:s7], [sflag:s5] =	dma.local [hbm:s4], $0x400  }
0xc: {  	s9 =	sshrl.u32 s9, $0x3;
	_ =	swait.ge [sflag:s6], $0x400  }
0xd: {  	s9 =	sadd.s32 s9, s8;
	[sflag:s6] =	ssyncset.done $0x0  }
0xe: {  	s8 =	sadd.s32 $0x7400, s9;
	[sflag:s6] =	ssyncadd.s32 $0xFFFFFC00  }
0xf: {  	[tilespmem:s3], [sflag:$0x2] =	stream.linear.gather [hbm4b:s8+s3], $0x400, $0x38;
	[tilespmem:$0x6800] =	vst v63  }
0x10: {  	_ =	swait.ge [sflag:s6], $0x400  }
0x11: {  	[sflag:s6] =	ssyncset.done $0x0  }
0x12: {  	s10 =	simm.s32 $0x400;
	s9 =	sadd.s32 $0x7C00, s9;
	[sflag:s6] =	ssyncadd.s32 $0xFFFFFC00  }
0x13: {  	[tilespmem:s10], [sflag:$0x2] =	stream.linear.gather [hbm4b:s9+s3], $0x400, $0x38;
	[tilespmem:$0x6800] =	vst v63  }
0x14: {  	_ =	swait.ge [sflag:s6], $0x400  }
0x15: {  	[sflag:s6] =	ssyncset.done $0x0  }
0x16: {  	s13 =	simm.s32 $0x800;
	s14 =	simm.s32 $0x1;
	[sflag:s6] =	ssyncadd.s32 $0xFFFFFC00  }
0x17: {  	s11 =	sadd.s32 s11, s12;
	s12 =	simm.s32 $0x80;
	[bflag:$0x0] =	sbarrier.arrive $0xFFFF  }
0x18: {  	[tilespmem:s13], [sflag:$0x1] =	stream.indirect.gather [hbm4b:s11+s12], $0x80, s3, s12, $0xb8;
	[tilespmem:$0x6800] =	vst v63  }
0x19: {  	_ =	swait.ge [sflag:s14], $0x4000  }
0x1a: {  	[sflag:s14] =	ssyncset.done $0x0  }
0x1b: {  	[sflag:s14] =	ssyncadd.s32 $0xFFFFC000  }
0x1c: {  	[spmem:s2] =	stream.indirect.scatter.add.f32 [tilespmem:s13], [sflag:$0x2], $0x80, s10, s12, $0xb8;
	[tilespmem:$0x6800] =	vst v63  }
0x1d: {  	_ =	swait.ge [sflag:s6], $0x4000  }
0x1e: {  	[sflag:s6] =	ssyncset.done $0x0  }
0x1f: {  	[sflag:s6] =	ssyncadd.s32 $0xFFFFC000  }
0x20: {  	[tilespmem:s13], [sflag:$0x1] =	stream.indirect.gather [hbm4b:s11+s12], $0x80, s12, s12, $0xb8;
	[tilespmem:$0x6800] =	vst v63  }
0x21: {  	_ =	swait.ge [sflag:s14], $0x4000  }
0x22: {  	[sflag:s14] =	ssyncset.done $0x0  }
0x23: {  	s15 =	simm.s32 $0x480;
	[sflag:s14] =	ssyncadd.s32 $0xFFFFC000  }
0x24: {  	[spmem:s2] =	stream.indirect.scatter.add.f32 [tilespmem:s13], [sflag:$0x2], $0x80, s15, s12, $0xb8;
	[tilespmem:$0x6800] =	vst v63  }
0x25: {  	_ =	swait.ge [sflag:s6], $0x4000  }
0x26: {  	[sflag:s6] =	ssyncset.done $0x0  }
0x27: {  	s16 =	simm.s32 $0x100;
	[sflag:s6] =	ssyncadd.s32 $0xFFFFC000  }
0x28: {  	[tilespmem:s13], [sflag:$0x1] =	stream.indirect.gather [hbm4b:s11+s12], $0x80, s16, s12, $0xb8;
	[tilespmem:$0x6800] =	vst v63  }
0x29: {  	_ =	swait.ge [sflag:s14], $0x4000  }
0x2a: {  	[sflag:s14] =	ssyncset.done $0x0  }
0x2b: {  	s17 =	simm.s32 $0x500;
	[sflag:s14] =	ssyncadd.s32 $0xFFFFC000  }
0x2c: {  	[spmem:s2] =	stream.indirect.scatter.add.f32 [tilespmem:s13], [sflag:$0x2], $0x80, s17, s12, $0xb8;
	[tilespmem:$0x6800] =	vst v63  }
0x2d: {  	_ =	swait.ge [sflag:s6], $0x4000  }
0x2e: {  	[sflag:s6] =	ssyncset.done $0x0  }
0x2f: {  	s18 =	simm.s32 $0x180;
	[sflag:s6] =	ssyncadd.s32 $0xFFFFC000  }
0x30: {  	[tilespmem:s13], [sflag:$0x1] =	stream.indirect.gather [hbm4b:s11+s12], $0x80, s18, s12, $0xb8;
	[tilespmem:$0x6800] =	vst v63  }
0x31: {  	_ =	swait.ge [sflag:s14], $0x4000  }
0x32: {  	[sflag:s14] =	ssyncset.done $0x0  }
0x33: {  	s19 =	simm.s32 $0x580;
	[sflag:s14] =	ssyncadd.s32 $0xFFFFC000  }
0x34: {  	[spmem:s2] =	stream.indirect.scatter.add.f32 [tilespmem:s13], [sflag:$0x2], $0x80, s19, s12, $0xb8;
	[tilespmem:$0x6800] =	vst v63  }
0x35: {  	_ =	swait.ge [sflag:s6], $0x4000  }
0x36: {  	[sflag:s6] =	ssyncset.done $0x0  }
0x37: {  	s20 =	simm.s32 $0x200;
	[sflag:s6] =	ssyncadd.s32 $0xFFFFC000  }
0x38: {  	[tilespmem:s13], [sflag:$0x1] =	stream.indirect.gather [hbm4b:s11+s12], $0x80, s20, s12, $0xb8;
	[tilespmem:$0x6800] =	vst v63  }
0x39: {  	_ =	swait.ge [sflag:s14], $0x4000  }
0x3a: {  	[sflag:s14] =	ssyncset.done $0x0  }
0x3b: {  	s21 =	simm.s32 $0x600;
	[sflag:s14] =	ssyncadd.s32 $0xFFFFC000  }
0x3c: {  	[spmem:s2] =	stream.indirect.scatter.add.f32 [tilespmem:s13], [sflag:$0x2], $0x80, s21, s12, $0xb8;
	[tilespmem:$0x6800] =	vst v63  }
0x3d: {  	_ =	swait.ge [sflag:s6], $0x4000  }
0x3e: {  	[sflag:s6] =	ssyncset.done $0x0  }
0x3f: {  	s22 =	simm.s32 $0x280;
	[sflag:s6] =	ssyncadd.s32 $0xFFFFC000  }
0x40: {  	[tilespmem:s13], [sflag:$0x1] =	stream.indirect.gather [hbm4b:s11+s12], $0x80, s22, s12, $0xb8;
	[tilespmem:$0x6800] =	vst v63  }
0x41: {  	_ =	swait.ge [sflag:s14], $0x4000  }
0x42: {  	[sflag:s14] =	ssyncset.done $0x0  }
0x43: {  	s23 =	simm.s32 $0x680;
	[sflag:s14] =	ssyncadd.s32 $0xFFFFC000  }
0x44: {  	[spmem:s2] =	stream.indirect.scatter.add.f32 [tilespmem:s13], [sflag:$0x2], $0x80, s23, s12, $0xb8;
	[tilespmem:$0x6800] =	vst v63  }
0x45: {  	_ =	swait.ge [sflag:s6], $0x4000  }
0x46: {  	[sflag:s6] =	ssyncset.done $0x0  }
0x47: {  	s24 =	simm.s32 $0x300;
	[sflag:s6] =	ssyncadd.s32 $0xFFFFC000  }
0x48: {  	[tilespmem:s13], [sflag:$0x1] =	stream.indirect.gather [hbm4b:s11+s12], $0x80, s24, s12, $0xb8;
	[tilespmem:$0x6800] =	vst v63  }
0x49: {  	_ =	swait.ge [sflag:s14], $0x4000  }
0x4a: {  	[sflag:s14] =	ssyncset.done $0x0  }
0x4b: {  	s25 =	simm.s32 $0x700;
	[sflag:s14] =	ssyncadd.s32 $0xFFFFC000  }
0x4c: {  	[spmem:s2] =	stream.indirect.scatter.add.f32 [tilespmem:s13], [sflag:$0x2], $0x80, s25, s12, $0xb8;
	[tilespmem:$0x6800] =	vst v63  }
0x4d: {  	_ =	swait.ge [sflag:s6], $0x4000  }
0x4e: {  	[sflag:s6] =	ssyncset.done $0x0  }
0x4f: {  	s26 =	simm.s32 $0x380;
	[sflag:s6] =	ssyncadd.s32 $0xFFFFC000  }
0x50: {  	[tilespmem:s13], [sflag:$0x1] =	stream.indirect.gather [hbm4b:s11+s12], $0x80, s26, s12, $0xb8;
	[tilespmem:$0x6800] =	vst v63  }
0x51: {  	s29 =	ssub.s32 $0x2, s29;
	_ =	swait.ge [sflag:s14], $0x4000  }
0x52: {  	s31 =	sshrl.u32 s29, $0x1;
	[sflag:s14] =	ssyncset.done $0x0  }
0x53: {  	s28 =	simm.s32 $0x780;
	s31 =	ssub.s32 s29, s31;
	[sflag:s14] =	ssyncadd.s32 $0xFFFFC000  }
0x54: {  	[spmem:s2] =	stream.indirect.scatter.add.f32 [tilespmem:s13], [sflag:$0x2], $0x80, s28, s12, $0xb8;
	[tilespmem:$0x6800] =	vst v63  }
0x55: {  	s29 =	sadd.s32 $0x11400, s30;
	s30 =	smax.u32 s31, $0x1;
	_ =	swait.ge [sflag:s6], $0x4000  }
0x56: {  	p0 =	sne.s32 s30, $0x1;
	[sflag:s6] =	ssyncset.done $0x0  }
.Ltmp0:
0x57: {  	[sflag:s6] =	ssyncadd.s32 $0xFFFFC000;
	(pc) =	sbr.rel @!p0 .LBB2_2-.Ltmp0, $4  }
0x58: {  	[bflag:$0x0] =	sbarrier.arrive $0xFFFF  }
0x59: {  	[hbm:s29], [sflag:s5] =	dma.local [spmem:s7], $0x400  }
0x5a: {  	_ =	swait.ge [sflag:s6], $0x400  }
0x5b: {  	s30 =	sadd.s32 $0xFFFFFFFF, s30;
	[sflag:s6] =	ssyncset.done $0x0  }
.LBB2_1:
0x5c: {  	p0 =	sne.s32 s30, $0x1;
	s30 =	sadd.s32 $0xFFFFFFFF, s30;
	[sflag:s6] =	ssyncadd.s32 $0xFFFFFC00  }
0x5d: {  	[spmem:s7], [sflag:s5] =	dma.local [hbm:s4], $0x400  }
0x5e: {  	_ =	swait.ge [sflag:s6], $0x400  }
0x5f: {  	[sflag:s6] =	ssyncset.done $0x0  }
0x60: {  	[sflag:s6] =	ssyncadd.s32 $0xFFFFFC00  }
0x61: {  	[tilespmem:s3], [sflag:$0x2] =	stream.linear.gather [hbm4b:s8+s3], $0x400, $0x38;
	[tilespmem:$0x6800] =	vst v63  }
0x62: {  	_ =	swait.ge [sflag:s6], $0x400  }
0x63: {  	[sflag:s6] =	ssyncset.done $0x0  }
0x64: {  	[sflag:s6] =	ssyncadd.s32 $0xFFFFFC00  }
0x65: {  	[tilespmem:s10], [sflag:$0x2] =	stream.linear.gather [hbm4b:s9+s3], $0x400, $0x38;
	[tilespmem:$0x6800] =	vst v63  }
0x66: {  	_ =	swait.ge [sflag:s6], $0x400  }
0x67: {  	[sflag:s6] =	ssyncset.done $0x0  }
0x68: {  	[sflag:s6] =	ssyncadd.s32 $0xFFFFFC00  }
0x69: {  	[bflag:$0x0] =	sbarrier.arrive $0xFFFF  }
0x6a: {  	[tilespmem:s13], [sflag:$0x1] =	stream.indirect.gather [hbm4b:s11+s12], $0x80, s3, s12, $0xb8;
	[tilespmem:$0x6800] =	vst v63  }
0x6b: {  	_ =	swait.ge [sflag:s14], $0x4000  }
0x6c: {  	[sflag:s14] =	ssyncset.done $0x0  }
0x6d: {  	[sflag:s14] =	ssyncadd.s32 $0xFFFFC000  }
0x6e: {  	[spmem:s2] =	stream.indirect.scatter.add.f32 [tilespmem:s13], [sflag:$0x2], $0x80, s10, s12, $0xb8;
	[tilespmem:$0x6800] =	vst v63  }
0x6f: {  	_ =	swait.ge [sflag:s6], $0x4000  }
0x70: {  	[sflag:s6] =	ssyncset.done $0x0  }
0x71: {  	[sflag:s6] =	ssyncadd.s32 $0xFFFFC000  }
0x72: {  	[tilespmem:s13], [sflag:$0x1] =	stream.indirect.gather [hbm4b:s11+s12], $0x80, s12, s12, $0xb8;
	[tilespmem:$0x6800] =	vst v63  }
0x73: {  	_ =	swait.ge [sflag:s14], $0x4000  }
0x74: {  	[sflag:s14] =	ssyncset.done $0x0  }
0x75: {  	[sflag:s14] =	ssyncadd.s32 $0xFFFFC000  }
0x76: {  	[spmem:s2] =	stream.indirect.scatter.add.f32 [tilespmem:s13], [sflag:$0x2], $0x80, s15, s12, $0xb8;
	[tilespmem:$0x6800] =	vst v63  }
0x77: {  	_ =	swait.ge [sflag:s6], $0x4000  }
0x78: {  	[sflag:s6] =	ssyncset.done $0x0  }
0x79: {  	[sflag:s6] =	ssyncadd.s32 $0xFFFFC000  }
0x7a: {  	[tilespmem:s13], [sflag:$0x1] =	stream.indirect.gather [hbm4b:s11+s12], $0x80, s16, s12, $0xb8;
	[tilespmem:$0x6800] =	vst v63  }
0x7b: {  	_ =	swait.ge [sflag:s14], $0x4000  }
0x7c: {  	[sflag:s14] =	ssyncset.done $0x0  }
0x7d: {  	[sflag:s14] =	ssyncadd.s32 $0xFFFFC000  }
0x7e: {  	[spmem:s2] =	stream.indirect.scatter.add.f32 [tilespmem:s13], [sflag:$0x2], $0x80, s17, s12, $0xb8;
	[tilespmem:$0x6800] =	vst v63  }
0x7f: {  	_ =	swait.ge [sflag:s6], $0x4000  }
0x80: {  	[sflag:s6] =	ssyncset.done $0x0  }
0x81: {  	[sflag:s6] =	ssyncadd.s32 $0xFFFFC000  }
0x82: {  	[tilespmem:s13], [sflag:$0x1] =	stream.indirect.gather [hbm4b:s11+s12], $0x80, s18, s12, $0xb8;
	[tilespmem:$0x6800] =	vst v63  }
0x83: {  	_ =	swait.ge [sflag:s14], $0x4000  }
0x84: {  	[sflag:s14] =	ssyncset.done $0x0  }
0x85: {  	[sflag:s14] =	ssyncadd.s32 $0xFFFFC000  }
0x86: {  	[spmem:s2] =	stream.indirect.scatter.add.f32 [tilespmem:s13], [sflag:$0x2], $0x80, s19, s12, $0xb8;
	[tilespmem:$0x6800] =	vst v63  }
0x87: {  	_ =	swait.ge [sflag:s6], $0x4000  }
0x88: {  	[sflag:s6] =	ssyncset.done $0x0  }
0x89: {  	[sflag:s6] =	ssyncadd.s32 $0xFFFFC000  }
0x8a: {  	[tilespmem:s13], [sflag:$0x1] =	stream.indirect.gather [hbm4b:s11+s12], $0x80, s20, s12, $0xb8;
	[tilespmem:$0x6800] =	vst v63  }
0x8b: {  	_ =	swait.ge [sflag:s14], $0x4000  }
0x8c: {  	[sflag:s14] =	ssyncset.done $0x0  }
0x8d: {  	[sflag:s14] =	ssyncadd.s32 $0xFFFFC000  }
0x8e: {  	[spmem:s2] =	stream.indirect.scatter.add.f32 [tilespmem:s13], [sflag:$0x2], $0x80, s21, s12, $0xb8;
	[tilespmem:$0x6800] =	vst v63  }
0x8f: {  	_ =	swait.ge [sflag:s6], $0x4000  }
0x90: {  	[sflag:s6] =	ssyncset.done $0x0  }
0x91: {  	[sflag:s6] =	ssyncadd.s32 $0xFFFFC000  }
0x92: {  	[tilespmem:s13], [sflag:$0x1] =	stream.indirect.gather [hbm4b:s11+s12], $0x80, s22, s12, $0xb8;
	[tilespmem:$0x6800] =	vst v63  }
0x93: {  	_ =	swait.ge [sflag:s14], $0x4000  }
0x94: {  	[sflag:s14] =	ssyncset.done $0x0  }
0x95: {  	[sflag:s14] =	ssyncadd.s32 $0xFFFFC000  }
0x96: {  	[spmem:s2] =	stream.indirect.scatter.add.f32 [tilespmem:s13], [sflag:$0x2], $0x80, s23, s12, $0xb8;
	[tilespmem:$0x6800] =	vst v63  }
0x97: {  	_ =	swait.ge [sflag:s6], $0x4000  }
0x98: {  	[sflag:s6] =	ssyncset.done $0x0  }
0x99: {  	[sflag:s6] =	ssyncadd.s32 $0xFFFFC000  }
0x9a: {  	[tilespmem:s13], [sflag:$0x1] =	stream.indirect.gather [hbm4b:s11+s12], $0x80, s24, s12, $0xb8;
	[tilespmem:$0x6800] =	vst v63  }
0x9b: {  	_ =	swait.ge [sflag:s14], $0x4000  }
0x9c: {  	[sflag:s14] =	ssyncset.done $0x0  }
0x9d: {  	[sflag:s14] =	ssyncadd.s32 $0xFFFFC000  }
0x9e: {  	[spmem:s2] =	stream.indirect.scatter.add.f32 [tilespmem:s13], [sflag:$0x2], $0x80, s25, s12, $0xb8;
	[tilespmem:$0x6800] =	vst v63  }
0x9f: {  	_ =	swait.ge [sflag:s6], $0x4000  }
0xa0: {  	[sflag:s6] =	ssyncset.done $0x0  }
0xa1: {  	[sflag:s6] =	ssyncadd.s32 $0xFFFFC000  }
0xa2: {  	[tilespmem:s13], [sflag:$0x1] =	stream.indirect.gather [hbm4b:s11+s12], $0x80, s26, s12, $0xb8;
	[tilespmem:$0x6800] =	vst v63  }
0xa3: {  	_ =	swait.ge [sflag:s14], $0x4000  }
0xa4: {  	[sflag:s14] =	ssyncset.done $0x0  }
0xa5: {  	[sflag:s14] =	ssyncadd.s32 $0xFFFFC000  }
0xa6: {  	[spmem:s2] =	stream.indirect.scatter.add.f32 [tilespmem:s13], [sflag:$0x2], $0x80, s28, s12, $0xb8;
	[tilespmem:$0x6800] =	vst v63  }
0xa7: {  	_ =	swait.ge [sflag:s6], $0x4000  }
0xa8: {  	[sflag:s6] =	ssyncset.done $0x0  }
.Ltmp1:
0xa9: {  	[sflag:s6] =	ssyncadd.s32 $0xFFFFC000;
	(pc) =	sbr.rel @p0 .LBB2_1-.Ltmp1, $4  }
0xaa: {  	[bflag:$0x0] =	sbarrier.arrive $0xFFFF  }
0xab: {  	[hbm:s29], [sflag:s5] =	dma.local [spmem:s7], $0x400  }
0xac: {  	_ =	swait.ge [sflag:s6], $0x400  }
0xad: {  	[sflag:s6] =	ssyncset.done $0x0  }
.LBB2_2:
0xae: {  	[sflag:s6] =	ssyncadd.s32 $0xFFFFFC00  }
0xaf: {  	_ =	sfence.sel $0x180000  }
0xb0: {  	[bflag:$0x0] =	sbarrier.arrive $0xFFFF  }
0xb1: {  	p0 =	sne.s32 s1, $0x0;
	_ =	strace $0x9000004D  }
0xb2: {  	s0 =	sadd.s32 @!p0 $0x100000, s0;
	[bflag:$0x2] =	sbarrier.arrive $0xFFFF  }
0xb3: {  	[sflag:s0] =	ssyncadd.tile.s32 @!p0 $0x1;
	_ =	shalt  }
.Lfunc_end2:
_tile_overlayer_lowered:
.L_overlay_start_2:
0xb4: {  	(tag) =	ssettag $0x2  }
0xb5: {  	s0 =	rddreg [dreg:$0x0];
	s2 =	stileid.u32  }
0xb6: {  	s1 =	rddreg [dreg:$0x1];
	p0 =	sne.s32 s2, $0x0  }
0xb7: {  	s3 =	rddreg [dreg:$0x2];
	[bflag:$0x3] =	sbarrier.arrive $0xFFFF;
	s2 =	simm.s32 @!p0 $0x1C02  }
0xb8: {  	[timem:s3], [sflag:s2] =	dma.local @!p0 [hbm:s0], s1  }
0xb9: {  	s0 =	simm.s32 @!p0 $0x2  }
0xba: {  	_ =	swait.ge @!p0 [sflag:s0], s1  }
0xbb: {  	s1 =	ssub.s32 @!p0 $0x0, s1;
	[sflag:s0] =	ssyncset.done @!p0 $0x0  }
0xbc: {  	[sflag:s0] =	ssyncadd.s32 @!p0 s1  }
0xbd: {  	[bflag:$0x3] =	sbarrier.arrive $0xFFFF  }
0xbe: {  	_ =	shalt  }

</sc_bundles>
